<compile_context>
chip_gen: v7x
topology: tpu7x:2x2x1
jax: 0.10.2.dev20260603
libtpu: 0.0.44.dev20260713+nightly
codegen_flags: <defaults>
</compile_context>

<pallas_src>
import functools
import math

import jax
import jax.numpy as jnp
from jax import lax
from jax.experimental import pallas as pl
from jax.experimental.pallas import tpu as pltpu
from jax.experimental.pallas import tpu_sc as plsc

NC = 2
NS = 16
NW = NC * NS
CB = 128

BN_SCALE = 1.0 / math.sqrt(1.0 + 1e-5)


NB = 10
NG = 9


def _make_sc_agg(n_pad, ch, dim):
    rpt = n_pad // NS
    mesh = plsc.VectorSubcoreMesh(core_axis_name="c", subcore_axis_name="s")

    @functools.partial(
        pl.kernel,
        out_type=jax.ShapeDtypeStruct((NC, n_pad, dim), jnp.float32),
        mesh=mesh,
        scratch_types=[
            pltpu.VMEM((ch, CB), jnp.int32),
            pltpu.VMEM((ch, CB), jnp.int32),
            [pltpu.VMEM((CB, dim), jnp.float32) for _ in range(NB)],
            [pltpu.SemaphoreType.DMA for _ in range(NB)],
            [pltpu.SemaphoreType.DMA for _ in range(NB)],
            pltpu.VMEM_SHARED((n_pad, dim), jnp.float32),
            pltpu.VMEM_SHARED((n_pad, dim), jnp.float32),
        ],
        compiler_params=pltpu.CompilerParams(use_tc_tiling_on_sc=False),
    )
    def agg(t_hbm, srcm, dstm, zeros_hbm, out_hbm, src_v, dst_v, rows, gsems,
            ssems, tbl, acc):
        cid = lax.axis_index("c")
        sid = lax.axis_index("s")
        wid = sid * NC + cid
        sl = pl.ds(sid * rpt, rpt)
        c0 = pltpu.async_copy(srcm.at[wid], src_v, gsems[0])
        c1 = pltpu.async_copy(dstm.at[wid], dst_v, gsems[1])
        c2 = pltpu.async_copy(t_hbm.at[sl], tbl.at[sl], gsems[2])

        @pl.when(cid == 0)
        def _():
            pltpu.async_copy(t_hbm.at[sl], acc.at[sl], ssems[0])

        @pl.when(cid == 1)
        def _():
            pltpu.async_copy(zeros_hbm.at[sl], acc.at[sl], ssems[0])

        c0.wait(); c2.wait()
        plsc.subcore_barrier()

        for b in range(NG):
            pltpu.async_copy(tbl.at[src_v.at[b]], rows[b], gsems[b])

        c1.wait()
        pltpu.make_async_copy(zeros_hbm.at[sl], acc.at[sl], ssems[0]).wait()
        plsc.subcore_barrier()

        def outer(g, carry):
            for b in range(NB):
                j = g * NB + b
                pltpu.make_async_copy(tbl.at[src_v.at[b]], rows[b],
                                      gsems[b]).wait()
                pltpu.async_copy(rows[b], acc.at[dst_v.at[j]], ssems[b],
                                 add=True)
                b2 = (b + NG) % NB
                jg = j + NG

                @pl.when(jg < ch)
                def _():
                    @pl.when(jg >= NB)
                    def _():
                        pltpu.make_async_copy(rows[b2], acc.at[dst_v.at[j]],
                                              ssems[b2]).wait()

                    pltpu.async_copy(tbl.at[src_v.at[jg]], rows[b2],
                                     gsems[b2])
            return carry

        lax.fori_loop(0, ch // NB, outer, 0)
        for b in range(NB):
            pltpu.make_async_copy(rows[b], acc.at[dst_v.at[b]],
                                  ssems[b]).wait()
        plsc.subcore_barrier()
        pltpu.sync_copy(acc.at[sl], out_hbm.at[cid, sl])

    return agg


def _proj_body(x_ref, w_ref, o_ref):
    o_ref[...] = jnp.dot(x_ref[...], w_ref[...],
                         preferred_element_type=jnp.float32)


def _proj(x, w, n_out, nblk):
    n, f = x.shape
    d = w.shape[1]
    blk = n // nblk
    return pl.pallas_call(
        _proj_body,
        grid=(nblk,),
        in_specs=[
            pl.BlockSpec((blk, f), lambda i: (i, 0)),
            pl.BlockSpec((f, d), lambda i: (0, 0)),
        ],
        out_specs=pl.BlockSpec((blk, d), lambda i: (i, 0)),
        out_shape=jax.ShapeDtypeStruct((n_out, d), jnp.float32),
    )(x, w)


def _mid_body(p0_ref, p1_ref, ba_ref, wb_ref, bb_ref, g_ref, be_ref,
              wna_ref, o_ref):
    u = p0_ref[...] + p1_ref[...] + ba_ref[...]
    v = jnp.dot(jnp.maximum(u, 0.0), wb_ref[...],
                preferred_element_type=jnp.float32) + bb_ref[...]
    z = jnp.maximum(v, 0.0) * (g_ref[...] * BN_SCALE) + be_ref[...]
    o_ref[...] = jnp.dot(z, wna_ref[...], preferred_element_type=jnp.float32)


def _mid(p0, p1, ba, wb, bb, g, be, wna, blk):
    n, d = p0.shape
    dn = wna.shape[1]
    vec = lambda: pl.BlockSpec((1, d), lambda i: (0, 0))
    mat = lambda a, b: pl.BlockSpec((a, b), lambda i: (0, 0))
    big = lambda: pl.BlockSpec((blk, d), lambda i: (i, 0))
    return pl.pallas_call(
        _mid_body,
        grid=(n // blk,),
        in_specs=[big(), big(), vec(), mat(d, d), vec(), vec(), vec(),
                  mat(d, dn)],
        out_specs=pl.BlockSpec((blk, dn), lambda i: (i, 0)),
        out_shape=jax.ShapeDtypeStruct((n, dn), jnp.float32),
    )(p0, p1, ba.reshape(1, d), wb, bb.reshape(1, d), g.reshape(1, d),
      be.reshape(1, d), wna)


def _head_body(p0_ref, p1_ref, ba_ref, wb_ref, bb_ref, g_ref, be_ref,
               wfc_ref, bfc_ref, o_ref):
    u = p0_ref[...] + p1_ref[...] + ba_ref[...]
    v = jnp.dot(jnp.maximum(u, 0.0), wb_ref[...],
                preferred_element_type=jnp.float32) + bb_ref[...]
    z = jnp.maximum(v, 0.0) * (g_ref[...] * BN_SCALE) + be_ref[...]
    logits = jnp.dot(z, wfc_ref[...],
                     preferred_element_type=jnp.float32) + bfc_ref[...]
    m = jnp.max(logits, axis=-1, keepdims=True)
    s = logits - m
    o_ref[...] = s - jnp.log(jnp.sum(jnp.exp(s), axis=-1, keepdims=True))


def _head(p0, p1, ba, wb, bb, g, be, wfc, bfc, blk):
    n, d = p0.shape
    c = wfc.shape[1]
    vec = lambda w: pl.BlockSpec((1, w), lambda i: (0, 0))
    mat = lambda a, b: pl.BlockSpec((a, b), lambda i: (0, 0))
    big = lambda: pl.BlockSpec((blk, d), lambda i: (i, 0))
    return pl.pallas_call(
        _head_body,
        grid=(n // blk,),
        in_specs=[big(), big(), vec(d), mat(d, d), vec(d), vec(d),
                  vec(d), mat(d, c), vec(c)],
        out_specs=pl.BlockSpec((blk, c), lambda i: (i, 0)),
        out_shape=jax.ShapeDtypeStruct((n, c), jnp.float32),
    )(p0, p1, ba.reshape(1, d), wb, bb.reshape(1, d), g.reshape(1, d),
      be.reshape(1, d), wfc, bfc.reshape(1, c))


def kernel(x, edge_index, batch, W1a, b1a, W1b, b1b, g1, be1, W2a, b2a, W2b,
           b2b, g2, be2, W3a, b3a, W3b, b3b, g3, be3, Wfc, bfc):
    n, f_in = x.shape
    e = edge_index.shape[1]
    dim = W1a.shape[1]

    n_pad = ((n + 1 + NS * 8 - 1) // (NS * 8)) * (NS * 8)
    ch = (e + NW * CB - 1) // (NW * CB)
    ch = ((ch + NB - 1) // NB) * NB
    e_pad = NW * ch * CB

    src = jnp.pad(edge_index[0], (0, e_pad - e), constant_values=n)
    dst = jnp.pad(edge_index[1], (0, e_pad - e), constant_values=n)
    srcm = src.reshape(NW, ch, CB)
    dstm = dst.reshape(NW, ch, CB)
    zeros = jnp.zeros((n_pad, dim), jnp.float32)

    sc_agg = _make_sc_agg(n_pad, ch, dim)
    blk = n_pad // 8

    t1 = _proj(x, W1a, n_pad, 5)
    p = sc_agg(t1, srcm, dstm, zeros)
    t2 = _mid(p[0], p[1], b1a, W1b, b1b, g1, be1, W2a, blk)
    p = sc_agg(t2, srcm, dstm, zeros)
    t3 = _mid(p[0], p[1], b2a, W2b, b2b, g2, be2, W3a, blk)
    p = sc_agg(t3, srcm, dstm, zeros)
    out = _head(p[0], p[1], b3a, W3b, b3b, g3, be3, Wfc, bfc, blk)
    return out[:n]

# --- scband reference (transcript-rebuilt; emitter-appended) ---
"""Pipeline reference for scband-ginnet-73280732004448 (READ-ONLY COPY).

The authoritative reference and input builder live on the scoring server;
editing this copy changes nothing except your own understanding.
"""

import jax, jax.numpy as jnp
import numpy as np

N = 10000
E = 320000
F_IN = 128
DIM = 32
C = 40


def _mlp(h, Wa, ba, Wb, bb):
    return jnp.maximum(h @ Wa + ba, 0.0) @ Wb + bb


def _gin_conv(x, src, dst, Wa, ba, Wb, bb):
    # GINConv with eps=0: MLP((1+eps)*x_i + sum_{j->i} x_j)
    agg = jnp.zeros_like(x).at[dst].add(x[src])
    return _mlp(x + agg, Wa, ba, Wb, bb)


def _bn_eval(x, gamma, beta):
    # BatchNorm1d in eval mode with running_mean=0, running_var=1, eps=1e-5
    return x / jnp.sqrt(1.0 + 1e-5) * gamma + beta


def setup_inputs(seed: int = 0) -> dict:
    key = jax.random.key(seed)
    ks = jax.random.split(key, 16)
    inp = {}
    inp["x"] = jax.random.normal(ks[0], (N, F_IN), dtype=jnp.float32)
    inp["edge_index"] = jax.random.randint(ks[1], (2, E), 0, N, dtype=jnp.int32)
    inp["batch"] = jnp.zeros((N,), dtype=jnp.int32)

    def lin(k, fi, fo):
        return jax.random.normal(k, (fi, fo), dtype=jnp.float32) / np.sqrt(fi).astype(np.float32)

    inp["W1a"] = lin(ks[2], F_IN, DIM); inp["b1a"] = jnp.zeros((DIM,), jnp.float32)
    inp["W1b"] = lin(ks[3], DIM, DIM); inp["b1b"] = jnp.zeros((DIM,), jnp.float32)
    inp["g1"] = jnp.ones((DIM,), jnp.float32); inp["be1"] = jnp.zeros((DIM,), jnp.float32)
    inp["W2a"] = lin(ks[4], DIM, DIM); inp["b2a"] = jnp.zeros((DIM,), jnp.float32)
    inp["W2b"] = lin(ks[5], DIM, DIM); inp["b2b"] = jnp.zeros((DIM,), jnp.float32)
    inp["g2"] = jnp.ones((DIM,), jnp.float32); inp["be2"] = jnp.zeros((DIM,), jnp.float32)
    inp["W3a"] = lin(ks[6], DIM, DIM); inp["b3a"] = jnp.zeros((DIM,), jnp.float32)
    inp["W3b"] = lin(ks[7], DIM, DIM); inp["b3b"] = jnp.zeros((DIM,), jnp.float32)
    inp["g3"] = jnp.ones((DIM,), jnp.float32); inp["be3"] = jnp.zeros((DIM,), jnp.float32)
    inp["Wfc"] = lin(ks[8], DIM, C); inp["bfc"] = jnp.zeros((C,), jnp.float32)
    return inp


def reference(x, edge_index, batch, W1a, b1a, W1b, b1b, g1, be1, W2a, b2a, W2b, b2b, g2, be2, W3a, b3a, W3b, b3b, g3, be3, Wfc, bfc):
    src = edge_index[0]
    dst = edge_index[1]
    h = jnp.maximum(_gin_conv(x, src, dst, W1a, b1a, W1b, b1b), 0.0)
    h = _bn_eval(h, g1, be1)
    h = jnp.maximum(_gin_conv(h, src, dst, W2a, b2a, W2b, b2b), 0.0)
    h = _bn_eval(h, g2, be2)
    h = jnp.maximum(_gin_conv(h, src, dst, W3a, b3a, W3b, b3b), 0.0)
    h = _bn_eval(h, g3, be3)
    # dropout: identity in eval mode
    logits = h @ Wfc + bfc
    return jax.nn.log_softmax(logits, axis=-1)

if __name__ == "__main__":
    import jax
    _d = setup_inputs()
    print(jax.jit(kernel)(*tuple(_d.values())))

</pallas_src>

<mosaic_0001>
#map = affine_map<(d0, d1) -> (0, 0)>
#map1 = affine_map<(d0, d1) -> (0, 0, 0)>
module attributes {stable_mosaic.version = 14 : i64} {
  func.func @agg(%arg0: i32, %arg1: i32, %arg2: memref<10112x32xf32, #tpu.memory_space<hbm>>, %arg3: memref<32x80x128xi32, #tpu.memory_space<hbm>>, %arg4: memref<32x80x128xi32, #tpu.memory_space<hbm>>, %arg5: memref<10112x32xf32, #tpu.memory_space<hbm>>, %arg6: memref<2x10112x32xf32, #tpu.memory_space<hbm>>, %arg7: memref<80x128xi32, #tpu.memory_space<vmem>>, %arg8: memref<80x128xi32, #tpu.memory_space<vmem>>, %arg9: memref<128x32xf32, #tpu.memory_space<vmem>>, %arg10: memref<128x32xf32, #tpu.memory_space<vmem>>, %arg11: memref<128x32xf32, #tpu.memory_space<vmem>>, %arg12: memref<128x32xf32, #tpu.memory_space<vmem>>, %arg13: memref<128x32xf32, #tpu.memory_space<vmem>>, %arg14: memref<128x32xf32, #tpu.memory_space<vmem>>, %arg15: memref<128x32xf32, #tpu.memory_space<vmem>>, %arg16: memref<128x32xf32, #tpu.memory_space<vmem>>, %arg17: memref<128x32xf32, #tpu.memory_space<vmem>>, %arg18: memref<128x32xf32, #tpu.memory_space<vmem>>, %arg19: memref<!tpu.dma_semaphore, #tpu.memory_space<semaphore_mem>>, %arg20: memref<!tpu.dma_semaphore, #tpu.memory_space<semaphore_mem>>, %arg21: memref<!tpu.dma_semaphore, #tpu.memory_space<semaphore_mem>>, %arg22: memref<!tpu.dma_semaphore, #tpu.memory_space<semaphore_mem>>, %arg23: memref<!tpu.dma_semaphore, #tpu.memory_space<semaphore_mem>>, %arg24: memref<!tpu.dma_semaphore, #tpu.memory_space<semaphore_mem>>, %arg25: memref<!tpu.dma_semaphore, #tpu.memory_space<semaphore_mem>>, %arg26: memref<!tpu.dma_semaphore, #tpu.memory_space<semaphore_mem>>, %arg27: memref<!tpu.dma_semaphore, #tpu.memory_space<semaphore_mem>>, %arg28: memref<!tpu.dma_semaphore, #tpu.memory_space<semaphore_mem>>, %arg29: memref<!tpu.dma_semaphore, #tpu.memory_space<semaphore_mem>>, %arg30: memref<!tpu.dma_semaphore, #tpu.memory_space<semaphore_mem>>, %arg31: memref<!tpu.dma_semaphore, #tpu.memory_space<semaphore_mem>>, %arg32: memref<!tpu.dma_semaphore, #tpu.memory_space<semaphore_mem>>, %arg33: memref<!tpu.dma_semaphore, #tpu.memory_space<semaphore_mem>>, %arg34: memref<!tpu.dma_semaphore, #tpu.memory_space<semaphore_mem>>, %arg35: memref<!tpu.dma_semaphore, #tpu.memory_space<semaphore_mem>>, %arg36: memref<!tpu.dma_semaphore, #tpu.memory_space<semaphore_mem>>, %arg37: memref<!tpu.dma_semaphore, #tpu.memory_space<semaphore_mem>>, %arg38: memref<!tpu.dma_semaphore, #tpu.memory_space<semaphore_mem>>, %arg39: memref<10112x32xf32, #tpu.memory_space<vmem_shared>>, %arg40: memref<10112x32xf32, #tpu.memory_space<vmem_shared>>) attributes {dimension_semantics = [#tpu.dimension_semantics<core_parallel>, #tpu.dimension_semantics<subcore_parallel>], iteration_bounds = array<i64: 2, 16>, scalar_prefetch = 0 : i64, scratch_operands = 34 : i64, tpu.core_type = #tpu.core_type<sc_vector_subcore>, window_params = [{transform_indices = #map}, {transform_indices = #map1}, {transform_indices = #map1}, {transform_indices = #map}, {transform_indices = #map1}]} {
    %mul3A = arith.constant 2 : i32
    %mul3A_0 = arith.muli %arg1, %mul3A : i32
    %add3A = arith.addi %mul3A_0, %arg0 : i32
    %mul3A_1 = arith.constant 632 : i32
    %mul3A_2 = arith.muli %arg1, %mul3A_1 : i32
    %dma_start3A = arith.constant 0 : i32
    %dma_start3A_3 = arith.constant 0 : i32
    %dma_start3A_4 = tpu.memref_slice %arg3[%add3A, %dma_start3A, %dma_start3A_3] : memref<32x80x128xi32, #tpu.memory_space<hbm>> -> memref<1x80x128xi32, #tpu.memory_space<hbm>>
    %dma_start3A_5 = tpu.memref_squeeze %dma_start3A_4 : memref<1x80x128xi32, #tpu.memory_space<hbm>> -> memref<80x128xi32, #tpu.memory_space<hbm>>
    %dma_start3A_6 = arith.constant 0 : i32
    %dma_start3A_7 = arith.constant 0 : i32
    %dma_start3A_8 = tpu.memref_slice %arg3[%add3A, %dma_start3A_6, %dma_start3A_7] : memref<32x80x128xi32, #tpu.memory_space<hbm>> -> memref<1x80x128xi32, #tpu.memory_space<hbm>>
    %dma_start3A_9 = tpu.memref_squeeze %dma_start3A_8 : memref<1x80x128xi32, #tpu.memory_space<hbm>> -> memref<80x128xi32, #tpu.memory_space<hbm>>
    tpu.enqueue_dma source(%dma_start3A_9 : memref<80x128xi32, #tpu.memory_space<hbm>>) target(%arg7 : memref<80x128xi32, #tpu.memory_space<vmem>>) target_semaphore(%arg19 : memref<!tpu.dma_semaphore, #tpu.memory_space<semaphore_mem>>)
    %dma_start3A_10 = arith.constant 0 : i32
    %dma_start3A_11 = arith.constant 0 : i32
    %dma_start3A_12 = tpu.memref_slice %arg4[%add3A, %dma_start3A_10, %dma_start3A_11] : memref<32x80x128xi32, #tpu.memory_space<hbm>> -> memref<1x80x128xi32, #tpu.memory_space<hbm>>
    %dma_start3A_13 = tpu.memref_squeeze %dma_start3A_12 : memref<1x80x128xi32, #tpu.memory_space<hbm>> -> memref<80x128xi32, #tpu.memory_space<hbm>>
    %dma_start3A_14 = arith.constant 0 : i32
    %dma_start3A_15 = arith.constant 0 : i32
    %dma_start3A_16 = tpu.memref_slice %arg4[%add3A, %dma_start3A_14, %dma_start3A_15] : memref<32x80x128xi32, #tpu.memory_space<hbm>> -> memref<1x80x128xi32, #tpu.memory_space<hbm>>
    %dma_start3A_17 = tpu.memref_squeeze %dma_start3A_16 : memref<1x80x128xi32, #tpu.memory_space<hbm>> -> memref<80x128xi32, #tpu.memory_space<hbm>>
    tpu.enqueue_dma source(%dma_start3A_17 : memref<80x128xi32, #tpu.memory_space<hbm>>) target(%arg8 : memref<80x128xi32, #tpu.memory_space<vmem>>) target_semaphore(%arg20 : memref<!tpu.dma_semaphore, #tpu.memory_space<semaphore_mem>>)
    %dma_start3A_18 = arith.constant 0 : i32
    %dma_start3A_19 = tpu.memref_slice %arg39[%mul3A_2, %dma_start3A_18] : memref<10112x32xf32, #tpu.memory_space<vmem_shared>> -> memref<632x32xf32, #tpu.memory_space<vmem_shared>>
    %dma_start3A_20 = arith.constant 0 : i32
    %dma_start3A_21 = tpu.memref_slice %arg2[%mul3A_2, %dma_start3A_20] : memref<10112x32xf32, #tpu.memory_space<hbm>> -> memref<632x32xf32, #tpu.memory_space<hbm>>
    tpu.enqueue_dma source(%dma_start3A_21 : memref<632x32xf32, #tpu.memory_space<hbm>>) target(%dma_start3A_19 : memref<632x32xf32, #tpu.memory_space<vmem_shared>>) target_semaphore(%arg21 : memref<!tpu.dma_semaphore, #tpu.memory_space<semaphore_mem>>)
    %eq3A = arith.constant 0 : i32
    %eq3A_22 = arith.cmpi eq, %arg0, %eq3A : i32
    %convert_element_type3A = arith.extui %eq3A_22 : i1 to i32
    %cond3A = arith.constant 0 : i32
    %cond3A_23 = arith.cmpi ne, %convert_element_type3A, %cond3A : i32
    scf.if %cond3A_23 {
      %dma_start3A_192 = arith.constant 0 : i32
      %dma_start3A_193 = tpu.memref_slice %arg40[%mul3A_2, %dma_start3A_192] : memref<10112x32xf32, #tpu.memory_space<vmem_shared>> -> memref<632x32xf32, #tpu.memory_space<vmem_shared>>
      %dma_start3A_194 = arith.constant 0 : i32
      %dma_start3A_195 = tpu.memref_slice %arg2[%mul3A_2, %dma_start3A_194] : memref<10112x32xf32, #tpu.memory_space<hbm>> -> memref<632x32xf32, #tpu.memory_space<hbm>>
      tpu.enqueue_dma source(%dma_start3A_195 : memref<632x32xf32, #tpu.memory_space<hbm>>) target(%dma_start3A_193 : memref<632x32xf32, #tpu.memory_space<vmem_shared>>) target_semaphore(%arg29 : memref<!tpu.dma_semaphore, #tpu.memory_space<semaphore_mem>>)
    } else {
    }
    %eq3A_24 = arith.constant 1 : i32
    %eq3A_25 = arith.cmpi eq, %arg0, %eq3A_24 : i32
    %convert_element_type3A_26 = arith.extui %eq3A_25 : i1 to i32
    %cond3A_27 = arith.constant 0 : i32
    %cond3A_28 = arith.cmpi ne, %convert_element_type3A_26, %cond3A_27 : i32
    scf.if %cond3A_28 {
      %dma_start3A_192 = arith.constant 0 : i32
      %dma_start3A_193 = tpu.memref_slice %arg40[%mul3A_2, %dma_start3A_192] : memref<10112x32xf32, #tpu.memory_space<vmem_shared>> -> memref<632x32xf32, #tpu.memory_space<vmem_shared>>
      %dma_start3A_194 = arith.constant 0 : i32
      %dma_start3A_195 = tpu.memref_slice %arg5[%mul3A_2, %dma_start3A_194] : memref<10112x32xf32, #tpu.memory_space<hbm>> -> memref<632x32xf32, #tpu.memory_space<hbm>>
      tpu.enqueue_dma source(%dma_start3A_195 : memref<632x32xf32, #tpu.memory_space<hbm>>) target(%dma_start3A_193 : memref<632x32xf32, #tpu.memory_space<vmem_shared>>) target_semaphore(%arg29 : memref<!tpu.dma_semaphore, #tpu.memory_space<semaphore_mem>>)
    } else {
    }
    %dma_wait3A = arith.constant 0 : i32
    %dma_wait3A_29 = arith.constant 0 : i32
    %dma_wait3A_30 = tpu.memref_slice %arg3[%add3A, %dma_wait3A, %dma_wait3A_29] : memref<32x80x128xi32, #tpu.memory_space<hbm>> -> memref<1x80x128xi32, #tpu.memory_space<hbm>>
    %dma_wait3A_31 = tpu.memref_squeeze %dma_wait3A_30 : memref<1x80x128xi32, #tpu.memory_space<hbm>> -> memref<80x128xi32, #tpu.memory_space<hbm>>
    %dma_wait3A_32 = arith.constant 0 : i32
    %dma_wait3A_33 = arith.constant 0 : i32
    %dma_wait3A_34 = tpu.memref_slice %arg3[%add3A, %dma_wait3A_32, %dma_wait3A_33] : memref<32x80x128xi32, #tpu.memory_space<hbm>> -> memref<1x80x128xi32, #tpu.memory_space<hbm>>
    %dma_wait3A_35 = tpu.memref_squeeze %dma_wait3A_34 : memref<1x80x128xi32, #tpu.memory_space<hbm>> -> memref<80x128xi32, #tpu.memory_space<hbm>>
    tpu.wait_dma2 semaphore(%arg19 : memref<!tpu.dma_semaphore, #tpu.memory_space<semaphore_mem>>) src(%dma_wait3A_35 : memref<80x128xi32, #tpu.memory_space<hbm>>) dst(%arg7 : memref<80x128xi32, #tpu.memory_space<vmem>>)
    %dma_wait3A_36 = arith.constant 0 : i32
    %dma_wait3A_37 = tpu.memref_slice %arg39[%mul3A_2, %dma_wait3A_36] : memref<10112x32xf32, #tpu.memory_space<vmem_shared>> -> memref<632x32xf32, #tpu.memory_space<vmem_shared>>
    %dma_wait3A_38 = arith.constant 0 : i32
    %dma_wait3A_39 = tpu.memref_slice %arg2[%mul3A_2, %dma_wait3A_38] : memref<10112x32xf32, #tpu.memory_space<hbm>> -> memref<632x32xf32, #tpu.memory_space<hbm>>
    tpu.wait_dma2 semaphore(%arg21 : memref<!tpu.dma_semaphore, #tpu.memory_space<semaphore_mem>>) src(%dma_wait3A_39 : memref<632x32xf32, #tpu.memory_space<hbm>>) dst(%dma_wait3A_37 : memref<632x32xf32, #tpu.memory_space<vmem_shared>>)
    %barrier3A = arith.constant 0 : index
    tpu.barrier barrier_id(%barrier3A)
    %dma_start3A_40 = arith.constant 0 : i32
    %dma_start3A_41 = arith.constant 0 : i32
    %dma_start3A_42 = tpu.memref_slice %arg7[%dma_start3A_40, %dma_start3A_41] : memref<80x128xi32, #tpu.memory_space<vmem>> -> memref<1x128xi32, #tpu.memory_space<vmem>>
    %dma_start3A_43 = tpu.memref_squeeze %dma_start3A_42 : memref<1x128xi32, #tpu.memory_space<vmem>> -> memref<128xi32, #tpu.memory_space<vmem>>
    %dma_start3A_44 = arith.constant 0 : i32
    %dma_start3A_45 = arith.constant 0 : i32
    %dma_start3A_46 = tpu.memref_slice %arg39[%dma_start3A_44, %dma_start3A_45] : memref<10112x32xf32, #tpu.memory_space<vmem_shared>> -> memref<10112x32xf32, #tpu.memory_space<vmem_shared>>
    tpu.enqueue_indirect_dma source(%dma_start3A_46 : memref<10112x32xf32, #tpu.memory_space<vmem_shared>>) target(%arg9 : memref<128x32xf32, #tpu.memory_space<vmem>>) offsets(%dma_start3A_43 : memref<128xi32, #tpu.memory_space<vmem>>) semaphore(%arg19 : memref<!tpu.dma_semaphore, #tpu.memory_space<semaphore_mem>>)
    %dma_start3A_47 = arith.constant 1 : i32
    %dma_start3A_48 = arith.constant 0 : i32
    %dma_start3A_49 = tpu.memref_slice %arg7[%dma_start3A_47, %dma_start3A_48] : memref<80x128xi32, #tpu.memory_space<vmem>> -> memref<1x128xi32, #tpu.memory_space<vmem>>
    %dma_start3A_50 = tpu.memref_squeeze %dma_start3A_49 : memref<1x128xi32, #tpu.memory_space<vmem>> -> memref<128xi32, #tpu.memory_space<vmem>>
    %dma_start3A_51 = arith.constant 0 : i32
    %dma_start3A_52 = arith.constant 0 : i32
    %dma_start3A_53 = tpu.memref_slice %arg39[%dma_start3A_51, %dma_start3A_52] : memref<10112x32xf32, #tpu.memory_space<vmem_shared>> -> memref<10112x32xf32, #tpu.memory_space<vmem_shared>>
    tpu.enqueue_indirect_dma source(%dma_start3A_53 : memref<10112x32xf32, #tpu.memory_space<vmem_shared>>) target(%arg10 : memref<128x32xf32, #tpu.memory_space<vmem>>) offsets(%dma_start3A_50 : memref<128xi32, #tpu.memory_space<vmem>>) semaphore(%arg20 : memref<!tpu.dma_semaphore, #tpu.memory_space<semaphore_mem>>)
    %dma_start3A_54 = arith.constant 2 : i32
    %dma_start3A_55 = arith.constant 0 : i32
    %dma_start3A_56 = tpu.memref_slice %arg7[%dma_start3A_54, %dma_start3A_55] : memref<80x128xi32, #tpu.memory_space<vmem>> -> memref<1x128xi32, #tpu.memory_space<vmem>>
    %dma_start3A_57 = tpu.memref_squeeze %dma_start3A_56 : memref<1x128xi32, #tpu.memory_space<vmem>> -> memref<128xi32, #tpu.memory_space<vmem>>
    %dma_start3A_58 = arith.constant 0 : i32
    %dma_start3A_59 = arith.constant 0 : i32
    %dma_start3A_60 = tpu.memref_slice %arg39[%dma_start3A_58, %dma_start3A_59] : memref<10112x32xf32, #tpu.memory_space<vmem_shared>> -> memref<10112x32xf32, #tpu.memory_space<vmem_shared>>
    tpu.enqueue_indirect_dma source(%dma_start3A_60 : memref<10112x32xf32, #tpu.memory_space<vmem_shared>>) target(%arg11 : memref<128x32xf32, #tpu.memory_space<vmem>>) offsets(%dma_start3A_57 : memref<128xi32, #tpu.memory_space<vmem>>) semaphore(%arg21 : memref<!tpu.dma_semaphore, #tpu.memory_space<semaphore_mem>>)
    %dma_start3A_61 = arith.constant 3 : i32
    %dma_start3A_62 = arith.constant 0 : i32
    %dma_start3A_63 = tpu.memref_slice %arg7[%dma_start3A_61, %dma_start3A_62] : memref<80x128xi32, #tpu.memory_space<vmem>> -> memref<1x128xi32, #tpu.memory_space<vmem>>
    %dma_start3A_64 = tpu.memref_squeeze %dma_start3A_63 : memref<1x128xi32, #tpu.memory_space<vmem>> -> memref<128xi32, #tpu.memory_space<vmem>>
    %dma_start3A_65 = arith.constant 0 : i32
    %dma_start3A_66 = arith.constant 0 : i32
    %dma_start3A_67 = tpu.memref_slice %arg39[%dma_start3A_65, %dma_start3A_66] : memref<10112x32xf32, #tpu.memory_space<vmem_shared>> -> memref<10112x32xf32, #tpu.memory_space<vmem_shared>>
    tpu.enqueue_indirect_dma source(%dma_start3A_67 : memref<10112x32xf32, #tpu.memory_space<vmem_shared>>) target(%arg12 : memref<128x32xf32, #tpu.memory_space<vmem>>) offsets(%dma_start3A_64 : memref<128xi32, #tpu.memory_space<vmem>>) semaphore(%arg22 : memref<!tpu.dma_semaphore, #tpu.memory_space<semaphore_mem>>)
    %dma_start3A_68 = arith.constant 4 : i32
    %dma_start3A_69 = arith.constant 0 : i32
    %dma_start3A_70 = tpu.memref_slice %arg7[%dma_start3A_68, %dma_start3A_69] : memref<80x128xi32, #tpu.memory_space<vmem>> -> memref<1x128xi32, #tpu.memory_space<vmem>>
    %dma_start3A_71 = tpu.memref_squeeze %dma_start3A_70 : memref<1x128xi32, #tpu.memory_space<vmem>> -> memref<128xi32, #tpu.memory_space<vmem>>
    %dma_start3A_72 = arith.constant 0 : i32
    %dma_start3A_73 = arith.constant 0 : i32
    %dma_start3A_74 = tpu.memref_slice %arg39[%dma_start3A_72, %dma_start3A_73] : memref<10112x32xf32, #tpu.memory_space<vmem_shared>> -> memref<10112x32xf32, #tpu.memory_space<vmem_shared>>
    tpu.enqueue_indirect_dma source(%dma_start3A_74 : memref<10112x32xf32, #tpu.memory_space<vmem_shared>>) target(%arg13 : memref<128x32xf32, #tpu.memory_space<vmem>>) offsets(%dma_start3A_71 : memref<128xi32, #tpu.memory_space<vmem>>) semaphore(%arg23 : memref<!tpu.dma_semaphore, #tpu.memory_space<semaphore_mem>>)
    %dma_start3A_75 = arith.constant 5 : i32
    %dma_start3A_76 = arith.constant 0 : i32
    %dma_start3A_77 = tpu.memref_slice %arg7[%dma_start3A_75, %dma_start3A_76] : memref<80x128xi32, #tpu.memory_space<vmem>> -> memref<1x128xi32, #tpu.memory_space<vmem>>
    %dma_start3A_78 = tpu.memref_squeeze %dma_start3A_77 : memref<1x128xi32, #tpu.memory_space<vmem>> -> memref<128xi32, #tpu.memory_space<vmem>>
    %dma_start3A_79 = arith.constant 0 : i32
    %dma_start3A_80 = arith.constant 0 : i32
    %dma_start3A_81 = tpu.memref_slice %arg39[%dma_start3A_79, %dma_start3A_80] : memref<10112x32xf32, #tpu.memory_space<vmem_shared>> -> memref<10112x32xf32, #tpu.memory_space<vmem_shared>>
    tpu.enqueue_indirect_dma source(%dma_start3A_81 : memref<10112x32xf32, #tpu.memory_space<vmem_shared>>) target(%arg14 : memref<128x32xf32, #tpu.memory_space<vmem>>) offsets(%dma_start3A_78 : memref<128xi32, #tpu.memory_space<vmem>>) semaphore(%arg24 : memref<!tpu.dma_semaphore, #tpu.memory_space<semaphore_mem>>)
    %dma_start3A_82 = arith.constant 6 : i32
    %dma_start3A_83 = arith.constant 0 : i32
    %dma_start3A_84 = tpu.memref_slice %arg7[%dma_start3A_82, %dma_start3A_83] : memref<80x128xi32, #tpu.memory_space<vmem>> -> memref<1x128xi32, #tpu.memory_space<vmem>>
    %dma_start3A_85 = tpu.memref_squeeze %dma_start3A_84 : memref<1x128xi32, #tpu.memory_space<vmem>> -> memref<128xi32, #tpu.memory_space<vmem>>
    %dma_start3A_86 = arith.constant 0 : i32
    %dma_start3A_87 = arith.constant 0 : i32
    %dma_start3A_88 = tpu.memref_slice %arg39[%dma_start3A_86, %dma_start3A_87] : memref<10112x32xf32, #tpu.memory_space<vmem_shared>> -> memref<10112x32xf32, #tpu.memory_space<vmem_shared>>
    tpu.enqueue_indirect_dma source(%dma_start3A_88 : memref<10112x32xf32, #tpu.memory_space<vmem_shared>>) target(%arg15 : memref<128x32xf32, #tpu.memory_space<vmem>>) offsets(%dma_start3A_85 : memref<128xi32, #tpu.memory_space<vmem>>) semaphore(%arg25 : memref<!tpu.dma_semaphore, #tpu.memory_space<semaphore_mem>>)
    %dma_start3A_89 = arith.constant 7 : i32
    %dma_start3A_90 = arith.constant 0 : i32
    %dma_start3A_91 = tpu.memref_slice %arg7[%dma_start3A_89, %dma_start3A_90] : memref<80x128xi32, #tpu.memory_space<vmem>> -> memref<1x128xi32, #tpu.memory_space<vmem>>
    %dma_start3A_92 = tpu.memref_squeeze %dma_start3A_91 : memref<1x128xi32, #tpu.memory_space<vmem>> -> memref<128xi32, #tpu.memory_space<vmem>>
    %dma_start3A_93 = arith.constant 0 : i32
    %dma_start3A_94 = arith.constant 0 : i32
    %dma_start3A_95 = tpu.memref_slice %arg39[%dma_start3A_93, %dma_start3A_94] : memref<10112x32xf32, #tpu.memory_space<vmem_shared>> -> memref<10112x32xf32, #tpu.memory_space<vmem_shared>>
    tpu.enqueue_indirect_dma source(%dma_start3A_95 : memref<10112x32xf32, #tpu.memory_space<vmem_shared>>) target(%arg16 : memref<128x32xf32, #tpu.memory_space<vmem>>) offsets(%dma_start3A_92 : memref<128xi32, #tpu.memory_space<vmem>>) semaphore(%arg26 : memref<!tpu.dma_semaphore, #tpu.memory_space<semaphore_mem>>)
    %dma_start3A_96 = arith.constant 8 : i32
    %dma_start3A_97 = arith.constant 0 : i32
    %dma_start3A_98 = tpu.memref_slice %arg7[%dma_start3A_96, %dma_start3A_97] : memref<80x128xi32, #tpu.memory_space<vmem>> -> memref<1x128xi32, #tpu.memory_space<vmem>>
    %dma_start3A_99 = tpu.memref_squeeze %dma_start3A_98 : memref<1x128xi32, #tpu.memory_space<vmem>> -> memref<128xi32, #tpu.memory_space<vmem>>
    %dma_start3A_100 = arith.constant 0 : i32
    %dma_start3A_101 = arith.constant 0 : i32
    %dma_start3A_102 = tpu.memref_slice %arg39[%dma_start3A_100, %dma_start3A_101] : memref<10112x32xf32, #tpu.memory_space<vmem_shared>> -> memref<10112x32xf32, #tpu.memory_space<vmem_shared>>
    tpu.enqueue_indirect_dma source(%dma_start3A_102 : memref<10112x32xf32, #tpu.memory_space<vmem_shared>>) target(%arg17 : memref<128x32xf32, #tpu.memory_space<vmem>>) offsets(%dma_start3A_99 : memref<128xi32, #tpu.memory_space<vmem>>) semaphore(%arg27 : memref<!tpu.dma_semaphore, #tpu.memory_space<semaphore_mem>>)
    %dma_wait3A_103 = arith.constant 0 : i32
    %dma_wait3A_104 = arith.constant 0 : i32
    %dma_wait3A_105 = tpu.memref_slice %arg4[%add3A, %dma_wait3A_103, %dma_wait3A_104] : memref<32x80x128xi32, #tpu.memory_space<hbm>> -> memref<1x80x128xi32, #tpu.memory_space<hbm>>
    %dma_wait3A_106 = tpu.memref_squeeze %dma_wait3A_105 : memref<1x80x128xi32, #tpu.memory_space<hbm>> -> memref<80x128xi32, #tpu.memory_space<hbm>>
    %dma_wait3A_107 = arith.constant 0 : i32
    %dma_wait3A_108 = arith.constant 0 : i32
    %dma_wait3A_109 = tpu.memref_slice %arg4[%add3A, %dma_wait3A_107, %dma_wait3A_108] : memref<32x80x128xi32, #tpu.memory_space<hbm>> -> memref<1x80x128xi32, #tpu.memory_space<hbm>>
    %dma_wait3A_110 = tpu.memref_squeeze %dma_wait3A_109 : memref<1x80x128xi32, #tpu.memory_space<hbm>> -> memref<80x128xi32, #tpu.memory_space<hbm>>
    tpu.wait_dma2 semaphore(%arg20 : memref<!tpu.dma_semaphore, #tpu.memory_space<semaphore_mem>>) src(%dma_wait3A_110 : memref<80x128xi32, #tpu.memory_space<hbm>>) dst(%arg8 : memref<80x128xi32, #tpu.memory_space<vmem>>)
    %dma_wait3A_111 = arith.constant 0 : i32
    %dma_wait3A_112 = tpu.memref_slice %arg40[%mul3A_2, %dma_wait3A_111] : memref<10112x32xf32, #tpu.memory_space<vmem_shared>> -> memref<632x32xf32, #tpu.memory_space<vmem_shared>>
    %dma_wait3A_113 = arith.constant 0 : i32
    %dma_wait3A_114 = tpu.memref_slice %arg5[%mul3A_2, %dma_wait3A_113] : memref<10112x32xf32, #tpu.memory_space<hbm>> -> memref<632x32xf32, #tpu.memory_space<hbm>>
    tpu.wait_dma2 semaphore(%arg29 : memref<!tpu.dma_semaphore, #tpu.memory_space<semaphore_mem>>) src(%dma_wait3A_114 : memref<632x32xf32, #tpu.memory_space<hbm>>) dst(%dma_wait3A_112 : memref<632x32xf32, #tpu.memory_space<vmem_shared>>)
    %barrier3A_115 = arith.constant 0 : index
    tpu.barrier barrier_id(%barrier3A_115)
    %scan3A = arith.constant 0 : i32
    %scan3A_116 = arith.constant 0 : i32
    %scan3A_117 = arith.constant 8 : i32
    %scan3A_118 = arith.addi %scan3A_116, %scan3A_117 : i32
    %scan3A_119 = arith.constant 1 : i32
    scf.for %scan3A_192 = %scan3A_116 to %scan3A_118 step %scan3A_119  : i32 {
      %mul3A_193 = arith.constant 10 : i32
      %mul3A_194 = arith.muli %scan3A_192, %mul3A_193 : i32
      %add3A_195 = arith.constant 0 : i32
      %add3A_196 = arith.addi %mul3A_194, %add3A_195 : i32
      %dma_wait3A_197 = arith.constant 0 : i32
      %dma_wait3A_198 = arith.constant 0 : i32
      %dma_wait3A_199 = tpu.memref_slice %arg7[%dma_wait3A_197, %dma_wait3A_198] : memref<80x128xi32, #tpu.memory_space<vmem>> -> memref<1x128xi32, #tpu.memory_space<vmem>>
      %dma_wait3A_200 = tpu.memref_squeeze %dma_wait3A_199 : memref<1x128xi32, #tpu.memory_space<vmem>> -> memref<128xi32, #tpu.memory_space<vmem>>
      %dma_wait3A_201 = arith.constant 0 : i32
      %dma_wait3A_202 = arith.constant 0 : i32
      %dma_wait3A_203 = tpu.memref_slice %arg39[%dma_wait3A_201, %dma_wait3A_202] : memref<10112x32xf32, #tpu.memory_space<vmem_shared>> -> memref<10112x32xf32, #tpu.memory_space<vmem_shared>>
      tpu.wait_indirect_dma semaphore(%arg19 : memref<!tpu.dma_semaphore, #tpu.memory_space<semaphore_mem>>) src(%dma_wait3A_203 : memref<10112x32xf32, #tpu.memory_space<vmem_shared>>) dst(%arg9 : memref<128x32xf32, #tpu.memory_space<vmem>>)
      %dma_start3A_204 = arith.constant 0 : i32
      %dma_start3A_205 = tpu.memref_slice %arg8[%add3A_196, %dma_start3A_204] : memref<80x128xi32, #tpu.memory_space<vmem>> -> memref<1x128xi32, #tpu.memory_space<vmem>>
      %dma_start3A_206 = tpu.memref_squeeze %dma_start3A_205 : memref<1x128xi32, #tpu.memory_space<vmem>> -> memref<128xi32, #tpu.memory_space<vmem>>
      %dma_start3A_207 = arith.constant 0 : i32
      %dma_start3A_208 = arith.constant 0 : i32
      %dma_start3A_209 = tpu.memref_slice %arg40[%dma_start3A_207, %dma_start3A_208] : memref<10112x32xf32, #tpu.memory_space<vmem_shared>> -> memref<10112x32xf32, #tpu.memory_space<vmem_shared>>
      tpu.enqueue_indirect_dma source(%arg9 : memref<128x32xf32, #tpu.memory_space<vmem>>) target(%dma_start3A_209 : memref<10112x32xf32, #tpu.memory_space<vmem_shared>>) offsets(%dma_start3A_206 : memref<128xi32, #tpu.memory_space<vmem>>) semaphore(%arg29 : memref<!tpu.dma_semaphore, #tpu.memory_space<semaphore_mem>>) {add = true}
      %add3A_210 = arith.constant 9 : i32
      %add3A_211 = arith.addi %add3A_196, %add3A_210 : i32
      %lt3A = arith.constant 80 : i32
      %lt3A_212 = arith.cmpi slt, %add3A_211, %lt3A : i32
      %convert_element_type3A_213 = arith.extui %lt3A_212 : i1 to i32
      %cond3A_214 = arith.constant 0 : i32
      %cond3A_215 = arith.cmpi ne, %convert_element_type3A_213, %cond3A_214 : i32
      scf.if %cond3A_215 {
        %ge3A = arith.constant 10 : i32
        %ge3A_432 = arith.cmpi sge, %add3A_211, %ge3A : i32
        %convert_element_type3A_433 = arith.extui %ge3A_432 : i1 to i32
        %cond3A_434 = arith.constant 0 : i32
        %cond3A_435 = arith.cmpi ne, %convert_element_type3A_433, %cond3A_434 : i32
        scf.if %cond3A_435 {
          %dma_wait3A_442 = arith.constant 0 : i32
          %dma_wait3A_443 = tpu.memref_slice %arg8[%add3A_196, %dma_wait3A_442] : memref<80x128xi32, #tpu.memory_space<vmem>> -> memref<1x128xi32, #tpu.memory_space<vmem>>
          %dma_wait3A_444 = tpu.memref_squeeze %dma_wait3A_443 : memref<1x128xi32, #tpu.memory_space<vmem>> -> memref<128xi32, #tpu.memory_space<vmem>>
          %dma_wait3A_445 = arith.constant 0 : i32
          %dma_wait3A_446 = arith.constant 0 : i32
          %dma_wait3A_447 = tpu.memref_slice %arg40[%dma_wait3A_445, %dma_wait3A_446] : memref<10112x32xf32, #tpu.memory_space<vmem_shared>> -> memref<10112x32xf32, #tpu.memory_space<vmem_shared>>
          tpu.wait_indirect_dma semaphore(%arg38 : memref<!tpu.dma_semaphore, #tpu.memory_space<semaphore_mem>>) src(%arg18 : memref<128x32xf32, #tpu.memory_space<vmem>>) dst(%dma_wait3A_447 : memref<10112x32xf32, #tpu.memory_space<vmem_shared>>)
        } else {
        }
        %dma_start3A_436 = arith.constant 0 : i32
        %dma_start3A_437 = tpu.memref_slice %arg7[%add3A_211, %dma_start3A_436] : memref<80x128xi32, #tpu.memory_space<vmem>> -> memref<1x128xi32, #tpu.memory_space<vmem>>
        %dma_start3A_438 = tpu.memref_squeeze %dma_start3A_437 : memref<1x128xi32, #tpu.memory_space<vmem>> -> memref<128xi32, #tpu.memory_space<vmem>>
        %dma_start3A_439 = arith.constant 0 : i32
        %dma_start3A_440 = arith.constant 0 : i32
        %dma_start3A_441 = tpu.memref_slice %arg39[%dma_start3A_439, %dma_start3A_440] : memref<10112x32xf32, #tpu.memory_space<vmem_shared>> -> memref<10112x32xf32, #tpu.memory_space<vmem_shared>>
        tpu.enqueue_indirect_dma source(%dma_start3A_441 : memref<10112x32xf32, #tpu.memory_space<vmem_shared>>) target(%arg18 : memref<128x32xf32, #tpu.memory_space<vmem>>) offsets(%dma_start3A_438 : memref<128xi32, #tpu.memory_space<vmem>>) semaphore(%arg28 : memref<!tpu.dma_semaphore, #tpu.memory_space<semaphore_mem>>)
      } else {
      }
      %mul3A_216 = arith.constant 10 : i32
      %mul3A_217 = arith.muli %scan3A_192, %mul3A_216 : i32
      %add3A_218 = arith.constant 1 : i32
      %add3A_219 = arith.addi %mul3A_217, %add3A_218 : i32
      %dma_wait3A_220 = arith.constant 1 : i32
      %dma_wait3A_221 = arith.constant 0 : i32
      %dma_wait3A_222 = tpu.memref_slice %arg7[%dma_wait3A_220, %dma_wait3A_221] : memref<80x128xi32, #tpu.memory_space<vmem>> -> memref<1x128xi32, #tpu.memory_space<vmem>>
      %dma_wait3A_223 = tpu.memref_squeeze %dma_wait3A_222 : memref<1x128xi32, #tpu.memory_space<vmem>> -> memref<128xi32, #tpu.memory_space<vmem>>
      %dma_wait3A_224 = arith.constant 0 : i32
      %dma_wait3A_225 = arith.constant 0 : i32
      %dma_wait3A_226 = tpu.memref_slice %arg39[%dma_wait3A_224, %dma_wait3A_225] : memref<10112x32xf32, #tpu.memory_space<vmem_shared>> -> memref<10112x32xf32, #tpu.memory_space<vmem_shared>>
      tpu.wait_indirect_dma semaphore(%arg20 : memref<!tpu.dma_semaphore, #tpu.memory_space<semaphore_mem>>) src(%dma_wait3A_226 : memref<10112x32xf32, #tpu.memory_space<vmem_shared>>) dst(%arg10 : memref<128x32xf32, #tpu.memory_space<vmem>>)
      %dma_start3A_227 = arith.constant 0 : i32
      %dma_start3A_228 = tpu.memref_slice %arg8[%add3A_219, %dma_start3A_227] : memref<80x128xi32, #tpu.memory_space<vmem>> -> memref<1x128xi32, #tpu.memory_space<vmem>>
      %dma_start3A_229 = tpu.memref_squeeze %dma_start3A_228 : memref<1x128xi32, #tpu.memory_space<vmem>> -> memref<128xi32, #tpu.memory_space<vmem>>
      %dma_start3A_230 = arith.constant 0 : i32
      %dma_start3A_231 = arith.constant 0 : i32
      %dma_start3A_232 = tpu.memref_slice %arg40[%dma_start3A_230, %dma_start3A_231] : memref<10112x32xf32, #tpu.memory_space<vmem_shared>> -> memref<10112x32xf32, #tpu.memory_space<vmem_shared>>
      tpu.enqueue_indirect_dma source(%arg10 : memref<128x32xf32, #tpu.memory_space<vmem>>) target(%dma_start3A_232 : memref<10112x32xf32, #tpu.memory_space<vmem_shared>>) offsets(%dma_start3A_229 : memref<128xi32, #tpu.memory_space<vmem>>) semaphore(%arg30 : memref<!tpu.dma_semaphore, #tpu.memory_space<semaphore_mem>>) {add = true}
      %add3A_233 = arith.constant 9 : i32
      %add3A_234 = arith.addi %add3A_219, %add3A_233 : i32
      %lt3A_235 = arith.constant 80 : i32
      %lt3A_236 = arith.cmpi slt, %add3A_234, %lt3A_235 : i32
      %convert_element_type3A_237 = arith.extui %lt3A_236 : i1 to i32
      %cond3A_238 = arith.constant 0 : i32
      %cond3A_239 = arith.cmpi ne, %convert_element_type3A_237, %cond3A_238 : i32
      scf.if %cond3A_239 {
        %ge3A = arith.constant 10 : i32
        %ge3A_432 = arith.cmpi sge, %add3A_234, %ge3A : i32
        %convert_element_type3A_433 = arith.extui %ge3A_432 : i1 to i32
        %cond3A_434 = arith.constant 0 : i32
        %cond3A_435 = arith.cmpi ne, %convert_element_type3A_433, %cond3A_434 : i32
        scf.if %cond3A_435 {
          %dma_wait3A_442 = arith.constant 0 : i32
          %dma_wait3A_443 = tpu.memref_slice %arg8[%add3A_219, %dma_wait3A_442] : memref<80x128xi32, #tpu.memory_space<vmem>> -> memref<1x128xi32, #tpu.memory_space<vmem>>
          %dma_wait3A_444 = tpu.memref_squeeze %dma_wait3A_443 : memref<1x128xi32, #tpu.memory_space<vmem>> -> memref<128xi32, #tpu.memory_space<vmem>>
          %dma_wait3A_445 = arith.constant 0 : i32
          %dma_wait3A_446 = arith.constant 0 : i32
          %dma_wait3A_447 = tpu.memref_slice %arg40[%dma_wait3A_445, %dma_wait3A_446] : memref<10112x32xf32, #tpu.memory_space<vmem_shared>> -> memref<10112x32xf32, #tpu.memory_space<vmem_shared>>
          tpu.wait_indirect_dma semaphore(%arg29 : memref<!tpu.dma_semaphore, #tpu.memory_space<semaphore_mem>>) src(%arg9 : memref<128x32xf32, #tpu.memory_space<vmem>>) dst(%dma_wait3A_447 : memref<10112x32xf32, #tpu.memory_space<vmem_shared>>)
        } else {
        }
        %dma_start3A_436 = arith.constant 0 : i32
        %dma_start3A_437 = tpu.memref_slice %arg7[%add3A_234, %dma_start3A_436] : memref<80x128xi32, #tpu.memory_space<vmem>> -> memref<1x128xi32, #tpu.memory_space<vmem>>
        %dma_start3A_438 = tpu.memref_squeeze %dma_start3A_437 : memref<1x128xi32, #tpu.memory_space<vmem>> -> memref<128xi32, #tpu.memory_space<vmem>>
        %dma_start3A_439 = arith.constant 0 : i32
        %dma_start3A_440 = arith.constant 0 : i32
        %dma_start3A_441 = tpu.memref_slice %arg39[%dma_start3A_439, %dma_start3A_440] : memref<10112x32xf32, #tpu.memory_space<vmem_shared>> -> memref<10112x32xf32, #tpu.memory_space<vmem_shared>>
        tpu.enqueue_indirect_dma source(%dma_start3A_441 : memref<10112x32xf32, #tpu.memory_space<vmem_shared>>) target(%arg9 : memref<128x32xf32, #tpu.memory_space<vmem>>) offsets(%dma_start3A_438 : memref<128xi32, #tpu.memory_space<vmem>>) semaphore(%arg19 : memref<!tpu.dma_semaphore, #tpu.memory_space<semaphore_mem>>)
      } else {
      }
      %mul3A_240 = arith.constant 10 : i32
      %mul3A_241 = arith.muli %scan3A_192, %mul3A_240 : i32
      %add3A_242 = arith.constant 2 : i32
      %add3A_243 = arith.addi %mul3A_241, %add3A_242 : i32
      %dma_wait3A_244 = arith.constant 2 : i32
      %dma_wait3A_245 = arith.constant 0 : i32
      %dma_wait3A_246 = tpu.memref_slice %arg7[%dma_wait3A_244, %dma_wait3A_245] : memref<80x128xi32, #tpu.memory_space<vmem>> -> memref<1x128xi32, #tpu.memory_space<vmem>>
      %dma_wait3A_247 = tpu.memref_squeeze %dma_wait3A_246 : memref<1x128xi32, #tpu.memory_space<vmem>> -> memref<128xi32, #tpu.memory_space<vmem>>
      %dma_wait3A_248 = arith.constant 0 : i32
      %dma_wait3A_249 = arith.constant 0 : i32
      %dma_wait3A_250 = tpu.memref_slice %arg39[%dma_wait3A_248, %dma_wait3A_249] : memref<10112x32xf32, #tpu.memory_space<vmem_shared>> -> memref<10112x32xf32, #tpu.memory_space<vmem_shared>>
      tpu.wait_indirect_dma semaphore(%arg21 : memref<!tpu.dma_semaphore, #tpu.memory_space<semaphore_mem>>) src(%dma_wait3A_250 : memref<10112x32xf32, #tpu.memory_space<vmem_shared>>) dst(%arg11 : memref<128x32xf32, #tpu.memory_space<vmem>>)
      %dma_start3A_251 = arith.constant 0 : i32
      %dma_start3A_252 = tpu.memref_slice %arg8[%add3A_243, %dma_start3A_251] : memref<80x128xi32, #tpu.memory_space<vmem>> -> memref<1x128xi32, #tpu.memory_space<vmem>>
      %dma_start3A_253 = tpu.memref_squeeze %dma_start3A_252 : memref<1x128xi32, #tpu.memory_space<vmem>> -> memref<128xi32, #tpu.memory_space<vmem>>
      %dma_start3A_254 = arith.constant 0 : i32
      %dma_start3A_255 = arith.constant 0 : i32
      %dma_start3A_256 = tpu.memref_slice %arg40[%dma_start3A_254, %dma_start3A_255] : memref<10112x32xf32, #tpu.memory_space<vmem_shared>> -> memref<10112x32xf32, #tpu.memory_space<vmem_shared>>
      tpu.enqueue_indirect_dma source(%arg11 : memref<128x32xf32, #tpu.memory_space<vmem>>) target(%dma_start3A_256 : memref<10112x32xf32, #tpu.memory_space<vmem_shared>>) offsets(%dma_start3A_253 : memref<128xi32, #tpu.memory_space<vmem>>) semaphore(%arg31 : memref<!tpu.dma_semaphore, #tpu.memory_space<semaphore_mem>>) {add = true}
      %add3A_257 = arith.constant 9 : i32
      %add3A_258 = arith.addi %add3A_243, %add3A_257 : i32
      %lt3A_259 = arith.constant 80 : i32
      %lt3A_260 = arith.cmpi slt, %add3A_258, %lt3A_259 : i32
      %convert_element_type3A_261 = arith.extui %lt3A_260 : i1 to i32
      %cond3A_262 = arith.constant 0 : i32
      %cond3A_263 = arith.cmpi ne, %convert_element_type3A_261, %cond3A_262 : i32
      scf.if %cond3A_263 {
        %ge3A = arith.constant 10 : i32
        %ge3A_432 = arith.cmpi sge, %add3A_258, %ge3A : i32
        %convert_element_type3A_433 = arith.extui %ge3A_432 : i1 to i32
        %cond3A_434 = arith.constant 0 : i32
        %cond3A_435 = arith.cmpi ne, %convert_element_type3A_433, %cond3A_434 : i32
        scf.if %cond3A_435 {
          %dma_wait3A_442 = arith.constant 0 : i32
          %dma_wait3A_443 = tpu.memref_slice %arg8[%add3A_243, %dma_wait3A_442] : memref<80x128xi32, #tpu.memory_space<vmem>> -> memref<1x128xi32, #tpu.memory_space<vmem>>
          %dma_wait3A_444 = tpu.memref_squeeze %dma_wait3A_443 : memref<1x128xi32, #tpu.memory_space<vmem>> -> memref<128xi32, #tpu.memory_space<vmem>>
          %dma_wait3A_445 = arith.constant 0 : i32
          %dma_wait3A_446 = arith.constant 0 : i32
          %dma_wait3A_447 = tpu.memref_slice %arg40[%dma_wait3A_445, %dma_wait3A_446] : memref<10112x32xf32, #tpu.memory_space<vmem_shared>> -> memref<10112x32xf32, #tpu.memory_space<vmem_shared>>
          tpu.wait_indirect_dma semaphore(%arg30 : memref<!tpu.dma_semaphore, #tpu.memory_space<semaphore_mem>>) src(%arg10 : memref<128x32xf32, #tpu.memory_space<vmem>>) dst(%dma_wait3A_447 : memref<10112x32xf32, #tpu.memory_space<vmem_shared>>)
        } else {
        }
        %dma_start3A_436 = arith.constant 0 : i32
        %dma_start3A_437 = tpu.memref_slice %arg7[%add3A_258, %dma_start3A_436] : memref<80x128xi32, #tpu.memory_space<vmem>> -> memref<1x128xi32, #tpu.memory_space<vmem>>
        %dma_start3A_438 = tpu.memref_squeeze %dma_start3A_437 : memref<1x128xi32, #tpu.memory_space<vmem>> -> memref<128xi32, #tpu.memory_space<vmem>>
        %dma_start3A_439 = arith.constant 0 : i32
        %dma_start3A_440 = arith.constant 0 : i32
        %dma_start3A_441 = tpu.memref_slice %arg39[%dma_start3A_439, %dma_start3A_440] : memref<10112x32xf32, #tpu.memory_space<vmem_shared>> -> memref<10112x32xf32, #tpu.memory_space<vmem_shared>>
        tpu.enqueue_indirect_dma source(%dma_start3A_441 : memref<10112x32xf32, #tpu.memory_space<vmem_shared>>) target(%arg10 : memref<128x32xf32, #tpu.memory_space<vmem>>) offsets(%dma_start3A_438 : memref<128xi32, #tpu.memory_space<vmem>>) semaphore(%arg20 : memref<!tpu.dma_semaphore, #tpu.memory_space<semaphore_mem>>)
      } else {
      }
      %mul3A_264 = arith.constant 10 : i32
      %mul3A_265 = arith.muli %scan3A_192, %mul3A_264 : i32
      %add3A_266 = arith.constant 3 : i32
      %add3A_267 = arith.addi %mul3A_265, %add3A_266 : i32
      %dma_wait3A_268 = arith.constant 3 : i32
      %dma_wait3A_269 = arith.constant 0 : i32
      %dma_wait3A_270 = tpu.memref_slice %arg7[%dma_wait3A_268, %dma_wait3A_269] : memref<80x128xi32, #tpu.memory_space<vmem>> -> memref<1x128xi32, #tpu.memory_space<vmem>>
      %dma_wait3A_271 = tpu.memref_squeeze %dma_wait3A_270 : memref<1x128xi32, #tpu.memory_space<vmem>> -> memref<128xi32, #tpu.memory_space<vmem>>
      %dma_wait3A_272 = arith.constant 0 : i32
      %dma_wait3A_273 = arith.constant 0 : i32
      %dma_wait3A_274 = tpu.memref_slice %arg39[%dma_wait3A_272, %dma_wait3A_273] : memref<10112x32xf32, #tpu.memory_space<vmem_shared>> -> memref<10112x32xf32, #tpu.memory_space<vmem_shared>>
      tpu.wait_indirect_dma semaphore(%arg22 : memref<!tpu.dma_semaphore, #tpu.memory_space<semaphore_mem>>) src(%dma_wait3A_274 : memref<10112x32xf32, #tpu.memory_space<vmem_shared>>) dst(%arg12 : memref<128x32xf32, #tpu.memory_space<vmem>>)
      %dma_start3A_275 = arith.constant 0 : i32
      %dma_start3A_276 = tpu.memref_slice %arg8[%add3A_267, %dma_start3A_275] : memref<80x128xi32, #tpu.memory_space<vmem>> -> memref<1x128xi32, #tpu.memory_space<vmem>>
      %dma_start3A_277 = tpu.memref_squeeze %dma_start3A_276 : memref<1x128xi32, #tpu.memory_space<vmem>> -> memref<128xi32, #tpu.memory_space<vmem>>
      %dma_start3A_278 = arith.constant 0 : i32
      %dma_start3A_279 = arith.constant 0 : i32
      %dma_start3A_280 = tpu.memref_slice %arg40[%dma_start3A_278, %dma_start3A_279] : memref<10112x32xf32, #tpu.memory_space<vmem_shared>> -> memref<10112x32xf32, #tpu.memory_space<vmem_shared>>
      tpu.enqueue_indirect_dma source(%arg12 : memref<128x32xf32, #tpu.memory_space<vmem>>) target(%dma_start3A_280 : memref<10112x32xf32, #tpu.memory_space<vmem_shared>>) offsets(%dma_start3A_277 : memref<128xi32, #tpu.memory_space<vmem>>) semaphore(%arg32 : memref<!tpu.dma_semaphore, #tpu.memory_space<semaphore_mem>>) {add = true}
      %add3A_281 = arith.constant 9 : i32
      %add3A_282 = arith.addi %add3A_267, %add3A_281 : i32
      %lt3A_283 = arith.constant 80 : i32
      %lt3A_284 = arith.cmpi slt, %add3A_282, %lt3A_283 : i32
      %convert_element_type3A_285 = arith.extui %lt3A_284 : i1 to i32
      %cond3A_286 = arith.constant 0 : i32
      %cond3A_287 = arith.cmpi ne, %convert_element_type3A_285, %cond3A_286 : i32
      scf.if %cond3A_287 {
        %ge3A = arith.constant 10 : i32
        %ge3A_432 = arith.cmpi sge, %add3A_282, %ge3A : i32
        %convert_element_type3A_433 = arith.extui %ge3A_432 : i1 to i32
        %cond3A_434 = arith.constant 0 : i32
        %cond3A_435 = arith.cmpi ne, %convert_element_type3A_433, %cond3A_434 : i32
        scf.if %cond3A_435 {
          %dma_wait3A_442 = arith.constant 0 : i32
          %dma_wait3A_443 = tpu.memref_slice %arg8[%add3A_267, %dma_wait3A_442] : memref<80x128xi32, #tpu.memory_space<vmem>> -> memref<1x128xi32, #tpu.memory_space<vmem>>
          %dma_wait3A_444 = tpu.memref_squeeze %dma_wait3A_443 : memref<1x128xi32, #tpu.memory_space<vmem>> -> memref<128xi32, #tpu.memory_space<vmem>>
          %dma_wait3A_445 = arith.constant 0 : i32
          %dma_wait3A_446 = arith.constant 0 : i32
          %dma_wait3A_447 = tpu.memref_slice %arg40[%dma_wait3A_445, %dma_wait3A_446] : memref<10112x32xf32, #tpu.memory_space<vmem_shared>> -> memref<10112x32xf32, #tpu.memory_space<vmem_shared>>
          tpu.wait_indirect_dma semaphore(%arg31 : memref<!tpu.dma_semaphore, #tpu.memory_space<semaphore_mem>>) src(%arg11 : memref<128x32xf32, #tpu.memory_space<vmem>>) dst(%dma_wait3A_447 : memref<10112x32xf32, #tpu.memory_space<vmem_shared>>)
        } else {
        }
        %dma_start3A_436 = arith.constant 0 : i32
        %dma_start3A_437 = tpu.memref_slice %arg7[%add3A_282, %dma_start3A_436] : memref<80x128xi32, #tpu.memory_space<vmem>> -> memref<1x128xi32, #tpu.memory_space<vmem>>
        %dma_start3A_438 = tpu.memref_squeeze %dma_start3A_437 : memref<1x128xi32, #tpu.memory_space<vmem>> -> memref<128xi32, #tpu.memory_space<vmem>>
        %dma_start3A_439 = arith.constant 0 : i32
        %dma_start3A_440 = arith.constant 0 : i32
        %dma_start3A_441 = tpu.memref_slice %arg39[%dma_start3A_439, %dma_start3A_440] : memref<10112x32xf32, #tpu.memory_space<vmem_shared>> -> memref<10112x32xf32, #tpu.memory_space<vmem_shared>>
        tpu.enqueue_indirect_dma source(%dma_start3A_441 : memref<10112x32xf32, #tpu.memory_space<vmem_shared>>) target(%arg11 : memref<128x32xf32, #tpu.memory_space<vmem>>) offsets(%dma_start3A_438 : memref<128xi32, #tpu.memory_space<vmem>>) semaphore(%arg21 : memref<!tpu.dma_semaphore, #tpu.memory_space<semaphore_mem>>)
      } else {
      }
      %mul3A_288 = arith.constant 10 : i32
      %mul3A_289 = arith.muli %scan3A_192, %mul3A_288 : i32
      %add3A_290 = arith.constant 4 : i32
      %add3A_291 = arith.addi %mul3A_289, %add3A_290 : i32
      %dma_wait3A_292 = arith.constant 4 : i32
      %dma_wait3A_293 = arith.constant 0 : i32
      %dma_wait3A_294 = tpu.memref_slice %arg7[%dma_wait3A_292, %dma_wait3A_293] : memref<80x128xi32, #tpu.memory_space<vmem>> -> memref<1x128xi32, #tpu.memory_space<vmem>>
      %dma_wait3A_295 = tpu.memref_squeeze %dma_wait3A_294 : memref<1x128xi32, #tpu.memory_space<vmem>> -> memref<128xi32, #tpu.memory_space<vmem>>
      %dma_wait3A_296 = arith.constant 0 : i32
      %dma_wait3A_297 = arith.constant 0 : i32
      %dma_wait3A_298 = tpu.memref_slice %arg39[%dma_wait3A_296, %dma_wait3A_297] : memref<10112x32xf32, #tpu.memory_space<vmem_shared>> -> memref<10112x32xf32, #tpu.memory_space<vmem_shared>>
      tpu.wait_indirect_dma semaphore(%arg23 : memref<!tpu.dma_semaphore, #tpu.memory_space<semaphore_mem>>) src(%dma_wait3A_298 : memref<10112x32xf32, #tpu.memory_space<vmem_shared>>) dst(%arg13 : memref<128x32xf32, #tpu.memory_space<vmem>>)
      %dma_start3A_299 = arith.constant 0 : i32
      %dma_start3A_300 = tpu.memref_slice %arg8[%add3A_291, %dma_start3A_299] : memref<80x128xi32, #tpu.memory_space<vmem>> -> memref<1x128xi32, #tpu.memory_space<vmem>>
      %dma_start3A_301 = tpu.memref_squeeze %dma_start3A_300 : memref<1x128xi32, #tpu.memory_space<vmem>> -> memref<128xi32, #tpu.memory_space<vmem>>
      %dma_start3A_302 = arith.constant 0 : i32
      %dma_start3A_303 = arith.constant 0 : i32
      %dma_start3A_304 = tpu.memref_slice %arg40[%dma_start3A_302, %dma_start3A_303] : memref<10112x32xf32, #tpu.memory_space<vmem_shared>> -> memref<10112x32xf32, #tpu.memory_space<vmem_shared>>
      tpu.enqueue_indirect_dma source(%arg13 : memref<128x32xf32, #tpu.memory_space<vmem>>) target(%dma_start3A_304 : memref<10112x32xf32, #tpu.memory_space<vmem_shared>>) offsets(%dma_start3A_301 : memref<128xi32, #tpu.memory_space<vmem>>) semaphore(%arg33 : memref<!tpu.dma_semaphore, #tpu.memory_space<semaphore_mem>>) {add = true}
      %add3A_305 = arith.constant 9 : i32
      %add3A_306 = arith.addi %add3A_291, %add3A_305 : i32
      %lt3A_307 = arith.constant 80 : i32
      %lt3A_308 = arith.cmpi slt, %add3A_306, %lt3A_307 : i32
      %convert_element_type3A_309 = arith.extui %lt3A_308 : i1 to i32
      %cond3A_310 = arith.constant 0 : i32
      %cond3A_311 = arith.cmpi ne, %convert_element_type3A_309, %cond3A_310 : i32
      scf.if %cond3A_311 {
        %ge3A = arith.constant 10 : i32
        %ge3A_432 = arith.cmpi sge, %add3A_306, %ge3A : i32
        %convert_element_type3A_433 = arith.extui %ge3A_432 : i1 to i32
        %cond3A_434 = arith.constant 0 : i32
        %cond3A_435 = arith.cmpi ne, %convert_element_type3A_433, %cond3A_434 : i32
        scf.if %cond3A_435 {
          %dma_wait3A_442 = arith.constant 0 : i32
          %dma_wait3A_443 = tpu.memref_slice %arg8[%add3A_291, %dma_wait3A_442] : memref<80x128xi32, #tpu.memory_space<vmem>> -> memref<1x128xi32, #tpu.memory_space<vmem>>
          %dma_wait3A_444 = tpu.memref_squeeze %dma_wait3A_443 : memref<1x128xi32, #tpu.memory_space<vmem>> -> memref<128xi32, #tpu.memory_space<vmem>>
          %dma_wait3A_445 = arith.constant 0 : i32
          %dma_wait3A_446 = arith.constant 0 : i32
          %dma_wait3A_447 = tpu.memref_slice %arg40[%dma_wait3A_445, %dma_wait3A_446] : memref<10112x32xf32, #tpu.memory_space<vmem_shared>> -> memref<10112x32xf32, #tpu.memory_space<vmem_shared>>
          tpu.wait_indirect_dma semaphore(%arg32 : memref<!tpu.dma_semaphore, #tpu.memory_space<semaphore_mem>>) src(%arg12 : memref<128x32xf32, #tpu.memory_space<vmem>>) dst(%dma_wait3A_447 : memref<10112x32xf32, #tpu.memory_space<vmem_shared>>)
        } else {
        }
        %dma_start3A_436 = arith.constant 0 : i32
        %dma_start3A_437 = tpu.memref_slice %arg7[%add3A_306, %dma_start3A_436] : memref<80x128xi32, #tpu.memory_space<vmem>> -> memref<1x128xi32, #tpu.memory_space<vmem>>
        %dma_start3A_438 = tpu.memref_squeeze %dma_start3A_437 : memref<1x128xi32, #tpu.memory_space<vmem>> -> memref<128xi32, #tpu.memory_space<vmem>>
        %dma_start3A_439 = arith.constant 0 : i32
        %dma_start3A_440 = arith.constant 0 : i32
        %dma_start3A_441 = tpu.memref_slice %arg39[%dma_start3A_439, %dma_start3A_440] : memref<10112x32xf32, #tpu.memory_space<vmem_shared>> -> memref<10112x32xf32, #tpu.memory_space<vmem_shared>>
        tpu.enqueue_indirect_dma source(%dma_start3A_441 : memref<10112x32xf32, #tpu.memory_space<vmem_shared>>) target(%arg12 : memref<128x32xf32, #tpu.memory_space<vmem>>) offsets(%dma_start3A_438 : memref<128xi32, #tpu.memory_space<vmem>>) semaphore(%arg22 : memref<!tpu.dma_semaphore, #tpu.memory_space<semaphore_mem>>)
      } else {
      }
      %mul3A_312 = arith.constant 10 : i32
      %mul3A_313 = arith.muli %scan3A_192, %mul3A_312 : i32
      %add3A_314 = arith.constant 5 : i32
      %add3A_315 = arith.addi %mul3A_313, %add3A_314 : i32
      %dma_wait3A_316 = arith.constant 5 : i32
      %dma_wait3A_317 = arith.constant 0 : i32
      %dma_wait3A_318 = tpu.memref_slice %arg7[%dma_wait3A_316, %dma_wait3A_317] : memref<80x128xi32, #tpu.memory_space<vmem>> -> memref<1x128xi32, #tpu.memory_space<vmem>>
      %dma_wait3A_319 = tpu.memref_squeeze %dma_wait3A_318 : memref<1x128xi32, #tpu.memory_space<vmem>> -> memref<128xi32, #tpu.memory_space<vmem>>
      %dma_wait3A_320 = arith.constant 0 : i32
      %dma_wait3A_321 = arith.constant 0 : i32
      %dma_wait3A_322 = tpu.memref_slice %arg39[%dma_wait3A_320, %dma_wait3A_321] : memref<10112x32xf32, #tpu.memory_space<vmem_shared>> -> memref<10112x32xf32, #tpu.memory_space<vmem_shared>>
      tpu.wait_indirect_dma semaphore(%arg24 : memref<!tpu.dma_semaphore, #tpu.memory_space<semaphore_mem>>) src(%dma_wait3A_322 : memref<10112x32xf32, #tpu.memory_space<vmem_shared>>) dst(%arg14 : memref<128x32xf32, #tpu.memory_space<vmem>>)
      %dma_start3A_323 = arith.constant 0 : i32
      %dma_start3A_324 = tpu.memref_slice %arg8[%add3A_315, %dma_start3A_323] : memref<80x128xi32, #tpu.memory_space<vmem>> -> memref<1x128xi32, #tpu.memory_space<vmem>>
      %dma_start3A_325 = tpu.memref_squeeze %dma_start3A_324 : memref<1x128xi32, #tpu.memory_space<vmem>> -> memref<128xi32, #tpu.memory_space<vmem>>
      %dma_start3A_326 = arith.constant 0 : i32
      %dma_start3A_327 = arith.constant 0 : i32
      %dma_start3A_328 = tpu.memref_slice %arg40[%dma_start3A_326, %dma_start3A_327] : memref<10112x32xf32, #tpu.memory_space<vmem_shared>> -> memref<10112x32xf32, #tpu.memory_space<vmem_shared>>
      tpu.enqueue_indirect_dma source(%arg14 : memref<128x32xf32, #tpu.memory_space<vmem>>) target(%dma_start3A_328 : memref<10112x32xf32, #tpu.memory_space<vmem_shared>>) offsets(%dma_start3A_325 : memref<128xi32, #tpu.memory_space<vmem>>) semaphore(%arg34 : memref<!tpu.dma_semaphore, #tpu.memory_space<semaphore_mem>>) {add = true}
      %add3A_329 = arith.constant 9 : i32
      %add3A_330 = arith.addi %add3A_315, %add3A_329 : i32
      %lt3A_331 = arith.constant 80 : i32
      %lt3A_332 = arith.cmpi slt, %add3A_330, %lt3A_331 : i32
      %convert_element_type3A_333 = arith.extui %lt3A_332 : i1 to i32
      %cond3A_334 = arith.constant 0 : i32
      %cond3A_335 = arith.cmpi ne, %convert_element_type3A_333, %cond3A_334 : i32
      scf.if %cond3A_335 {
        %ge3A = arith.constant 10 : i32
        %ge3A_432 = arith.cmpi sge, %add3A_330, %ge3A : i32
        %convert_element_type3A_433 = arith.extui %ge3A_432 : i1 to i32
        %cond3A_434 = arith.constant 0 : i32
        %cond3A_435 = arith.cmpi ne, %convert_element_type3A_433, %cond3A_434 : i32
        scf.if %cond3A_435 {
          %dma_wait3A_442 = arith.constant 0 : i32
          %dma_wait3A_443 = tpu.memref_slice %arg8[%add3A_315, %dma_wait3A_442] : memref<80x128xi32, #tpu.memory_space<vmem>> -> memref<1x128xi32, #tpu.memory_space<vmem>>
          %dma_wait3A_444 = tpu.memref_squeeze %dma_wait3A_443 : memref<1x128xi32, #tpu.memory_space<vmem>> -> memref<128xi32, #tpu.memory_space<vmem>>
          %dma_wait3A_445 = arith.constant 0 : i32
          %dma_wait3A_446 = arith.constant 0 : i32
          %dma_wait3A_447 = tpu.memref_slice %arg40[%dma_wait3A_445, %dma_wait3A_446] : memref<10112x32xf32, #tpu.memory_space<vmem_shared>> -> memref<10112x32xf32, #tpu.memory_space<vmem_shared>>
          tpu.wait_indirect_dma semaphore(%arg33 : memref<!tpu.dma_semaphore, #tpu.memory_space<semaphore_mem>>) src(%arg13 : memref<128x32xf32, #tpu.memory_space<vmem>>) dst(%dma_wait3A_447 : memref<10112x32xf32, #tpu.memory_space<vmem_shared>>)
        } else {
        }
        %dma_start3A_436 = arith.constant 0 : i32
        %dma_start3A_437 = tpu.memref_slice %arg7[%add3A_330, %dma_start3A_436] : memref<80x128xi32, #tpu.memory_space<vmem>> -> memref<1x128xi32, #tpu.memory_space<vmem>>
        %dma_start3A_438 = tpu.memref_squeeze %dma_start3A_437 : memref<1x128xi32, #tpu.memory_space<vmem>> -> memref<128xi32, #tpu.memory_space<vmem>>
        %dma_start3A_439 = arith.constant 0 : i32
        %dma_start3A_440 = arith.constant 0 : i32
        %dma_start3A_441 = tpu.memref_slice %arg39[%dma_start3A_439, %dma_start3A_440] : memref<10112x32xf32, #tpu.memory_space<vmem_shared>> -> memref<10112x32xf32, #tpu.memory_space<vmem_shared>>
        tpu.enqueue_indirect_dma source(%dma_start3A_441 : memref<10112x32xf32, #tpu.memory_space<vmem_shared>>) target(%arg13 : memref<128x32xf32, #tpu.memory_space<vmem>>) offsets(%dma_start3A_438 : memref<128xi32, #tpu.memory_space<vmem>>) semaphore(%arg23 : memref<!tpu.dma_semaphore, #tpu.memory_space<semaphore_mem>>)
      } else {
      }
      %mul3A_336 = arith.constant 10 : i32
      %mul3A_337 = arith.muli %scan3A_192, %mul3A_336 : i32
      %add3A_338 = arith.constant 6 : i32
      %add3A_339 = arith.addi %mul3A_337, %add3A_338 : i32
      %dma_wait3A_340 = arith.constant 6 : i32
      %dma_wait3A_341 = arith.constant 0 : i32
      %dma_wait3A_342 = tpu.memref_slice %arg7[%dma_wait3A_340, %dma_wait3A_341] : memref<80x128xi32, #tpu.memory_space<vmem>> -> memref<1x128xi32, #tpu.memory_space<vmem>>
      %dma_wait3A_343 = tpu.memref_squeeze %dma_wait3A_342 : memref<1x128xi32, #tpu.memory_space<vmem>> -> memref<128xi32, #tpu.memory_space<vmem>>
      %dma_wait3A_344 = arith.constant 0 : i32
      %dma_wait3A_345 = arith.constant 0 : i32
      %dma_wait3A_346 = tpu.memref_slice %arg39[%dma_wait3A_344, %dma_wait3A_345] : memref<10112x32xf32, #tpu.memory_space<vmem_shared>> -> memref<10112x32xf32, #tpu.memory_space<vmem_shared>>
      tpu.wait_indirect_dma semaphore(%arg25 : memref<!tpu.dma_semaphore, #tpu.memory_space<semaphore_mem>>) src(%dma_wait3A_346 : memref<10112x32xf32, #tpu.memory_space<vmem_shared>>) dst(%arg15 : memref<128x32xf32, #tpu.memory_space<vmem>>)
      %dma_start3A_347 = arith.constant 0 : i32
      %dma_start3A_348 = tpu.memref_slice %arg8[%add3A_339, %dma_start3A_347] : memref<80x128xi32, #tpu.memory_space<vmem>> -> memref<1x128xi32, #tpu.memory_space<vmem>>
      %dma_start3A_349 = tpu.memref_squeeze %dma_start3A_348 : memref<1x128xi32, #tpu.memory_space<vmem>> -> memref<128xi32, #tpu.memory_space<vmem>>
      %dma_start3A_350 = arith.constant 0 : i32
      %dma_start3A_351 = arith.constant 0 : i32
      %dma_start3A_352 = tpu.memref_slice %arg40[%dma_start3A_350, %dma_start3A_351] : memref<10112x32xf32, #tpu.memory_space<vmem_shared>> -> memref<10112x32xf32, #tpu.memory_space<vmem_shared>>
      tpu.enqueue_indirect_dma source(%arg15 : memref<128x32xf32, #tpu.memory_space<vmem>>) target(%dma_start3A_352 : memref<10112x32xf32, #tpu.memory_space<vmem_shared>>) offsets(%dma_start3A_349 : memref<128xi32, #tpu.memory_space<vmem>>) semaphore(%arg35 : memref<!tpu.dma_semaphore, #tpu.memory_space<semaphore_mem>>) {add = true}
      %add3A_353 = arith.constant 9 : i32
      %add3A_354 = arith.addi %add3A_339, %add3A_353 : i32
      %lt3A_355 = arith.constant 80 : i32
      %lt3A_356 = arith.cmpi slt, %add3A_354, %lt3A_355 : i32
      %convert_element_type3A_357 = arith.extui %lt3A_356 : i1 to i32
      %cond3A_358 = arith.constant 0 : i32
      %cond3A_359 = arith.cmpi ne, %convert_element_type3A_357, %cond3A_358 : i32
      scf.if %cond3A_359 {
        %ge3A = arith.constant 10 : i32
        %ge3A_432 = arith.cmpi sge, %add3A_354, %ge3A : i32
        %convert_element_type3A_433 = arith.extui %ge3A_432 : i1 to i32
        %cond3A_434 = arith.constant 0 : i32
        %cond3A_435 = arith.cmpi ne, %convert_element_type3A_433, %cond3A_434 : i32
        scf.if %cond3A_435 {
          %dma_wait3A_442 = arith.constant 0 : i32
          %dma_wait3A_443 = tpu.memref_slice %arg8[%add3A_339, %dma_wait3A_442] : memref<80x128xi32, #tpu.memory_space<vmem>> -> memref<1x128xi32, #tpu.memory_space<vmem>>
          %dma_wait3A_444 = tpu.memref_squeeze %dma_wait3A_443 : memref<1x128xi32, #tpu.memory_space<vmem>> -> memref<128xi32, #tpu.memory_space<vmem>>
          %dma_wait3A_445 = arith.constant 0 : i32
          %dma_wait3A_446 = arith.constant 0 : i32
          %dma_wait3A_447 = tpu.memref_slice %arg40[%dma_wait3A_445, %dma_wait3A_446] : memref<10112x32xf32, #tpu.memory_space<vmem_shared>> -> memref<10112x32xf32, #tpu.memory_space<vmem_shared>>
          tpu.wait_indirect_dma semaphore(%arg34 : memref<!tpu.dma_semaphore, #tpu.memory_space<semaphore_mem>>) src(%arg14 : memref<128x32xf32, #tpu.memory_space<vmem>>) dst(%dma_wait3A_447 : memref<10112x32xf32, #tpu.memory_space<vmem_shared>>)
        } else {
        }
        %dma_start3A_436 = arith.constant 0 : i32
        %dma_start3A_437 = tpu.memref_slice %arg7[%add3A_354, %dma_start3A_436] : memref<80x128xi32, #tpu.memory_space<vmem>> -> memref<1x128xi32, #tpu.memory_space<vmem>>
        %dma_start3A_438 = tpu.memref_squeeze %dma_start3A_437 : memref<1x128xi32, #tpu.memory_space<vmem>> -> memref<128xi32, #tpu.memory_space<vmem>>
        %dma_start3A_439 = arith.constant 0 : i32
        %dma_start3A_440 = arith.constant 0 : i32
        %dma_start3A_441 = tpu.memref_slice %arg39[%dma_start3A_439, %dma_start3A_440] : memref<10112x32xf32, #tpu.memory_space<vmem_shared>> -> memref<10112x32xf32, #tpu.memory_space<vmem_shared>>
        tpu.enqueue_indirect_dma source(%dma_start3A_441 : memref<10112x32xf32, #tpu.memory_space<vmem_shared>>) target(%arg14 : memref<128x32xf32, #tpu.memory_space<vmem>>) offsets(%dma_start3A_438 : memref<128xi32, #tpu.memory_space<vmem>>) semaphore(%arg24 : memref<!tpu.dma_semaphore, #tpu.memory_space<semaphore_mem>>)
      } else {
      }
      %mul3A_360 = arith.constant 10 : i32
      %mul3A_361 = arith.muli %scan3A_192, %mul3A_360 : i32
      %add3A_362 = arith.constant 7 : i32
      %add3A_363 = arith.addi %mul3A_361, %add3A_362 : i32
      %dma_wait3A_364 = arith.constant 7 : i32
      %dma_wait3A_365 = arith.constant 0 : i32
      %dma_wait3A_366 = tpu.memref_slice %arg7[%dma_wait3A_364, %dma_wait3A_365] : memref<80x128xi32, #tpu.memory_space<vmem>> -> memref<1x128xi32, #tpu.memory_space<vmem>>
      %dma_wait3A_367 = tpu.memref_squeeze %dma_wait3A_366 : memref<1x128xi32, #tpu.memory_space<vmem>> -> memref<128xi32, #tpu.memory_space<vmem>>
      %dma_wait3A_368 = arith.constant 0 : i32
      %dma_wait3A_369 = arith.constant 0 : i32
      %dma_wait3A_370 = tpu.memref_slice %arg39[%dma_wait3A_368, %dma_wait3A_369] : memref<10112x32xf32, #tpu.memory_space<vmem_shared>> -> memref<10112x32xf32, #tpu.memory_space<vmem_shared>>
      tpu.wait_indirect_dma semaphore(%arg26 : memref<!tpu.dma_semaphore, #tpu.memory_space<semaphore_mem>>) src(%dma_wait3A_370 : memref<10112x32xf32, #tpu.memory_space<vmem_shared>>) dst(%arg16 : memref<128x32xf32, #tpu.memory_space<vmem>>)
      %dma_start3A_371 = arith.constant 0 : i32
      %dma_start3A_372 = tpu.memref_slice %arg8[%add3A_363, %dma_start3A_371] : memref<80x128xi32, #tpu.memory_space<vmem>> -> memref<1x128xi32, #tpu.memory_space<vmem>>
      %dma_start3A_373 = tpu.memref_squeeze %dma_start3A_372 : memref<1x128xi32, #tpu.memory_space<vmem>> -> memref<128xi32, #tpu.memory_space<vmem>>
      %dma_start3A_374 = arith.constant 0 : i32
      %dma_start3A_375 = arith.constant 0 : i32
      %dma_start3A_376 = tpu.memref_slice %arg40[%dma_start3A_374, %dma_start3A_375] : memref<10112x32xf32, #tpu.memory_space<vmem_shared>> -> memref<10112x32xf32, #tpu.memory_space<vmem_shared>>
      tpu.enqueue_indirect_dma source(%arg16 : memref<128x32xf32, #tpu.memory_space<vmem>>) target(%dma_start3A_376 : memref<10112x32xf32, #tpu.memory_space<vmem_shared>>) offsets(%dma_start3A_373 : memref<128xi32, #tpu.memory_space<vmem>>) semaphore(%arg36 : memref<!tpu.dma_semaphore, #tpu.memory_space<semaphore_mem>>) {add = true}
      %add3A_377 = arith.constant 9 : i32
      %add3A_378 = arith.addi %add3A_363, %add3A_377 : i32
      %lt3A_379 = arith.constant 80 : i32
      %lt3A_380 = arith.cmpi slt, %add3A_378, %lt3A_379 : i32
      %convert_element_type3A_381 = arith.extui %lt3A_380 : i1 to i32
      %cond3A_382 = arith.constant 0 : i32
      %cond3A_383 = arith.cmpi ne, %convert_element_type3A_381, %cond3A_382 : i32
      scf.if %cond3A_383 {
        %ge3A = arith.constant 10 : i32
        %ge3A_432 = arith.cmpi sge, %add3A_378, %ge3A : i32
        %convert_element_type3A_433 = arith.extui %ge3A_432 : i1 to i32
        %cond3A_434 = arith.constant 0 : i32
        %cond3A_435 = arith.cmpi ne, %convert_element_type3A_433, %cond3A_434 : i32
        scf.if %cond3A_435 {
          %dma_wait3A_442 = arith.constant 0 : i32
          %dma_wait3A_443 = tpu.memref_slice %arg8[%add3A_363, %dma_wait3A_442] : memref<80x128xi32, #tpu.memory_space<vmem>> -> memref<1x128xi32, #tpu.memory_space<vmem>>
          %dma_wait3A_444 = tpu.memref_squeeze %dma_wait3A_443 : memref<1x128xi32, #tpu.memory_space<vmem>> -> memref<128xi32, #tpu.memory_space<vmem>>
          %dma_wait3A_445 = arith.constant 0 : i32
          %dma_wait3A_446 = arith.constant 0 : i32
          %dma_wait3A_447 = tpu.memref_slice %arg40[%dma_wait3A_445, %dma_wait3A_446] : memref<10112x32xf32, #tpu.memory_space<vmem_shared>> -> memref<10112x32xf32, #tpu.memory_space<vmem_shared>>
          tpu.wait_indirect_dma semaphore(%arg35 : memref<!tpu.dma_semaphore, #tpu.memory_space<semaphore_mem>>) src(%arg15 : memref<128x32xf32, #tpu.memory_space<vmem>>) dst(%dma_wait3A_447 : memref<10112x32xf32, #tpu.memory_space<vmem_shared>>)
        } else {
        }
        %dma_start3A_436 = arith.constant 0 : i32
        %dma_start3A_437 = tpu.memref_slice %arg7[%add3A_378, %dma_start3A_436] : memref<80x128xi32, #tpu.memory_space<vmem>> -> memref<1x128xi32, #tpu.memory_space<vmem>>
        %dma_start3A_438 = tpu.memref_squeeze %dma_start3A_437 : memref<1x128xi32, #tpu.memory_space<vmem>> -> memref<128xi32, #tpu.memory_space<vmem>>
        %dma_start3A_439 = arith.constant 0 : i32
        %dma_start3A_440 = arith.constant 0 : i32
        %dma_start3A_441 = tpu.memref_slice %arg39[%dma_start3A_439, %dma_start3A_440] : memref<10112x32xf32, #tpu.memory_space<vmem_shared>> -> memref<10112x32xf32, #tpu.memory_space<vmem_shared>>
        tpu.enqueue_indirect_dma source(%dma_start3A_441 : memref<10112x32xf32, #tpu.memory_space<vmem_shared>>) target(%arg15 : memref<128x32xf32, #tpu.memory_space<vmem>>) offsets(%dma_start3A_438 : memref<128xi32, #tpu.memory_space<vmem>>) semaphore(%arg25 : memref<!tpu.dma_semaphore, #tpu.memory_space<semaphore_mem>>)
      } else {
      }
      %mul3A_384 = arith.constant 10 : i32
      %mul3A_385 = arith.muli %scan3A_192, %mul3A_384 : i32
      %add3A_386 = arith.constant 8 : i32
      %add3A_387 = arith.addi %mul3A_385, %add3A_386 : i32
      %dma_wait3A_388 = arith.constant 8 : i32
      %dma_wait3A_389 = arith.constant 0 : i32
      %dma_wait3A_390 = tpu.memref_slice %arg7[%dma_wait3A_388, %dma_wait3A_389] : memref<80x128xi32, #tpu.memory_space<vmem>> -> memref<1x128xi32, #tpu.memory_space<vmem>>
      %dma_wait3A_391 = tpu.memref_squeeze %dma_wait3A_390 : memref<1x128xi32, #tpu.memory_space<vmem>> -> memref<128xi32, #tpu.memory_space<vmem>>
      %dma_wait3A_392 = arith.constant 0 : i32
      %dma_wait3A_393 = arith.constant 0 : i32
      %dma_wait3A_394 = tpu.memref_slice %arg39[%dma_wait3A_392, %dma_wait3A_393] : memref<10112x32xf32, #tpu.memory_space<vmem_shared>> -> memref<10112x32xf32, #tpu.memory_space<vmem_shared>>
      tpu.wait_indirect_dma semaphore(%arg27 : memref<!tpu.dma_semaphore, #tpu.memory_space<semaphore_mem>>) src(%dma_wait3A_394 : memref<10112x32xf32, #tpu.memory_space<vmem_shared>>) dst(%arg17 : memref<128x32xf32, #tpu.memory_space<vmem>>)
      %dma_start3A_395 = arith.constant 0 : i32
      %dma_start3A_396 = tpu.memref_slice %arg8[%add3A_387, %dma_start3A_395] : memref<80x128xi32, #tpu.memory_space<vmem>> -> memref<1x128xi32, #tpu.memory_space<vmem>>
      %dma_start3A_397 = tpu.memref_squeeze %dma_start3A_396 : memref<1x128xi32, #tpu.memory_space<vmem>> -> memref<128xi32, #tpu.memory_space<vmem>>
      %dma_start3A_398 = arith.constant 0 : i32
      %dma_start3A_399 = arith.constant 0 : i32
      %dma_start3A_400 = tpu.memref_slice %arg40[%dma_start3A_398, %dma_start3A_399] : memref<10112x32xf32, #tpu.memory_space<vmem_shared>> -> memref<10112x32xf32, #tpu.memory_space<vmem_shared>>
      tpu.enqueue_indirect_dma source(%arg17 : memref<128x32xf32, #tpu.memory_space<vmem>>) target(%dma_start3A_400 : memref<10112x32xf32, #tpu.memory_space<vmem_shared>>) offsets(%dma_start3A_397 : memref<128xi32, #tpu.memory_space<vmem>>) semaphore(%arg37 : memref<!tpu.dma_semaphore, #tpu.memory_space<semaphore_mem>>) {add = true}
      %add3A_401 = arith.constant 9 : i32
      %add3A_402 = arith.addi %add3A_387, %add3A_401 : i32
      %lt3A_403 = arith.constant 80 : i32
      %lt3A_404 = arith.cmpi slt, %add3A_402, %lt3A_403 : i32
      %convert_element_type3A_405 = arith.extui %lt3A_404 : i1 to i32
      %cond3A_406 = arith.constant 0 : i32
      %cond3A_407 = arith.cmpi ne, %convert_element_type3A_405, %cond3A_406 : i32
      scf.if %cond3A_407 {
        %ge3A = arith.constant 10 : i32
        %ge3A_432 = arith.cmpi sge, %add3A_402, %ge3A : i32
        %convert_element_type3A_433 = arith.extui %ge3A_432 : i1 to i32
        %cond3A_434 = arith.constant 0 : i32
        %cond3A_435 = arith.cmpi ne, %convert_element_type3A_433, %cond3A_434 : i32
        scf.if %cond3A_435 {
          %dma_wait3A_442 = arith.constant 0 : i32
          %dma_wait3A_443 = tpu.memref_slice %arg8[%add3A_387, %dma_wait3A_442] : memref<80x128xi32, #tpu.memory_space<vmem>> -> memref<1x128xi32, #tpu.memory_space<vmem>>
          %dma_wait3A_444 = tpu.memref_squeeze %dma_wait3A_443 : memref<1x128xi32, #tpu.memory_space<vmem>> -> memref<128xi32, #tpu.memory_space<vmem>>
          %dma_wait3A_445 = arith.constant 0 : i32
          %dma_wait3A_446 = arith.constant 0 : i32
          %dma_wait3A_447 = tpu.memref_slice %arg40[%dma_wait3A_445, %dma_wait3A_446] : memref<10112x32xf32, #tpu.memory_space<vmem_shared>> -> memref<10112x32xf32, #tpu.memory_space<vmem_shared>>
          tpu.wait_indirect_dma semaphore(%arg36 : memref<!tpu.dma_semaphore, #tpu.memory_space<semaphore_mem>>) src(%arg16 : memref<128x32xf32, #tpu.memory_space<vmem>>) dst(%dma_wait3A_447 : memref<10112x32xf32, #tpu.memory_space<vmem_shared>>)
        } else {
        }
        %dma_start3A_436 = arith.constant 0 : i32
        %dma_start3A_437 = tpu.memref_slice %arg7[%add3A_402, %dma_start3A_436] : memref<80x128xi32, #tpu.memory_space<vmem>> -> memref<1x128xi32, #tpu.memory_space<vmem>>
        %dma_start3A_438 = tpu.memref_squeeze %dma_start3A_437 : memref<1x128xi32, #tpu.memory_space<vmem>> -> memref<128xi32, #tpu.memory_space<vmem>>
        %dma_start3A_439 = arith.constant 0 : i32
        %dma_start3A_440 = arith.constant 0 : i32
        %dma_start3A_441 = tpu.memref_slice %arg39[%dma_start3A_439, %dma_start3A_440] : memref<10112x32xf32, #tpu.memory_space<vmem_shared>> -> memref<10112x32xf32, #tpu.memory_space<vmem_shared>>
        tpu.enqueue_indirect_dma source(%dma_start3A_441 : memref<10112x32xf32, #tpu.memory_space<vmem_shared>>) target(%arg16 : memref<128x32xf32, #tpu.memory_space<vmem>>) offsets(%dma_start3A_438 : memref<128xi32, #tpu.memory_space<vmem>>) semaphore(%arg26 : memref<!tpu.dma_semaphore, #tpu.memory_space<semaphore_mem>>)
      } else {
      }
      %mul3A_408 = arith.constant 10 : i32
      %mul3A_409 = arith.muli %scan3A_192, %mul3A_408 : i32
      %add3A_410 = arith.constant 9 : i32
      %add3A_411 = arith.addi %mul3A_409, %add3A_410 : i32
      %dma_wait3A_412 = arith.constant 9 : i32
      %dma_wait3A_413 = arith.constant 0 : i32
      %dma_wait3A_414 = tpu.memref_slice %arg7[%dma_wait3A_412, %dma_wait3A_413] : memref<80x128xi32, #tpu.memory_space<vmem>> -> memref<1x128xi32, #tpu.memory_space<vmem>>
      %dma_wait3A_415 = tpu.memref_squeeze %dma_wait3A_414 : memref<1x128xi32, #tpu.memory_space<vmem>> -> memref<128xi32, #tpu.memory_space<vmem>>
      %dma_wait3A_416 = arith.constant 0 : i32
      %dma_wait3A_417 = arith.constant 0 : i32
      %dma_wait3A_418 = tpu.memref_slice %arg39[%dma_wait3A_416, %dma_wait3A_417] : memref<10112x32xf32, #tpu.memory_space<vmem_shared>> -> memref<10112x32xf32, #tpu.memory_space<vmem_shared>>
      tpu.wait_indirect_dma semaphore(%arg28 : memref<!tpu.dma_semaphore, #tpu.memory_space<semaphore_mem>>) src(%dma_wait3A_418 : memref<10112x32xf32, #tpu.memory_space<vmem_shared>>) dst(%arg18 : memref<128x32xf32, #tpu.memory_space<vmem>>)
      %dma_start3A_419 = arith.constant 0 : i32
      %dma_start3A_420 = tpu.memref_slice %arg8[%add3A_411, %dma_start3A_419] : memref<80x128xi32, #tpu.memory_space<vmem>> -> memref<1x128xi32, #tpu.memory_space<vmem>>
      %dma_start3A_421 = tpu.memref_squeeze %dma_start3A_420 : memref<1x128xi32, #tpu.memory_space<vmem>> -> memref<128xi32, #tpu.memory_space<vmem>>
      %dma_start3A_422 = arith.constant 0 : i32
      %dma_start3A_423 = arith.constant 0 : i32
      %dma_start3A_424 = tpu.memref_slice %arg40[%dma_start3A_422, %dma_start3A_423] : memref<10112x32xf32, #tpu.memory_space<vmem_shared>> -> memref<10112x32xf32, #tpu.memory_space<vmem_shared>>
      tpu.enqueue_indirect_dma source(%arg18 : memref<128x32xf32, #tpu.memory_space<vmem>>) target(%dma_start3A_424 : memref<10112x32xf32, #tpu.memory_space<vmem_shared>>) offsets(%dma_start3A_421 : memref<128xi32, #tpu.memory_space<vmem>>) semaphore(%arg38 : memref<!tpu.dma_semaphore, #tpu.memory_space<semaphore_mem>>) {add = true}
      %add3A_425 = arith.constant 9 : i32
      %add3A_426 = arith.addi %add3A_411, %add3A_425 : i32
      %lt3A_427 = arith.constant 80 : i32
      %lt3A_428 = arith.cmpi slt, %add3A_426, %lt3A_427 : i32
      %convert_element_type3A_429 = arith.extui %lt3A_428 : i1 to i32
      %cond3A_430 = arith.constant 0 : i32
      %cond3A_431 = arith.cmpi ne, %convert_element_type3A_429, %cond3A_430 : i32
      scf.if %cond3A_431 {
        %ge3A = arith.constant 10 : i32
        %ge3A_432 = arith.cmpi sge, %add3A_426, %ge3A : i32
        %convert_element_type3A_433 = arith.extui %ge3A_432 : i1 to i32
        %cond3A_434 = arith.constant 0 : i32
        %cond3A_435 = arith.cmpi ne, %convert_element_type3A_433, %cond3A_434 : i32
        scf.if %cond3A_435 {
          %dma_wait3A_442 = arith.constant 0 : i32
          %dma_wait3A_443 = tpu.memref_slice %arg8[%add3A_411, %dma_wait3A_442] : memref<80x128xi32, #tpu.memory_space<vmem>> -> memref<1x128xi32, #tpu.memory_space<vmem>>
          %dma_wait3A_444 = tpu.memref_squeeze %dma_wait3A_443 : memref<1x128xi32, #tpu.memory_space<vmem>> -> memref<128xi32, #tpu.memory_space<vmem>>
          %dma_wait3A_445 = arith.constant 0 : i32
          %dma_wait3A_446 = arith.constant 0 : i32
          %dma_wait3A_447 = tpu.memref_slice %arg40[%dma_wait3A_445, %dma_wait3A_446] : memref<10112x32xf32, #tpu.memory_space<vmem_shared>> -> memref<10112x32xf32, #tpu.memory_space<vmem_shared>>
          tpu.wait_indirect_dma semaphore(%arg37 : memref<!tpu.dma_semaphore, #tpu.memory_space<semaphore_mem>>) src(%arg17 : memref<128x32xf32, #tpu.memory_space<vmem>>) dst(%dma_wait3A_447 : memref<10112x32xf32, #tpu.memory_space<vmem_shared>>)
        } else {
        }
        %dma_start3A_436 = arith.constant 0 : i32
        %dma_start3A_437 = tpu.memref_slice %arg7[%add3A_426, %dma_start3A_436] : memref<80x128xi32, #tpu.memory_space<vmem>> -> memref<1x128xi32, #tpu.memory_space<vmem>>
        %dma_start3A_438 = tpu.memref_squeeze %dma_start3A_437 : memref<1x128xi32, #tpu.memory_space<vmem>> -> memref<128xi32, #tpu.memory_space<vmem>>
        %dma_start3A_439 = arith.constant 0 : i32
        %dma_start3A_440 = arith.constant 0 : i32
        %dma_start3A_441 = tpu.memref_slice %arg39[%dma_start3A_439, %dma_start3A_440] : memref<10112x32xf32, #tpu.memory_space<vmem_shared>> -> memref<10112x32xf32, #tpu.memory_space<vmem_shared>>
        tpu.enqueue_indirect_dma source(%dma_start3A_441 : memref<10112x32xf32, #tpu.memory_space<vmem_shared>>) target(%arg17 : memref<128x32xf32, #tpu.memory_space<vmem>>) offsets(%dma_start3A_438 : memref<128xi32, #tpu.memory_space<vmem>>) semaphore(%arg27 : memref<!tpu.dma_semaphore, #tpu.memory_space<semaphore_mem>>)
      } else {
      }
    }
    %scan3A_120 = arith.constant 8 : i32
    %dma_wait3A_121 = arith.constant 0 : i32
    %dma_wait3A_122 = arith.constant 0 : i32
    %dma_wait3A_123 = tpu.memref_slice %arg8[%dma_wait3A_121, %dma_wait3A_122] : memref<80x128xi32, #tpu.memory_space<vmem>> -> memref<1x128xi32, #tpu.memory_space<vmem>>
    %dma_wait3A_124 = tpu.memref_squeeze %dma_wait3A_123 : memref<1x128xi32, #tpu.memory_space<vmem>> -> memref<128xi32, #tpu.memory_space<vmem>>
    %dma_wait3A_125 = arith.constant 0 : i32
    %dma_wait3A_126 = arith.constant 0 : i32
    %dma_wait3A_127 = tpu.memref_slice %arg40[%dma_wait3A_125, %dma_wait3A_126] : memref<10112x32xf32, #tpu.memory_space<vmem_shared>> -> memref<10112x32xf32, #tpu.memory_space<vmem_shared>>
    tpu.wait_indirect_dma semaphore(%arg29 : memref<!tpu.dma_semaphore, #tpu.memory_space<semaphore_mem>>) src(%arg9 : memref<128x32xf32, #tpu.memory_space<vmem>>) dst(%dma_wait3A_127 : memref<10112x32xf32, #tpu.memory_space<vmem_shared>>)
    %dma_wait3A_128 = arith.constant 1 : i32
    %dma_wait3A_129 = arith.constant 0 : i32
    %dma_wait3A_130 = tpu.memref_slice %arg8[%dma_wait3A_128, %dma_wait3A_129] : memref<80x128xi32, #tpu.memory_space<vmem>> -> memref<1x128xi32, #tpu.memory_space<vmem>>
    %dma_wait3A_131 = tpu.memref_squeeze %dma_wait3A_130 : memref<1x128xi32, #tpu.memory_space<vmem>> -> memref<128xi32, #tpu.memory_space<vmem>>
    %dma_wait3A_132 = arith.constant 0 : i32
    %dma_wait3A_133 = arith.constant 0 : i32
    %dma_wait3A_134 = tpu.memref_slice %arg40[%dma_wait3A_132, %dma_wait3A_133] : memref<10112x32xf32, #tpu.memory_space<vmem_shared>> -> memref<10112x32xf32, #tpu.memory_space<vmem_shared>>
    tpu.wait_indirect_dma semaphore(%arg30 : memref<!tpu.dma_semaphore, #tpu.memory_space<semaphore_mem>>) src(%arg10 : memref<128x32xf32, #tpu.memory_space<vmem>>) dst(%dma_wait3A_134 : memref<10112x32xf32, #tpu.memory_space<vmem_shared>>)
    %dma_wait3A_135 = arith.constant 2 : i32
    %dma_wait3A_136 = arith.constant 0 : i32
    %dma_wait3A_137 = tpu.memref_slice %arg8[%dma_wait3A_135, %dma_wait3A_136] : memref<80x128xi32, #tpu.memory_space<vmem>> -> memref<1x128xi32, #tpu.memory_space<vmem>>
    %dma_wait3A_138 = tpu.memref_squeeze %dma_wait3A_137 : memref<1x128xi32, #tpu.memory_space<vmem>> -> memref<128xi32, #tpu.memory_space<vmem>>
    %dma_wait3A_139 = arith.constant 0 : i32
    %dma_wait3A_140 = arith.constant 0 : i32
    %dma_wait3A_141 = tpu.memref_slice %arg40[%dma_wait3A_139, %dma_wait3A_140] : memref<10112x32xf32, #tpu.memory_space<vmem_shared>> -> memref<10112x32xf32, #tpu.memory_space<vmem_shared>>
    tpu.wait_indirect_dma semaphore(%arg31 : memref<!tpu.dma_semaphore, #tpu.memory_space<semaphore_mem>>) src(%arg11 : memref<128x32xf32, #tpu.memory_space<vmem>>) dst(%dma_wait3A_141 : memref<10112x32xf32, #tpu.memory_space<vmem_shared>>)
    %dma_wait3A_142 = arith.constant 3 : i32
    %dma_wait3A_143 = arith.constant 0 : i32
    %dma_wait3A_144 = tpu.memref_slice %arg8[%dma_wait3A_142, %dma_wait3A_143] : memref<80x128xi32, #tpu.memory_space<vmem>> -> memref<1x128xi32, #tpu.memory_space<vmem>>
    %dma_wait3A_145 = tpu.memref_squeeze %dma_wait3A_144 : memref<1x128xi32, #tpu.memory_space<vmem>> -> memref<128xi32, #tpu.memory_space<vmem>>
    %dma_wait3A_146 = arith.constant 0 : i32
    %dma_wait3A_147 = arith.constant 0 : i32
    %dma_wait3A_148 = tpu.memref_slice %arg40[%dma_wait3A_146, %dma_wait3A_147] : memref<10112x32xf32, #tpu.memory_space<vmem_shared>> -> memref<10112x32xf32, #tpu.memory_space<vmem_shared>>
    tpu.wait_indirect_dma semaphore(%arg32 : memref<!tpu.dma_semaphore, #tpu.memory_space<semaphore_mem>>) src(%arg12 : memref<128x32xf32, #tpu.memory_space<vmem>>) dst(%dma_wait3A_148 : memref<10112x32xf32, #tpu.memory_space<vmem_shared>>)
    %dma_wait3A_149 = arith.constant 4 : i32
    %dma_wait3A_150 = arith.constant 0 : i32
    %dma_wait3A_151 = tpu.memref_slice %arg8[%dma_wait3A_149, %dma_wait3A_150] : memref<80x128xi32, #tpu.memory_space<vmem>> -> memref<1x128xi32, #tpu.memory_space<vmem>>
    %dma_wait3A_152 = tpu.memref_squeeze %dma_wait3A_151 : memref<1x128xi32, #tpu.memory_space<vmem>> -> memref<128xi32, #tpu.memory_space<vmem>>
    %dma_wait3A_153 = arith.constant 0 : i32
    %dma_wait3A_154 = arith.constant 0 : i32
    %dma_wait3A_155 = tpu.memref_slice %arg40[%dma_wait3A_153, %dma_wait3A_154] : memref<10112x32xf32, #tpu.memory_space<vmem_shared>> -> memref<10112x32xf32, #tpu.memory_space<vmem_shared>>
    tpu.wait_indirect_dma semaphore(%arg33 : memref<!tpu.dma_semaphore, #tpu.memory_space<semaphore_mem>>) src(%arg13 : memref<128x32xf32, #tpu.memory_space<vmem>>) dst(%dma_wait3A_155 : memref<10112x32xf32, #tpu.memory_space<vmem_shared>>)
    %dma_wait3A_156 = arith.constant 5 : i32
    %dma_wait3A_157 = arith.constant 0 : i32
    %dma_wait3A_158 = tpu.memref_slice %arg8[%dma_wait3A_156, %dma_wait3A_157] : memref<80x128xi32, #tpu.memory_space<vmem>> -> memref<1x128xi32, #tpu.memory_space<vmem>>
    %dma_wait3A_159 = tpu.memref_squeeze %dma_wait3A_158 : memref<1x128xi32, #tpu.memory_space<vmem>> -> memref<128xi32, #tpu.memory_space<vmem>>
    %dma_wait3A_160 = arith.constant 0 : i32
    %dma_wait3A_161 = arith.constant 0 : i32
    %dma_wait3A_162 = tpu.memref_slice %arg40[%dma_wait3A_160, %dma_wait3A_161] : memref<10112x32xf32, #tpu.memory_space<vmem_shared>> -> memref<10112x32xf32, #tpu.memory_space<vmem_shared>>
    tpu.wait_indirect_dma semaphore(%arg34 : memref<!tpu.dma_semaphore, #tpu.memory_space<semaphore_mem>>) src(%arg14 : memref<128x32xf32, #tpu.memory_space<vmem>>) dst(%dma_wait3A_162 : memref<10112x32xf32, #tpu.memory_space<vmem_shared>>)
    %dma_wait3A_163 = arith.constant 6 : i32
    %dma_wait3A_164 = arith.constant 0 : i32
    %dma_wait3A_165 = tpu.memref_slice %arg8[%dma_wait3A_163, %dma_wait3A_164] : memref<80x128xi32, #tpu.memory_space<vmem>> -> memref<1x128xi32, #tpu.memory_space<vmem>>
    %dma_wait3A_166 = tpu.memref_squeeze %dma_wait3A_165 : memref<1x128xi32, #tpu.memory_space<vmem>> -> memref<128xi32, #tpu.memory_space<vmem>>
    %dma_wait3A_167 = arith.constant 0 : i32
    %dma_wait3A_168 = arith.constant 0 : i32
    %dma_wait3A_169 = tpu.memref_slice %arg40[%dma_wait3A_167, %dma_wait3A_168] : memref<10112x32xf32, #tpu.memory_space<vmem_shared>> -> memref<10112x32xf32, #tpu.memory_space<vmem_shared>>
    tpu.wait_indirect_dma semaphore(%arg35 : memref<!tpu.dma_semaphore, #tpu.memory_space<semaphore_mem>>) src(%arg15 : memref<128x32xf32, #tpu.memory_space<vmem>>) dst(%dma_wait3A_169 : memref<10112x32xf32, #tpu.memory_space<vmem_shared>>)
    %dma_wait3A_170 = arith.constant 7 : i32
    %dma_wait3A_171 = arith.constant 0 : i32
    %dma_wait3A_172 = tpu.memref_slice %arg8[%dma_wait3A_170, %dma_wait3A_171] : memref<80x128xi32, #tpu.memory_space<vmem>> -> memref<1x128xi32, #tpu.memory_space<vmem>>
    %dma_wait3A_173 = tpu.memref_squeeze %dma_wait3A_172 : memref<1x128xi32, #tpu.memory_space<vmem>> -> memref<128xi32, #tpu.memory_space<vmem>>
    %dma_wait3A_174 = arith.constant 0 : i32
    %dma_wait3A_175 = arith.constant 0 : i32
    %dma_wait3A_176 = tpu.memref_slice %arg40[%dma_wait3A_174, %dma_wait3A_175] : memref<10112x32xf32, #tpu.memory_space<vmem_shared>> -> memref<10112x32xf32, #tpu.memory_space<vmem_shared>>
    tpu.wait_indirect_dma semaphore(%arg36 : memref<!tpu.dma_semaphore, #tpu.memory_space<semaphore_mem>>) src(%arg16 : memref<128x32xf32, #tpu.memory_space<vmem>>) dst(%dma_wait3A_176 : memref<10112x32xf32, #tpu.memory_space<vmem_shared>>)
    %dma_wait3A_177 = arith.constant 8 : i32
    %dma_wait3A_178 = arith.constant 0 : i32
    %dma_wait3A_179 = tpu.memref_slice %arg8[%dma_wait3A_177, %dma_wait3A_178] : memref<80x128xi32, #tpu.memory_space<vmem>> -> memref<1x128xi32, #tpu.memory_space<vmem>>
    %dma_wait3A_180 = tpu.memref_squeeze %dma_wait3A_179 : memref<1x128xi32, #tpu.memory_space<vmem>> -> memref<128xi32, #tpu.memory_space<vmem>>
    %dma_wait3A_181 = arith.constant 0 : i32
    %dma_wait3A_182 = arith.constant 0 : i32
    %dma_wait3A_183 = tpu.memref_slice %arg40[%dma_wait3A_181, %dma_wait3A_182] : memref<10112x32xf32, #tpu.memory_space<vmem_shared>> -> memref<10112x32xf32, #tpu.memory_space<vmem_shared>>
    tpu.wait_indirect_dma semaphore(%arg37 : memref<!tpu.dma_semaphore, #tpu.memory_space<semaphore_mem>>) src(%arg17 : memref<128x32xf32, #tpu.memory_space<vmem>>) dst(%dma_wait3A_183 : memref<10112x32xf32, #tpu.memory_space<vmem_shared>>)
    %dma_wait3A_184 = arith.constant 9 : i32
    %dma_wait3A_185 = arith.constant 0 : i32
    %dma_wait3A_186 = tpu.memref_slice %arg8[%dma_wait3A_184, %dma_wait3A_185] : memref<80x128xi32, #tpu.memory_space<vmem>> -> memref<1x128xi32, #tpu.memory_space<vmem>>
    %dma_wait3A_187 = tpu.memref_squeeze %dma_wait3A_186 : memref<1x128xi32, #tpu.memory_space<vmem>> -> memref<128xi32, #tpu.memory_space<vmem>>
    %dma_wait3A_188 = arith.constant 0 : i32
    %dma_wait3A_189 = arith.constant 0 : i32
    %dma_wait3A_190 = tpu.memref_slice %arg40[%dma_wait3A_188, %dma_wait3A_189] : memref<10112x32xf32, #tpu.memory_space<vmem_shared>> -> memref<10112x32xf32, #tpu.memory_space<vmem_shared>>
    tpu.wait_indirect_dma semaphore(%arg38 : memref<!tpu.dma_semaphore, #tpu.memory_space<semaphore_mem>>) src(%arg18 : memref<128x32xf32, #tpu.memory_space<vmem>>) dst(%dma_wait3A_190 : memref<10112x32xf32, #tpu.memory_space<vmem_shared>>)
    %barrier3A_191 = arith.constant 0 : index
    tpu.barrier barrier_id(%barrier3A_191)
    "tpu.region"() ({
      %run_scoped3A = tpu.sem_alloc : memref<!tpu.dma_semaphore, #tpu.memory_space<semaphore_mem>>
      %dma_start3A_192 = arith.constant 0 : i32
      %dma_start3A_193 = tpu.memref_slice %arg6[%arg0, %mul3A_2, %dma_start3A_192] : memref<2x10112x32xf32, #tpu.memory_space<hbm>> -> memref<1x632x32xf32, #tpu.memory_space<hbm>>
      %dma_start3A_194 = tpu.memref_squeeze %dma_start3A_193 : memref<1x632x32xf32, #tpu.memory_space<hbm>> -> memref<632x32xf32, #tpu.memory_space<hbm>>
      %dma_start3A_195 = arith.constant 0 : i32
      %dma_start3A_196 = tpu.memref_slice %arg40[%mul3A_2, %dma_start3A_195] : memref<10112x32xf32, #tpu.memory_space<vmem_shared>> -> memref<632x32xf32, #tpu.memory_space<vmem_shared>>
      tpu.enqueue_dma source(%dma_start3A_196 : memref<632x32xf32, #tpu.memory_space<vmem_shared>>) target(%dma_start3A_194 : memref<632x32xf32, #tpu.memory_space<hbm>>) target_semaphore(%run_scoped3A : memref<!tpu.dma_semaphore, #tpu.memory_space<semaphore_mem>>)
      %dma_wait3A_197 = arith.constant 0 : i32
      %dma_wait3A_198 = tpu.memref_slice %arg6[%arg0, %mul3A_2, %dma_wait3A_197] : memref<2x10112x32xf32, #tpu.memory_space<hbm>> -> memref<1x632x32xf32, #tpu.memory_space<hbm>>
      %dma_wait3A_199 = tpu.memref_squeeze %dma_wait3A_198 : memref<1x632x32xf32, #tpu.memory_space<hbm>> -> memref<632x32xf32, #tpu.memory_space<hbm>>
      %dma_wait3A_200 = arith.constant 0 : i32
      %dma_wait3A_201 = tpu.memref_slice %arg40[%mul3A_2, %dma_wait3A_200] : memref<10112x32xf32, #tpu.memory_space<vmem_shared>> -> memref<632x32xf32, #tpu.memory_space<vmem_shared>>
      tpu.wait_dma2 semaphore(%run_scoped3A : memref<!tpu.dma_semaphore, #tpu.memory_space<semaphore_mem>>) src(%dma_wait3A_201 : memref<632x32xf32, #tpu.memory_space<vmem_shared>>) dst(%dma_wait3A_199 : memref<632x32xf32, #tpu.memory_space<hbm>>)
      tpu.yield
    }) : () -> ()
    return
  }
}

#map = affine_map<(d0, d1) -> (0, 0)>
#map1 = affine_map<(d0, d1) -> (0, 0, 0)>
module attributes {stable_mosaic.version = 14 : i64} {
  func.func @agg(%arg0: i32, %arg1: i32, %arg2: memref<10112x32xf32, #tpu.memory_space<hbm>>, %arg3: memref<32x80x128xi32, #tpu.memory_space<hbm>>, %arg4: memref<32x80x128xi32, #tpu.memory_space<hbm>>, %arg5: memref<10112x32xf32, #tpu.memory_space<hbm>>, %arg6: memref<2x10112x32xf32, #tpu.memory_space<hbm>>, %arg7: memref<80x128xi32, #tpu.memory_space<vmem>>, %arg8: memref<80x128xi32, #tpu.memory_space<vmem>>, %arg9: memref<128x32xf32, #tpu.memory_space<vmem>>, %arg10: memref<128x32xf32, #tpu.memory_space<vmem>>, %arg11: memref<128x32xf32, #tpu.memory_space<vmem>>, %arg12: memref<128x32xf32, #tpu.memory_space<vmem>>, %arg13: memref<128x32xf32, #tpu.memory_space<vmem>>, %arg14: memref<128x32xf32, #tpu.memory_space<vmem>>, %arg15: memref<128x32xf32, #tpu.memory_space<vmem>>, %arg16: memref<128x32xf32, #tpu.memory_space<vmem>>, %arg17: memref<128x32xf32, #tpu.memory_space<vmem>>, %arg18: memref<128x32xf32, #tpu.memory_space<vmem>>, %arg19: memref<!tpu.dma_semaphore, #tpu.memory_space<semaphore_mem>>, %arg20: memref<!tpu.dma_semaphore, #tpu.memory_space<semaphore_mem>>, %arg21: memref<!tpu.dma_semaphore, #tpu.memory_space<semaphore_mem>>, %arg22: memref<!tpu.dma_semaphore, #tpu.memory_space<semaphore_mem>>, %arg23: memref<!tpu.dma_semaphore, #tpu.memory_space<semaphore_mem>>, %arg24: memref<!tpu.dma_semaphore, #tpu.memory_space<semaphore_mem>>, %arg25: memref<!tpu.dma_semaphore, #tpu.memory_space<semaphore_mem>>, %arg26: memref<!tpu.dma_semaphore, #tpu.memory_space<semaphore_mem>>, %arg27: memref<!tpu.dma_semaphore, #tpu.memory_space<semaphore_mem>>, %arg28: memref<!tpu.dma_semaphore, #tpu.memory_space<semaphore_mem>>, %arg29: memref<!tpu.dma_semaphore, #tpu.memory_space<semaphore_mem>>, %arg30: memref<!tpu.dma_semaphore, #tpu.memory_space<semaphore_mem>>, %arg31: memref<!tpu.dma_semaphore, #tpu.memory_space<semaphore_mem>>, %arg32: memref<!tpu.dma_semaphore, #tpu.memory_space<semaphore_mem>>, %arg33: memref<!tpu.dma_semaphore, #tpu.memory_space<semaphore_mem>>, %arg34: memref<!tpu.dma_semaphore, #tpu.memory_space<semaphore_mem>>, %arg35: memref<!tpu.dma_semaphore, #tpu.memory_space<semaphore_mem>>, %arg36: memref<!tpu.dma_semaphore, #tpu.memory_space<semaphore_mem>>, %arg37: memref<!tpu.dma_semaphore, #tpu.memory_space<semaphore_mem>>, %arg38: memref<!tpu.dma_semaphore, #tpu.memory_space<semaphore_mem>>, %arg39: memref<10112x32xf32, #tpu.memory_space<vmem_shared>>, %arg40: memref<10112x32xf32, #tpu.memory_space<vmem_shared>>) attributes {dimension_semantics = [#tpu.dimension_semantics<core_parallel>, #tpu.dimension_semantics<subcore_parallel>], iteration_bounds = array<i64: 2, 16>, scalar_prefetch = 0 : i64, scratch_operands = 34 : i64, tpu.core_type = #tpu.core_type<sc_vector_subcore>, window_params = [{transform_indices = #map}, {transform_indices = #map1}, {transform_indices = #map1}, {transform_indices = #map}, {transform_indices = #map1}]} {
    %mul3A = arith.constant 2 : i32
    %mul3A_0 = arith.muli %arg1, %mul3A : i32
    %add3A = arith.addi %mul3A_0, %arg0 : i32
    %mul3A_1 = arith.constant 632 : i32
    %mul3A_2 = arith.muli %arg1, %mul3A_1 : i32
    %dma_start3A = arith.constant 0 : i32
    %dma_start3A_3 = arith.constant 0 : i32
    %dma_start3A_4 = tpu.memref_slice %arg3[%add3A, %dma_start3A, %dma_start3A_3] : memref<32x80x128xi32, #tpu.memory_space<hbm>> -> memref<1x80x128xi32, #tpu.memory_space<hbm>>
    %dma_start3A_5 = tpu.memref_squeeze %dma_start3A_4 : memref<1x80x128xi32, #tpu.memory_space<hbm>> -> memref<80x128xi32, #tpu.memory_space<hbm>>
    %dma_start3A_6 = arith.constant 0 : i32
    %dma_start3A_7 = arith.constant 0 : i32
    %dma_start3A_8 = tpu.memref_slice %arg3[%add3A, %dma_start3A_6, %dma_start3A_7] : memref<32x80x128xi32, #tpu.memory_space<hbm>> -> memref<1x80x128xi32, #tpu.memory_space<hbm>>
    %dma_start3A_9 = tpu.memref_squeeze %dma_start3A_8 : memref<1x80x128xi32, #tpu.memory_space<hbm>> -> memref<80x128xi32, #tpu.memory_space<hbm>>
    tpu.enqueue_dma source(%dma_start3A_9 : memref<80x128xi32, #tpu.memory_space<hbm>>) target(%arg7 : memref<80x128xi32, #tpu.memory_space<vmem>>) target_semaphore(%arg19 : memref<!tpu.dma_semaphore, #tpu.memory_space<semaphore_mem>>)
    %dma_start3A_10 = arith.constant 0 : i32
    %dma_start3A_11 = arith.constant 0 : i32
    %dma_start3A_12 = tpu.memref_slice %arg4[%add3A, %dma_start3A_10, %dma_start3A_11] : memref<32x80x128xi32, #tpu.memory_space<hbm>> -> memref<1x80x128xi32, #tpu.memory_space<hbm>>
    %dma_start3A_13 = tpu.memref_squeeze %dma_start3A_12 : memref<1x80x128xi32, #tpu.memory_space<hbm>> -> memref<80x128xi32, #tpu.memory_space<hbm>>
    %dma_start3A_14 = arith.constant 0 : i32
    %dma_start3A_15 = arith.constant 0 : i32
    %dma_start3A_16 = tpu.memref_slice %arg4[%add3A, %dma_start3A_14, %dma_start3A_15] : memref<32x80x128xi32, #tpu.memory_space<hbm>> -> memref<1x80x128xi32, #tpu.memory_space<hbm>>
    %dma_start3A_17 = tpu.memref_squeeze %dma_start3A_16 : memref<1x80x128xi32, #tpu.memory_space<hbm>> -> memref<80x128xi32, #tpu.memory_space<hbm>>
    tpu.enqueue_dma source(%dma_start3A_17 : memref<80x128xi32, #tpu.memory_space<hbm>>) target(%arg8 : memref<80x128xi32, #tpu.memory_space<vmem>>) target_semaphore(%arg20 : memref<!tpu.dma_semaphore, #tpu.memory_space<semaphore_mem>>)
    %dma_start3A_18 = arith.constant 0 : i32
    %dma_start3A_19 = tpu.memref_slice %arg39[%mul3A_2, %dma_start3A_18] : memref<10112x32xf32, #tpu.memory_space<vmem_shared>> -> memref<632x32xf32, #tpu.memory_space<vmem_shared>>
    %dma_start3A_20 = arith.constant 0 : i32
    %dma_start3A_21 = tpu.memref_slice %arg2[%mul3A_2, %dma_start3A_20] : memref<10112x32xf32, #tpu.memory_space<hbm>> -> memref<632x32xf32, #tpu.memory_space<hbm>>
    tpu.enqueue_dma source(%dma_start3A_21 : memref<632x32xf32, #tpu.memory_space<hbm>>) target(%dma_start3A_19 : memref<632x32xf32, #tpu.memory_space<vmem_shared>>) target_semaphore(%arg21 : memref<!tpu.dma_semaphore, #tpu.memory_space<semaphore_mem>>)
    %eq3A = arith.constant 0 : i32
    %eq3A_22 = arith.cmpi eq, %arg0, %eq3A : i32
    %convert_element_type3A = arith.extui %eq3A_22 : i1 to i32
    %cond3A = arith.constant 0 : i32
    %cond3A_23 = arith.cmpi ne, %convert_element_type3A, %cond3A : i32
    scf.if %cond3A_23 {
      %dma_start3A_192 = arith.constant 0 : i32
      %dma_start3A_193 = tpu.memref_slice %arg40[%mul3A_2, %dma_start3A_192] : memref<10112x32xf32, #tpu.memory_space<vmem_shared>> -> memref<632x32xf32, #tpu.memory_space<vmem_shared>>
      %dma_start3A_194 = arith.constant 0 : i32
      %dma_start3A_195 = tpu.memref_slice %arg2[%mul3A_2, %dma_start3A_194] : memref<10112x32xf32, #tpu.memory_space<hbm>> -> memref<632x32xf32, #tpu.memory_space<hbm>>
      tpu.enqueue_dma source(%dma_start3A_195 : memref<632x32xf32, #tpu.memory_space<hbm>>) target(%dma_start3A_193 : memref<632x32xf32, #tpu.memory_space<vmem_shared>>) target_semaphore(%arg29 : memref<!tpu.dma_semaphore, #tpu.memory_space<semaphore_mem>>)
    } else {
    }
    %eq3A_24 = arith.constant 1 : i32
    %eq3A_25 = arith.cmpi eq, %arg0, %eq3A_24 : i32
    %convert_element_type3A_26 = arith.extui %eq3A_25 : i1 to i32
    %cond3A_27 = arith.constant 0 : i32
    %cond3A_28 = arith.cmpi ne, %convert_element_type3A_26, %cond3A_27 : i32
    scf.if %cond3A_28 {
      %dma_start3A_192 = arith.constant 0 : i32
      %dma_start3A_193 = tpu.memref_slice %arg40[%mul3A_2, %dma_start3A_192] : memref<10112x32xf32, #tpu.memory_space<vmem_shared>> -> memref<632x32xf32, #tpu.memory_space<vmem_shared>>
      %dma_start3A_194 = arith.constant 0 : i32
      %dma_start3A_195 = tpu.memref_slice %arg5[%mul3A_2, %dma_start3A_194] : memref<10112x32xf32, #tpu.memory_space<hbm>> -> memref<632x32xf32, #tpu.memory_space<hbm>>
      tpu.enqueue_dma source(%dma_start3A_195 : memref<632x32xf32, #tpu.memory_space<hbm>>) target(%dma_start3A_193 : memref<632x32xf32, #tpu.memory_space<vmem_shared>>) target_semaphore(%arg29 : memref<!tpu.dma_semaphore, #tpu.memory_space<semaphore_mem>>)
    } else {
    }
    %dma_wait3A = arith.constant 0 : i32
    %dma_wait3A_29 = arith.constant 0 : i32
    %dma_wait3A_30 = tpu.memref_slice %arg3[%add3A, %dma_wait3A, %dma_wait3A_29] : memref<32x80x128xi32, #tpu.memory_space<hbm>> -> memref<1x80x128xi32, #tpu.memory_space<hbm>>
    %dma_wait3A_31 = tpu.memref_squeeze %dma_wait3A_30 : memref<1x80x128xi32, #tpu.memory_space<hbm>> -> memref<80x128xi32, #tpu.memory_space<hbm>>
    %dma_wait3A_32 = arith.constant 0 : i32
    %dma_wait3A_33 = arith.constant 0 : i32
    %dma_wait3A_34 = tpu.memref_slice %arg3[%add3A, %dma_wait3A_32, %dma_wait3A_33] : memref<32x80x128xi32, #tpu.memory_space<hbm>> -> memref<1x80x128xi32, #tpu.memory_space<hbm>>
    %dma_wait3A_35 = tpu.memref_squeeze %dma_wait3A_34 : memref<1x80x128xi32, #tpu.memory_space<hbm>> -> memref<80x128xi32, #tpu.memory_space<hbm>>
    tpu.wait_dma2 semaphore(%arg19 : memref<!tpu.dma_semaphore, #tpu.memory_space<semaphore_mem>>) src(%dma_wait3A_35 : memref<80x128xi32, #tpu.memory_space<hbm>>) dst(%arg7 : memref<80x128xi32, #tpu.memory_space<vmem>>)
    %dma_wait3A_36 = arith.constant 0 : i32
    %dma_wait3A_37 = tpu.memref_slice %arg39[%mul3A_2, %dma_wait3A_36] : memref<10112x32xf32, #tpu.memory_space<vmem_shared>> -> memref<632x32xf32, #tpu.memory_space<vmem_shared>>
    %dma_wait3A_38 = arith.constant 0 : i32
    %dma_wait3A_39 = tpu.memref_slice %arg2[%mul3A_2, %dma_wait3A_38] : memref<10112x32xf32, #tpu.memory_space<hbm>> -> memref<632x32xf32, #tpu.memory_space<hbm>>
    tpu.wait_dma2 semaphore(%arg21 : memref<!tpu.dma_semaphore, #tpu.memory_space<semaphore_mem>>) src(%dma_wait3A_39 : memref<632x32xf32, #tpu.memory_space<hbm>>) dst(%dma_wait3A_37 : memref<632x32xf32, #tpu.memory_space<vmem_shared>>)
    %barrier3A = arith.constant 0 : index
    tpu.barrier barrier_id(%barrier3A)
    %dma_start3A_40 = arith.constant 0 : i32
    %dma_start3A_41 = arith.constant 0 : i32
    %dma_start3A_42 = tpu.memref_slice %arg7[%dma_start3A_40, %dma_start3A_41] : memref<80x128xi32, #tpu.memory_space<vmem>> -> memref<1x128xi32, #tpu.memory_space<vmem>>
    %dma_start3A_43 = tpu.memref_squeeze %dma_start3A_42 : memref<1x128xi32, #tpu.memory_space<vmem>> -> memref<128xi32, #tpu.memory_space<vmem>>
    %dma_start3A_44 = arith.constant 0 : i32
    %dma_start3A_45 = arith.constant 0 : i32
    %dma_start3A_46 = tpu.memref_slice %arg39[%dma_start3A_44, %dma_start3A_45] : memref<10112x32xf32, #tpu.memory_space<vmem_shared>> -> memref<10112x32xf32, #tpu.memory_space<vmem_shared>>
    tpu.enqueue_indirect_dma source(%dma_start3A_46 : memref<10112x32xf32, #tpu.memory_space<vmem_shared>>) target(%arg9 : memref<128x32xf32, #tpu.memory_space<vmem>>) offsets(%dma_start3A_43 : memref<128xi32, #tpu.memory_space<vmem>>) semaphore(%arg19 : memref<!tpu.dma_semaphore, #tpu.memory_space<semaphore_mem>>)
    %dma_start3A_47 = arith.constant 1 : i32
    %dma_start3A_48 = arith.constant 0 : i32
    %dma_start3A_49 = tpu.memref_slice %arg7[%dma_start3A_47, %dma_start3A_48] : memref<80x128xi32, #tpu.memory_space<vmem>> -> memref<1x128xi32, #tpu.memory_space<vmem>>
    %dma_start3A_50 = tpu.memref_squeeze %dma_start3A_49 : memref<1x128xi32, #tpu.memory_space<vmem>> -> memref<128xi32, #tpu.memory_space<vmem>>
    %dma_start3A_51 = arith.constant 0 : i32
    %dma_start3A_52 = arith.constant 0 : i32
    %dma_start3A_53 = tpu.memref_slice %arg39[%dma_start3A_51, %dma_start3A_52] : memref<10112x32xf32, #tpu.memory_space<vmem_shared>> -> memref<10112x32xf32, #tpu.memory_space<vmem_shared>>
    tpu.enqueue_indirect_dma source(%dma_start3A_53 : memref<10112x32xf32, #tpu.memory_space<vmem_shared>>) target(%arg10 : memref<128x32xf32, #tpu.memory_space<vmem>>) offsets(%dma_start3A_50 : memref<128xi32, #tpu.memory_space<vmem>>) semaphore(%arg20 : memref<!tpu.dma_semaphore, #tpu.memory_space<semaphore_mem>>)
    %dma_start3A_54 = arith.constant 2 : i32
    %dma_start3A_55 = arith.constant 0 : i32
    %dma_start3A_56 = tpu.memref_slice %arg7[%dma_start3A_54, %dma_start3A_55] : memref<80x128xi32, #tpu.memory_space<vmem>> -> memref<1x128xi32, #tpu.memory_space<vmem>>
    %dma_start3A_57 = tpu.memref_squeeze %dma_start3A_56 : memref<1x128xi32, #tpu.memory_space<vmem>> -> memref<128xi32, #tpu.memory_space<vmem>>
    %dma_start3A_58 = arith.constant 0 : i32
    %dma_start3A_59 = arith.constant 0 : i32
    %dma_start3A_60 = tpu.memref_slice %arg39[%dma_start3A_58, %dma_start3A_59] : memref<10112x32xf32, #tpu.memory_space<vmem_shared>> -> memref<10112x32xf32, #tpu.memory_space<vmem_shared>>
    tpu.enqueue_indirect_dma source(%dma_start3A_60 : memref<10112x32xf32, #tpu.memory_space<vmem_shared>>) target(%arg11 : memref<128x32xf32, #tpu.memory_space<vmem>>) offsets(%dma_start3A_57 : memref<128xi32, #tpu.memory_space<vmem>>) semaphore(%arg21 : memref<!tpu.dma_semaphore, #tpu.memory_space<semaphore_mem>>)
    %dma_start3A_61 = arith.constant 3 : i32
    %dma_start3A_62 = arith.constant 0 : i32
    %dma_start3A_63 = tpu.memref_slice %arg7[%dma_start3A_61, %dma_start3A_62] : memref<80x128xi32, #tpu.memory_space<vmem>> -> memref<1x128xi32, #tpu.memory_space<vmem>>
    %dma_start3A_64 = tpu.memref_squeeze %dma_start3A_63 : memref<1x128xi32, #tpu.memory_space<vmem>> -> memref<128xi32, #tpu.memory_space<vmem>>
    %dma_start3A_65 = arith.constant 0 : i32
    %dma_start3A_66 = arith.constant 0 : i32
    %dma_start3A_67 = tpu.memref_slice %arg39[%dma_start3A_65, %dma_start3A_66] : memref<10112x32xf32, #tpu.memory_space<vmem_shared>> -> memref<10112x32xf32, #tpu.memory_space<vmem_shared>>
    tpu.enqueue_indirect_dma source(%dma_start3A_67 : memref<10112x32xf32, #tpu.memory_space<vmem_shared>>) target(%arg12 : memref<128x32xf32, #tpu.memory_space<vmem>>) offsets(%dma_start3A_64 : memref<128xi32, #tpu.memory_space<vmem>>) semaphore(%arg22 : memref<!tpu.dma_semaphore, #tpu.memory_space<semaphore_mem>>)
    %dma_start3A_68 = arith.constant 4 : i32
    %dma_start3A_69 = arith.constant 0 : i32
    %dma_start3A_70 = tpu.memref_slice %arg7[%dma_start3A_68, %dma_start3A_69] : memref<80x128xi32, #tpu.memory_space<vmem>> -> memref<1x128xi32, #tpu.memory_space<vmem>>
    %dma_start3A_71 = tpu.memref_squeeze %dma_start3A_70 : memref<1x128xi32, #tpu.memory_space<vmem>> -> memref<128xi32, #tpu.memory_space<vmem>>
    %dma_start3A_72 = arith.constant 0 : i32
    %dma_start3A_73 = arith.constant 0 : i32
    %dma_start3A_74 = tpu.memref_slice %arg39[%dma_start3A_72, %dma_start3A_73] : memref<10112x32xf32, #tpu.memory_space<vmem_shared>> -> memref<10112x32xf32, #tpu.memory_space<vmem_shared>>
    tpu.enqueue_indirect_dma source(%dma_start3A_74 : memref<10112x32xf32, #tpu.memory_space<vmem_shared>>) target(%arg13 : memref<128x32xf32, #tpu.memory_space<vmem>>) offsets(%dma_start3A_71 : memref<128xi32, #tpu.memory_space<vmem>>) semaphore(%arg23 : memref<!tpu.dma_semaphore, #tpu.memory_space<semaphore_mem>>)
    %dma_start3A_75 = arith.constant 5 : i32
    %dma_start3A_76 = arith.constant 0 : i32
    %dma_start3A_77 = tpu.memref_slice %arg7[%dma_start3A_75, %dma_start3A_76] : memref<80x128xi32, #tpu.memory_space<vmem>> -> memref<1x128xi32, #tpu.memory_space<vmem>>
    %dma_start3A_78 = tpu.memref_squeeze %dma_start3A_77 : memref<1x128xi32, #tpu.memory_space<vmem>> -> memref<128xi32, #tpu.memory_space<vmem>>
    %dma_start3A_79 = arith.constant 0 : i32
    %dma_start3A_80 = arith.constant 0 : i32
    %dma_start3A_81 = tpu.memref_slice %arg39[%dma_start3A_79, %dma_start3A_80] : memref<10112x32xf32, #tpu.memory_space<vmem_shared>> -> memref<10112x32xf32, #tpu.memory_space<vmem_shared>>
    tpu.enqueue_indirect_dma source(%dma_start3A_81 : memref<10112x32xf32, #tpu.memory_space<vmem_shared>>) target(%arg14 : memref<128x32xf32, #tpu.memory_space<vmem>>) offsets(%dma_start3A_78 : memref<128xi32, #tpu.memory_space<vmem>>) semaphore(%arg24 : memref<!tpu.dma_semaphore, #tpu.memory_space<semaphore_mem>>)
    %dma_start3A_82 = arith.constant 6 : i32
    %dma_start3A_83 = arith.constant 0 : i32
    %dma_start3A_84 = tpu.memref_slice %arg7[%dma_start3A_82, %dma_start3A_83] : memref<80x128xi32, #tpu.memory_space<vmem>> -> memref<1x128xi32, #tpu.memory_space<vmem>>
    %dma_start3A_85 = tpu.memref_squeeze %dma_start3A_84 : memref<1x128xi32, #tpu.memory_space<vmem>> -> memref<128xi32, #tpu.memory_space<vmem>>
    %dma_start3A_86 = arith.constant 0 : i32
    %dma_start3A_87 = arith.constant 0 : i32
    %dma_start3A_88 = tpu.memref_slice %arg39[%dma_start3A_86, %dma_start3A_87] : memref<10112x32xf32, #tpu.memory_space<vmem_shared>> -> memref<10112x32xf32, #tpu.memory_space<vmem_shared>>
    tpu.enqueue_indirect_dma source(%dma_start3A_88 : memref<10112x32xf32, #tpu.memory_space<vmem_shared>>) target(%arg15 : memref<128x32xf32, #tpu.memory_space<vmem>>) offsets(%dma_start3A_85 : memref<128xi32, #tpu.memory_space<vmem>>) semaphore(%arg25 : memref<!tpu.dma_semaphore, #tpu.memory_space<semaphore_mem>>)
    %dma_start3A_89 = arith.constant 7 : i32
    %dma_start3A_90 = arith.constant 0 : i32
    %dma_start3A_91 = tpu.memref_slice %arg7[%dma_start3A_89, %dma_start3A_90] : memref<80x128xi32, #tpu.memory_space<vmem>> -> memref<1x128xi32, #tpu.memory_space<vmem>>
    %dma_start3A_92 = tpu.memref_squeeze %dma_start3A_91 : memref<1x128xi32, #tpu.memory_space<vmem>> -> memref<128xi32, #tpu.memory_space<vmem>>
    %dma_start3A_93 = arith.constant 0 : i32
    %dma_start3A_94 = arith.constant 0 : i32
    %dma_start3A_95 = tpu.memref_slice %arg39[%dma_start3A_93, %dma_start3A_94] : memref<10112x32xf32, #tpu.memory_space<vmem_shared>> -> memref<10112x32xf32, #tpu.memory_space<vmem_shared>>
    tpu.enqueue_indirect_dma source(%dma_start3A_95 : memref<10112x32xf32, #tpu.memory_space<vmem_shared>>) target(%arg16 : memref<128x32xf32, #tpu.memory_space<vmem>>) offsets(%dma_start3A_92 : memref<128xi32, #tpu.memory_space<vmem>>) semaphore(%arg26 : memref<!tpu.dma_semaphore, #tpu.memory_space<semaphore_mem>>)
    %dma_start3A_96 = arith.constant 8 : i32
    %dma_start3A_97 = arith.constant 0 : i32
    %dma_start3A_98 = tpu.memref_slice %arg7[%dma_start3A_96, %dma_start3A_97] : memref<80x128xi32, #tpu.memory_space<vmem>> -> memref<1x128xi32, #tpu.memory_space<vmem>>
    %dma_start3A_99 = tpu.memref_squeeze %dma_start3A_98 : memref<1x128xi32, #tpu.memory_space<vmem>> -> memref<128xi32, #tpu.memory_space<vmem>>
    %dma_start3A_100 = arith.constant 0 : i32
    %dma_start3A_101 = arith.constant 0 : i32
    %dma_start3A_102 = tpu.memref_slice %arg39[%dma_start3A_100, %dma_start3A_101] : memref<10112x32xf32, #tpu.memory_space<vmem_shared>> -> memref<10112x32xf32, #tpu.memory_space<vmem_shared>>
    tpu.enqueue_indirect_dma source(%dma_start3A_102 : memref<10112x32xf32, #tpu.memory_space<vmem_shared>>) target(%arg17 : memref<128x32xf32, #tpu.memory_space<vmem>>) offsets(%dma_start3A_99 : memref<128xi32, #tpu.memory_space<vmem>>) semaphore(%arg27 : memref<!tpu.dma_semaphore, #tpu.memory_space<semaphore_mem>>)
    %dma_wait3A_103 = arith.constant 0 : i32
    %dma_wait3A_104 = arith.constant 0 : i32
    %dma_wait3A_105 = tpu.memref_slice %arg4[%add3A, %dma_wait3A_103, %dma_wait3A_104] : memref<32x80x128xi32, #tpu.memory_space<hbm>> -> memref<1x80x128xi32, #tpu.memory_space<hbm>>
    %dma_wait3A_106 = tpu.memref_squeeze %dma_wait3A_105 : memref<1x80x128xi32, #tpu.memory_space<hbm>> -> memref<80x128xi32, #tpu.memory_space<hbm>>
    %dma_wait3A_107 = arith.constant 0 : i32
    %dma_wait3A_108 = arith.constant 0 : i32
    %dma_wait3A_109 = tpu.memref_slice %arg4[%add3A, %dma_wait3A_107, %dma_wait3A_108] : memref<32x80x128xi32, #tpu.memory_space<hbm>> -> memref<1x80x128xi32, #tpu.memory_space<hbm>>
    %dma_wait3A_110 = tpu.memref_squeeze %dma_wait3A_109 : memref<1x80x128xi32, #tpu.memory_space<hbm>> -> memref<80x128xi32, #tpu.memory_space<hbm>>
    tpu.wait_dma2 semaphore(%arg20 : memref<!tpu.dma_semaphore, #tpu.memory_space<semaphore_mem>>) src(%dma_wait3A_110 : memref<80x128xi32, #tpu.memory_space<hbm>>) dst(%arg8 : memref<80x128xi32, #tpu.memory_space<vmem>>)
    %dma_wait3A_111 = arith.constant 0 : i32
    %dma_wait3A_112 = tpu.memref_slice %arg40[%mul3A_2, %dma_wait3A_111] : memref<10112x32xf32, #tpu.memory_space<vmem_shared>> -> memref<632x32xf32, #tpu.memory_space<vmem_shared>>
    %dma_wait3A_113 = arith.constant 0 : i32
    %dma_wait3A_114 = tpu.memref_slice %arg5[%mul3A_2, %dma_wait3A_113] : memref<10112x32xf32, #tpu.memory_space<hbm>> -> memref<632x32xf32, #tpu.memory_space<hbm>>
    tpu.wait_dma2 semaphore(%arg29 : memref<!tpu.dma_semaphore, #tpu.memory_space<semaphore_mem>>) src(%dma_wait3A_114 : memref<632x32xf32, #tpu.memory_space<hbm>>) dst(%dma_wait3A_112 : memref<632x32xf32, #tpu.memory_space<vmem_shared>>)
    %barrier3A_115 = arith.constant 0 : index
    tpu.barrier barrier_id(%barrier3A_115)
    %scan3A = arith.constant 0 : i32
    %scan3A_116 = arith.constant 0 : i32
    %scan3A_117 = arith.constant 8 : i32
    %scan3A_118 = arith.addi %scan3A_116, %scan3A_117 : i32
    %scan3A_119 = arith.constant 1 : i32
    scf.for %scan3A_192 = %scan3A_116 to %scan3A_118 step %scan3A_119  : i32 {
      %mul3A_193 = arith.constant 10 : i32
      %mul3A_194 = arith.muli %scan3A_192, %mul3A_193 : i32
      %add3A_195 = arith.constant 0 : i32
      %add3A_196 = arith.addi %mul3A_194, %add3A_195 : i32
      %dma_wait3A_197 = arith.constant 0 : i32
      %dma_wait3A_198 = arith.constant 0 : i32
      %dma_wait3A_199 = tpu.memref_slice %arg7[%dma_wait3A_197, %dma_wait3A_198] : memref<80x128xi32, #tpu.memory_space<vmem>> -> memref<1x128xi32, #tpu.memory_space<vmem>>
      %dma_wait3A_200 = tpu.memref_squeeze %dma_wait3A_199 : memref<1x128xi32, #tpu.memory_space<vmem>> -> memref<128xi32, #tpu.memory_space<vmem>>
      %dma_wait3A_201 = arith.constant 0 : i32
      %dma_wait3A_202 = arith.constant 0 : i32
      %dma_wait3A_203 = tpu.memref_slice %arg39[%dma_wait3A_201, %dma_wait3A_202] : memref<10112x32xf32, #tpu.memory_space<vmem_shared>> -> memref<10112x32xf32, #tpu.memory_space<vmem_shared>>
      tpu.wait_indirect_dma semaphore(%arg19 : memref<!tpu.dma_semaphore, #tpu.memory_space<semaphore_mem>>) src(%dma_wait3A_203 : memref<10112x32xf32, #tpu.memory_space<vmem_shared>>) dst(%arg9 : memref<128x32xf32, #tpu.memory_space<vmem>>)
      %dma_start3A_204 = arith.constant 0 : i32
      %dma_start3A_205 = tpu.memref_slice %arg8[%add3A_196, %dma_start3A_204] : memref<80x128xi32, #tpu.memory_space<vmem>> -> memref<1x128xi32, #tpu.memory_space<vmem>>
      %dma_start3A_206 = tpu.memref_squeeze %dma_start3A_205 : memref<1x128xi32, #tpu.memory_space<vmem>> -> memref<128xi32, #tpu.memory_space<vmem>>
      %dma_start3A_207 = arith.constant 0 : i32
      %dma_start3A_208 = arith.constant 0 : i32
      %dma_start3A_209 = tpu.memref_slice %arg40[%dma_start3A_207, %dma_start3A_208] : memref<10112x32xf32, #tpu.memory_space<vmem_shared>> -> memref<10112x32xf32, #tpu.memory_space<vmem_shared>>
      tpu.enqueue_indirect_dma source(%arg9 : memref<128x32xf32, #tpu.memory_space<vmem>>) target(%dma_start3A_209 : memref<10112x32xf32, #tpu.memory_space<vmem_shared>>) offsets(%dma_start3A_206 : memref<128xi32, #tpu.memory_space<vmem>>) semaphore(%arg29 : memref<!tpu.dma_semaphore, #tpu.memory_space<semaphore_mem>>) {add = true}
      %add3A_210 = arith.constant 9 : i32
      %add3A_211 = arith.addi %add3A_196, %add3A_210 : i32
      %lt3A = arith.constant 80 : i32
      %lt3A_212 = arith.cmpi slt, %add3A_211, %lt3A : i32
      %convert_element_type3A_213 = arith.extui %lt3A_212 : i1 to i32
      %cond3A_214 = arith.constant 0 : i32
      %cond3A_215 = arith.cmpi ne, %convert_element_type3A_213, %cond3A_214 : i32
      scf.if %cond3A_215 {
        %ge3A = arith.constant 10 : i32
        %ge3A_432 = arith.cmpi sge, %add3A_211, %ge3A : i32
        %convert_element_type3A_433 = arith.extui %ge3A_432 : i1 to i32
        %cond3A_434 = arith.constant 0 : i32
        %cond3A_435 = arith.cmpi ne, %convert_element_type3A_433, %cond3A_434 : i32
        scf.if %cond3A_435 {
          %dma_wait3A_442 = arith.constant 0 : i32
          %dma_wait3A_443 = tpu.memref_slice %arg8[%add3A_196, %dma_wait3A_442] : memref<80x128xi32, #tpu.memory_space<vmem>> -> memref<1x128xi32, #tpu.memory_space<vmem>>
          %dma_wait3A_444 = tpu.memref_squeeze %dma_wait3A_443 : memref<1x128xi32, #tpu.memory_space<vmem>> -> memref<128xi32, #tpu.memory_space<vmem>>
          %dma_wait3A_445 = arith.constant 0 : i32
          %dma_wait3A_446 = arith.constant 0 : i32
          %dma_wait3A_447 = tpu.memref_slice %arg40[%dma_wait3A_445, %dma_wait3A_446] : memref<10112x32xf32, #tpu.memory_space<vmem_shared>> -> memref<10112x32xf32, #tpu.memory_space<vmem_shared>>
          tpu.wait_indirect_dma semaphore(%arg38 : memref<!tpu.dma_semaphore, #tpu.memory_space<semaphore_mem>>) src(%arg18 : memref<128x32xf32, #tpu.memory_space<vmem>>) dst(%dma_wait3A_447 : memref<10112x32xf32, #tpu.memory_space<vmem_shared>>)
        } else {
        }
        %dma_start3A_436 = arith.constant 0 : i32
        %dma_start3A_437 = tpu.memref_slice %arg7[%add3A_211, %dma_start3A_436] : memref<80x128xi32, #tpu.memory_space<vmem>> -> memref<1x128xi32, #tpu.memory_space<vmem>>
        %dma_start3A_438 = tpu.memref_squeeze %dma_start3A_437 : memref<1x128xi32, #tpu.memory_space<vmem>> -> memref<128xi32, #tpu.memory_space<vmem>>
        %dma_start3A_439 = arith.constant 0 : i32
        %dma_start3A_440 = arith.constant 0 : i32
        %dma_start3A_441 = tpu.memref_slice %arg39[%dma_start3A_439, %dma_start3A_440] : memref<10112x32xf32, #tpu.memory_space<vmem_shared>> -> memref<10112x32xf32, #tpu.memory_space<vmem_shared>>
        tpu.enqueue_indirect_dma source(%dma_start3A_441 : memref<10112x32xf32, #tpu.memory_space<vmem_shared>>) target(%arg18 : memref<128x32xf32, #tpu.memory_space<vmem>>) offsets(%dma_start3A_438 : memref<128xi32, #tpu.memory_space<vmem>>) semaphore(%arg28 : memref<!tpu.dma_semaphore, #tpu.memory_space<semaphore_mem>>)
      } else {
      }
      %mul3A_216 = arith.constant 10 : i32
      %mul3A_217 = arith.muli %scan3A_192, %mul3A_216 : i32
      %add3A_218 = arith.constant 1 : i32
      %add3A_219 = arith.addi %mul3A_217, %add3A_218 : i32
      %dma_wait3A_220 = arith.constant 1 : i32
      %dma_wait3A_221 = arith.constant 0 : i32
      %dma_wait3A_222 = tpu.memref_slice %arg7[%dma_wait3A_220, %dma_wait3A_221] : memref<80x128xi32, #tpu.memory_space<vmem>> -> memref<1x128xi32, #tpu.memory_space<vmem>>
      %dma_wait3A_223 = tpu.memref_squeeze %dma_wait3A_222 : memref<1x128xi32, #tpu.memory_space<vmem>> -> memref<128xi32, #tpu.memory_space<vmem>>
      %dma_wait3A_224 = arith.constant 0 : i32
      %dma_wait3A_225 = arith.constant 0 : i32
      %dma_wait3A_226 = tpu.memref_slice %arg39[%dma_wait3A_224, %dma_wait3A_225] : memref<10112x32xf32, #tpu.memory_space<vmem_shared>> -> memref<10112x32xf32, #tpu.memory_space<vmem_shared>>
      tpu.wait_indirect_dma semaphore(%arg20 : memref<!tpu.dma_semaphore, #tpu.memory_space<semaphore_mem>>) src(%dma_wait3A_226 : memref<10112x32xf32, #tpu.memory_space<vmem_shared>>) dst(%arg10 : memref<128x32xf32, #tpu.memory_space<vmem>>)
      %dma_start3A_227 = arith.constant 0 : i32
      %dma_start3A_228 = tpu.memref_slice %arg8[%add3A_219, %dma_start3A_227] : memref<80x128xi32, #tpu.memory_space<vmem>> -> memref<1x128xi32, #tpu.memory_space<vmem>>
      %dma_start3A_229 = tpu.memref_squeeze %dma_start3A_228 : memref<1x128xi32, #tpu.memory_space<vmem>> -> memref<128xi32, #tpu.memory_space<vmem>>
      %dma_start3A_230 = arith.constant 0 : i32
      %dma_start3A_231 = arith.constant 0 : i32
      %dma_start3A_232 = tpu.memref_slice %arg40[%dma_start3A_230, %dma_start3A_231] : memref<10112x32xf32, #tpu.memory_space<vmem_shared>> -> memref<10112x32xf32, #tpu.memory_space<vmem_shared>>
      tpu.enqueue_indirect_dma source(%arg10 : memref<128x32xf32, #tpu.memory_space<vmem>>) target(%dma_start3A_232 : memref<10112x32xf32, #tpu.memory_space<vmem_shared>>) offsets(%dma_start3A_229 : memref<128xi32, #tpu.memory_space<vmem>>) semaphore(%arg30 : memref<!tpu.dma_semaphore, #tpu.memory_space<semaphore_mem>>) {add = true}
      %add3A_233 = arith.constant 9 : i32
      %add3A_234 = arith.addi %add3A_219, %add3A_233 : i32
      %lt3A_235 = arith.constant 80 : i32
      %lt3A_236 = arith.cmpi slt, %add3A_234, %lt3A_235 : i32
      %convert_element_type3A_237 = arith.extui %lt3A_236 : i1 to i32
      %cond3A_238 = arith.constant 0 : i32
      %cond3A_239 = arith.cmpi ne, %convert_element_type3A_237, %cond3A_238 : i32
      scf.if %cond3A_239 {
        %ge3A = arith.constant 10 : i32
        %ge3A_432 = arith.cmpi sge, %add3A_234, %ge3A : i32
        %convert_element_type3A_433 = arith.extui %ge3A_432 : i1 to i32
        %cond3A_434 = arith.constant 0 : i32
        %cond3A_435 = arith.cmpi ne, %convert_element_type3A_433, %cond3A_434 : i32
        scf.if %cond3A_435 {
          %dma_wait3A_442 = arith.constant 0 : i32
          %dma_wait3A_443 = tpu.memref_slice %arg8[%add3A_219, %dma_wait3A_442] : memref<80x128xi32, #tpu.memory_space<vmem>> -> memref<1x128xi32, #tpu.memory_space<vmem>>
          %dma_wait3A_444 = tpu.memref_squeeze %dma_wait3A_443 : memref<1x128xi32, #tpu.memory_space<vmem>> -> memref<128xi32, #tpu.memory_space<vmem>>
          %dma_wait3A_445 = arith.constant 0 : i32
          %dma_wait3A_446 = arith.constant 0 : i32
          %dma_wait3A_447 = tpu.memref_slice %arg40[%dma_wait3A_445, %dma_wait3A_446] : memref<10112x32xf32, #tpu.memory_space<vmem_shared>> -> memref<10112x32xf32, #tpu.memory_space<vmem_shared>>
          tpu.wait_indirect_dma semaphore(%arg29 : memref<!tpu.dma_semaphore, #tpu.memory_space<semaphore_mem>>) src(%arg9 : memref<128x32xf32, #tpu.memory_space<vmem>>) dst(%dma_wait3A_447 : memref<10112x32xf32, #tpu.memory_space<vmem_shared>>)
        } else {
        }
        %dma_start3A_436 = arith.constant 0 : i32
        %dma_start3A_437 = tpu.memref_slice %arg7[%add3A_234, %dma_start3A_436] : memref<80x128xi32, #tpu.memory_space<vmem>> -> memref<1x128xi32, #tpu.memory_space<vmem>>
        %dma_start3A_438 = tpu.memref_squeeze %dma_start3A_437 : memref<1x128xi32, #tpu.memory_space<vmem>> -> memref<128xi32, #tpu.memory_space<vmem>>
        %dma_start3A_439 = arith.constant 0 : i32
        %dma_start3A_440 = arith.constant 0 : i32
        %dma_start3A_441 = tpu.memref_slice %arg39[%dma_start3A_439, %dma_start3A_440] : memref<10112x32xf32, #tpu.memory_space<vmem_shared>> -> memref<10112x32xf32, #tpu.memory_space<vmem_shared>>
        tpu.enqueue_indirect_dma source(%dma_start3A_441 : memref<10112x32xf32, #tpu.memory_space<vmem_shared>>) target(%arg9 : memref<128x32xf32, #tpu.memory_space<vmem>>) offsets(%dma_start3A_438 : memref<128xi32, #tpu.memory_space<vmem>>) semaphore(%arg19 : memref<!tpu.dma_semaphore, #tpu.memory_space<semaphore_mem>>)
      } else {
      }
      %mul3A_240 = arith.constant 10 : i32
      %mul3A_241 = arith.muli %scan3A_192, %mul3A_240 : i32
      %add3A_242 = arith.constant 2 : i32
      %add3A_243 = arith.addi %mul3A_241, %add3A_242 : i32
      %dma_wait3A_244 = arith.constant 2 : i32
      %dma_wait3A_245 = arith.constant 0 : i32
      %dma_wait3A_246 = tpu.memref_slice %arg7[%dma_wait3A_244, %dma_wait3A_245] : memref<80x128xi32, #tpu.memory_space<vmem>> -> memref<1x128xi32, #tpu.memory_space<vmem>>
      %dma_wait3A_247 = tpu.memref_squeeze %dma_wait3A_246 : memref<1x128xi32, #tpu.memory_space<vmem>> -> memref<128xi32, #tpu.memory_space<vmem>>
      %dma_wait3A_248 = arith.constant 0 : i32
      %dma_wait3A_249 = arith.constant 0 : i32
      %dma_wait3A_250 = tpu.memref_slice %arg39[%dma_wait3A_248, %dma_wait3A_249] : memref<10112x32xf32, #tpu.memory_space<vmem_shared>> -> memref<10112x32xf32, #tpu.memory_space<vmem_shared>>
      tpu.wait_indirect_dma semaphore(%arg21 : memref<!tpu.dma_semaphore, #tpu.memory_space<semaphore_mem>>) src(%dma_wait3A_250 : memref<10112x32xf32, #tpu.memory_space<vmem_shared>>) dst(%arg11 : memref<128x32xf32, #tpu.memory_space<vmem>>)
      %dma_start3A_251 = arith.constant 0 : i32
      %dma_start3A_252 = tpu.memref_slice %arg8[%add3A_243, %dma_start3A_251] : memref<80x128xi32, #tpu.memory_space<vmem>> -> memref<1x128xi32, #tpu.memory_space<vmem>>
      %dma_start3A_253 = tpu.memref_squeeze %dma_start3A_252 : memref<1x128xi32, #tpu.memory_space<vmem>> -> memref<128xi32, #tpu.memory_space<vmem>>
      %dma_start3A_254 = arith.constant 0 : i32
      %dma_start3A_255 = arith.constant 0 : i32
      %dma_start3A_256 = tpu.memref_slice %arg40[%dma_start3A_254, %dma_start3A_255] : memref<10112x32xf32, #tpu.memory_space<vmem_shared>> -> memref<10112x32xf32, #tpu.memory_space<vmem_shared>>
      tpu.enqueue_indirect_dma source(%arg11 : memref<128x32xf32, #tpu.memory_space<vmem>>) target(%dma_start3A_256 : memref<10112x32xf32, #tpu.memory_space<vmem_shared>>) offsets(%dma_start3A_253 : memref<128xi32, #tpu.memory_space<vmem>>) semaphore(%arg31 : memref<!tpu.dma_semaphore, #tpu.memory_space<semaphore_mem>>) {add = true}
      %add3A_257 = arith.constant 9 : i32
      %add3A_258 = arith.addi %add3A_243, %add3A_257 : i32
      %lt3A_259 = arith.constant 80 : i32
      %lt3A_260 = arith.cmpi slt, %add3A_258, %lt3A_259 : i32
      %convert_element_type3A_261 = arith.extui %lt3A_260 : i1 to i32
      %cond3A_262 = arith.constant 0 : i32
      %cond3A_263 = arith.cmpi ne, %convert_element_type3A_261, %cond3A_262 : i32
      scf.if %cond3A_263 {
        %ge3A = arith.constant 10 : i32
        %ge3A_432 = arith.cmpi sge, %add3A_258, %ge3A : i32
        %convert_element_type3A_433 = arith.extui %ge3A_432 : i1 to i32
        %cond3A_434 = arith.constant 0 : i32
        %cond3A_435 = arith.cmpi ne, %convert_element_type3A_433, %cond3A_434 : i32
        scf.if %cond3A_435 {
          %dma_wait3A_442 = arith.constant 0 : i32
          %dma_wait3A_443 = tpu.memref_slice %arg8[%add3A_243, %dma_wait3A_442] : memref<80x128xi32, #tpu.memory_space<vmem>> -> memref<1x128xi32, #tpu.memory_space<vmem>>
          %dma_wait3A_444 = tpu.memref_squeeze %dma_wait3A_443 : memref<1x128xi32, #tpu.memory_space<vmem>> -> memref<128xi32, #tpu.memory_space<vmem>>
          %dma_wait3A_445 = arith.constant 0 : i32
          %dma_wait3A_446 = arith.constant 0 : i32
          %dma_wait3A_447 = tpu.memref_slice %arg40[%dma_wait3A_445, %dma_wait3A_446] : memref<10112x32xf32, #tpu.memory_space<vmem_shared>> -> memref<10112x32xf32, #tpu.memory_space<vmem_shared>>
          tpu.wait_indirect_dma semaphore(%arg30 : memref<!tpu.dma_semaphore, #tpu.memory_space<semaphore_mem>>) src(%arg10 : memref<128x32xf32, #tpu.memory_space<vmem>>) dst(%dma_wait3A_447 : memref<10112x32xf32, #tpu.memory_space<vmem_shared>>)
        } else {
        }
        %dma_start3A_436 = arith.constant 0 : i32
        %dma_start3A_437 = tpu.memref_slice %arg7[%add3A_258, %dma_start3A_436] : memref<80x128xi32, #tpu.memory_space<vmem>> -> memref<1x128xi32, #tpu.memory_space<vmem>>
        %dma_start3A_438 = tpu.memref_squeeze %dma_start3A_437 : memref<1x128xi32, #tpu.memory_space<vmem>> -> memref<128xi32, #tpu.memory_space<vmem>>
        %dma_start3A_439 = arith.constant 0 : i32
        %dma_start3A_440 = arith.constant 0 : i32
        %dma_start3A_441 = tpu.memref_slice %arg39[%dma_start3A_439, %dma_start3A_440] : memref<10112x32xf32, #tpu.memory_space<vmem_shared>> -> memref<10112x32xf32, #tpu.memory_space<vmem_shared>>
        tpu.enqueue_indirect_dma source(%dma_start3A_441 : memref<10112x32xf32, #tpu.memory_space<vmem_shared>>) target(%arg10 : memref<128x32xf32, #tpu.memory_space<vmem>>) offsets(%dma_start3A_438 : memref<128xi32, #tpu.memory_space<vmem>>) semaphore(%arg20 : memref<!tpu.dma_semaphore, #tpu.memory_space<semaphore_mem>>)
      } else {
      }
      %mul3A_264 = arith.constant 10 : i32
      %mul3A_265 = arith.muli %scan3A_192, %mul3A_264 : i32
      %add3A_266 = arith.constant 3 : i32
      %add3A_267 = arith.addi %mul3A_265, %add3A_266 : i32
      %dma_wait3A_268 = arith.constant 3 : i32
      %dma_wait3A_269 = arith.constant 0 : i32
      %dma_wait3A_270 = tpu.memref_slice %arg7[%dma_wait3A_268, %dma_wait3A_269] : memref<80x128xi32, #tpu.memory_space<vmem>> -> memref<1x128xi32, #tpu.memory_space<vmem>>
      %dma_wait3A_271 = tpu.memref_squeeze %dma_wait3A_270 : memref<1x128xi32, #tpu.memory_space<vmem>> -> memref<128xi32, #tpu.memory_space<vmem>>
      %dma_wait3A_272 = arith.constant 0 : i32
      %dma_wait3A_273 = arith.constant 0 : i32
      %dma_wait3A_274 = tpu.memref_slice %arg39[%dma_wait3A_272, %dma_wait3A_273] : memref<10112x32xf32, #tpu.memory_space<vmem_shared>> -> memref<10112x32xf32, #tpu.memory_space<vmem_shared>>
      tpu.wait_indirect_dma semaphore(%arg22 : memref<!tpu.dma_semaphore, #tpu.memory_space<semaphore_mem>>) src(%dma_wait3A_274 : memref<10112x32xf32, #tpu.memory_space<vmem_shared>>) dst(%arg12 : memref<128x32xf32, #tpu.memory_space<vmem>>)
      %dma_start3A_275 = arith.constant 0 : i32
      %dma_start3A_276 = tpu.memref_slice %arg8[%add3A_267, %dma_start3A_275] : memref<80x128xi32, #tpu.memory_space<vmem>> -> memref<1x128xi32, #tpu.memory_space<vmem>>
      %dma_start3A_277 = tpu.memref_squeeze %dma_start3A_276 : memref<1x128xi32, #tpu.memory_space<vmem>> -> memref<128xi32, #tpu.memory_space<vmem>>
      %dma_start3A_278 = arith.constant 0 : i32
      %dma_start3A_279 = arith.constant 0 : i32
      %dma_start3A_280 = tpu.memref_slice %arg40[%dma_start3A_278, %dma_start3A_279] : memref<10112x32xf32, #tpu.memory_space<vmem_shared>> -> memref<10112x32xf32, #tpu.memory_space<vmem_shared>>
      tpu.enqueue_indirect_dma source(%arg12 : memref<128x32xf32, #tpu.memory_space<vmem>>) target(%dma_start3A_280 : memref<10112x32xf32, #tpu.memory_space<vmem_shared>>) offsets(%dma_start3A_277 : memref<128xi32, #tpu.memory_space<vmem>>) semaphore(%arg32 : memref<!tpu.dma_semaphore, #tpu.memory_space<semaphore_mem>>) {add = true}
      %add3A_281 = arith.constant 9 : i32
      %add3A_282 = arith.addi %add3A_267, %add3A_281 : i32
      %lt3A_283 = arith.constant 80 : i32
      %lt3A_284 = arith.cmpi slt, %add3A_282, %lt3A_283 : i32
      %convert_element_type3A_285 = arith.extui %lt3A_284 : i1 to i32
      %cond3A_286 = arith.constant 0 : i32
      %cond3A_287 = arith.cmpi ne, %convert_element_type3A_285, %cond3A_286 : i32
      scf.if %cond3A_287 {
        %ge3A = arith.constant 10 : i32
        %ge3A_432 = arith.cmpi sge, %add3A_282, %ge3A : i32
        %convert_element_type3A_433 = arith.extui %ge3A_432 : i1 to i32
        %cond3A_434 = arith.constant 0 : i32
        %cond3A_435 = arith.cmpi ne, %convert_element_type3A_433, %cond3A_434 : i32
        scf.if %cond3A_435 {
          %dma_wait3A_442 = arith.constant 0 : i32
          %dma_wait3A_443 = tpu.memref_slice %arg8[%add3A_267, %dma_wait3A_442] : memref<80x128xi32, #tpu.memory_space<vmem>> -> memref<1x128xi32, #tpu.memory_space<vmem>>
          %dma_wait3A_444 = tpu.memref_squeeze %dma_wait3A_443 : memref<1x128xi32, #tpu.memory_space<vmem>> -> memref<128xi32, #tpu.memory_space<vmem>>
          %dma_wait3A_445 = arith.constant 0 : i32
          %dma_wait3A_446 = arith.constant 0 : i32
          %dma_wait3A_447 = tpu.memref_slice %arg40[%dma_wait3A_445, %dma_wait3A_446] : memref<10112x32xf32, #tpu.memory_space<vmem_shared>> -> memref<10112x32xf32, #tpu.memory_space<vmem_shared>>
          tpu.wait_indirect_dma semaphore(%arg31 : memref<!tpu.dma_semaphore, #tpu.memory_space<semaphore_mem>>) src(%arg11 : memref<128x32xf32, #tpu.memory_space<vmem>>) dst(%dma_wait3A_447 : memref<10112x32xf32, #tpu.memory_space<vmem_shared>>)
        } else {
        }
        %dma_start3A_436 = arith.constant 0 : i32
        %dma_start3A_437 = tpu.memref_slice %arg7[%add3A_282, %dma_start3A_436] : memref<80x128xi32, #tpu.memory_space<vmem>> -> memref<1x128xi32, #tpu.memory_space<vmem>>
        %dma_start3A_438 = tpu.memref_squeeze %dma_start3A_437 : memref<1x128xi32, #tpu.memory_space<vmem>> -> memref<128xi32, #tpu.memory_space<vmem>>
        %dma_start3A_439 = arith.constant 0 : i32
        %dma_start3A_440 = arith.constant 0 : i32
        %dma_start3A_441 = tpu.memref_slice %arg39[%dma_start3A_439, %dma_start3A_440] : memref<10112x32xf32, #tpu.memory_space<vmem_shared>> -> memref<10112x32xf32, #tpu.memory_space<vmem_shared>>
        tpu.enqueue_indirect_dma source(%dma_start3A_441 : memref<10112x32xf32, #tpu.memory_space<vmem_shared>>) target(%arg11 : memref<128x32xf32, #tpu.memory_space<vmem>>) offsets(%dma_start3A_438 : memref<128xi32, #tpu.memory_space<vmem>>) semaphore(%arg21 : memref<!tpu.dma_semaphore, #tpu.memory_space<semaphore_mem>>)
      } else {
      }
      %mul3A_288 = arith.constant 10 : i32
      %mul3A_289 = arith.muli %scan3A_192, %mul3A_288 : i32
      %add3A_290 = arith.constant 4 : i32
      %add3A_291 = arith.addi %mul3A_289, %add3A_290 : i32
      %dma_wait3A_292 = arith.constant 4 : i32
      %dma_wait3A_293 = arith.constant 0 : i32
      %dma_wait3A_294 = tpu.memref_slice %arg7[%dma_wait3A_292, %dma_wait3A_293] : memref<80x128xi32, #tpu.memory_space<vmem>> -> memref<1x128xi32, #tpu.memory_space<vmem>>
      %dma_wait3A_295 = tpu.memref_squeeze %dma_wait3A_294 : memref<1x128xi32, #tpu.memory_space<vmem>> -> memref<128xi32, #tpu.memory_space<vmem>>
      %dma_wait3A_296 = arith.constant 0 : i32
      %dma_wait3A_297 = arith.constant 0 : i32
      %dma_wait3A_298 = tpu.memref_slice %arg39[%dma_wait3A_296, %dma_wait3A_297] : memref<10112x32xf32, #tpu.memory_space<vmem_shared>> -> memref<10112x32xf32, #tpu.memory_space<vmem_shared>>
      tpu.wait_indirect_dma semaphore(%arg23 : memref<!tpu.dma_semaphore, #tpu.memory_space<semaphore_mem>>) src(%dma_wait3A_298 : memref<10112x32xf32, #tpu.memory_space<vmem_shared>>) dst(%arg13 : memref<128x32xf32, #tpu.memory_space<vmem>>)
      %dma_start3A_299 = arith.constant 0 : i32
      %dma_start3A_300 = tpu.memref_slice %arg8[%add3A_291, %dma_start3A_299] : memref<80x128xi32, #tpu.memory_space<vmem>> -> memref<1x128xi32, #tpu.memory_space<vmem>>
      %dma_start3A_301 = tpu.memref_squeeze %dma_start3A_300 : memref<1x128xi32, #tpu.memory_space<vmem>> -> memref<128xi32, #tpu.memory_space<vmem>>
      %dma_start3A_302 = arith.constant 0 : i32
      %dma_start3A_303 = arith.constant 0 : i32
      %dma_start3A_304 = tpu.memref_slice %arg40[%dma_start3A_302, %dma_start3A_303] : memref<10112x32xf32, #tpu.memory_space<vmem_shared>> -> memref<10112x32xf32, #tpu.memory_space<vmem_shared>>
      tpu.enqueue_indirect_dma source(%arg13 : memref<128x32xf32, #tpu.memory_space<vmem>>) target(%dma_start3A_304 : memref<10112x32xf32, #tpu.memory_space<vmem_shared>>) offsets(%dma_start3A_301 : memref<128xi32, #tpu.memory_space<vmem>>) semaphore(%arg33 : memref<!tpu.dma_semaphore, #tpu.memory_space<semaphore_mem>>) {add = true}
      %add3A_305 = arith.constant 9 : i32
      %add3A_306 = arith.addi %add3A_291, %add3A_305 : i32
      %lt3A_307 = arith.constant 80 : i32
      %lt3A_308 = arith.cmpi slt, %add3A_306, %lt3A_307 : i32
      %convert_element_type3A_309 = arith.extui %lt3A_308 : i1 to i32
      %cond3A_310 = arith.constant 0 : i32
      %cond3A_311 = arith.cmpi ne, %convert_element_type3A_309, %cond3A_310 : i32
      scf.if %cond3A_311 {
        %ge3A = arith.constant 10 : i32
        %ge3A_432 = arith.cmpi sge, %add3A_306, %ge3A : i32
        %convert_element_type3A_433 = arith.extui %ge3A_432 : i1 to i32
        %cond3A_434 = arith.constant 0 : i32
        %cond3A_435 = arith.cmpi ne, %convert_element_type3A_433, %cond3A_434 : i32
        scf.if %cond3A_435 {
          %dma_wait3A_442 = arith.constant 0 : i32
          %dma_wait3A_443 = tpu.memref_slice %arg8[%add3A_291, %dma_wait3A_442] : memref<80x128xi32, #tpu.memory_space<vmem>> -> memref<1x128xi32, #tpu.memory_space<vmem>>
          %dma_wait3A_444 = tpu.memref_squeeze %dma_wait3A_443 : memref<1x128xi32, #tpu.memory_space<vmem>> -> memref<128xi32, #tpu.memory_space<vmem>>
          %dma_wait3A_445 = arith.constant 0 : i32
          %dma_wait3A_446 = arith.constant 0 : i32
          %dma_wait3A_447 = tpu.memref_slice %arg40[%dma_wait3A_445, %dma_wait3A_446] : memref<10112x32xf32, #tpu.memory_space<vmem_shared>> -> memref<10112x32xf32, #tpu.memory_space<vmem_shared>>
          tpu.wait_indirect_dma semaphore(%arg32 : memref<!tpu.dma_semaphore, #tpu.memory_space<semaphore_mem>>) src(%arg12 : memref<128x32xf32, #tpu.memory_space<vmem>>) dst(%dma_wait3A_447 : memref<10112x32xf32, #tpu.memory_space<vmem_shared>>)
        } else {
        }
        %dma_start3A_436 = arith.constant 0 : i32
        %dma_start3A_437 = tpu.memref_slice %arg7[%add3A_306, %dma_start3A_436] : memref<80x128xi32, #tpu.memory_space<vmem>> -> memref<1x128xi32, #tpu.memory_space<vmem>>
        %dma_start3A_438 = tpu.memref_squeeze %dma_start3A_437 : memref<1x128xi32, #tpu.memory_space<vmem>> -> memref<128xi32, #tpu.memory_space<vmem>>
        %dma_start3A_439 = arith.constant 0 : i32
        %dma_start3A_440 = arith.constant 0 : i32
        %dma_start3A_441 = tpu.memref_slice %arg39[%dma_start3A_439, %dma_start3A_440] : memref<10112x32xf32, #tpu.memory_space<vmem_shared>> -> memref<10112x32xf32, #tpu.memory_space<vmem_shared>>
        tpu.enqueue_indirect_dma source(%dma_start3A_441 : memref<10112x32xf32, #tpu.memory_space<vmem_shared>>) target(%arg12 : memref<128x32xf32, #tpu.memory_space<vmem>>) offsets(%dma_start3A_438 : memref<128xi32, #tpu.memory_space<vmem>>) semaphore(%arg22 : memref<!tpu.dma_semaphore, #tpu.memory_space<semaphore_mem>>)
      } else {
      }
      %mul3A_312 = arith.constant 10 : i32
      %mul3A_313 = arith.muli %scan3A_192, %mul3A_312 : i32
      %add3A_314 = arith.constant 5 : i32
      %add3A_315 = arith.addi %mul3A_313, %add3A_314 : i32
      %dma_wait3A_316 = arith.constant 5 : i32
      %dma_wait3A_317 = arith.constant 0 : i32
      %dma_wait3A_318 = tpu.memref_slice %arg7[%dma_wait3A_316, %dma_wait3A_317] : memref<80x128xi32, #tpu.memory_space<vmem>> -> memref<1x128xi32, #tpu.memory_space<vmem>>
      %dma_wait3A_319 = tpu.memref_squeeze %dma_wait3A_318 : memref<1x128xi32, #tpu.memory_space<vmem>> -> memref<128xi32, #tpu.memory_space<vmem>>
      %dma_wait3A_320 = arith.constant 0 : i32
      %dma_wait3A_321 = arith.constant 0 : i32
      %dma_wait3A_322 = tpu.memref_slice %arg39[%dma_wait3A_320, %dma_wait3A_321] : memref<10112x32xf32, #tpu.memory_space<vmem_shared>> -> memref<10112x32xf32, #tpu.memory_space<vmem_shared>>
      tpu.wait_indirect_dma semaphore(%arg24 : memref<!tpu.dma_semaphore, #tpu.memory_space<semaphore_mem>>) src(%dma_wait3A_322 : memref<10112x32xf32, #tpu.memory_space<vmem_shared>>) dst(%arg14 : memref<128x32xf32, #tpu.memory_space<vmem>>)
      %dma_start3A_323 = arith.constant 0 : i32
      %dma_start3A_324 = tpu.memref_slice %arg8[%add3A_315, %dma_start3A_323] : memref<80x128xi32, #tpu.memory_space<vmem>> -> memref<1x128xi32, #tpu.memory_space<vmem>>
      %dma_start3A_325 = tpu.memref_squeeze %dma_start3A_324 : memref<1x128xi32, #tpu.memory_space<vmem>> -> memref<128xi32, #tpu.memory_space<vmem>>
      %dma_start3A_326 = arith.constant 0 : i32
      %dma_start3A_327 = arith.constant 0 : i32
      %dma_start3A_328 = tpu.memref_slice %arg40[%dma_start3A_326, %dma_start3A_327] : memref<10112x32xf32, #tpu.memory_space<vmem_shared>> -> memref<10112x32xf32, #tpu.memory_space<vmem_shared>>
      tpu.enqueue_indirect_dma source(%arg14 : memref<128x32xf32, #tpu.memory_space<vmem>>) target(%dma_start3A_328 : memref<10112x32xf32, #tpu.memory_space<vmem_shared>>) offsets(%dma_start3A_325 : memref<128xi32, #tpu.memory_space<vmem>>) semaphore(%arg34 : memref<!tpu.dma_semaphore, #tpu.memory_space<semaphore_mem>>) {add = true}
      %add3A_329 = arith.constant 9 : i32
      %add3A_330 = arith.addi %add3A_315, %add3A_329 : i32
      %lt3A_331 = arith.constant 80 : i32
      %lt3A_332 = arith.cmpi slt, %add3A_330, %lt3A_331 : i32
      %convert_element_type3A_333 = arith.extui %lt3A_332 : i1 to i32
      %cond3A_334 = arith.constant 0 : i32
      %cond3A_335 = arith.cmpi ne, %convert_element_type3A_333, %cond3A_334 : i32
      scf.if %cond3A_335 {
        %ge3A = arith.constant 10 : i32
        %ge3A_432 = arith.cmpi sge, %add3A_330, %ge3A : i32
        %convert_element_type3A_433 = arith.extui %ge3A_432 : i1 to i32
        %cond3A_434 = arith.constant 0 : i32
        %cond3A_435 = arith.cmpi ne, %convert_element_type3A_433, %cond3A_434 : i32
        scf.if %cond3A_435 {
          %dma_wait3A_442 = arith.constant 0 : i32
          %dma_wait3A_443 = tpu.memref_slice %arg8[%add3A_315, %dma_wait3A_442] : memref<80x128xi32, #tpu.memory_space<vmem>> -> memref<1x128xi32, #tpu.memory_space<vmem>>
          %dma_wait3A_444 = tpu.memref_squeeze %dma_wait3A_443 : memref<1x128xi32, #tpu.memory_space<vmem>> -> memref<128xi32, #tpu.memory_space<vmem>>
          %dma_wait3A_445 = arith.constant 0 : i32
          %dma_wait3A_446 = arith.constant 0 : i32
          %dma_wait3A_447 = tpu.memref_slice %arg40[%dma_wait3A_445, %dma_wait3A_446] : memref<10112x32xf32, #tpu.memory_space<vmem_shared>> -> memref<10112x32xf32, #tpu.memory_space<vmem_shared>>
          tpu.wait_indirect_dma semaphore(%arg33 : memref<!tpu.dma_semaphore, #tpu.memory_space<semaphore_mem>>) src(%arg13 : memref<128x32xf32, #tpu.memory_space<vmem>>) dst(%dma_wait3A_447 : memref<10112x32xf32, #tpu.memory_space<vmem_shared>>)
        } else {
        }
        %dma_start3A_436 = arith.constant 0 : i32
        %dma_start3A_437 = tpu.memref_slice %arg7[%add3A_330, %dma_start3A_436] : memref<80x128xi32, #tpu.memory_space<vmem>> -> memref<1x128xi32, #tpu.memory_space<vmem>>
        %dma_start3A_438 = tpu.memref_squeeze %dma_start3A_437 : memref<1x128xi32, #tpu.memory_space<vmem>> -> memref<128xi32, #tpu.memory_space<vmem>>
        %dma_start3A_439 = arith.constant 0 : i32
        %dma_start3A_440 = arith.constant 0 : i32
        %dma_start3A_441 = tpu.memref_slice %arg39[%dma_start3A_439, %dma_start3A_440] : memref<10112x32xf32, #tpu.memory_space<vmem_shared>> -> memref<10112x32xf32, #tpu.memory_space<vmem_shared>>
        tpu.enqueue_indirect_dma source(%dma_start3A_441 : memref<10112x32xf32, #tpu.memory_space<vmem_shared>>) target(%arg13 : memref<128x32xf32, #tpu.memory_space<vmem>>) offsets(%dma_start3A_438 : memref<128xi32, #tpu.memory_space<vmem>>) semaphore(%arg23 : memref<!tpu.dma_semaphore, #tpu.memory_space<semaphore_mem>>)
      } else {
      }
      %mul3A_336 = arith.constant 10 : i32
      %mul3A_337 = arith.muli %scan3A_192, %mul3A_336 : i32
      %add3A_338 = arith.constant 6 : i32
      %add3A_339 = arith.addi %mul3A_337, %add3A_338 : i32
      %dma_wait3A_340 = arith.constant 6 : i32
      %dma_wait3A_341 = arith.constant 0 : i32
      %dma_wait3A_342 = tpu.memref_slice %arg7[%dma_wait3A_340, %dma_wait3A_341] : memref<80x128xi32, #tpu.memory_space<vmem>> -> memref<1x128xi32, #tpu.memory_space<vmem>>
      %dma_wait3A_343 = tpu.memref_squeeze %dma_wait3A_342 : memref<1x128xi32, #tpu.memory_space<vmem>> -> memref<128xi32, #tpu.memory_space<vmem>>
      %dma_wait3A_344 = arith.constant 0 : i32
      %dma_wait3A_345 = arith.constant 0 : i32
      %dma_wait3A_346 = tpu.memref_slice %arg39[%dma_wait3A_344, %dma_wait3A_345] : memref<10112x32xf32, #tpu.memory_space<vmem_shared>> -> memref<10112x32xf32, #tpu.memory_space<vmem_shared>>
      tpu.wait_indirect_dma semaphore(%arg25 : memref<!tpu.dma_semaphore, #tpu.memory_space<semaphore_mem>>) src(%dma_wait3A_346 : memref<10112x32xf32, #tpu.memory_space<vmem_shared>>) dst(%arg15 : memref<128x32xf32, #tpu.memory_space<vmem>>)
      %dma_start3A_347 = arith.constant 0 : i32
      %dma_start3A_348 = tpu.memref_slice %arg8[%add3A_339, %dma_start3A_347] : memref<80x128xi32, #tpu.memory_space<vmem>> -> memref<1x128xi32, #tpu.memory_space<vmem>>
      %dma_start3A_349 = tpu.memref_squeeze %dma_start3A_348 : memref<1x128xi32, #tpu.memory_space<vmem>> -> memref<128xi32, #tpu.memory_space<vmem>>
      %dma_start3A_350 = arith.constant 0 : i32
      %dma_start3A_351 = arith.constant 0 : i32
      %dma_start3A_352 = tpu.memref_slice %arg40[%dma_start3A_350, %dma_start3A_351] : memref<10112x32xf32, #tpu.memory_space<vmem_shared>> -> memref<10112x32xf32, #tpu.memory_space<vmem_shared>>
      tpu.enqueue_indirect_dma source(%arg15 : memref<128x32xf32, #tpu.memory_space<vmem>>) target(%dma_start3A_352 : memref<10112x32xf32, #tpu.memory_space<vmem_shared>>) offsets(%dma_start3A_349 : memref<128xi32, #tpu.memory_space<vmem>>) semaphore(%arg35 : memref<!tpu.dma_semaphore, #tpu.memory_space<semaphore_mem>>) {add = true}
      %add3A_353 = arith.constant 9 : i32
      %add3A_354 = arith.addi %add3A_339, %add3A_353 : i32
      %lt3A_355 = arith.constant 80 : i32
      %lt3A_356 = arith.cmpi slt, %add3A_354, %lt3A_355 : i32
      %convert_element_type3A_357 = arith.extui %lt3A_356 : i1 to i32
      %cond3A_358 = arith.constant 0 : i32
      %cond3A_359 = arith.cmpi ne, %convert_element_type3A_357, %cond3A_358 : i32
      scf.if %cond3A_359 {
        %ge3A = arith.constant 10 : i32
        %ge3A_432 = arith.cmpi sge, %add3A_354, %ge3A : i32
        %convert_element_type3A_433 = arith.extui %ge3A_432 : i1 to i32
        %cond3A_434 = arith.constant 0 : i32
        %cond3A_435 = arith.cmpi ne, %convert_element_type3A_433, %cond3A_434 : i32
        scf.if %cond3A_435 {
          %dma_wait3A_442 = arith.constant 0 : i32
          %dma_wait3A_443 = tpu.memref_slice %arg8[%add3A_339, %dma_wait3A_442] : memref<80x128xi32, #tpu.memory_space<vmem>> -> memref<1x128xi32, #tpu.memory_space<vmem>>
          %dma_wait3A_444 = tpu.memref_squeeze %dma_wait3A_443 : memref<1x128xi32, #tpu.memory_space<vmem>> -> memref<128xi32, #tpu.memory_space<vmem>>
          %dma_wait3A_445 = arith.constant 0 : i32
          %dma_wait3A_446 = arith.constant 0 : i32
          %dma_wait3A_447 = tpu.memref_slice %arg40[%dma_wait3A_445, %dma_wait3A_446] : memref<10112x32xf32, #tpu.memory_space<vmem_shared>> -> memref<10112x32xf32, #tpu.memory_space<vmem_shared>>
          tpu.wait_indirect_dma semaphore(%arg34 : memref<!tpu.dma_semaphore, #tpu.memory_space<semaphore_mem>>) src(%arg14 : memref<128x32xf32, #tpu.memory_space<vmem>>) dst(%dma_wait3A_447 : memref<10112x32xf32, #tpu.memory_space<vmem_shared>>)
        } else {
        }
        %dma_start3A_436 = arith.constant 0 : i32
        %dma_start3A_437 = tpu.memref_slice %arg7[%add3A_354, %dma_start3A_436] : memref<80x128xi32, #tpu.memory_space<vmem>> -> memref<1x128xi32, #tpu.memory_space<vmem>>
        %dma_start3A_438 = tpu.memref_squeeze %dma_start3A_437 : memref<1x128xi32, #tpu.memory_space<vmem>> -> memref<128xi32, #tpu.memory_space<vmem>>
        %dma_start3A_439 = arith.constant 0 : i32
        %dma_start3A_440 = arith.constant 0 : i32
        %dma_start3A_441 = tpu.memref_slice %arg39[%dma_start3A_439, %dma_start3A_440] : memref<10112x32xf32, #tpu.memory_space<vmem_shared>> -> memref<10112x32xf32, #tpu.memory_space<vmem_shared>>
        tpu.enqueue_indirect_dma source(%dma_start3A_441 : memref<10112x32xf32, #tpu.memory_space<vmem_shared>>) target(%arg14 : memref<128x32xf32, #tpu.memory_space<vmem>>) offsets(%dma_start3A_438 : memref<128xi32, #tpu.memory_space<vmem>>) semaphore(%arg24 : memref<!tpu.dma_semaphore, #tpu.memory_space<semaphore_mem>>)
      } else {
      }
      %mul3A_360 = arith.constant 10 : i32
      %mul3A_361 = arith.muli %scan3A_192, %mul3A_360 : i32
      %add3A_362 = arith.constant 7 : i32
      %add3A_363 = arith.addi %mul3A_361, %add3A_362 : i32
      %dma_wait3A_364 = arith.constant 7 : i32
      %dma_wait3A_365 = arith.constant 0 : i32
      %dma_wait3A_366 = tpu.memref_slice %arg7[%dma_wait3A_364, %dma_wait3A_365] : memref<80x128xi32, #tpu.memory_space<vmem>> -> memref<1x128xi32, #tpu.memory_space<vmem>>
      %dma_wait3A_367 = tpu.memref_squeeze %dma_wait3A_366 : memref<1x128xi32, #tpu.memory_space<vmem>> -> memref<128xi32, #tpu.memory_space<vmem>>
      %dma_wait3A_368 = arith.constant 0 : i32
      %dma_wait3A_369 = arith.constant 0 : i32
      %dma_wait3A_370 = tpu.memref_slice %arg39[%dma_wait3A_368, %dma_wait3A_369] : memref<10112x32xf32, #tpu.memory_space<vmem_shared>> -> memref<10112x32xf32, #tpu.memory_space<vmem_shared>>
      tpu.wait_indirect_dma semaphore(%arg26 : memref<!tpu.dma_semaphore, #tpu.memory_space<semaphore_mem>>) src(%dma_wait3A_370 : memref<10112x32xf32, #tpu.memory_space<vmem_shared>>) dst(%arg16 : memref<128x32xf32, #tpu.memory_space<vmem>>)
      %dma_start3A_371 = arith.constant 0 : i32
      %dma_start3A_372 = tpu.memref_slice %arg8[%add3A_363, %dma_start3A_371] : memref<80x128xi32, #tpu.memory_space<vmem>> -> memref<1x128xi32, #tpu.memory_space<vmem>>
      %dma_start3A_373 = tpu.memref_squeeze %dma_start3A_372 : memref<1x128xi32, #tpu.memory_space<vmem>> -> memref<128xi32, #tpu.memory_space<vmem>>
      %dma_start3A_374 = arith.constant 0 : i32
      %dma_start3A_375 = arith.constant 0 : i32
      %dma_start3A_376 = tpu.memref_slice %arg40[%dma_start3A_374, %dma_start3A_375] : memref<10112x32xf32, #tpu.memory_space<vmem_shared>> -> memref<10112x32xf32, #tpu.memory_space<vmem_shared>>
      tpu.enqueue_indirect_dma source(%arg16 : memref<128x32xf32, #tpu.memory_space<vmem>>) target(%dma_start3A_376 : memref<10112x32xf32, #tpu.memory_space<vmem_shared>>) offsets(%dma_start3A_373 : memref<128xi32, #tpu.memory_space<vmem>>) semaphore(%arg36 : memref<!tpu.dma_semaphore, #tpu.memory_space<semaphore_mem>>) {add = true}
      %add3A_377 = arith.constant 9 : i32
      %add3A_378 = arith.addi %add3A_363, %add3A_377 : i32
      %lt3A_379 = arith.constant 80 : i32
      %lt3A_380 = arith.cmpi slt, %add3A_378, %lt3A_379 : i32
      %convert_element_type3A_381 = arith.extui %lt3A_380 : i1 to i32
      %cond3A_382 = arith.constant 0 : i32
      %cond3A_383 = arith.cmpi ne, %convert_element_type3A_381, %cond3A_382 : i32
      scf.if %cond3A_383 {
        %ge3A = arith.constant 10 : i32
        %ge3A_432 = arith.cmpi sge, %add3A_378, %ge3A : i32
        %convert_element_type3A_433 = arith.extui %ge3A_432 : i1 to i32
        %cond3A_434 = arith.constant 0 : i32
        %cond3A_435 = arith.cmpi ne, %convert_element_type3A_433, %cond3A_434 : i32
        scf.if %cond3A_435 {
          %dma_wait3A_442 = arith.constant 0 : i32
          %dma_wait3A_443 = tpu.memref_slice %arg8[%add3A_363, %dma_wait3A_442] : memref<80x128xi32, #tpu.memory_space<vmem>> -> memref<1x128xi32, #tpu.memory_space<vmem>>
          %dma_wait3A_444 = tpu.memref_squeeze %dma_wait3A_443 : memref<1x128xi32, #tpu.memory_space<vmem>> -> memref<128xi32, #tpu.memory_space<vmem>>
          %dma_wait3A_445 = arith.constant 0 : i32
          %dma_wait3A_446 = arith.constant 0 : i32
          %dma_wait3A_447 = tpu.memref_slice %arg40[%dma_wait3A_445, %dma_wait3A_446] : memref<10112x32xf32, #tpu.memory_space<vmem_shared>> -> memref<10112x32xf32, #tpu.memory_space<vmem_shared>>
          tpu.wait_indirect_dma semaphore(%arg35 : memref<!tpu.dma_semaphore, #tpu.memory_space<semaphore_mem>>) src(%arg15 : memref<128x32xf32, #tpu.memory_space<vmem>>) dst(%dma_wait3A_447 : memref<10112x32xf32, #tpu.memory_space<vmem_shared>>)
        } else {
        }
        %dma_start3A_436 = arith.constant 0 : i32
        %dma_start3A_437 = tpu.memref_slice %arg7[%add3A_378, %dma_start3A_436] : memref<80x128xi32, #tpu.memory_space<vmem>> -> memref<1x128xi32, #tpu.memory_space<vmem>>
        %dma_start3A_438 = tpu.memref_squeeze %dma_start3A_437 : memref<1x128xi32, #tpu.memory_space<vmem>> -> memref<128xi32, #tpu.memory_space<vmem>>
        %dma_start3A_439 = arith.constant 0 : i32
        %dma_start3A_440 = arith.constant 0 : i32
        %dma_start3A_441 = tpu.memref_slice %arg39[%dma_start3A_439, %dma_start3A_440] : memref<10112x32xf32, #tpu.memory_space<vmem_shared>> -> memref<10112x32xf32, #tpu.memory_space<vmem_shared>>
        tpu.enqueue_indirect_dma source(%dma_start3A_441 : memref<10112x32xf32, #tpu.memory_space<vmem_shared>>) target(%arg15 : memref<128x32xf32, #tpu.memory_space<vmem>>) offsets(%dma_start3A_438 : memref<128xi32, #tpu.memory_space<vmem>>) semaphore(%arg25 : memref<!tpu.dma_semaphore, #tpu.memory_space<semaphore_mem>>)
      } else {
      }
      %mul3A_384 = arith.constant 10 : i32
      %mul3A_385 = arith.muli %scan3A_192, %mul3A_384 : i32
      %add3A_386 = arith.constant 8 : i32
      %add3A_387 = arith.addi %mul3A_385, %add3A_386 : i32
      %dma_wait3A_388 = arith.constant 8 : i32
      %dma_wait3A_389 = arith.constant 0 : i32
      %dma_wait3A_390 = tpu.memref_slice %arg7[%dma_wait3A_388, %dma_wait3A_389] : memref<80x128xi32, #tpu.memory_space<vmem>> -> memref<1x128xi32, #tpu.memory_space<vmem>>
      %dma_wait3A_391 = tpu.memref_squeeze %dma_wait3A_390 : memref<1x128xi32, #tpu.memory_space<vmem>> -> memref<128xi32, #tpu.memory_space<vmem>>
      %dma_wait3A_392 = arith.constant 0 : i32
      %dma_wait3A_393 = arith.constant 0 : i32
      %dma_wait3A_394 = tpu.memref_slice %arg39[%dma_wait3A_392, %dma_wait3A_393] : memref<10112x32xf32, #tpu.memory_space<vmem_shared>> -> memref<10112x32xf32, #tpu.memory_space<vmem_shared>>
      tpu.wait_indirect_dma semaphore(%arg27 : memref<!tpu.dma_semaphore, #tpu.memory_space<semaphore_mem>>) src(%dma_wait3A_394 : memref<10112x32xf32, #tpu.memory_space<vmem_shared>>) dst(%arg17 : memref<128x32xf32, #tpu.memory_space<vmem>>)
      %dma_start3A_395 = arith.constant 0 : i32
      %dma_start3A_396 = tpu.memref_slice %arg8[%add3A_387, %dma_start3A_395] : memref<80x128xi32, #tpu.memory_space<vmem>> -> memref<1x128xi32, #tpu.memory_space<vmem>>
      %dma_start3A_397 = tpu.memref_squeeze %dma_start3A_396 : memref<1x128xi32, #tpu.memory_space<vmem>> -> memref<128xi32, #tpu.memory_space<vmem>>
      %dma_start3A_398 = arith.constant 0 : i32
      %dma_start3A_399 = arith.constant 0 : i32
      %dma_start3A_400 = tpu.memref_slice %arg40[%dma_start3A_398, %dma_start3A_399] : memref<10112x32xf32, #tpu.memory_space<vmem_shared>> -> memref<10112x32xf32, #tpu.memory_space<vmem_shared>>
      tpu.enqueue_indirect_dma source(%arg17 : memref<128x32xf32, #tpu.memory_space<vmem>>) target(%dma_start3A_400 : memref<10112x32xf32, #tpu.memory_space<vmem_shared>>) offsets(%dma_start3A_397 : memref<128xi32, #tpu.memory_space<vmem>>) semaphore(%arg37 : memref<!tpu.dma_semaphore, #tpu.memory_space<semaphore_mem>>) {add = true}
      %add3A_401 = arith.constant 9 : i32
      %add3A_402 = arith.addi %add3A_387, %add3A_401 : i32
      %lt3A_403 = arith.constant 80 : i32
      %lt3A_404 = arith.cmpi slt, %add3A_402, %lt3A_403 : i32
      %convert_element_type3A_405 = arith.extui %lt3A_404 : i1 to i32
      %cond3A_406 = arith.constant 0 : i32
      %cond3A_407 = arith.cmpi ne, %convert_element_type3A_405, %cond3A_406 : i32
      scf.if %cond3A_407 {
        %ge3A = arith.constant 10 : i32
        %ge3A_432 = arith.cmpi sge, %add3A_402, %ge3A : i32
        %convert_element_type3A_433 = arith.extui %ge3A_432 : i1 to i32
        %cond3A_434 = arith.constant 0 : i32
        %cond3A_435 = arith.cmpi ne, %convert_element_type3A_433, %cond3A_434 : i32
        scf.if %cond3A_435 {
          %dma_wait3A_442 = arith.constant 0 : i32
          %dma_wait3A_443 = tpu.memref_slice %arg8[%add3A_387, %dma_wait3A_442] : memref<80x128xi32, #tpu.memory_space<vmem>> -> memref<1x128xi32, #tpu.memory_space<vmem>>
          %dma_wait3A_444 = tpu.memref_squeeze %dma_wait3A_443 : memref<1x128xi32, #tpu.memory_space<vmem>> -> memref<128xi32, #tpu.memory_space<vmem>>
          %dma_wait3A_445 = arith.constant 0 : i32
          %dma_wait3A_446 = arith.constant 0 : i32
          %dma_wait3A_447 = tpu.memref_slice %arg40[%dma_wait3A_445, %dma_wait3A_446] : memref<10112x32xf32, #tpu.memory_space<vmem_shared>> -> memref<10112x32xf32, #tpu.memory_space<vmem_shared>>
          tpu.wait_indirect_dma semaphore(%arg36 : memref<!tpu.dma_semaphore, #tpu.memory_space<semaphore_mem>>) src(%arg16 : memref<128x32xf32, #tpu.memory_space<vmem>>) dst(%dma_wait3A_447 : memref<10112x32xf32, #tpu.memory_space<vmem_shared>>)
        } else {
        }
        %dma_start3A_436 = arith.constant 0 : i32
        %dma_start3A_437 = tpu.memref_slice %arg7[%add3A_402, %dma_start3A_436] : memref<80x128xi32, #tpu.memory_space<vmem>> -> memref<1x128xi32, #tpu.memory_space<vmem>>
        %dma_start3A_438 = tpu.memref_squeeze %dma_start3A_437 : memref<1x128xi32, #tpu.memory_space<vmem>> -> memref<128xi32, #tpu.memory_space<vmem>>
        %dma_start3A_439 = arith.constant 0 : i32
        %dma_start3A_440 = arith.constant 0 : i32
        %dma_start3A_441 = tpu.memref_slice %arg39[%dma_start3A_439, %dma_start3A_440] : memref<10112x32xf32, #tpu.memory_space<vmem_shared>> -> memref<10112x32xf32, #tpu.memory_space<vmem_shared>>
        tpu.enqueue_indirect_dma source(%dma_start3A_441 : memref<10112x32xf32, #tpu.memory_space<vmem_shared>>) target(%arg16 : memref<128x32xf32, #tpu.memory_space<vmem>>) offsets(%dma_start3A_438 : memref<128xi32, #tpu.memory_space<vmem>>) semaphore(%arg26 : memref<!tpu.dma_semaphore, #tpu.memory_space<semaphore_mem>>)
      } else {
      }
      %mul3A_408 = arith.constant 10 : i32
      %mul3A_409 = arith.muli %scan3A_192, %mul3A_408 : i32
      %add3A_410 = arith.constant 9 : i32
      %add3A_411 = arith.addi %mul3A_409, %add3A_410 : i32
      %dma_wait3A_412 = arith.constant 9 : i32
      %dma_wait3A_413 = arith.constant 0 : i32
      %dma_wait3A_414 = tpu.memref_slice %arg7[%dma_wait3A_412, %dma_wait3A_413] : memref<80x128xi32, #tpu.memory_space<vmem>> -> memref<1x128xi32, #tpu.memory_space<vmem>>
      %dma_wait3A_415 = tpu.memref_squeeze %dma_wait3A_414 : memref<1x128xi32, #tpu.memory_space<vmem>> -> memref<128xi32, #tpu.memory_space<vmem>>
      %dma_wait3A_416 = arith.constant 0 : i32
      %dma_wait3A_417 = arith.constant 0 : i32
      %dma_wait3A_418 = tpu.memref_slice %arg39[%dma_wait3A_416, %dma_wait3A_417] : memref<10112x32xf32, #tpu.memory_space<vmem_shared>> -> memref<10112x32xf32, #tpu.memory_space<vmem_shared>>
      tpu.wait_indirect_dma semaphore(%arg28 : memref<!tpu.dma_semaphore, #tpu.memory_space<semaphore_mem>>) src(%dma_wait3A_418 : memref<10112x32xf32, #tpu.memory_space<vmem_shared>>) dst(%arg18 : memref<128x32xf32, #tpu.memory_space<vmem>>)
      %dma_start3A_419 = arith.constant 0 : i32
      %dma_start3A_420 = tpu.memref_slice %arg8[%add3A_411, %dma_start3A_419] : memref<80x128xi32, #tpu.memory_space<vmem>> -> memref<1x128xi32, #tpu.memory_space<vmem>>
      %dma_start3A_421 = tpu.memref_squeeze %dma_start3A_420 : memref<1x128xi32, #tpu.memory_space<vmem>> -> memref<128xi32, #tpu.memory_space<vmem>>
      %dma_start3A_422 = arith.constant 0 : i32
      %dma_start3A_423 = arith.constant 0 : i32
      %dma_start3A_424 = tpu.memref_slice %arg40[%dma_start3A_422, %dma_start3A_423] : memref<10112x32xf32, #tpu.memory_space<vmem_shared>> -> memref<10112x32xf32, #tpu.memory_space<vmem_shared>>
      tpu.enqueue_indirect_dma source(%arg18 : memref<128x32xf32, #tpu.memory_space<vmem>>) target(%dma_start3A_424 : memref<10112x32xf32, #tpu.memory_space<vmem_shared>>) offsets(%dma_start3A_421 : memref<128xi32, #tpu.memory_space<vmem>>) semaphore(%arg38 : memref<!tpu.dma_semaphore, #tpu.memory_space<semaphore_mem>>) {add = true}
      %add3A_425 = arith.constant 9 : i32
      %add3A_426 = arith.addi %add3A_411, %add3A_425 : i32
      %lt3A_427 = arith.constant 80 : i32
      %lt3A_428 = arith.cmpi slt, %add3A_426, %lt3A_427 : i32
      %convert_element_type3A_429 = arith.extui %lt3A_428 : i1 to i32
      %cond3A_430 = arith.constant 0 : i32
      %cond3A_431 = arith.cmpi ne, %convert_element_type3A_429, %cond3A_430 : i32
      scf.if %cond3A_431 {
        %ge3A = arith.constant 10 : i32
        %ge3A_432 = arith.cmpi sge, %add3A_426, %ge3A : i32
        %convert_element_type3A_433 = arith.extui %ge3A_432 : i1 to i32
        %cond3A_434 = arith.constant 0 : i32
        %cond3A_435 = arith.cmpi ne, %convert_element_type3A_433, %cond3A_434 : i32
        scf.if %cond3A_435 {
          %dma_wait3A_442 = arith.constant 0 : i32
          %dma_wait3A_443 = tpu.memref_slice %arg8[%add3A_411, %dma_wait3A_442] : memref<80x128xi32, #tpu.memory_space<vmem>> -> memref<1x128xi32, #tpu.memory_space<vmem>>
          %dma_wait3A_444 = tpu.memref_squeeze %dma_wait3A_443 : memref<1x128xi32, #tpu.memory_space<vmem>> -> memref<128xi32, #tpu.memory_space<vmem>>
          %dma_wait3A_445 = arith.constant 0 : i32
          %dma_wait3A_446 = arith.constant 0 : i32
          %dma_wait3A_447 = tpu.memref_slice %arg40[%dma_wait3A_445, %dma_wait3A_446] : memref<10112x32xf32, #tpu.memory_space<vmem_shared>> -> memref<10112x32xf32, #tpu.memory_space<vmem_shared>>
          tpu.wait_indirect_dma semaphore(%arg37 : memref<!tpu.dma_semaphore, #tpu.memory_space<semaphore_mem>>) src(%arg17 : memref<128x32xf32, #tpu.memory_space<vmem>>) dst(%dma_wait3A_447 : memref<10112x32xf32, #tpu.memory_space<vmem_shared>>)
        } else {
        }
        %dma_start3A_436 = arith.constant 0 : i32
        %dma_start3A_437 = tpu.memref_slice %arg7[%add3A_426, %dma_start3A_436] : memref<80x128xi32, #tpu.memory_space<vmem>> -> memref<1x128xi32, #tpu.memory_space<vmem>>
        %dma_start3A_438 = tpu.memref_squeeze %dma_start3A_437 : memref<1x128xi32, #tpu.memory_space<vmem>> -> memref<128xi32, #tpu.memory_space<vmem>>
        %dma_start3A_439 = arith.constant 0 : i32
        %dma_start3A_440 = arith.constant 0 : i32
        %dma_start3A_441 = tpu.memref_slice %arg39[%dma_start3A_439, %dma_start3A_440] : memref<10112x32xf32, #tpu.memory_space<vmem_shared>> -> memref<10112x32xf32, #tpu.memory_space<vmem_shared>>
        tpu.enqueue_indirect_dma source(%dma_start3A_441 : memref<10112x32xf32, #tpu.memory_space<vmem_shared>>) target(%arg17 : memref<128x32xf32, #tpu.memory_space<vmem>>) offsets(%dma_start3A_438 : memref<128xi32, #tpu.memory_space<vmem>>) semaphore(%arg27 : memref<!tpu.dma_semaphore, #tpu.memory_space<semaphore_mem>>)
      } else {
      }
    }
    %scan3A_120 = arith.constant 8 : i32
    %dma_wait3A_121 = arith.constant 0 : i32
    %dma_wait3A_122 = arith.constant 0 : i32
    %dma_wait3A_123 = tpu.memref_slice %arg8[%dma_wait3A_121, %dma_wait3A_122] : memref<80x128xi32, #tpu.memory_space<vmem>> -> memref<1x128xi32, #tpu.memory_space<vmem>>
    %dma_wait3A_124 = tpu.memref_squeeze %dma_wait3A_123 : memref<1x128xi32, #tpu.memory_space<vmem>> -> memref<128xi32, #tpu.memory_space<vmem>>
    %dma_wait3A_125 = arith.constant 0 : i32
    %dma_wait3A_126 = arith.constant 0 : i32
    %dma_wait3A_127 = tpu.memref_slice %arg40[%dma_wait3A_125, %dma_wait3A_126] : memref<10112x32xf32, #tpu.memory_space<vmem_shared>> -> memref<10112x32xf32, #tpu.memory_space<vmem_shared>>
    tpu.wait_indirect_dma semaphore(%arg29 : memref<!tpu.dma_semaphore, #tpu.memory_space<semaphore_mem>>) src(%arg9 : memref<128x32xf32, #tpu.memory_space<vmem>>) dst(%dma_wait3A_127 : memref<10112x32xf32, #tpu.memory_space<vmem_shared>>)
    %dma_wait3A_128 = arith.constant 1 : i32
    %dma_wait3A_129 = arith.constant 0 : i32
    %dma_wait3A_130 = tpu.memref_slice %arg8[%dma_wait3A_128, %dma_wait3A_129] : memref<80x128xi32, #tpu.memory_space<vmem>> -> memref<1x128xi32, #tpu.memory_space<vmem>>
    %dma_wait3A_131 = tpu.memref_squeeze %dma_wait3A_130 : memref<1x128xi32, #tpu.memory_space<vmem>> -> memref<128xi32, #tpu.memory_space<vmem>>
    %dma_wait3A_132 = arith.constant 0 : i32
    %dma_wait3A_133 = arith.constant 0 : i32
    %dma_wait3A_134 = tpu.memref_slice %arg40[%dma_wait3A_132, %dma_wait3A_133] : memref<10112x32xf32, #tpu.memory_space<vmem_shared>> -> memref<10112x32xf32, #tpu.memory_space<vmem_shared>>
    tpu.wait_indirect_dma semaphore(%arg30 : memref<!tpu.dma_semaphore, #tpu.memory_space<semaphore_mem>>) src(%arg10 : memref<128x32xf32, #tpu.memory_space<vmem>>) dst(%dma_wait3A_134 : memref<10112x32xf32, #tpu.memory_space<vmem_shared>>)
    %dma_wait3A_135 = arith.constant 2 : i32
    %dma_wait3A_136 = arith.constant 0 : i32
    %dma_wait3A_137 = tpu.memref_slice %arg8[%dma_wait3A_135, %dma_wait3A_136] : memref<80x128xi32, #tpu.memory_space<vmem>> -> memref<1x128xi32, #tpu.memory_space<vmem>>
    %dma_wait3A_138 = tpu.memref_squeeze %dma_wait3A_137 : memref<1x128xi32, #tpu.memory_space<vmem>> -> memref<128xi32, #tpu.memory_space<vmem>>
    %dma_wait3A_139 = arith.constant 0 : i32
    %dma_wait3A_140 = arith.constant 0 : i32
    %dma_wait3A_141 = tpu.memref_slice %arg40[%dma_wait3A_139, %dma_wait3A_140] : memref<10112x32xf32, #tpu.memory_space<vmem_shared>> -> memref<10112x32xf32, #tpu.memory_space<vmem_shared>>
    tpu.wait_indirect_dma semaphore(%arg31 : memref<!tpu.dma_semaphore, #tpu.memory_space<semaphore_mem>>) src(%arg11 : memref<128x32xf32, #tpu.memory_space<vmem>>) dst(%dma_wait3A_141 : memref<10112x32xf32, #tpu.memory_space<vmem_shared>>)
    %dma_wait3A_142 = arith.constant 3 : i32
    %dma_wait3A_143 = arith.constant 0 : i32
    %dma_wait3A_144 = tpu.memref_slice %arg8[%dma_wait3A_142, %dma_wait3A_143] : memref<80x128xi32, #tpu.memory_space<vmem>> -> memref<1x128xi32, #tpu.memory_space<vmem>>
    %dma_wait3A_145 = tpu.memref_squeeze %dma_wait3A_144 : memref<1x128xi32, #tpu.memory_space<vmem>> -> memref<128xi32, #tpu.memory_space<vmem>>
    %dma_wait3A_146 = arith.constant 0 : i32
    %dma_wait3A_147 = arith.constant 0 : i32
    %dma_wait3A_148 = tpu.memref_slice %arg40[%dma_wait3A_146, %dma_wait3A_147] : memref<10112x32xf32, #tpu.memory_space<vmem_shared>> -> memref<10112x32xf32, #tpu.memory_space<vmem_shared>>
    tpu.wait_indirect_dma semaphore(%arg32 : memref<!tpu.dma_semaphore, #tpu.memory_space<semaphore_mem>>) src(%arg12 : memref<128x32xf32, #tpu.memory_space<vmem>>) dst(%dma_wait3A_148 : memref<10112x32xf32, #tpu.memory_space<vmem_shared>>)
    %dma_wait3A_149 = arith.constant 4 : i32
    %dma_wait3A_150 = arith.constant 0 : i32
    %dma_wait3A_151 = tpu.memref_slice %arg8[%dma_wait3A_149, %dma_wait3A_150] : memref<80x128xi32, #tpu.memory_space<vmem>> -> memref<1x128xi32, #tpu.memory_space<vmem>>
    %dma_wait3A_152 = tpu.memref_squeeze %dma_wait3A_151 : memref<1x128xi32, #tpu.memory_space<vmem>> -> memref<128xi32, #tpu.memory_space<vmem>>
    %dma_wait3A_153 = arith.constant 0 : i32
    %dma_wait3A_154 = arith.constant 0 : i32
    %dma_wait3A_155 = tpu.memref_slice %arg40[%dma_wait3A_153, %dma_wait3A_154] : memref<10112x32xf32, #tpu.memory_space<vmem_shared>> -> memref<10112x32xf32, #tpu.memory_space<vmem_shared>>
    tpu.wait_indirect_dma semaphore(%arg33 : memref<!tpu.dma_semaphore, #tpu.memory_space<semaphore_mem>>) src(%arg13 : memref<128x32xf32, #tpu.memory_space<vmem>>) dst(%dma_wait3A_155 : memref<10112x32xf32, #tpu.memory_space<vmem_shared>>)
    %dma_wait3A_156 = arith.constant 5 : i32
    %dma_wait3A_157 = arith.constant 0 : i32
    %dma_wait3A_158 = tpu.memref_slice %arg8[%dma_wait3A_156, %dma_wait3A_157] : memref<80x128xi32, #tpu.memory_space<vmem>> -> memref<1x128xi32, #tpu.memory_space<vmem>>
    %dma_wait3A_159 = tpu.memref_squeeze %dma_wait3A_158 : memref<1x128xi32, #tpu.memory_space<vmem>> -> memref<128xi32, #tpu.memory_space<vmem>>
    %dma_wait3A_160 = arith.constant 0 : i32
    %dma_wait3A_161 = arith.constant 0 : i32
    %dma_wait3A_162 = tpu.memref_slice %arg40[%dma_wait3A_160, %dma_wait3A_161] : memref<10112x32xf32, #tpu.memory_space<vmem_shared>> -> memref<10112x32xf32, #tpu.memory_space<vmem_shared>>
    tpu.wait_indirect_dma semaphore(%arg34 : memref<!tpu.dma_semaphore, #tpu.memory_space<semaphore_mem>>) src(%arg14 : memref<128x32xf32, #tpu.memory_space<vmem>>) dst(%dma_wait3A_162 : memref<10112x32xf32, #tpu.memory_space<vmem_shared>>)
    %dma_wait3A_163 = arith.constant 6 : i32
    %dma_wait3A_164 = arith.constant 0 : i32
    %dma_wait3A_165 = tpu.memref_slice %arg8[%dma_wait3A_163, %dma_wait3A_164] : memref<80x128xi32, #tpu.memory_space<vmem>> -> memref<1x128xi32, #tpu.memory_space<vmem>>
    %dma_wait3A_166 = tpu.memref_squeeze %dma_wait3A_165 : memref<1x128xi32, #tpu.memory_space<vmem>> -> memref<128xi32, #tpu.memory_space<vmem>>
    %dma_wait3A_167 = arith.constant 0 : i32
    %dma_wait3A_168 = arith.constant 0 : i32
    %dma_wait3A_169 = tpu.memref_slice %arg40[%dma_wait3A_167, %dma_wait3A_168] : memref<10112x32xf32, #tpu.memory_space<vmem_shared>> -> memref<10112x32xf32, #tpu.memory_space<vmem_shared>>
    tpu.wait_indirect_dma semaphore(%arg35 : memref<!tpu.dma_semaphore, #tpu.memory_space<semaphore_mem>>) src(%arg15 : memref<128x32xf32, #tpu.memory_space<vmem>>) dst(%dma_wait3A_169 : memref<10112x32xf32, #tpu.memory_space<vmem_shared>>)
    %dma_wait3A_170 = arith.constant 7 : i32
    %dma_wait3A_171 = arith.constant 0 : i32
    %dma_wait3A_172 = tpu.memref_slice %arg8[%dma_wait3A_170, %dma_wait3A_171] : memref<80x128xi32, #tpu.memory_space<vmem>> -> memref<1x128xi32, #tpu.memory_space<vmem>>
    %dma_wait3A_173 = tpu.memref_squeeze %dma_wait3A_172 : memref<1x128xi32, #tpu.memory_space<vmem>> -> memref<128xi32, #tpu.memory_space<vmem>>
    %dma_wait3A_174 = arith.constant 0 : i32
    %dma_wait3A_175 = arith.constant 0 : i32
    %dma_wait3A_176 = tpu.memref_slice %arg40[%dma_wait3A_174, %dma_wait3A_175] : memref<10112x32xf32, #tpu.memory_space<vmem_shared>> -> memref<10112x32xf32, #tpu.memory_space<vmem_shared>>
    tpu.wait_indirect_dma semaphore(%arg36 : memref<!tpu.dma_semaphore, #tpu.memory_space<semaphore_mem>>) src(%arg16 : memref<128x32xf32, #tpu.memory_space<vmem>>) dst(%dma_wait3A_176 : memref<10112x32xf32, #tpu.memory_space<vmem_shared>>)
    %dma_wait3A_177 = arith.constant 8 : i32
    %dma_wait3A_178 = arith.constant 0 : i32
    %dma_wait3A_179 = tpu.memref_slice %arg8[%dma_wait3A_177, %dma_wait3A_178] : memref<80x128xi32, #tpu.memory_space<vmem>> -> memref<1x128xi32, #tpu.memory_space<vmem>>
    %dma_wait3A_180 = tpu.memref_squeeze %dma_wait3A_179 : memref<1x128xi32, #tpu.memory_space<vmem>> -> memref<128xi32, #tpu.memory_space<vmem>>
    %dma_wait3A_181 = arith.constant 0 : i32
    %dma_wait3A_182 = arith.constant 0 : i32
    %dma_wait3A_183 = tpu.memref_slice %arg40[%dma_wait3A_181, %dma_wait3A_182] : memref<10112x32xf32, #tpu.memory_space<vmem_shared>> -> memref<10112x32xf32, #tpu.memory_space<vmem_shared>>
    tpu.wait_indirect_dma semaphore(%arg37 : memref<!tpu.dma_semaphore, #tpu.memory_space<semaphore_mem>>) src(%arg17 : memref<128x32xf32, #tpu.memory_space<vmem>>) dst(%dma_wait3A_183 : memref<10112x32xf32, #tpu.memory_space<vmem_shared>>)
    %dma_wait3A_184 = arith.constant 9 : i32
    %dma_wait3A_185 = arith.constant 0 : i32
    %dma_wait3A_186 = tpu.memref_slice %arg8[%dma_wait3A_184, %dma_wait3A_185] : memref<80x128xi32, #tpu.memory_space<vmem>> -> memref<1x128xi32, #tpu.memory_space<vmem>>
    %dma_wait3A_187 = tpu.memref_squeeze %dma_wait3A_186 : memref<1x128xi32, #tpu.memory_space<vmem>> -> memref<128xi32, #tpu.memory_space<vmem>>
    %dma_wait3A_188 = arith.constant 0 : i32
    %dma_wait3A_189 = arith.constant 0 : i32
    %dma_wait3A_190 = tpu.memref_slice %arg40[%dma_wait3A_188, %dma_wait3A_189] : memref<10112x32xf32, #tpu.memory_space<vmem_shared>> -> memref<10112x32xf32, #tpu.memory_space<vmem_shared>>
    tpu.wait_indirect_dma semaphore(%arg38 : memref<!tpu.dma_semaphore, #tpu.memory_space<semaphore_mem>>) src(%arg18 : memref<128x32xf32, #tpu.memory_space<vmem>>) dst(%dma_wait3A_190 : memref<10112x32xf32, #tpu.memory_space<vmem_shared>>)
    %barrier3A_191 = arith.constant 0 : index
    tpu.barrier barrier_id(%barrier3A_191)
    "tpu.region"() ({
      %run_scoped3A = tpu.sem_alloc : memref<!tpu.dma_semaphore, #tpu.memory_space<semaphore_mem>>
      %dma_start3A_192 = arith.constant 0 : i32
      %dma_start3A_193 = tpu.memref_slice %arg6[%arg0, %mul3A_2, %dma_start3A_192] : memref<2x10112x32xf32, #tpu.memory_space<hbm>> -> memref<1x632x32xf32, #tpu.memory_space<hbm>>
      %dma_start3A_194 = tpu.memref_squeeze %dma_start3A_193 : memref<1x632x32xf32, #tpu.memory_space<hbm>> -> memref<632x32xf32, #tpu.memory_space<hbm>>
      %dma_start3A_195 = arith.constant 0 : i32
      %dma_start3A_196 = tpu.memref_slice %arg40[%mul3A_2, %dma_start3A_195] : memref<10112x32xf32, #tpu.memory_space<vmem_shared>> -> memref<632x32xf32, #tpu.memory_space<vmem_shared>>
      tpu.enqueue_dma source(%dma_start3A_196 : memref<632x32xf32, #tpu.memory_space<vmem_shared>>) target(%dma_start3A_194 : memref<632x32xf32, #tpu.memory_space<hbm>>) target_semaphore(%run_scoped3A : memref<!tpu.dma_semaphore, #tpu.memory_space<semaphore_mem>>)
      %dma_wait3A_197 = arith.constant 0 : i32
      %dma_wait3A_198 = tpu.memref_slice %arg6[%arg0, %mul3A_2, %dma_wait3A_197] : memref<2x10112x32xf32, #tpu.memory_space<hbm>> -> memref<1x632x32xf32, #tpu.memory_space<hbm>>
      %dma_wait3A_199 = tpu.memref_squeeze %dma_wait3A_198 : memref<1x632x32xf32, #tpu.memory_space<hbm>> -> memref<632x32xf32, #tpu.memory_space<hbm>>
      %dma_wait3A_200 = arith.constant 0 : i32
      %dma_wait3A_201 = tpu.memref_slice %arg40[%mul3A_2, %dma_wait3A_200] : memref<10112x32xf32, #tpu.memory_space<vmem_shared>> -> memref<632x32xf32, #tpu.memory_space<vmem_shared>>
      tpu.wait_dma2 semaphore(%run_scoped3A : memref<!tpu.dma_semaphore, #tpu.memory_space<semaphore_mem>>) src(%dma_wait3A_201 : memref<632x32xf32, #tpu.memory_space<vmem_shared>>) dst(%dma_wait3A_199 : memref<632x32xf32, #tpu.memory_space<hbm>>)
      tpu.yield
    }) : () -> ()
    return
  }
}

#map = affine_map<(d0, d1) -> (0, 0)>
#map1 = affine_map<(d0, d1) -> (0, 0, 0)>
module attributes {stable_mosaic.version = 14 : i64} {
  func.func @agg(%arg0: i32, %arg1: i32, %arg2: memref<10112x32xf32, #tpu.memory_space<hbm>>, %arg3: memref<32x80x128xi32, #tpu.memory_space<hbm>>, %arg4: memref<32x80x128xi32, #tpu.memory_space<hbm>>, %arg5: memref<10112x32xf32, #tpu.memory_space<hbm>>, %arg6: memref<2x10112x32xf32, #tpu.memory_space<hbm>>, %arg7: memref<80x128xi32, #tpu.memory_space<vmem>>, %arg8: memref<80x128xi32, #tpu.memory_space<vmem>>, %arg9: memref<128x32xf32, #tpu.memory_space<vmem>>, %arg10: memref<128x32xf32, #tpu.memory_space<vmem>>, %arg11: memref<128x32xf32, #tpu.memory_space<vmem>>, %arg12: memref<128x32xf32, #tpu.memory_space<vmem>>, %arg13: memref<128x32xf32, #tpu.memory_space<vmem>>, %arg14: memref<128x32xf32, #tpu.memory_space<vmem>>, %arg15: memref<128x32xf32, #tpu.memory_space<vmem>>, %arg16: memref<128x32xf32, #tpu.memory_space<vmem>>, %arg17: memref<128x32xf32, #tpu.memory_space<vmem>>, %arg18: memref<128x32xf32, #tpu.memory_space<vmem>>, %arg19: memref<!tpu.dma_semaphore, #tpu.memory_space<semaphore_mem>>, %arg20: memref<!tpu.dma_semaphore, #tpu.memory_space<semaphore_mem>>, %arg21: memref<!tpu.dma_semaphore, #tpu.memory_space<semaphore_mem>>, %arg22: memref<!tpu.dma_semaphore, #tpu.memory_space<semaphore_mem>>, %arg23: memref<!tpu.dma_semaphore, #tpu.memory_space<semaphore_mem>>, %arg24: memref<!tpu.dma_semaphore, #tpu.memory_space<semaphore_mem>>, %arg25: memref<!tpu.dma_semaphore, #tpu.memory_space<semaphore_mem>>, %arg26: memref<!tpu.dma_semaphore, #tpu.memory_space<semaphore_mem>>, %arg27: memref<!tpu.dma_semaphore, #tpu.memory_space<semaphore_mem>>, %arg28: memref<!tpu.dma_semaphore, #tpu.memory_space<semaphore_mem>>, %arg29: memref<!tpu.dma_semaphore, #tpu.memory_space<semaphore_mem>>, %arg30: memref<!tpu.dma_semaphore, #tpu.memory_space<semaphore_mem>>, %arg31: memref<!tpu.dma_semaphore, #tpu.memory_space<semaphore_mem>>, %arg32: memref<!tpu.dma_semaphore, #tpu.memory_space<semaphore_mem>>, %arg33: memref<!tpu.dma_semaphore, #tpu.memory_space<semaphore_mem>>, %arg34: memref<!tpu.dma_semaphore, #tpu.memory_space<semaphore_mem>>, %arg35: memref<!tpu.dma_semaphore, #tpu.memory_space<semaphore_mem>>, %arg36: memref<!tpu.dma_semaphore, #tpu.memory_space<semaphore_mem>>, %arg37: memref<!tpu.dma_semaphore, #tpu.memory_space<semaphore_mem>>, %arg38: memref<!tpu.dma_semaphore, #tpu.memory_space<semaphore_mem>>, %arg39: memref<10112x32xf32, #tpu.memory_space<vmem_shared>>, %arg40: memref<10112x32xf32, #tpu.memory_space<vmem_shared>>) attributes {dimension_semantics = [#tpu.dimension_semantics<core_parallel>, #tpu.dimension_semantics<subcore_parallel>], iteration_bounds = array<i64: 2, 16>, scalar_prefetch = 0 : i64, scratch_operands = 34 : i64, tpu.core_type = #tpu.core_type<sc_vector_subcore>, window_params = [{transform_indices = #map}, {transform_indices = #map1}, {transform_indices = #map1}, {transform_indices = #map}, {transform_indices = #map1}]} {
    %mul3A = arith.constant 2 : i32
    %mul3A_0 = arith.muli %arg1, %mul3A : i32
    %add3A = arith.addi %mul3A_0, %arg0 : i32
    %mul3A_1 = arith.constant 632 : i32
    %mul3A_2 = arith.muli %arg1, %mul3A_1 : i32
    %dma_start3A = arith.constant 0 : i32
    %dma_start3A_3 = arith.constant 0 : i32
    %dma_start3A_4 = tpu.memref_slice %arg3[%add3A, %dma_start3A, %dma_start3A_3] : memref<32x80x128xi32, #tpu.memory_space<hbm>> -> memref<1x80x128xi32, #tpu.memory_space<hbm>>
    %dma_start3A_5 = tpu.memref_squeeze %dma_start3A_4 : memref<1x80x128xi32, #tpu.memory_space<hbm>> -> memref<80x128xi32, #tpu.memory_space<hbm>>
    %dma_start3A_6 = arith.constant 0 : i32
    %dma_start3A_7 = arith.constant 0 : i32
    %dma_start3A_8 = tpu.memref_slice %arg3[%add3A, %dma_start3A_6, %dma_start3A_7] : memref<32x80x128xi32, #tpu.memory_space<hbm>> -> memref<1x80x128xi32, #tpu.memory_space<hbm>>
    %dma_start3A_9 = tpu.memref_squeeze %dma_start3A_8 : memref<1x80x128xi32, #tpu.memory_space<hbm>> -> memref<80x128xi32, #tpu.memory_space<hbm>>
    tpu.enqueue_dma source(%dma_start3A_9 : memref<80x128xi32, #tpu.memory_space<hbm>>) target(%arg7 : memref<80x128xi32, #tpu.memory_space<vmem>>) target_semaphore(%arg19 : memref<!tpu.dma_semaphore, #tpu.memory_space<semaphore_mem>>)
    %dma_start3A_10 = arith.constant 0 : i32
    %dma_start3A_11 = arith.constant 0 : i32
    %dma_start3A_12 = tpu.memref_slice %arg4[%add3A, %dma_start3A_10, %dma_start3A_11] : memref<32x80x128xi32, #tpu.memory_space<hbm>> -> memref<1x80x128xi32, #tpu.memory_space<hbm>>
    %dma_start3A_13 = tpu.memref_squeeze %dma_start3A_12 : memref<1x80x128xi32, #tpu.memory_space<hbm>> -> memref<80x128xi32, #tpu.memory_space<hbm>>
    %dma_start3A_14 = arith.constant 0 : i32
    %dma_start3A_15 = arith.constant 0 : i32
    %dma_start3A_16 = tpu.memref_slice %arg4[%add3A, %dma_start3A_14, %dma_start3A_15] : memref<32x80x128xi32, #tpu.memory_space<hbm>> -> memref<1x80x128xi32, #tpu.memory_space<hbm>>
    %dma_start3A_17 = tpu.memref_squeeze %dma_start3A_16 : memref<1x80x128xi32, #tpu.memory_space<hbm>> -> memref<80x128xi32, #tpu.memory_space<hbm>>
    tpu.enqueue_dma source(%dma_start3A_17 : memref<80x128xi32, #tpu.memory_space<hbm>>) target(%arg8 : memref<80x128xi32, #tpu.memory_space<vmem>>) target_semaphore(%arg20 : memref<!tpu.dma_semaphore, #tpu.memory_space<semaphore_mem>>)
    %dma_start3A_18 = arith.constant 0 : i32
    %dma_start3A_19 = tpu.memref_slice %arg39[%mul3A_2, %dma_start3A_18] : memref<10112x32xf32, #tpu.memory_space<vmem_shared>> -> memref<632x32xf32, #tpu.memory_space<vmem_shared>>
    %dma_start3A_20 = arith.constant 0 : i32
    %dma_start3A_21 = tpu.memref_slice %arg2[%mul3A_2, %dma_start3A_20] : memref<10112x32xf32, #tpu.memory_space<hbm>> -> memref<632x32xf32, #tpu.memory_space<hbm>>
    tpu.enqueue_dma source(%dma_start3A_21 : memref<632x32xf32, #tpu.memory_space<hbm>>) target(%dma_start3A_19 : memref<632x32xf32, #tpu.memory_space<vmem_shared>>) target_semaphore(%arg21 : memref<!tpu.dma_semaphore, #tpu.memory_space<semaphore_mem>>)
    %eq3A = arith.constant 0 : i32
    %eq3A_22 = arith.cmpi eq, %arg0, %eq3A : i32
    %convert_element_type3A = arith.extui %eq3A_22 : i1 to i32
    %cond3A = arith.constant 0 : i32
    %cond3A_23 = arith.cmpi ne, %convert_element_type3A, %cond3A : i32
    scf.if %cond3A_23 {
      %dma_start3A_192 = arith.constant 0 : i32
      %dma_start3A_193 = tpu.memref_slice %arg40[%mul3A_2, %dma_start3A_192] : memref<10112x32xf32, #tpu.memory_space<vmem_shared>> -> memref<632x32xf32, #tpu.memory_space<vmem_shared>>
      %dma_start3A_194 = arith.constant 0 : i32
      %dma_start3A_195 = tpu.memref_slice %arg2[%mul3A_2, %dma_start3A_194] : memref<10112x32xf32, #tpu.memory_space<hbm>> -> memref<632x32xf32, #tpu.memory_space<hbm>>
      tpu.enqueue_dma source(%dma_start3A_195 : memref<632x32xf32, #tpu.memory_space<hbm>>) target(%dma_start3A_193 : memref<632x32xf32, #tpu.memory_space<vmem_shared>>) target_semaphore(%arg29 : memref<!tpu.dma_semaphore, #tpu.memory_space<semaphore_mem>>)
    } else {
    }
    %eq3A_24 = arith.constant 1 : i32
    %eq3A_25 = arith.cmpi eq, %arg0, %eq3A_24 : i32
    %convert_element_type3A_26 = arith.extui %eq3A_25 : i1 to i32
    %cond3A_27 = arith.constant 0 : i32
    %cond3A_28 = arith.cmpi ne, %convert_element_type3A_26, %cond3A_27 : i32
    scf.if %cond3A_28 {
      %dma_start3A_192 = arith.constant 0 : i32
      %dma_start3A_193 = tpu.memref_slice %arg40[%mul3A_2, %dma_start3A_192] : memref<10112x32xf32, #tpu.memory_space<vmem_shared>> -> memref<632x32xf32, #tpu.memory_space<vmem_shared>>
      %dma_start3A_194 = arith.constant 0 : i32
      %dma_start3A_195 = tpu.memref_slice %arg5[%mul3A_2, %dma_start3A_194] : memref<10112x32xf32, #tpu.memory_space<hbm>> -> memref<632x32xf32, #tpu.memory_space<hbm>>
      tpu.enqueue_dma source(%dma_start3A_195 : memref<632x32xf32, #tpu.memory_space<hbm>>) target(%dma_start3A_193 : memref<632x32xf32, #tpu.memory_space<vmem_shared>>) target_semaphore(%arg29 : memref<!tpu.dma_semaphore, #tpu.memory_space<semaphore_mem>>)
    } else {
    }
    %dma_wait3A = arith.constant 0 : i32
    %dma_wait3A_29 = arith.constant 0 : i32
    %dma_wait3A_30 = tpu.memref_slice %arg3[%add3A, %dma_wait3A, %dma_wait3A_29] : memref<32x80x128xi32, #tpu.memory_space<hbm>> -> memref<1x80x128xi32, #tpu.memory_space<hbm>>
    %dma_wait3A_31 = tpu.memref_squeeze %dma_wait3A_30 : memref<1x80x128xi32, #tpu.memory_space<hbm>> -> memref<80x128xi32, #tpu.memory_space<hbm>>
    %dma_wait3A_32 = arith.constant 0 : i32
    %dma_wait3A_33 = arith.constant 0 : i32
    %dma_wait3A_34 = tpu.memref_slice %arg3[%add3A, %dma_wait3A_32, %dma_wait3A_33] : memref<32x80x128xi32, #tpu.memory_space<hbm>> -> memref<1x80x128xi32, #tpu.memory_space<hbm>>
    %dma_wait3A_35 = tpu.memref_squeeze %dma_wait3A_34 : memref<1x80x128xi32, #tpu.memory_space<hbm>> -> memref<80x128xi32, #tpu.memory_space<hbm>>
    tpu.wait_dma2 semaphore(%arg19 : memref<!tpu.dma_semaphore, #tpu.memory_space<semaphore_mem>>) src(%dma_wait3A_35 : memref<80x128xi32, #tpu.memory_space<hbm>>) dst(%arg7 : memref<80x128xi32, #tpu.memory_space<vmem>>)
    %dma_wait3A_36 = arith.constant 0 : i32
    %dma_wait3A_37 = tpu.memref_slice %arg39[%mul3A_2, %dma_wait3A_36] : memref<10112x32xf32, #tpu.memory_space<vmem_shared>> -> memref<632x32xf32, #tpu.memory_space<vmem_shared>>
    %dma_wait3A_38 = arith.constant 0 : i32
    %dma_wait3A_39 = tpu.memref_slice %arg2[%mul3A_2, %dma_wait3A_38] : memref<10112x32xf32, #tpu.memory_space<hbm>> -> memref<632x32xf32, #tpu.memory_space<hbm>>
    tpu.wait_dma2 semaphore(%arg21 : memref<!tpu.dma_semaphore, #tpu.memory_space<semaphore_mem>>) src(%dma_wait3A_39 : memref<632x32xf32, #tpu.memory_space<hbm>>) dst(%dma_wait3A_37 : memref<632x32xf32, #tpu.memory_space<vmem_shared>>)
    %barrier3A = arith.constant 0 : index
    tpu.barrier barrier_id(%barrier3A)
    %dma_start3A_40 = arith.constant 0 : i32
    %dma_start3A_41 = arith.constant 0 : i32
    %dma_start3A_42 = tpu.memref_slice %arg7[%dma_start3A_40, %dma_start3A_41] : memref<80x128xi32, #tpu.memory_space<vmem>> -> memref<1x128xi32, #tpu.memory_space<vmem>>
    %dma_start3A_43 = tpu.memref_squeeze %dma_start3A_42 : memref<1x128xi32, #tpu.memory_space<vmem>> -> memref<128xi32, #tpu.memory_space<vmem>>
    %dma_start3A_44 = arith.constant 0 : i32
    %dma_start3A_45 = arith.constant 0 : i32
    %dma_start3A_46 = tpu.memref_slice %arg39[%dma_start3A_44, %dma_start3A_45] : memref<10112x32xf32, #tpu.memory_space<vmem_shared>> -> memref<10112x32xf32, #tpu.memory_space<vmem_shared>>
    tpu.enqueue_indirect_dma source(%dma_start3A_46 : memref<10112x32xf32, #tpu.memory_space<vmem_shared>>) target(%arg9 : memref<128x32xf32, #tpu.memory_space<vmem>>) offsets(%dma_start3A_43 : memref<128xi32, #tpu.memory_space<vmem>>) semaphore(%arg19 : memref<!tpu.dma_semaphore, #tpu.memory_space<semaphore_mem>>)
    %dma_start3A_47 = arith.constant 1 : i32
    %dma_start3A_48 = arith.constant 0 : i32
    %dma_start3A_49 = tpu.memref_slice %arg7[%dma_start3A_47, %dma_start3A_48] : memref<80x128xi32, #tpu.memory_space<vmem>> -> memref<1x128xi32, #tpu.memory_space<vmem>>
    %dma_start3A_50 = tpu.memref_squeeze %dma_start3A_49 : memref<1x128xi32, #tpu.memory_space<vmem>> -> memref<128xi32, #tpu.memory_space<vmem>>
    %dma_start3A_51 = arith.constant 0 : i32
    %dma_start3A_52 = arith.constant 0 : i32
    %dma_start3A_53 = tpu.memref_slice %arg39[%dma_start3A_51, %dma_start3A_52] : memref<10112x32xf32, #tpu.memory_space<vmem_shared>> -> memref<10112x32xf32, #tpu.memory_space<vmem_shared>>
    tpu.enqueue_indirect_dma source(%dma_start3A_53 : memref<10112x32xf32, #tpu.memory_space<vmem_shared>>) target(%arg10 : memref<128x32xf32, #tpu.memory_space<vmem>>) offsets(%dma_start3A_50 : memref<128xi32, #tpu.memory_space<vmem>>) semaphore(%arg20 : memref<!tpu.dma_semaphore, #tpu.memory_space<semaphore_mem>>)
    %dma_start3A_54 = arith.constant 2 : i32
    %dma_start3A_55 = arith.constant 0 : i32
    %dma_start3A_56 = tpu.memref_slice %arg7[%dma_start3A_54, %dma_start3A_55] : memref<80x128xi32, #tpu.memory_space<vmem>> -> memref<1x128xi32, #tpu.memory_space<vmem>>
    %dma_start3A_57 = tpu.memref_squeeze %dma_start3A_56 : memref<1x128xi32, #tpu.memory_space<vmem>> -> memref<128xi32, #tpu.memory_space<vmem>>
    %dma_start3A_58 = arith.constant 0 : i32
    %dma_start3A_59 = arith.constant 0 : i32
    %dma_start3A_60 = tpu.memref_slice %arg39[%dma_start3A_58, %dma_start3A_59] : memref<10112x32xf32, #tpu.memory_space<vmem_shared>> -> memref<10112x32xf32, #tpu.memory_space<vmem_shared>>
    tpu.enqueue_indirect_dma source(%dma_start3A_60 : memref<10112x32xf32, #tpu.memory_space<vmem_shared>>) target(%arg11 : memref<128x32xf32, #tpu.memory_space<vmem>>) offsets(%dma_start3A_57 : memref<128xi32, #tpu.memory_space<vmem>>) semaphore(%arg21 : memref<!tpu.dma_semaphore, #tpu.memory_space<semaphore_mem>>)
    %dma_start3A_61 = arith.constant 3 : i32
    %dma_start3A_62 = arith.constant 0 : i32
    %dma_start3A_63 = tpu.memref_slice %arg7[%dma_start3A_61, %dma_start3A_62] : memref<80x128xi32, #tpu.memory_space<vmem>> -> memref<1x128xi32, #tpu.memory_space<vmem>>
    %dma_start3A_64 = tpu.memref_squeeze %dma_start3A_63 : memref<1x128xi32, #tpu.memory_space<vmem>> -> memref<128xi32, #tpu.memory_space<vmem>>
    %dma_start3A_65 = arith.constant 0 : i32
    %dma_start3A_66 = arith.constant 0 : i32
    %dma_start3A_67 = tpu.memref_slice %arg39[%dma_start3A_65, %dma_start3A_66] : memref<10112x32xf32, #tpu.memory_space<vmem_shared>> -> memref<10112x32xf32, #tpu.memory_space<vmem_shared>>
    tpu.enqueue_indirect_dma source(%dma_start3A_67 : memref<10112x32xf32, #tpu.memory_space<vmem_shared>>) target(%arg12 : memref<128x32xf32, #tpu.memory_space<vmem>>) offsets(%dma_start3A_64 : memref<128xi32, #tpu.memory_space<vmem>>) semaphore(%arg22 : memref<!tpu.dma_semaphore, #tpu.memory_space<semaphore_mem>>)
    %dma_start3A_68 = arith.constant 4 : i32
    %dma_start3A_69 = arith.constant 0 : i32
    %dma_start3A_70 = tpu.memref_slice %arg7[%dma_start3A_68, %dma_start3A_69] : memref<80x128xi32, #tpu.memory_space<vmem>> -> memref<1x128xi32, #tpu.memory_space<vmem>>
    %dma_start3A_71 = tpu.memref_squeeze %dma_start3A_70 : memref<1x128xi32, #tpu.memory_space<vmem>> -> memref<128xi32, #tpu.memory_space<vmem>>
    %dma_start3A_72 = arith.constant 0 : i32
    %dma_start3A_73 = arith.constant 0 : i32
    %dma_start3A_74 = tpu.memref_slice %arg39[%dma_start3A_72, %dma_start3A_73] : memref<10112x32xf32, #tpu.memory_space<vmem_shared>> -> memref<10112x32xf32, #tpu.memory_space<vmem_shared>>
    tpu.enqueue_indirect_dma source(%dma_start3A_74 : memref<10112x32xf32, #tpu.memory_space<vmem_shared>>) target(%arg13 : memref<128x32xf32, #tpu.memory_space<vmem>>) offsets(%dma_start3A_71 : memref<128xi32, #tpu.memory_space<vmem>>) semaphore(%arg23 : memref<!tpu.dma_semaphore, #tpu.memory_space<semaphore_mem>>)
    %dma_start3A_75 = arith.constant 5 : i32
    %dma_start3A_76 = arith.constant 0 : i32
    %dma_start3A_77 = tpu.memref_slice %arg7[%dma_start3A_75, %dma_start3A_76] : memref<80x128xi32, #tpu.memory_space<vmem>> -> memref<1x128xi32, #tpu.memory_space<vmem>>
    %dma_start3A_78 = tpu.memref_squeeze %dma_start3A_77 : memref<1x128xi32, #tpu.memory_space<vmem>> -> memref<128xi32, #tpu.memory_space<vmem>>
    %dma_start3A_79 = arith.constant 0 : i32
    %dma_start3A_80 = arith.constant 0 : i32
    %dma_start3A_81 = tpu.memref_slice %arg39[%dma_start3A_79, %dma_start3A_80] : memref<10112x32xf32, #tpu.memory_space<vmem_shared>> -> memref<10112x32xf32, #tpu.memory_space<vmem_shared>>
    tpu.enqueue_indirect_dma source(%dma_start3A_81 : memref<10112x32xf32, #tpu.memory_space<vmem_shared>>) target(%arg14 : memref<128x32xf32, #tpu.memory_space<vmem>>) offsets(%dma_start3A_78 : memref<128xi32, #tpu.memory_space<vmem>>) semaphore(%arg24 : memref<!tpu.dma_semaphore, #tpu.memory_space<semaphore_mem>>)
    %dma_start3A_82 = arith.constant 6 : i32
    %dma_start3A_83 = arith.constant 0 : i32
    %dma_start3A_84 = tpu.memref_slice %arg7[%dma_start3A_82, %dma_start3A_83] : memref<80x128xi32, #tpu.memory_space<vmem>> -> memref<1x128xi32, #tpu.memory_space<vmem>>
    %dma_start3A_85 = tpu.memref_squeeze %dma_start3A_84 : memref<1x128xi32, #tpu.memory_space<vmem>> -> memref<128xi32, #tpu.memory_space<vmem>>
    %dma_start3A_86 = arith.constant 0 : i32
    %dma_start3A_87 = arith.constant 0 : i32
    %dma_start3A_88 = tpu.memref_slice %arg39[%dma_start3A_86, %dma_start3A_87] : memref<10112x32xf32, #tpu.memory_space<vmem_shared>> -> memref<10112x32xf32, #tpu.memory_space<vmem_shared>>
    tpu.enqueue_indirect_dma source(%dma_start3A_88 : memref<10112x32xf32, #tpu.memory_space<vmem_shared>>) target(%arg15 : memref<128x32xf32, #tpu.memory_space<vmem>>) offsets(%dma_start3A_85 : memref<128xi32, #tpu.memory_space<vmem>>) semaphore(%arg25 : memref<!tpu.dma_semaphore, #tpu.memory_space<semaphore_mem>>)
    %dma_start3A_89 = arith.constant 7 : i32
    %dma_start3A_90 = arith.constant 0 : i32
    %dma_start3A_91 = tpu.memref_slice %arg7[%dma_start3A_89, %dma_start3A_90] : memref<80x128xi32, #tpu.memory_space<vmem>> -> memref<1x128xi32, #tpu.memory_space<vmem>>
    %dma_start3A_92 = tpu.memref_squeeze %dma_start3A_91 : memref<1x128xi32, #tpu.memory_space<vmem>> -> memref<128xi32, #tpu.memory_space<vmem>>
    %dma_start3A_93 = arith.constant 0 : i32
    %dma_start3A_94 = arith.constant 0 : i32
    %dma_start3A_95 = tpu.memref_slice %arg39[%dma_start3A_93, %dma_start3A_94] : memref<10112x32xf32, #tpu.memory_space<vmem_shared>> -> memref<10112x32xf32, #tpu.memory_space<vmem_shared>>
    tpu.enqueue_indirect_dma source(%dma_start3A_95 : memref<10112x32xf32, #tpu.memory_space<vmem_shared>>) target(%arg16 : memref<128x32xf32, #tpu.memory_space<vmem>>) offsets(%dma_start3A_92 : memref<128xi32, #tpu.memory_space<vmem>>) semaphore(%arg26 : memref<!tpu.dma_semaphore, #tpu.memory_space<semaphore_mem>>)
    %dma_start3A_96 = arith.constant 8 : i32
    %dma_start3A_97 = arith.constant 0 : i32
    %dma_start3A_98 = tpu.memref_slice %arg7[%dma_start3A_96, %dma_start3A_97] : memref<80x128xi32, #tpu.memory_space<vmem>> -> memref<1x128xi32, #tpu.memory_space<vmem>>
    %dma_start3A_99 = tpu.memref_squeeze %dma_start3A_98 : memref<1x128xi32, #tpu.memory_space<vmem>> -> memref<128xi32, #tpu.memory_space<vmem>>
    %dma_start3A_100 = arith.constant 0 : i32
    %dma_start3A_101 = arith.constant 0 : i32
    %dma_start3A_102 = tpu.memref_slice %arg39[%dma_start3A_100, %dma_start3A_101] : memref<10112x32xf32, #tpu.memory_space<vmem_shared>> -> memref<10112x32xf32, #tpu.memory_space<vmem_shared>>
    tpu.enqueue_indirect_dma source(%dma_start3A_102 : memref<10112x32xf32, #tpu.memory_space<vmem_shared>>) target(%arg17 : memref<128x32xf32, #tpu.memory_space<vmem>>) offsets(%dma_start3A_99 : memref<128xi32, #tpu.memory_space<vmem>>) semaphore(%arg27 : memref<!tpu.dma_semaphore, #tpu.memory_space<semaphore_mem>>)
    %dma_wait3A_103 = arith.constant 0 : i32
    %dma_wait3A_104 = arith.constant 0 : i32
    %dma_wait3A_105 = tpu.memref_slice %arg4[%add3A, %dma_wait3A_103, %dma_wait3A_104] : memref<32x80x128xi32, #tpu.memory_space<hbm>> -> memref<1x80x128xi32, #tpu.memory_space<hbm>>
    %dma_wait3A_106 = tpu.memref_squeeze %dma_wait3A_105 : memref<1x80x128xi32, #tpu.memory_space<hbm>> -> memref<80x128xi32, #tpu.memory_space<hbm>>
    %dma_wait3A_107 = arith.constant 0 : i32
    %dma_wait3A_108 = arith.constant 0 : i32
    %dma_wait3A_109 = tpu.memref_slice %arg4[%add3A, %dma_wait3A_107, %dma_wait3A_108] : memref<32x80x128xi32, #tpu.memory_space<hbm>> -> memref<1x80x128xi32, #tpu.memory_space<hbm>>
    %dma_wait3A_110 = tpu.memref_squeeze %dma_wait3A_109 : memref<1x80x128xi32, #tpu.memory_space<hbm>> -> memref<80x128xi32, #tpu.memory_space<hbm>>
    tpu.wait_dma2 semaphore(%arg20 : memref<!tpu.dma_semaphore, #tpu.memory_space<semaphore_mem>>) src(%dma_wait3A_110 : memref<80x128xi32, #tpu.memory_space<hbm>>) dst(%arg8 : memref<80x128xi32, #tpu.memory_space<vmem>>)
    %dma_wait3A_111 = arith.constant 0 : i32
    %dma_wait3A_112 = tpu.memref_slice %arg40[%mul3A_2, %dma_wait3A_111] : memref<10112x32xf32, #tpu.memory_space<vmem_shared>> -> memref<632x32xf32, #tpu.memory_space<vmem_shared>>
    %dma_wait3A_113 = arith.constant 0 : i32
    %dma_wait3A_114 = tpu.memref_slice %arg5[%mul3A_2, %dma_wait3A_113] : memref<10112x32xf32, #tpu.memory_space<hbm>> -> memref<632x32xf32, #tpu.memory_space<hbm>>
    tpu.wait_dma2 semaphore(%arg29 : memref<!tpu.dma_semaphore, #tpu.memory_space<semaphore_mem>>) src(%dma_wait3A_114 : memref<632x32xf32, #tpu.memory_space<hbm>>) dst(%dma_wait3A_112 : memref<632x32xf32, #tpu.memory_space<vmem_shared>>)
    %barrier3A_115 = arith.constant 0 : index
    tpu.barrier barrier_id(%barrier3A_115)
    %scan3A = arith.constant 0 : i32
    %scan3A_116 = arith.constant 0 : i32
    %scan3A_117 = arith.constant 8 : i32
    %scan3A_118 = arith.addi %scan3A_116, %scan3A_117 : i32
    %scan3A_119 = arith.constant 1 : i32
    scf.for %scan3A_192 = %scan3A_116 to %scan3A_118 step %scan3A_119  : i32 {
      %mul3A_193 = arith.constant 10 : i32
      %mul3A_194 = arith.muli %scan3A_192, %mul3A_193 : i32
      %add3A_195 = arith.constant 0 : i32
      %add3A_196 = arith.addi %mul3A_194, %add3A_195 : i32
      %dma_wait3A_197 = arith.constant 0 : i32
      %dma_wait3A_198 = arith.constant 0 : i32
      %dma_wait3A_199 = tpu.memref_slice %arg7[%dma_wait3A_197, %dma_wait3A_198] : memref<80x128xi32, #tpu.memory_space<vmem>> -> memref<1x128xi32, #tpu.memory_space<vmem>>
      %dma_wait3A_200 = tpu.memref_squeeze %dma_wait3A_199 : memref<1x128xi32, #tpu.memory_space<vmem>> -> memref<128xi32, #tpu.memory_space<vmem>>
      %dma_wait3A_201 = arith.constant 0 : i32
      %dma_wait3A_202 = arith.constant 0 : i32
      %dma_wait3A_203 = tpu.memref_slice %arg39[%dma_wait3A_201, %dma_wait3A_202] : memref<10112x32xf32, #tpu.memory_space<vmem_shared>> -> memref<10112x32xf32, #tpu.memory_space<vmem_shared>>
      tpu.wait_indirect_dma semaphore(%arg19 : memref<!tpu.dma_semaphore, #tpu.memory_space<semaphore_mem>>) src(%dma_wait3A_203 : memref<10112x32xf32, #tpu.memory_space<vmem_shared>>) dst(%arg9 : memref<128x32xf32, #tpu.memory_space<vmem>>)
      %dma_start3A_204 = arith.constant 0 : i32
      %dma_start3A_205 = tpu.memref_slice %arg8[%add3A_196, %dma_start3A_204] : memref<80x128xi32, #tpu.memory_space<vmem>> -> memref<1x128xi32, #tpu.memory_space<vmem>>
      %dma_start3A_206 = tpu.memref_squeeze %dma_start3A_205 : memref<1x128xi32, #tpu.memory_space<vmem>> -> memref<128xi32, #tpu.memory_space<vmem>>
      %dma_start3A_207 = arith.constant 0 : i32
      %dma_start3A_208 = arith.constant 0 : i32
      %dma_start3A_209 = tpu.memref_slice %arg40[%dma_start3A_207, %dma_start3A_208] : memref<10112x32xf32, #tpu.memory_space<vmem_shared>> -> memref<10112x32xf32, #tpu.memory_space<vmem_shared>>
      tpu.enqueue_indirect_dma source(%arg9 : memref<128x32xf32, #tpu.memory_space<vmem>>) target(%dma_start3A_209 : memref<10112x32xf32, #tpu.memory_space<vmem_shared>>) offsets(%dma_start3A_206 : memref<128xi32, #tpu.memory_space<vmem>>) semaphore(%arg29 : memref<!tpu.dma_semaphore, #tpu.memory_space<semaphore_mem>>) {add = true}
      %add3A_210 = arith.constant 9 : i32
      %add3A_211 = arith.addi %add3A_196, %add3A_210 : i32
      %lt3A = arith.constant 80 : i32
      %lt3A_212 = arith.cmpi slt, %add3A_211, %lt3A : i32
      %convert_element_type3A_213 = arith.extui %lt3A_212 : i1 to i32
      %cond3A_214 = arith.constant 0 : i32
      %cond3A_215 = arith.cmpi ne, %convert_element_type3A_213, %cond3A_214 : i32
      scf.if %cond3A_215 {
        %ge3A = arith.constant 10 : i32
        %ge3A_432 = arith.cmpi sge, %add3A_211, %ge3A : i32
        %convert_element_type3A_433 = arith.extui %ge3A_432 : i1 to i32
        %cond3A_434 = arith.constant 0 : i32
        %cond3A_435 = arith.cmpi ne, %convert_element_type3A_433, %cond3A_434 : i32
        scf.if %cond3A_435 {
          %dma_wait3A_442 = arith.constant 0 : i32
          %dma_wait3A_443 = tpu.memref_slice %arg8[%add3A_196, %dma_wait3A_442] : memref<80x128xi32, #tpu.memory_space<vmem>> -> memref<1x128xi32, #tpu.memory_space<vmem>>
          %dma_wait3A_444 = tpu.memref_squeeze %dma_wait3A_443 : memref<1x128xi32, #tpu.memory_space<vmem>> -> memref<128xi32, #tpu.memory_space<vmem>>
          %dma_wait3A_445 = arith.constant 0 : i32
          %dma_wait3A_446 = arith.constant 0 : i32
          %dma_wait3A_447 = tpu.memref_slice %arg40[%dma_wait3A_445, %dma_wait3A_446] : memref<10112x32xf32, #tpu.memory_space<vmem_shared>> -> memref<10112x32xf32, #tpu.memory_space<vmem_shared>>
          tpu.wait_indirect_dma semaphore(%arg38 : memref<!tpu.dma_semaphore, #tpu.memory_space<semaphore_mem>>) src(%arg18 : memref<128x32xf32, #tpu.memory_space<vmem>>) dst(%dma_wait3A_447 : memref<10112x32xf32, #tpu.memory_space<vmem_shared>>)
        } else {
        }
        %dma_start3A_436 = arith.constant 0 : i32
        %dma_start3A_437 = tpu.memref_slice %arg7[%add3A_211, %dma_start3A_436] : memref<80x128xi32, #tpu.memory_space<vmem>> -> memref<1x128xi32, #tpu.memory_space<vmem>>
        %dma_start3A_438 = tpu.memref_squeeze %dma_start3A_437 : memref<1x128xi32, #tpu.memory_space<vmem>> -> memref<128xi32, #tpu.memory_space<vmem>>
        %dma_start3A_439 = arith.constant 0 : i32
        %dma_start3A_440 = arith.constant 0 : i32
        %dma_start3A_441 = tpu.memref_slice %arg39[%dma_start3A_439, %dma_start3A_440] : memref<10112x32xf32, #tpu.memory_space<vmem_shared>> -> memref<10112x32xf32, #tpu.memory_space<vmem_shared>>
        tpu.enqueue_indirect_dma source(%dma_start3A_441 : memref<10112x32xf32, #tpu.memory_space<vmem_shared>>) target(%arg18 : memref<128x32xf32, #tpu.memory_space<vmem>>) offsets(%dma_start3A_438 : memref<128xi32, #tpu.memory_space<vmem>>) semaphore(%arg28 : memref<!tpu.dma_semaphore, #tpu.memory_space<semaphore_mem>>)
      } else {
      }
      %mul3A_216 = arith.constant 10 : i32
      %mul3A_217 = arith.muli %scan3A_192, %mul3A_216 : i32
      %add3A_218 = arith.constant 1 : i32
      %add3A_219 = arith.addi %mul3A_217, %add3A_218 : i32
      %dma_wait3A_220 = arith.constant 1 : i32
      %dma_wait3A_221 = arith.constant 0 : i32
      %dma_wait3A_222 = tpu.memref_slice %arg7[%dma_wait3A_220, %dma_wait3A_221] : memref<80x128xi32, #tpu.memory_space<vmem>> -> memref<1x128xi32, #tpu.memory_space<vmem>>
      %dma_wait3A_223 = tpu.memref_squeeze %dma_wait3A_222 : memref<1x128xi32, #tpu.memory_space<vmem>> -> memref<128xi32, #tpu.memory_space<vmem>>
      %dma_wait3A_224 = arith.constant 0 : i32
      %dma_wait3A_225 = arith.constant 0 : i32
      %dma_wait3A_226 = tpu.memref_slice %arg39[%dma_wait3A_224, %dma_wait3A_225] : memref<10112x32xf32, #tpu.memory_space<vmem_shared>> -> memref<10112x32xf32, #tpu.memory_space<vmem_shared>>
      tpu.wait_indirect_dma semaphore(%arg20 : memref<!tpu.dma_semaphore, #tpu.memory_space<semaphore_mem>>) src(%dma_wait3A_226 : memref<10112x32xf32, #tpu.memory_space<vmem_shared>>) dst(%arg10 : memref<128x32xf32, #tpu.memory_space<vmem>>)
      %dma_start3A_227 = arith.constant 0 : i32
      %dma_start3A_228 = tpu.memref_slice %arg8[%add3A_219, %dma_start3A_227] : memref<80x128xi32, #tpu.memory_space<vmem>> -> memref<1x128xi32, #tpu.memory_space<vmem>>
      %dma_start3A_229 = tpu.memref_squeeze %dma_start3A_228 : memref<1x128xi32, #tpu.memory_space<vmem>> -> memref<128xi32, #tpu.memory_space<vmem>>
      %dma_start3A_230 = arith.constant 0 : i32
      %dma_start3A_231 = arith.constant 0 : i32
      %dma_start3A_232 = tpu.memref_slice %arg40[%dma_start3A_230, %dma_start3A_231] : memref<10112x32xf32, #tpu.memory_space<vmem_shared>> -> memref<10112x32xf32, #tpu.memory_space<vmem_shared>>
      tpu.enqueue_indirect_dma source(%arg10 : memref<128x32xf32, #tpu.memory_space<vmem>>) target(%dma_start3A_232 : memref<10112x32xf32, #tpu.memory_space<vmem_shared>>) offsets(%dma_start3A_229 : memref<128xi32, #tpu.memory_space<vmem>>) semaphore(%arg30 : memref<!tpu.dma_semaphore, #tpu.memory_space<semaphore_mem>>) {add = true}
      %add3A_233 = arith.constant 9 : i32
      %add3A_234 = arith.addi %add3A_219, %add3A_233 : i32
      %lt3A_235 = arith.constant 80 : i32
      %lt3A_236 = arith.cmpi slt, %add3A_234, %lt3A_235 : i32
      %convert_element_type3A_237 = arith.extui %lt3A_236 : i1 to i32
      %cond3A_238 = arith.constant 0 : i32
      %cond3A_239 = arith.cmpi ne, %convert_element_type3A_237, %cond3A_238 : i32
      scf.if %cond3A_239 {
        %ge3A = arith.constant 10 : i32
        %ge3A_432 = arith.cmpi sge, %add3A_234, %ge3A : i32
        %convert_element_type3A_433 = arith.extui %ge3A_432 : i1 to i32
        %cond3A_434 = arith.constant 0 : i32
        %cond3A_435 = arith.cmpi ne, %convert_element_type3A_433, %cond3A_434 : i32
        scf.if %cond3A_435 {
          %dma_wait3A_442 = arith.constant 0 : i32
          %dma_wait3A_443 = tpu.memref_slice %arg8[%add3A_219, %dma_wait3A_442] : memref<80x128xi32, #tpu.memory_space<vmem>> -> memref<1x128xi32, #tpu.memory_space<vmem>>
          %dma_wait3A_444 = tpu.memref_squeeze %dma_wait3A_443 : memref<1x128xi32, #tpu.memory_space<vmem>> -> memref<128xi32, #tpu.memory_space<vmem>>
          %dma_wait3A_445 = arith.constant 0 : i32
          %dma_wait3A_446 = arith.constant 0 : i32
          %dma_wait3A_447 = tpu.memref_slice %arg40[%dma_wait3A_445, %dma_wait3A_446] : memref<10112x32xf32, #tpu.memory_space<vmem_shared>> -> memref<10112x32xf32, #tpu.memory_space<vmem_shared>>
          tpu.wait_indirect_dma semaphore(%arg29 : memref<!tpu.dma_semaphore, #tpu.memory_space<semaphore_mem>>) src(%arg9 : memref<128x32xf32, #tpu.memory_space<vmem>>) dst(%dma_wait3A_447 : memref<10112x32xf32, #tpu.memory_space<vmem_shared>>)
        } else {
        }
        %dma_start3A_436 = arith.constant 0 : i32
        %dma_start3A_437 = tpu.memref_slice %arg7[%add3A_234, %dma_start3A_436] : memref<80x128xi32, #tpu.memory_space<vmem>> -> memref<1x128xi32, #tpu.memory_space<vmem>>
        %dma_start3A_438 = tpu.memref_squeeze %dma_start3A_437 : memref<1x128xi32, #tpu.memory_space<vmem>> -> memref<128xi32, #tpu.memory_space<vmem>>
        %dma_start3A_439 = arith.constant 0 : i32
        %dma_start3A_440 = arith.constant 0 : i32
        %dma_start3A_441 = tpu.memref_slice %arg39[%dma_start3A_439, %dma_start3A_440] : memref<10112x32xf32, #tpu.memory_space<vmem_shared>> -> memref<10112x32xf32, #tpu.memory_space<vmem_shared>>
        tpu.enqueue_indirect_dma source(%dma_start3A_441 : memref<10112x32xf32, #tpu.memory_space<vmem_shared>>) target(%arg9 : memref<128x32xf32, #tpu.memory_space<vmem>>) offsets(%dma_start3A_438 : memref<128xi32, #tpu.memory_space<vmem>>) semaphore(%arg19 : memref<!tpu.dma_semaphore, #tpu.memory_space<semaphore_mem>>)
      } else {
      }
      %mul3A_240 = arith.constant 10 : i32
      %mul3A_241 = arith.muli %scan3A_192, %mul3A_240 : i32
      %add3A_242 = arith.constant 2 : i32
      %add3A_243 = arith.addi %mul3A_241, %add3A_242 : i32
      %dma_wait3A_244 = arith.constant 2 : i32
      %dma_wait3A_245 = arith.constant 0 : i32
      %dma_wait3A_246 = tpu.memref_slice %arg7[%dma_wait3A_244, %dma_wait3A_245] : memref<80x128xi32, #tpu.memory_space<vmem>> -> memref<1x128xi32, #tpu.memory_space<vmem>>
      %dma_wait3A_247 = tpu.memref_squeeze %dma_wait3A_246 : memref<1x128xi32, #tpu.memory_space<vmem>> -> memref<128xi32, #tpu.memory_space<vmem>>
      %dma_wait3A_248 = arith.constant 0 : i32
      %dma_wait3A_249 = arith.constant 0 : i32
      %dma_wait3A_250 = tpu.memref_slice %arg39[%dma_wait3A_248, %dma_wait3A_249] : memref<10112x32xf32, #tpu.memory_space<vmem_shared>> -> memref<10112x32xf32, #tpu.memory_space<vmem_shared>>
      tpu.wait_indirect_dma semaphore(%arg21 : memref<!tpu.dma_semaphore, #tpu.memory_space<semaphore_mem>>) src(%dma_wait3A_250 : memref<10112x32xf32, #tpu.memory_space<vmem_shared>>) dst(%arg11 : memref<128x32xf32, #tpu.memory_space<vmem>>)
      %dma_start3A_251 = arith.constant 0 : i32
      %dma_start3A_252 = tpu.memref_slice %arg8[%add3A_243, %dma_start3A_251] : memref<80x128xi32, #tpu.memory_space<vmem>> -> memref<1x128xi32, #tpu.memory_space<vmem>>
      %dma_start3A_253 = tpu.memref_squeeze %dma_start3A_252 : memref<1x128xi32, #tpu.memory_space<vmem>> -> memref<128xi32, #tpu.memory_space<vmem>>
      %dma_start3A_254 = arith.constant 0 : i32
      %dma_start3A_255 = arith.constant 0 : i32
      %dma_start3A_256 = tpu.memref_slice %arg40[%dma_start3A_254, %dma_start3A_255] : memref<10112x32xf32, #tpu.memory_space<vmem_shared>> -> memref<10112x32xf32, #tpu.memory_space<vmem_shared>>
      tpu.enqueue_indirect_dma source(%arg11 : memref<128x32xf32, #tpu.memory_space<vmem>>) target(%dma_start3A_256 : memref<10112x32xf32, #tpu.memory_space<vmem_shared>>) offsets(%dma_start3A_253 : memref<128xi32, #tpu.memory_space<vmem>>) semaphore(%arg31 : memref<!tpu.dma_semaphore, #tpu.memory_space<semaphore_mem>>) {add = true}
      %add3A_257 = arith.constant 9 : i32
      %add3A_258 = arith.addi %add3A_243, %add3A_257 : i32
      %lt3A_259 = arith.constant 80 : i32
      %lt3A_260 = arith.cmpi slt, %add3A_258, %lt3A_259 : i32
      %convert_element_type3A_261 = arith.extui %lt3A_260 : i1 to i32
      %cond3A_262 = arith.constant 0 : i32
      %cond3A_263 = arith.cmpi ne, %convert_element_type3A_261, %cond3A_262 : i32
      scf.if %cond3A_263 {
        %ge3A = arith.constant 10 : i32
        %ge3A_432 = arith.cmpi sge, %add3A_258, %ge3A : i32
        %convert_element_type3A_433 = arith.extui %ge3A_432 : i1 to i32
        %cond3A_434 = arith.constant 0 : i32
        %cond3A_435 = arith.cmpi ne, %convert_element_type3A_433, %cond3A_434 : i32
        scf.if %cond3A_435 {
          %dma_wait3A_442 = arith.constant 0 : i32
          %dma_wait3A_443 = tpu.memref_slice %arg8[%add3A_243, %dma_wait3A_442] : memref<80x128xi32, #tpu.memory_space<vmem>> -> memref<1x128xi32, #tpu.memory_space<vmem>>
          %dma_wait3A_444 = tpu.memref_squeeze %dma_wait3A_443 : memref<1x128xi32, #tpu.memory_space<vmem>> -> memref<128xi32, #tpu.memory_space<vmem>>
          %dma_wait3A_445 = arith.constant 0 : i32
          %dma_wait3A_446 = arith.constant 0 : i32
          %dma_wait3A_447 = tpu.memref_slice %arg40[%dma_wait3A_445, %dma_wait3A_446] : memref<10112x32xf32, #tpu.memory_space<vmem_shared>> -> memref<10112x32xf32, #tpu.memory_space<vmem_shared>>
          tpu.wait_indirect_dma semaphore(%arg30 : memref<!tpu.dma_semaphore, #tpu.memory_space<semaphore_mem>>) src(%arg10 : memref<128x32xf32, #tpu.memory_space<vmem>>) dst(%dma_wait3A_447 : memref<10112x32xf32, #tpu.memory_space<vmem_shared>>)
        } else {
        }
        %dma_start3A_436 = arith.constant 0 : i32
        %dma_start3A_437 = tpu.memref_slice %arg7[%add3A_258, %dma_start3A_436] : memref<80x128xi32, #tpu.memory_space<vmem>> -> memref<1x128xi32, #tpu.memory_space<vmem>>
        %dma_start3A_438 = tpu.memref_squeeze %dma_start3A_437 : memref<1x128xi32, #tpu.memory_space<vmem>> -> memref<128xi32, #tpu.memory_space<vmem>>
        %dma_start3A_439 = arith.constant 0 : i32
        %dma_start3A_440 = arith.constant 0 : i32
        %dma_start3A_441 = tpu.memref_slice %arg39[%dma_start3A_439, %dma_start3A_440] : memref<10112x32xf32, #tpu.memory_space<vmem_shared>> -> memref<10112x32xf32, #tpu.memory_space<vmem_shared>>
        tpu.enqueue_indirect_dma source(%dma_start3A_441 : memref<10112x32xf32, #tpu.memory_space<vmem_shared>>) target(%arg10 : memref<128x32xf32, #tpu.memory_space<vmem>>) offsets(%dma_start3A_438 : memref<128xi32, #tpu.memory_space<vmem>>) semaphore(%arg20 : memref<!tpu.dma_semaphore, #tpu.memory_space<semaphore_mem>>)
      } else {
      }
      %mul3A_264 = arith.constant 10 : i32
      %mul3A_265 = arith.muli %scan3A_192, %mul3A_264 : i32
      %add3A_266 = arith.constant 3 : i32
      %add3A_267 = arith.addi %mul3A_265, %add3A_266 : i32
      %dma_wait3A_268 = arith.constant 3 : i32
      %dma_wait3A_269 = arith.constant 0 : i32
      %dma_wait3A_270 = tpu.memref_slice %arg7[%dma_wait3A_268, %dma_wait3A_269] : memref<80x128xi32, #tpu.memory_space<vmem>> -> memref<1x128xi32, #tpu.memory_space<vmem>>
      %dma_wait3A_271 = tpu.memref_squeeze %dma_wait3A_270 : memref<1x128xi32, #tpu.memory_space<vmem>> -> memref<128xi32, #tpu.memory_space<vmem>>
      %dma_wait3A_272 = arith.constant 0 : i32
      %dma_wait3A_273 = arith.constant 0 : i32
      %dma_wait3A_274 = tpu.memref_slice %arg39[%dma_wait3A_272, %dma_wait3A_273] : memref<10112x32xf32, #tpu.memory_space<vmem_shared>> -> memref<10112x32xf32, #tpu.memory_space<vmem_shared>>
      tpu.wait_indirect_dma semaphore(%arg22 : memref<!tpu.dma_semaphore, #tpu.memory_space<semaphore_mem>>) src(%dma_wait3A_274 : memref<10112x32xf32, #tpu.memory_space<vmem_shared>>) dst(%arg12 : memref<128x32xf32, #tpu.memory_space<vmem>>)
      %dma_start3A_275 = arith.constant 0 : i32
      %dma_start3A_276 = tpu.memref_slice %arg8[%add3A_267, %dma_start3A_275] : memref<80x128xi32, #tpu.memory_space<vmem>> -> memref<1x128xi32, #tpu.memory_space<vmem>>
      %dma_start3A_277 = tpu.memref_squeeze %dma_start3A_276 : memref<1x128xi32, #tpu.memory_space<vmem>> -> memref<128xi32, #tpu.memory_space<vmem>>
      %dma_start3A_278 = arith.constant 0 : i32
      %dma_start3A_279 = arith.constant 0 : i32
      %dma_start3A_280 = tpu.memref_slice %arg40[%dma_start3A_278, %dma_start3A_279] : memref<10112x32xf32, #tpu.memory_space<vmem_shared>> -> memref<10112x32xf32, #tpu.memory_space<vmem_shared>>
      tpu.enqueue_indirect_dma source(%arg12 : memref<128x32xf32, #tpu.memory_space<vmem>>) target(%dma_start3A_280 : memref<10112x32xf32, #tpu.memory_space<vmem_shared>>) offsets(%dma_start3A_277 : memref<128xi32, #tpu.memory_space<vmem>>) semaphore(%arg32 : memref<!tpu.dma_semaphore, #tpu.memory_space<semaphore_mem>>) {add = true}
      %add3A_281 = arith.constant 9 : i32
      %add3A_282 = arith.addi %add3A_267, %add3A_281 : i32
      %lt3A_283 = arith.constant 80 : i32
      %lt3A_284 = arith.cmpi slt, %add3A_282, %lt3A_283 : i32
      %convert_element_type3A_285 = arith.extui %lt3A_284 : i1 to i32
      %cond3A_286 = arith.constant 0 : i32
      %cond3A_287 = arith.cmpi ne, %convert_element_type3A_285, %cond3A_286 : i32
      scf.if %cond3A_287 {
        %ge3A = arith.constant 10 : i32
        %ge3A_432 = arith.cmpi sge, %add3A_282, %ge3A : i32
        %convert_element_type3A_433 = arith.extui %ge3A_432 : i1 to i32
        %cond3A_434 = arith.constant 0 : i32
        %cond3A_435 = arith.cmpi ne, %convert_element_type3A_433, %cond3A_434 : i32
        scf.if %cond3A_435 {
          %dma_wait3A_442 = arith.constant 0 : i32
          %dma_wait3A_443 = tpu.memref_slice %arg8[%add3A_267, %dma_wait3A_442] : memref<80x128xi32, #tpu.memory_space<vmem>> -> memref<1x128xi32, #tpu.memory_space<vmem>>
          %dma_wait3A_444 = tpu.memref_squeeze %dma_wait3A_443 : memref<1x128xi32, #tpu.memory_space<vmem>> -> memref<128xi32, #tpu.memory_space<vmem>>
          %dma_wait3A_445 = arith.constant 0 : i32
          %dma_wait3A_446 = arith.constant 0 : i32
          %dma_wait3A_447 = tpu.memref_slice %arg40[%dma_wait3A_445, %dma_wait3A_446] : memref<10112x32xf32, #tpu.memory_space<vmem_shared>> -> memref<10112x32xf32, #tpu.memory_space<vmem_shared>>
          tpu.wait_indirect_dma semaphore(%arg31 : memref<!tpu.dma_semaphore, #tpu.memory_space<semaphore_mem>>) src(%arg11 : memref<128x32xf32, #tpu.memory_space<vmem>>) dst(%dma_wait3A_447 : memref<10112x32xf32, #tpu.memory_space<vmem_shared>>)
        } else {
        }
        %dma_start3A_436 = arith.constant 0 : i32
        %dma_start3A_437 = tpu.memref_slice %arg7[%add3A_282, %dma_start3A_436] : memref<80x128xi32, #tpu.memory_space<vmem>> -> memref<1x128xi32, #tpu.memory_space<vmem>>
        %dma_start3A_438 = tpu.memref_squeeze %dma_start3A_437 : memref<1x128xi32, #tpu.memory_space<vmem>> -> memref<128xi32, #tpu.memory_space<vmem>>
        %dma_start3A_439 = arith.constant 0 : i32
        %dma_start3A_440 = arith.constant 0 : i32
        %dma_start3A_441 = tpu.memref_slice %arg39[%dma_start3A_439, %dma_start3A_440] : memref<10112x32xf32, #tpu.memory_space<vmem_shared>> -> memref<10112x32xf32, #tpu.memory_space<vmem_shared>>
        tpu.enqueue_indirect_dma source(%dma_start3A_441 : memref<10112x32xf32, #tpu.memory_space<vmem_shared>>) target(%arg11 : memref<128x32xf32, #tpu.memory_space<vmem>>) offsets(%dma_start3A_438 : memref<128xi32, #tpu.memory_space<vmem>>) semaphore(%arg21 : memref<!tpu.dma_semaphore, #tpu.memory_space<semaphore_mem>>)
      } else {
      }
      %mul3A_288 = arith.constant 10 : i32
      %mul3A_289 = arith.muli %scan3A_192, %mul3A_288 : i32
      %add3A_290 = arith.constant 4 : i32
      %add3A_291 = arith.addi %mul3A_289, %add3A_290 : i32
      %dma_wait3A_292 = arith.constant 4 : i32
      %dma_wait3A_293 = arith.constant 0 : i32
      %dma_wait3A_294 = tpu.memref_slice %arg7[%dma_wait3A_292, %dma_wait3A_293] : memref<80x128xi32, #tpu.memory_space<vmem>> -> memref<1x128xi32, #tpu.memory_space<vmem>>
      %dma_wait3A_295 = tpu.memref_squeeze %dma_wait3A_294 : memref<1x128xi32, #tpu.memory_space<vmem>> -> memref<128xi32, #tpu.memory_space<vmem>>
      %dma_wait3A_296 = arith.constant 0 : i32
      %dma_wait3A_297 = arith.constant 0 : i32
      %dma_wait3A_298 = tpu.memref_slice %arg39[%dma_wait3A_296, %dma_wait3A_297] : memref<10112x32xf32, #tpu.memory_space<vmem_shared>> -> memref<10112x32xf32, #tpu.memory_space<vmem_shared>>
      tpu.wait_indirect_dma semaphore(%arg23 : memref<!tpu.dma_semaphore, #tpu.memory_space<semaphore_mem>>) src(%dma_wait3A_298 : memref<10112x32xf32, #tpu.memory_space<vmem_shared>>) dst(%arg13 : memref<128x32xf32, #tpu.memory_space<vmem>>)
      %dma_start3A_299 = arith.constant 0 : i32
      %dma_start3A_300 = tpu.memref_slice %arg8[%add3A_291, %dma_start3A_299] : memref<80x128xi32, #tpu.memory_space<vmem>> -> memref<1x128xi32, #tpu.memory_space<vmem>>
      %dma_start3A_301 = tpu.memref_squeeze %dma_start3A_300 : memref<1x128xi32, #tpu.memory_space<vmem>> -> memref<128xi32, #tpu.memory_space<vmem>>
      %dma_start3A_302 = arith.constant 0 : i32
      %dma_start3A_303 = arith.constant 0 : i32
      %dma_start3A_304 = tpu.memref_slice %arg40[%dma_start3A_302, %dma_start3A_303] : memref<10112x32xf32, #tpu.memory_space<vmem_shared>> -> memref<10112x32xf32, #tpu.memory_space<vmem_shared>>
      tpu.enqueue_indirect_dma source(%arg13 : memref<128x32xf32, #tpu.memory_space<vmem>>) target(%dma_start3A_304 : memref<10112x32xf32, #tpu.memory_space<vmem_shared>>) offsets(%dma_start3A_301 : memref<128xi32, #tpu.memory_space<vmem>>) semaphore(%arg33 : memref<!tpu.dma_semaphore, #tpu.memory_space<semaphore_mem>>) {add = true}
      %add3A_305 = arith.constant 9 : i32
      %add3A_306 = arith.addi %add3A_291, %add3A_305 : i32
      %lt3A_307 = arith.constant 80 : i32
      %lt3A_308 = arith.cmpi slt, %add3A_306, %lt3A_307 : i32
      %convert_element_type3A_309 = arith.extui %lt3A_308 : i1 to i32
      %cond3A_310 = arith.constant 0 : i32
      %cond3A_311 = arith.cmpi ne, %convert_element_type3A_309, %cond3A_310 : i32
      scf.if %cond3A_311 {
        %ge3A = arith.constant 10 : i32
        %ge3A_432 = arith.cmpi sge, %add3A_306, %ge3A : i32
        %convert_element_type3A_433 = arith.extui %ge3A_432 : i1 to i32
        %cond3A_434 = arith.constant 0 : i32
        %cond3A_435 = arith.cmpi ne, %convert_element_type3A_433, %cond3A_434 : i32
        scf.if %cond3A_435 {
          %dma_wait3A_442 = arith.constant 0 : i32
          %dma_wait3A_443 = tpu.memref_slice %arg8[%add3A_291, %dma_wait3A_442] : memref<80x128xi32, #tpu.memory_space<vmem>> -> memref<1x128xi32, #tpu.memory_space<vmem>>
          %dma_wait3A_444 = tpu.memref_squeeze %dma_wait3A_443 : memref<1x128xi32, #tpu.memory_space<vmem>> -> memref<128xi32, #tpu.memory_space<vmem>>
          %dma_wait3A_445 = arith.constant 0 : i32
          %dma_wait3A_446 = arith.constant 0 : i32
          %dma_wait3A_447 = tpu.memref_slice %arg40[%dma_wait3A_445, %dma_wait3A_446] : memref<10112x32xf32, #tpu.memory_space<vmem_shared>> -> memref<10112x32xf32, #tpu.memory_space<vmem_shared>>
          tpu.wait_indirect_dma semaphore(%arg32 : memref<!tpu.dma_semaphore, #tpu.memory_space<semaphore_mem>>) src(%arg12 : memref<128x32xf32, #tpu.memory_space<vmem>>) dst(%dma_wait3A_447 : memref<10112x32xf32, #tpu.memory_space<vmem_shared>>)
        } else {
        }
        %dma_start3A_436 = arith.constant 0 : i32
        %dma_start3A_437 = tpu.memref_slice %arg7[%add3A_306, %dma_start3A_436] : memref<80x128xi32, #tpu.memory_space<vmem>> -> memref<1x128xi32, #tpu.memory_space<vmem>>
        %dma_start3A_438 = tpu.memref_squeeze %dma_start3A_437 : memref<1x128xi32, #tpu.memory_space<vmem>> -> memref<128xi32, #tpu.memory_space<vmem>>
        %dma_start3A_439 = arith.constant 0 : i32
        %dma_start3A_440 = arith.constant 0 : i32
        %dma_start3A_441 = tpu.memref_slice %arg39[%dma_start3A_439, %dma_start3A_440] : memref<10112x32xf32, #tpu.memory_space<vmem_shared>> -> memref<10112x32xf32, #tpu.memory_space<vmem_shared>>
        tpu.enqueue_indirect_dma source(%dma_start3A_441 : memref<10112x32xf32, #tpu.memory_space<vmem_shared>>) target(%arg12 : memref<128x32xf32, #tpu.memory_space<vmem>>) offsets(%dma_start3A_438 : memref<128xi32, #tpu.memory_space<vmem>>) semaphore(%arg22 : memref<!tpu.dma_semaphore, #tpu.memory_space<semaphore_mem>>)
      } else {
      }
      %mul3A_312 = arith.constant 10 : i32
      %mul3A_313 = arith.muli %scan3A_192, %mul3A_312 : i32
      %add3A_314 = arith.constant 5 : i32
      %add3A_315 = arith.addi %mul3A_313, %add3A_314 : i32
      %dma_wait3A_316 = arith.constant 5 : i32
      %dma_wait3A_317 = arith.constant 0 : i32
      %dma_wait3A_318 = tpu.memref_slice %arg7[%dma_wait3A_316, %dma_wait3A_317] : memref<80x128xi32, #tpu.memory_space<vmem>> -> memref<1x128xi32, #tpu.memory_space<vmem>>
      %dma_wait3A_319 = tpu.memref_squeeze %dma_wait3A_318 : memref<1x128xi32, #tpu.memory_space<vmem>> -> memref<128xi32, #tpu.memory_space<vmem>>
      %dma_wait3A_320 = arith.constant 0 : i32
      %dma_wait3A_321 = arith.constant 0 : i32
      %dma_wait3A_322 = tpu.memref_slice %arg39[%dma_wait3A_320, %dma_wait3A_321] : memref<10112x32xf32, #tpu.memory_space<vmem_shared>> -> memref<10112x32xf32, #tpu.memory_space<vmem_shared>>
      tpu.wait_indirect_dma semaphore(%arg24 : memref<!tpu.dma_semaphore, #tpu.memory_space<semaphore_mem>>) src(%dma_wait3A_322 : memref<10112x32xf32, #tpu.memory_space<vmem_shared>>) dst(%arg14 : memref<128x32xf32, #tpu.memory_space<vmem>>)
      %dma_start3A_323 = arith.constant 0 : i32
      %dma_start3A_324 = tpu.memref_slice %arg8[%add3A_315, %dma_start3A_323] : memref<80x128xi32, #tpu.memory_space<vmem>> -> memref<1x128xi32, #tpu.memory_space<vmem>>
      %dma_start3A_325 = tpu.memref_squeeze %dma_start3A_324 : memref<1x128xi32, #tpu.memory_space<vmem>> -> memref<128xi32, #tpu.memory_space<vmem>>
      %dma_start3A_326 = arith.constant 0 : i32
      %dma_start3A_327 = arith.constant 0 : i32
      %dma_start3A_328 = tpu.memref_slice %arg40[%dma_start3A_326, %dma_start3A_327] : memref<10112x32xf32, #tpu.memory_space<vmem_shared>> -> memref<10112x32xf32, #tpu.memory_space<vmem_shared>>
      tpu.enqueue_indirect_dma source(%arg14 : memref<128x32xf32, #tpu.memory_space<vmem>>) target(%dma_start3A_328 : memref<10112x32xf32, #tpu.memory_space<vmem_shared>>) offsets(%dma_start3A_325 : memref<128xi32, #tpu.memory_space<vmem>>) semaphore(%arg34 : memref<!tpu.dma_semaphore, #tpu.memory_space<semaphore_mem>>) {add = true}
      %add3A_329 = arith.constant 9 : i32
      %add3A_330 = arith.addi %add3A_315, %add3A_329 : i32
      %lt3A_331 = arith.constant 80 : i32
      %lt3A_332 = arith.cmpi slt, %add3A_330, %lt3A_331 : i32
      %convert_element_type3A_333 = arith.extui %lt3A_332 : i1 to i32
      %cond3A_334 = arith.constant 0 : i32
      %cond3A_335 = arith.cmpi ne, %convert_element_type3A_333, %cond3A_334 : i32
      scf.if %cond3A_335 {
        %ge3A = arith.constant 10 : i32
        %ge3A_432 = arith.cmpi sge, %add3A_330, %ge3A : i32
        %convert_element_type3A_433 = arith.extui %ge3A_432 : i1 to i32
        %cond3A_434 = arith.constant 0 : i32
        %cond3A_435 = arith.cmpi ne, %convert_element_type3A_433, %cond3A_434 : i32
        scf.if %cond3A_435 {
          %dma_wait3A_442 = arith.constant 0 : i32
          %dma_wait3A_443 = tpu.memref_slice %arg8[%add3A_315, %dma_wait3A_442] : memref<80x128xi32, #tpu.memory_space<vmem>> -> memref<1x128xi32, #tpu.memory_space<vmem>>
          %dma_wait3A_444 = tpu.memref_squeeze %dma_wait3A_443 : memref<1x128xi32, #tpu.memory_space<vmem>> -> memref<128xi32, #tpu.memory_space<vmem>>
          %dma_wait3A_445 = arith.constant 0 : i32
          %dma_wait3A_446 = arith.constant 0 : i32
          %dma_wait3A_447 = tpu.memref_slice %arg40[%dma_wait3A_445, %dma_wait3A_446] : memref<10112x32xf32, #tpu.memory_space<vmem_shared>> -> memref<10112x32xf32, #tpu.memory_space<vmem_shared>>
          tpu.wait_indirect_dma semaphore(%arg33 : memref<!tpu.dma_semaphore, #tpu.memory_space<semaphore_mem>>) src(%arg13 : memref<128x32xf32, #tpu.memory_space<vmem>>) dst(%dma_wait3A_447 : memref<10112x32xf32, #tpu.memory_space<vmem_shared>>)
        } else {
        }
        %dma_start3A_436 = arith.constant 0 : i32
        %dma_start3A_437 = tpu.memref_slice %arg7[%add3A_330, %dma_start3A_436] : memref<80x128xi32, #tpu.memory_space<vmem>> -> memref<1x128xi32, #tpu.memory_space<vmem>>
        %dma_start3A_438 = tpu.memref_squeeze %dma_start3A_437 : memref<1x128xi32, #tpu.memory_space<vmem>> -> memref<128xi32, #tpu.memory_space<vmem>>
        %dma_start3A_439 = arith.constant 0 : i32
        %dma_start3A_440 = arith.constant 0 : i32
        %dma_start3A_441 = tpu.memref_slice %arg39[%dma_start3A_439, %dma_start3A_440] : memref<10112x32xf32, #tpu.memory_space<vmem_shared>> -> memref<10112x32xf32, #tpu.memory_space<vmem_shared>>
        tpu.enqueue_indirect_dma source(%dma_start3A_441 : memref<10112x32xf32, #tpu.memory_space<vmem_shared>>) target(%arg13 : memref<128x32xf32, #tpu.memory_space<vmem>>) offsets(%dma_start3A_438 : memref<128xi32, #tpu.memory_space<vmem>>) semaphore(%arg23 : memref<!tpu.dma_semaphore, #tpu.memory_space<semaphore_mem>>)
      } else {
      }
      %mul3A_336 = arith.constant 10 : i32
      %mul3A_337 = arith.muli %scan3A_192, %mul3A_336 : i32
      %add3A_338 = arith.constant 6 : i32
      %add3A_339 = arith.addi %mul3A_337, %add3A_338 : i32
      %dma_wait3A_340 = arith.constant 6 : i32
      %dma_wait3A_341 = arith.constant 0 : i32
      %dma_wait3A_342 = tpu.memref_slice %arg7[%dma_wait3A_340, %dma_wait3A_341] : memref<80x128xi32, #tpu.memory_space<vmem>> -> memref<1x128xi32, #tpu.memory_space<vmem>>
      %dma_wait3A_343 = tpu.memref_squeeze %dma_wait3A_342 : memref<1x128xi32, #tpu.memory_space<vmem>> -> memref<128xi32, #tpu.memory_space<vmem>>
      %dma_wait3A_344 = arith.constant 0 : i32
      %dma_wait3A_345 = arith.constant 0 : i32
      %dma_wait3A_346 = tpu.memref_slice %arg39[%dma_wait3A_344, %dma_wait3A_345] : memref<10112x32xf32, #tpu.memory_space<vmem_shared>> -> memref<10112x32xf32, #tpu.memory_space<vmem_shared>>
      tpu.wait_indirect_dma semaphore(%arg25 : memref<!tpu.dma_semaphore, #tpu.memory_space<semaphore_mem>>) src(%dma_wait3A_346 : memref<10112x32xf32, #tpu.memory_space<vmem_shared>>) dst(%arg15 : memref<128x32xf32, #tpu.memory_space<vmem>>)
      %dma_start3A_347 = arith.constant 0 : i32
      %dma_start3A_348 = tpu.memref_slice %arg8[%add3A_339, %dma_start3A_347] : memref<80x128xi32, #tpu.memory_space<vmem>> -> memref<1x128xi32, #tpu.memory_space<vmem>>
      %dma_start3A_349 = tpu.memref_squeeze %dma_start3A_348 : memref<1x128xi32, #tpu.memory_space<vmem>> -> memref<128xi32, #tpu.memory_space<vmem>>
      %dma_start3A_350 = arith.constant 0 : i32
      %dma_start3A_351 = arith.constant 0 : i32
      %dma_start3A_352 = tpu.memref_slice %arg40[%dma_start3A_350, %dma_start3A_351] : memref<10112x32xf32, #tpu.memory_space<vmem_shared>> -> memref<10112x32xf32, #tpu.memory_space<vmem_shared>>
      tpu.enqueue_indirect_dma source(%arg15 : memref<128x32xf32, #tpu.memory_space<vmem>>) target(%dma_start3A_352 : memref<10112x32xf32, #tpu.memory_space<vmem_shared>>) offsets(%dma_start3A_349 : memref<128xi32, #tpu.memory_space<vmem>>) semaphore(%arg35 : memref<!tpu.dma_semaphore, #tpu.memory_space<semaphore_mem>>) {add = true}
      %add3A_353 = arith.constant 9 : i32
      %add3A_354 = arith.addi %add3A_339, %add3A_353 : i32
      %lt3A_355 = arith.constant 80 : i32
      %lt3A_356 = arith.cmpi slt, %add3A_354, %lt3A_355 : i32
      %convert_element_type3A_357 = arith.extui %lt3A_356 : i1 to i32
      %cond3A_358 = arith.constant 0 : i32
      %cond3A_359 = arith.cmpi ne, %convert_element_type3A_357, %cond3A_358 : i32
      scf.if %cond3A_359 {
        %ge3A = arith.constant 10 : i32
        %ge3A_432 = arith.cmpi sge, %add3A_354, %ge3A : i32
        %convert_element_type3A_433 = arith.extui %ge3A_432 : i1 to i32
        %cond3A_434 = arith.constant 0 : i32
        %cond3A_435 = arith.cmpi ne, %convert_element_type3A_433, %cond3A_434 : i32
        scf.if %cond3A_435 {
          %dma_wait3A_442 = arith.constant 0 : i32
          %dma_wait3A_443 = tpu.memref_slice %arg8[%add3A_339, %dma_wait3A_442] : memref<80x128xi32, #tpu.memory_space<vmem>> -> memref<1x128xi32, #tpu.memory_space<vmem>>
          %dma_wait3A_444 = tpu.memref_squeeze %dma_wait3A_443 : memref<1x128xi32, #tpu.memory_space<vmem>> -> memref<128xi32, #tpu.memory_space<vmem>>
          %dma_wait3A_445 = arith.constant 0 : i32
          %dma_wait3A_446 = arith.constant 0 : i32
          %dma_wait3A_447 = tpu.memref_slice %arg40[%dma_wait3A_445, %dma_wait3A_446] : memref<10112x32xf32, #tpu.memory_space<vmem_shared>> -> memref<10112x32xf32, #tpu.memory_space<vmem_shared>>
          tpu.wait_indirect_dma semaphore(%arg34 : memref<!tpu.dma_semaphore, #tpu.memory_space<semaphore_mem>>) src(%arg14 : memref<128x32xf32, #tpu.memory_space<vmem>>) dst(%dma_wait3A_447 : memref<10112x32xf32, #tpu.memory_space<vmem_shared>>)
        } else {
        }
        %dma_start3A_436 = arith.constant 0 : i32
        %dma_start3A_437 = tpu.memref_slice %arg7[%add3A_354, %dma_start3A_436] : memref<80x128xi32, #tpu.memory_space<vmem>> -> memref<1x128xi32, #tpu.memory_space<vmem>>
        %dma_start3A_438 = tpu.memref_squeeze %dma_start3A_437 : memref<1x128xi32, #tpu.memory_space<vmem>> -> memref<128xi32, #tpu.memory_space<vmem>>
        %dma_start3A_439 = arith.constant 0 : i32
        %dma_start3A_440 = arith.constant 0 : i32
        %dma_start3A_441 = tpu.memref_slice %arg39[%dma_start3A_439, %dma_start3A_440] : memref<10112x32xf32, #tpu.memory_space<vmem_shared>> -> memref<10112x32xf32, #tpu.memory_space<vmem_shared>>
        tpu.enqueue_indirect_dma source(%dma_start3A_441 : memref<10112x32xf32, #tpu.memory_space<vmem_shared>>) target(%arg14 : memref<128x32xf32, #tpu.memory_space<vmem>>) offsets(%dma_start3A_438 : memref<128xi32, #tpu.memory_space<vmem>>) semaphore(%arg24 : memref<!tpu.dma_semaphore, #tpu.memory_space<semaphore_mem>>)
      } else {
      }
      %mul3A_360 = arith.constant 10 : i32
      %mul3A_361 = arith.muli %scan3A_192, %mul3A_360 : i32
      %add3A_362 = arith.constant 7 : i32
      %add3A_363 = arith.addi %mul3A_361, %add3A_362 : i32
      %dma_wait3A_364 = arith.constant 7 : i32
      %dma_wait3A_365 = arith.constant 0 : i32
      %dma_wait3A_366 = tpu.memref_slice %arg7[%dma_wait3A_364, %dma_wait3A_365] : memref<80x128xi32, #tpu.memory_space<vmem>> -> memref<1x128xi32, #tpu.memory_space<vmem>>
      %dma_wait3A_367 = tpu.memref_squeeze %dma_wait3A_366 : memref<1x128xi32, #tpu.memory_space<vmem>> -> memref<128xi32, #tpu.memory_space<vmem>>
      %dma_wait3A_368 = arith.constant 0 : i32
      %dma_wait3A_369 = arith.constant 0 : i32
      %dma_wait3A_370 = tpu.memref_slice %arg39[%dma_wait3A_368, %dma_wait3A_369] : memref<10112x32xf32, #tpu.memory_space<vmem_shared>> -> memref<10112x32xf32, #tpu.memory_space<vmem_shared>>
      tpu.wait_indirect_dma semaphore(%arg26 : memref<!tpu.dma_semaphore, #tpu.memory_space<semaphore_mem>>) src(%dma_wait3A_370 : memref<10112x32xf32, #tpu.memory_space<vmem_shared>>) dst(%arg16 : memref<128x32xf32, #tpu.memory_space<vmem>>)
      %dma_start3A_371 = arith.constant 0 : i32
      %dma_start3A_372 = tpu.memref_slice %arg8[%add3A_363, %dma_start3A_371] : memref<80x128xi32, #tpu.memory_space<vmem>> -> memref<1x128xi32, #tpu.memory_space<vmem>>
      %dma_start3A_373 = tpu.memref_squeeze %dma_start3A_372 : memref<1x128xi32, #tpu.memory_space<vmem>> -> memref<128xi32, #tpu.memory_space<vmem>>
      %dma_start3A_374 = arith.constant 0 : i32
      %dma_start3A_375 = arith.constant 0 : i32
      %dma_start3A_376 = tpu.memref_slice %arg40[%dma_start3A_374, %dma_start3A_375] : memref<10112x32xf32, #tpu.memory_space<vmem_shared>> -> memref<10112x32xf32, #tpu.memory_space<vmem_shared>>
      tpu.enqueue_indirect_dma source(%arg16 : memref<128x32xf32, #tpu.memory_space<vmem>>) target(%dma_start3A_376 : memref<10112x32xf32, #tpu.memory_space<vmem_shared>>) offsets(%dma_start3A_373 : memref<128xi32, #tpu.memory_space<vmem>>) semaphore(%arg36 : memref<!tpu.dma_semaphore, #tpu.memory_space<semaphore_mem>>) {add = true}
      %add3A_377 = arith.constant 9 : i32
      %add3A_378 = arith.addi %add3A_363, %add3A_377 : i32
      %lt3A_379 = arith.constant 80 : i32
      %lt3A_380 = arith.cmpi slt, %add3A_378, %lt3A_379 : i32
      %convert_element_type3A_381 = arith.extui %lt3A_380 : i1 to i32
      %cond3A_382 = arith.constant 0 : i32
      %cond3A_383 = arith.cmpi ne, %convert_element_type3A_381, %cond3A_382 : i32
      scf.if %cond3A_383 {
        %ge3A = arith.constant 10 : i32
        %ge3A_432 = arith.cmpi sge, %add3A_378, %ge3A : i32
        %convert_element_type3A_433 = arith.extui %ge3A_432 : i1 to i32
        %cond3A_434 = arith.constant 0 : i32
        %cond3A_435 = arith.cmpi ne, %convert_element_type3A_433, %cond3A_434 : i32
        scf.if %cond3A_435 {
          %dma_wait3A_442 = arith.constant 0 : i32
          %dma_wait3A_443 = tpu.memref_slice %arg8[%add3A_363, %dma_wait3A_442] : memref<80x128xi32, #tpu.memory_space<vmem>> -> memref<1x128xi32, #tpu.memory_space<vmem>>
          %dma_wait3A_444 = tpu.memref_squeeze %dma_wait3A_443 : memref<1x128xi32, #tpu.memory_space<vmem>> -> memref<128xi32, #tpu.memory_space<vmem>>
          %dma_wait3A_445 = arith.constant 0 : i32
          %dma_wait3A_446 = arith.constant 0 : i32
          %dma_wait3A_447 = tpu.memref_slice %arg40[%dma_wait3A_445, %dma_wait3A_446] : memref<10112x32xf32, #tpu.memory_space<vmem_shared>> -> memref<10112x32xf32, #tpu.memory_space<vmem_shared>>
          tpu.wait_indirect_dma semaphore(%arg35 : memref<!tpu.dma_semaphore, #tpu.memory_space<semaphore_mem>>) src(%arg15 : memref<128x32xf32, #tpu.memory_space<vmem>>) dst(%dma_wait3A_447 : memref<10112x32xf32, #tpu.memory_space<vmem_shared>>)
        } else {
        }
        %dma_start3A_436 = arith.constant 0 : i32
        %dma_start3A_437 = tpu.memref_slice %arg7[%add3A_378, %dma_start3A_436] : memref<80x128xi32, #tpu.memory_space<vmem>> -> memref<1x128xi32, #tpu.memory_space<vmem>>
        %dma_start3A_438 = tpu.memref_squeeze %dma_start3A_437 : memref<1x128xi32, #tpu.memory_space<vmem>> -> memref<128xi32, #tpu.memory_space<vmem>>
        %dma_start3A_439 = arith.constant 0 : i32
        %dma_start3A_440 = arith.constant 0 : i32
        %dma_start3A_441 = tpu.memref_slice %arg39[%dma_start3A_439, %dma_start3A_440] : memref<10112x32xf32, #tpu.memory_space<vmem_shared>> -> memref<10112x32xf32, #tpu.memory_space<vmem_shared>>
        tpu.enqueue_indirect_dma source(%dma_start3A_441 : memref<10112x32xf32, #tpu.memory_space<vmem_shared>>) target(%arg15 : memref<128x32xf32, #tpu.memory_space<vmem>>) offsets(%dma_start3A_438 : memref<128xi32, #tpu.memory_space<vmem>>) semaphore(%arg25 : memref<!tpu.dma_semaphore, #tpu.memory_space<semaphore_mem>>)
      } else {
      }
      %mul3A_384 = arith.constant 10 : i32
      %mul3A_385 = arith.muli %scan3A_192, %mul3A_384 : i32
      %add3A_386 = arith.constant 8 : i32
      %add3A_387 = arith.addi %mul3A_385, %add3A_386 : i32
      %dma_wait3A_388 = arith.constant 8 : i32
      %dma_wait3A_389 = arith.constant 0 : i32
      %dma_wait3A_390 = tpu.memref_slice %arg7[%dma_wait3A_388, %dma_wait3A_389] : memref<80x128xi32, #tpu.memory_space<vmem>> -> memref<1x128xi32, #tpu.memory_space<vmem>>
      %dma_wait3A_391 = tpu.memref_squeeze %dma_wait3A_390 : memref<1x128xi32, #tpu.memory_space<vmem>> -> memref<128xi32, #tpu.memory_space<vmem>>
      %dma_wait3A_392 = arith.constant 0 : i32
      %dma_wait3A_393 = arith.constant 0 : i32
      %dma_wait3A_394 = tpu.memref_slice %arg39[%dma_wait3A_392, %dma_wait3A_393] : memref<10112x32xf32, #tpu.memory_space<vmem_shared>> -> memref<10112x32xf32, #tpu.memory_space<vmem_shared>>
      tpu.wait_indirect_dma semaphore(%arg27 : memref<!tpu.dma_semaphore, #tpu.memory_space<semaphore_mem>>) src(%dma_wait3A_394 : memref<10112x32xf32, #tpu.memory_space<vmem_shared>>) dst(%arg17 : memref<128x32xf32, #tpu.memory_space<vmem>>)
      %dma_start3A_395 = arith.constant 0 : i32
      %dma_start3A_396 = tpu.memref_slice %arg8[%add3A_387, %dma_start3A_395] : memref<80x128xi32, #tpu.memory_space<vmem>> -> memref<1x128xi32, #tpu.memory_space<vmem>>
      %dma_start3A_397 = tpu.memref_squeeze %dma_start3A_396 : memref<1x128xi32, #tpu.memory_space<vmem>> -> memref<128xi32, #tpu.memory_space<vmem>>
      %dma_start3A_398 = arith.constant 0 : i32
      %dma_start3A_399 = arith.constant 0 : i32
      %dma_start3A_400 = tpu.memref_slice %arg40[%dma_start3A_398, %dma_start3A_399] : memref<10112x32xf32, #tpu.memory_space<vmem_shared>> -> memref<10112x32xf32, #tpu.memory_space<vmem_shared>>
      tpu.enqueue_indirect_dma source(%arg17 : memref<128x32xf32, #tpu.memory_space<vmem>>) target(%dma_start3A_400 : memref<10112x32xf32, #tpu.memory_space<vmem_shared>>) offsets(%dma_start3A_397 : memref<128xi32, #tpu.memory_space<vmem>>) semaphore(%arg37 : memref<!tpu.dma_semaphore, #tpu.memory_space<semaphore_mem>>) {add = true}
      %add3A_401 = arith.constant 9 : i32
      %add3A_402 = arith.addi %add3A_387, %add3A_401 : i32
      %lt3A_403 = arith.constant 80 : i32
      %lt3A_404 = arith.cmpi slt, %add3A_402, %lt3A_403 : i32
      %convert_element_type3A_405 = arith.extui %lt3A_404 : i1 to i32
      %cond3A_406 = arith.constant 0 : i32
      %cond3A_407 = arith.cmpi ne, %convert_element_type3A_405, %cond3A_406 : i32
      scf.if %cond3A_407 {
        %ge3A = arith.constant 10 : i32
        %ge3A_432 = arith.cmpi sge, %add3A_402, %ge3A : i32
        %convert_element_type3A_433 = arith.extui %ge3A_432 : i1 to i32
        %cond3A_434 = arith.constant 0 : i32
        %cond3A_435 = arith.cmpi ne, %convert_element_type3A_433, %cond3A_434 : i32
        scf.if %cond3A_435 {
          %dma_wait3A_442 = arith.constant 0 : i32
          %dma_wait3A_443 = tpu.memref_slice %arg8[%add3A_387, %dma_wait3A_442] : memref<80x128xi32, #tpu.memory_space<vmem>> -> memref<1x128xi32, #tpu.memory_space<vmem>>
          %dma_wait3A_444 = tpu.memref_squeeze %dma_wait3A_443 : memref<1x128xi32, #tpu.memory_space<vmem>> -> memref<128xi32, #tpu.memory_space<vmem>>
          %dma_wait3A_445 = arith.constant 0 : i32
          %dma_wait3A_446 = arith.constant 0 : i32
          %dma_wait3A_447 = tpu.memref_slice %arg40[%dma_wait3A_445, %dma_wait3A_446] : memref<10112x32xf32, #tpu.memory_space<vmem_shared>> -> memref<10112x32xf32, #tpu.memory_space<vmem_shared>>
          tpu.wait_indirect_dma semaphore(%arg36 : memref<!tpu.dma_semaphore, #tpu.memory_space<semaphore_mem>>) src(%arg16 : memref<128x32xf32, #tpu.memory_space<vmem>>) dst(%dma_wait3A_447 : memref<10112x32xf32, #tpu.memory_space<vmem_shared>>)
        } else {
        }
        %dma_start3A_436 = arith.constant 0 : i32
        %dma_start3A_437 = tpu.memref_slice %arg7[%add3A_402, %dma_start3A_436] : memref<80x128xi32, #tpu.memory_space<vmem>> -> memref<1x128xi32, #tpu.memory_space<vmem>>
        %dma_start3A_438 = tpu.memref_squeeze %dma_start3A_437 : memref<1x128xi32, #tpu.memory_space<vmem>> -> memref<128xi32, #tpu.memory_space<vmem>>
        %dma_start3A_439 = arith.constant 0 : i32
        %dma_start3A_440 = arith.constant 0 : i32
        %dma_start3A_441 = tpu.memref_slice %arg39[%dma_start3A_439, %dma_start3A_440] : memref<10112x32xf32, #tpu.memory_space<vmem_shared>> -> memref<10112x32xf32, #tpu.memory_space<vmem_shared>>
        tpu.enqueue_indirect_dma source(%dma_start3A_441 : memref<10112x32xf32, #tpu.memory_space<vmem_shared>>) target(%arg16 : memref<128x32xf32, #tpu.memory_space<vmem>>) offsets(%dma_start3A_438 : memref<128xi32, #tpu.memory_space<vmem>>) semaphore(%arg26 : memref<!tpu.dma_semaphore, #tpu.memory_space<semaphore_mem>>)
      } else {
      }
      %mul3A_408 = arith.constant 10 : i32
      %mul3A_409 = arith.muli %scan3A_192, %mul3A_408 : i32
      %add3A_410 = arith.constant 9 : i32
      %add3A_411 = arith.addi %mul3A_409, %add3A_410 : i32
      %dma_wait3A_412 = arith.constant 9 : i32
      %dma_wait3A_413 = arith.constant 0 : i32
      %dma_wait3A_414 = tpu.memref_slice %arg7[%dma_wait3A_412, %dma_wait3A_413] : memref<80x128xi32, #tpu.memory_space<vmem>> -> memref<1x128xi32, #tpu.memory_space<vmem>>
      %dma_wait3A_415 = tpu.memref_squeeze %dma_wait3A_414 : memref<1x128xi32, #tpu.memory_space<vmem>> -> memref<128xi32, #tpu.memory_space<vmem>>
      %dma_wait3A_416 = arith.constant 0 : i32
      %dma_wait3A_417 = arith.constant 0 : i32
      %dma_wait3A_418 = tpu.memref_slice %arg39[%dma_wait3A_416, %dma_wait3A_417] : memref<10112x32xf32, #tpu.memory_space<vmem_shared>> -> memref<10112x32xf32, #tpu.memory_space<vmem_shared>>
      tpu.wait_indirect_dma semaphore(%arg28 : memref<!tpu.dma_semaphore, #tpu.memory_space<semaphore_mem>>) src(%dma_wait3A_418 : memref<10112x32xf32, #tpu.memory_space<vmem_shared>>) dst(%arg18 : memref<128x32xf32, #tpu.memory_space<vmem>>)
      %dma_start3A_419 = arith.constant 0 : i32
      %dma_start3A_420 = tpu.memref_slice %arg8[%add3A_411, %dma_start3A_419] : memref<80x128xi32, #tpu.memory_space<vmem>> -> memref<1x128xi32, #tpu.memory_space<vmem>>
      %dma_start3A_421 = tpu.memref_squeeze %dma_start3A_420 : memref<1x128xi32, #tpu.memory_space<vmem>> -> memref<128xi32, #tpu.memory_space<vmem>>
      %dma_start3A_422 = arith.constant 0 : i32
      %dma_start3A_423 = arith.constant 0 : i32
      %dma_start3A_424 = tpu.memref_slice %arg40[%dma_start3A_422, %dma_start3A_423] : memref<10112x32xf32, #tpu.memory_space<vmem_shared>> -> memref<10112x32xf32, #tpu.memory_space<vmem_shared>>
      tpu.enqueue_indirect_dma source(%arg18 : memref<128x32xf32, #tpu.memory_space<vmem>>) target(%dma_start3A_424 : memref<10112x32xf32, #tpu.memory_space<vmem_shared>>) offsets(%dma_start3A_421 : memref<128xi32, #tpu.memory_space<vmem>>) semaphore(%arg38 : memref<!tpu.dma_semaphore, #tpu.memory_space<semaphore_mem>>) {add = true}
      %add3A_425 = arith.constant 9 : i32
      %add3A_426 = arith.addi %add3A_411, %add3A_425 : i32
      %lt3A_427 = arith.constant 80 : i32
      %lt3A_428 = arith.cmpi slt, %add3A_426, %lt3A_427 : i32
      %convert_element_type3A_429 = arith.extui %lt3A_428 : i1 to i32
      %cond3A_430 = arith.constant 0 : i32
      %cond3A_431 = arith.cmpi ne, %convert_element_type3A_429, %cond3A_430 : i32
      scf.if %cond3A_431 {
        %ge3A = arith.constant 10 : i32
        %ge3A_432 = arith.cmpi sge, %add3A_426, %ge3A : i32
        %convert_element_type3A_433 = arith.extui %ge3A_432 : i1 to i32
        %cond3A_434 = arith.constant 0 : i32
        %cond3A_435 = arith.cmpi ne, %convert_element_type3A_433, %cond3A_434 : i32
        scf.if %cond3A_435 {
          %dma_wait3A_442 = arith.constant 0 : i32
          %dma_wait3A_443 = tpu.memref_slice %arg8[%add3A_411, %dma_wait3A_442] : memref<80x128xi32, #tpu.memory_space<vmem>> -> memref<1x128xi32, #tpu.memory_space<vmem>>
          %dma_wait3A_444 = tpu.memref_squeeze %dma_wait3A_443 : memref<1x128xi32, #tpu.memory_space<vmem>> -> memref<128xi32, #tpu.memory_space<vmem>>
          %dma_wait3A_445 = arith.constant 0 : i32
          %dma_wait3A_446 = arith.constant 0 : i32
          %dma_wait3A_447 = tpu.memref_slice %arg40[%dma_wait3A_445, %dma_wait3A_446] : memref<10112x32xf32, #tpu.memory_space<vmem_shared>> -> memref<10112x32xf32, #tpu.memory_space<vmem_shared>>
          tpu.wait_indirect_dma semaphore(%arg37 : memref<!tpu.dma_semaphore, #tpu.memory_space<semaphore_mem>>) src(%arg17 : memref<128x32xf32, #tpu.memory_space<vmem>>) dst(%dma_wait3A_447 : memref<10112x32xf32, #tpu.memory_space<vmem_shared>>)
        } else {
        }
        %dma_start3A_436 = arith.constant 0 : i32
        %dma_start3A_437 = tpu.memref_slice %arg7[%add3A_426, %dma_start3A_436] : memref<80x128xi32, #tpu.memory_space<vmem>> -> memref<1x128xi32, #tpu.memory_space<vmem>>
        %dma_start3A_438 = tpu.memref_squeeze %dma_start3A_437 : memref<1x128xi32, #tpu.memory_space<vmem>> -> memref<128xi32, #tpu.memory_space<vmem>>
        %dma_start3A_439 = arith.constant 0 : i32
        %dma_start3A_440 = arith.constant 0 : i32
        %dma_start3A_441 = tpu.memref_slice %arg39[%dma_start3A_439, %dma_start3A_440] : memref<10112x32xf32, #tpu.memory_space<vmem_shared>> -> memref<10112x32xf32, #tpu.memory_space<vmem_shared>>
        tpu.enqueue_indirect_dma source(%dma_start3A_441 : memref<10112x32xf32, #tpu.memory_space<vmem_shared>>) target(%arg17 : memref<128x32xf32, #tpu.memory_space<vmem>>) offsets(%dma_start3A_438 : memref<128xi32, #tpu.memory_space<vmem>>) semaphore(%arg27 : memref<!tpu.dma_semaphore, #tpu.memory_space<semaphore_mem>>)
      } else {
      }
    }
    %scan3A_120 = arith.constant 8 : i32
    %dma_wait3A_121 = arith.constant 0 : i32
    %dma_wait3A_122 = arith.constant 0 : i32
    %dma_wait3A_123 = tpu.memref_slice %arg8[%dma_wait3A_121, %dma_wait3A_122] : memref<80x128xi32, #tpu.memory_space<vmem>> -> memref<1x128xi32, #tpu.memory_space<vmem>>
    %dma_wait3A_124 = tpu.memref_squeeze %dma_wait3A_123 : memref<1x128xi32, #tpu.memory_space<vmem>> -> memref<128xi32, #tpu.memory_space<vmem>>
    %dma_wait3A_125 = arith.constant 0 : i32
    %dma_wait3A_126 = arith.constant 0 : i32
    %dma_wait3A_127 = tpu.memref_slice %arg40[%dma_wait3A_125, %dma_wait3A_126] : memref<10112x32xf32, #tpu.memory_space<vmem_shared>> -> memref<10112x32xf32, #tpu.memory_space<vmem_shared>>
    tpu.wait_indirect_dma semaphore(%arg29 : memref<!tpu.dma_semaphore, #tpu.memory_space<semaphore_mem>>) src(%arg9 : memref<128x32xf32, #tpu.memory_space<vmem>>) dst(%dma_wait3A_127 : memref<10112x32xf32, #tpu.memory_space<vmem_shared>>)
    %dma_wait3A_128 = arith.constant 1 : i32
    %dma_wait3A_129 = arith.constant 0 : i32
    %dma_wait3A_130 = tpu.memref_slice %arg8[%dma_wait3A_128, %dma_wait3A_129] : memref<80x128xi32, #tpu.memory_space<vmem>> -> memref<1x128xi32, #tpu.memory_space<vmem>>
    %dma_wait3A_131 = tpu.memref_squeeze %dma_wait3A_130 : memref<1x128xi32, #tpu.memory_space<vmem>> -> memref<128xi32, #tpu.memory_space<vmem>>
    %dma_wait3A_132 = arith.constant 0 : i32
    %dma_wait3A_133 = arith.constant 0 : i32
    %dma_wait3A_134 = tpu.memref_slice %arg40[%dma_wait3A_132, %dma_wait3A_133] : memref<10112x32xf32, #tpu.memory_space<vmem_shared>> -> memref<10112x32xf32, #tpu.memory_space<vmem_shared>>
    tpu.wait_indirect_dma semaphore(%arg30 : memref<!tpu.dma_semaphore, #tpu.memory_space<semaphore_mem>>) src(%arg10 : memref<128x32xf32, #tpu.memory_space<vmem>>) dst(%dma_wait3A_134 : memref<10112x32xf32, #tpu.memory_space<vmem_shared>>)
    %dma_wait3A_135 = arith.constant 2 : i32
    %dma_wait3A_136 = arith.constant 0 : i32
    %dma_wait3A_137 = tpu.memref_slice %arg8[%dma_wait3A_135, %dma_wait3A_136] : memref<80x128xi32, #tpu.memory_space<vmem>> -> memref<1x128xi32, #tpu.memory_space<vmem>>
    %dma_wait3A_138 = tpu.memref_squeeze %dma_wait3A_137 : memref<1x128xi32, #tpu.memory_space<vmem>> -> memref<128xi32, #tpu.memory_space<vmem>>
    %dma_wait3A_139 = arith.constant 0 : i32
    %dma_wait3A_140 = arith.constant 0 : i32
    %dma_wait3A_141 = tpu.memref_slice %arg40[%dma_wait3A_139, %dma_wait3A_140] : memref<10112x32xf32, #tpu.memory_space<vmem_shared>> -> memref<10112x32xf32, #tpu.memory_space<vmem_shared>>
    tpu.wait_indirect_dma semaphore(%arg31 : memref<!tpu.dma_semaphore, #tpu.memory_space<semaphore_mem>>) src(%arg11 : memref<128x32xf32, #tpu.memory_space<vmem>>) dst(%dma_wait3A_141 : memref<10112x32xf32, #tpu.memory_space<vmem_shared>>)
    %dma_wait3A_142 = arith.constant 3 : i32
    %dma_wait3A_143 = arith.constant 0 : i32
    %dma_wait3A_144 = tpu.memref_slice %arg8[%dma_wait3A_142, %dma_wait3A_143] : memref<80x128xi32, #tpu.memory_space<vmem>> -> memref<1x128xi32, #tpu.memory_space<vmem>>
    %dma_wait3A_145 = tpu.memref_squeeze %dma_wait3A_144 : memref<1x128xi32, #tpu.memory_space<vmem>> -> memref<128xi32, #tpu.memory_space<vmem>>
    %dma_wait3A_146 = arith.constant 0 : i32
    %dma_wait3A_147 = arith.constant 0 : i32
    %dma_wait3A_148 = tpu.memref_slice %arg40[%dma_wait3A_146, %dma_wait3A_147] : memref<10112x32xf32, #tpu.memory_space<vmem_shared>> -> memref<10112x32xf32, #tpu.memory_space<vmem_shared>>
    tpu.wait_indirect_dma semaphore(%arg32 : memref<!tpu.dma_semaphore, #tpu.memory_space<semaphore_mem>>) src(%arg12 : memref<128x32xf32, #tpu.memory_space<vmem>>) dst(%dma_wait3A_148 : memref<10112x32xf32, #tpu.memory_space<vmem_shared>>)
    %dma_wait3A_149 = arith.constant 4 : i32
    %dma_wait3A_150 = arith.constant 0 : i32
    %dma_wait3A_151 = tpu.memref_slice %arg8[%dma_wait3A_149, %dma_wait3A_150] : memref<80x128xi32, #tpu.memory_space<vmem>> -> memref<1x128xi32, #tpu.memory_space<vmem>>
    %dma_wait3A_152 = tpu.memref_squeeze %dma_wait3A_151 : memref<1x128xi32, #tpu.memory_space<vmem>> -> memref<128xi32, #tpu.memory_space<vmem>>
    %dma_wait3A_153 = arith.constant 0 : i32
    %dma_wait3A_154 = arith.constant 0 : i32
    %dma_wait3A_155 = tpu.memref_slice %arg40[%dma_wait3A_153, %dma_wait3A_154] : memref<10112x32xf32, #tpu.memory_space<vmem_shared>> -> memref<10112x32xf32, #tpu.memory_space<vmem_shared>>
    tpu.wait_indirect_dma semaphore(%arg33 : memref<!tpu.dma_semaphore, #tpu.memory_space<semaphore_mem>>) src(%arg13 : memref<128x32xf32, #tpu.memory_space<vmem>>) dst(%dma_wait3A_155 : memref<10112x32xf32, #tpu.memory_space<vmem_shared>>)
    %dma_wait3A_156 = arith.constant 5 : i32
    %dma_wait3A_157 = arith.constant 0 : i32
    %dma_wait3A_158 = tpu.memref_slice %arg8[%dma_wait3A_156, %dma_wait3A_157] : memref<80x128xi32, #tpu.memory_space<vmem>> -> memref<1x128xi32, #tpu.memory_space<vmem>>
    %dma_wait3A_159 = tpu.memref_squeeze %dma_wait3A_158 : memref<1x128xi32, #tpu.memory_space<vmem>> -> memref<128xi32, #tpu.memory_space<vmem>>
    %dma_wait3A_160 = arith.constant 0 : i32
    %dma_wait3A_161 = arith.constant 0 : i32
    %dma_wait3A_162 = tpu.memref_slice %arg40[%dma_wait3A_160, %dma_wait3A_161] : memref<10112x32xf32, #tpu.memory_space<vmem_shared>> -> memref<10112x32xf32, #tpu.memory_space<vmem_shared>>
    tpu.wait_indirect_dma semaphore(%arg34 : memref<!tpu.dma_semaphore, #tpu.memory_space<semaphore_mem>>) src(%arg14 : memref<128x32xf32, #tpu.memory_space<vmem>>) dst(%dma_wait3A_162 : memref<10112x32xf32, #tpu.memory_space<vmem_shared>>)
    %dma_wait3A_163 = arith.constant 6 : i32
    %dma_wait3A_164 = arith.constant 0 : i32
    %dma_wait3A_165 = tpu.memref_slice %arg8[%dma_wait3A_163, %dma_wait3A_164] : memref<80x128xi32, #tpu.memory_space<vmem>> -> memref<1x128xi32, #tpu.memory_space<vmem>>
    %dma_wait3A_166 = tpu.memref_squeeze %dma_wait3A_165 : memref<1x128xi32, #tpu.memory_space<vmem>> -> memref<128xi32, #tpu.memory_space<vmem>>
    %dma_wait3A_167 = arith.constant 0 : i32
    %dma_wait3A_168 = arith.constant 0 : i32
    %dma_wait3A_169 = tpu.memref_slice %arg40[%dma_wait3A_167, %dma_wait3A_168] : memref<10112x32xf32, #tpu.memory_space<vmem_shared>> -> memref<10112x32xf32, #tpu.memory_space<vmem_shared>>
    tpu.wait_indirect_dma semaphore(%arg35 : memref<!tpu.dma_semaphore, #tpu.memory_space<semaphore_mem>>) src(%arg15 : memref<128x32xf32, #tpu.memory_space<vmem>>) dst(%dma_wait3A_169 : memref<10112x32xf32, #tpu.memory_space<vmem_shared>>)
    %dma_wait3A_170 = arith.constant 7 : i32
    %dma_wait3A_171 = arith.constant 0 : i32
    %dma_wait3A_172 = tpu.memref_slice %arg8[%dma_wait3A_170, %dma_wait3A_171] : memref<80x128xi32, #tpu.memory_space<vmem>> -> memref<1x128xi32, #tpu.memory_space<vmem>>
    %dma_wait3A_173 = tpu.memref_squeeze %dma_wait3A_172 : memref<1x128xi32, #tpu.memory_space<vmem>> -> memref<128xi32, #tpu.memory_space<vmem>>
    %dma_wait3A_174 = arith.constant 0 : i32
    %dma_wait3A_175 = arith.constant 0 : i32
    %dma_wait3A_176 = tpu.memref_slice %arg40[%dma_wait3A_174, %dma_wait3A_175] : memref<10112x32xf32, #tpu.memory_space<vmem_shared>> -> memref<10112x32xf32, #tpu.memory_space<vmem_shared>>
    tpu.wait_indirect_dma semaphore(%arg36 : memref<!tpu.dma_semaphore, #tpu.memory_space<semaphore_mem>>) src(%arg16 : memref<128x32xf32, #tpu.memory_space<vmem>>) dst(%dma_wait3A_176 : memref<10112x32xf32, #tpu.memory_space<vmem_shared>>)
    %dma_wait3A_177 = arith.constant 8 : i32
    %dma_wait3A_178 = arith.constant 0 : i32
    %dma_wait3A_179 = tpu.memref_slice %arg8[%dma_wait3A_177, %dma_wait3A_178] : memref<80x128xi32, #tpu.memory_space<vmem>> -> memref<1x128xi32, #tpu.memory_space<vmem>>
    %dma_wait3A_180 = tpu.memref_squeeze %dma_wait3A_179 : memref<1x128xi32, #tpu.memory_space<vmem>> -> memref<128xi32, #tpu.memory_space<vmem>>
    %dma_wait3A_181 = arith.constant 0 : i32
    %dma_wait3A_182 = arith.constant 0 : i32
    %dma_wait3A_183 = tpu.memref_slice %arg40[%dma_wait3A_181, %dma_wait3A_182] : memref<10112x32xf32, #tpu.memory_space<vmem_shared>> -> memref<10112x32xf32, #tpu.memory_space<vmem_shared>>
    tpu.wait_indirect_dma semaphore(%arg37 : memref<!tpu.dma_semaphore, #tpu.memory_space<semaphore_mem>>) src(%arg17 : memref<128x32xf32, #tpu.memory_space<vmem>>) dst(%dma_wait3A_183 : memref<10112x32xf32, #tpu.memory_space<vmem_shared>>)
    %dma_wait3A_184 = arith.constant 9 : i32
    %dma_wait3A_185 = arith.constant 0 : i32
    %dma_wait3A_186 = tpu.memref_slice %arg8[%dma_wait3A_184, %dma_wait3A_185] : memref<80x128xi32, #tpu.memory_space<vmem>> -> memref<1x128xi32, #tpu.memory_space<vmem>>
    %dma_wait3A_187 = tpu.memref_squeeze %dma_wait3A_186 : memref<1x128xi32, #tpu.memory_space<vmem>> -> memref<128xi32, #tpu.memory_space<vmem>>
    %dma_wait3A_188 = arith.constant 0 : i32
    %dma_wait3A_189 = arith.constant 0 : i32
    %dma_wait3A_190 = tpu.memref_slice %arg40[%dma_wait3A_188, %dma_wait3A_189] : memref<10112x32xf32, #tpu.memory_space<vmem_shared>> -> memref<10112x32xf32, #tpu.memory_space<vmem_shared>>
    tpu.wait_indirect_dma semaphore(%arg38 : memref<!tpu.dma_semaphore, #tpu.memory_space<semaphore_mem>>) src(%arg18 : memref<128x32xf32, #tpu.memory_space<vmem>>) dst(%dma_wait3A_190 : memref<10112x32xf32, #tpu.memory_space<vmem_shared>>)
    %barrier3A_191 = arith.constant 0 : index
    tpu.barrier barrier_id(%barrier3A_191)
    "tpu.region"() ({
      %run_scoped3A = tpu.sem_alloc : memref<!tpu.dma_semaphore, #tpu.memory_space<semaphore_mem>>
      %dma_start3A_192 = arith.constant 0 : i32
      %dma_start3A_193 = tpu.memref_slice %arg6[%arg0, %mul3A_2, %dma_start3A_192] : memref<2x10112x32xf32, #tpu.memory_space<hbm>> -> memref<1x632x32xf32, #tpu.memory_space<hbm>>
      %dma_start3A_194 = tpu.memref_squeeze %dma_start3A_193 : memref<1x632x32xf32, #tpu.memory_space<hbm>> -> memref<632x32xf32, #tpu.memory_space<hbm>>
      %dma_start3A_195 = arith.constant 0 : i32
      %dma_start3A_196 = tpu.memref_slice %arg40[%mul3A_2, %dma_start3A_195] : memref<10112x32xf32, #tpu.memory_space<vmem_shared>> -> memref<632x32xf32, #tpu.memory_space<vmem_shared>>
      tpu.enqueue_dma source(%dma_start3A_196 : memref<632x32xf32, #tpu.memory_space<vmem_shared>>) target(%dma_start3A_194 : memref<632x32xf32, #tpu.memory_space<hbm>>) target_semaphore(%run_scoped3A : memref<!tpu.dma_semaphore, #tpu.memory_space<semaphore_mem>>)
      %dma_wait3A_197 = arith.constant 0 : i32
      %dma_wait3A_198 = tpu.memref_slice %arg6[%arg0, %mul3A_2, %dma_wait3A_197] : memref<2x10112x32xf32, #tpu.memory_space<hbm>> -> memref<1x632x32xf32, #tpu.memory_space<hbm>>
      %dma_wait3A_199 = tpu.memref_squeeze %dma_wait3A_198 : memref<1x632x32xf32, #tpu.memory_space<hbm>> -> memref<632x32xf32, #tpu.memory_space<hbm>>
      %dma_wait3A_200 = arith.constant 0 : i32
      %dma_wait3A_201 = tpu.memref_slice %arg40[%mul3A_2, %dma_wait3A_200] : memref<10112x32xf32, #tpu.memory_space<vmem_shared>> -> memref<632x32xf32, #tpu.memory_space<vmem_shared>>
      tpu.wait_dma2 semaphore(%run_scoped3A : memref<!tpu.dma_semaphore, #tpu.memory_space<semaphore_mem>>) src(%dma_wait3A_201 : memref<632x32xf32, #tpu.memory_space<vmem_shared>>) dst(%dma_wait3A_199 : memref<632x32xf32, #tpu.memory_space<hbm>>)
      tpu.yield
    }) : () -> ()
    return
  }
}

module attributes {stable_mosaic.version = 14 : i64} {
  func.func @_proj_body(%arg0: i32, %arg1: memref<2000x128xf32, #tpu.memory_space<vmem>>, %arg2: memref<128x32xf32, #tpu.memory_space<vmem>>, %arg3: memref<2000x32xf32, #tpu.memory_space<vmem>>) attributes {dimension_semantics = [#tpu.dimension_semantics<arbitrary>], iteration_bounds = array<i64: 5>, scalar_prefetch = 0 : i64, scratch_operands = 0 : i64, tpu.core_type = #tpu.core_type<tc>, window_params = [{transform_indices = @transform_0, window_bounds = array<i64: 2000, 128>}, {pipeline_mode = #tpu.pipeline_mode<synchronous>, transform_indices = @transform_1, window_bounds = array<i64: 128, 32>}, {transform_indices = @transform_2, window_bounds = array<i64: 2000, 32>}]} {
    %get3A = arith.constant 0 : index
    %get3A_0 = arith.constant 0 : index
    %get3A_1 = vector.load %arg1[%get3A, %get3A_0] : memref<2000x128xf32, #tpu.memory_space<vmem>>, vector<2000x128xf32>
    %get3A_2 = arith.constant 0 : index
    %get3A_3 = arith.constant 0 : index
    %get3A_4 = vector.load %arg2[%get3A_2, %get3A_3] : memref<128x32xf32, #tpu.memory_space<vmem>>, vector<128x32xf32>
    %dot_general3A = arith.constant dense<0.000000e+00> : vector<2000x32xf32>
    %dot_general3A_5 = tpu.matmul %get3A_1, %get3A_4, %dot_general3A {dimension_numbers = #tpu.dot_dimension_numbers<[1], [0], [0], [1], [0, 0, 1, 1], [], []>, transpose_lhs_hint = false} : vector<2000x128xf32>, vector<128x32xf32>, vector<2000x32xf32> -> vector<2000x32xf32>
    %swap3A = arith.constant 0 : index
    %swap3A_6 = arith.constant 0 : index
    %swap3A_7 = vector.load %arg3[%swap3A, %swap3A_6] : memref<2000x32xf32, #tpu.memory_space<vmem>>, vector<2000x32xf32>
    tpu.vector_store %arg3[%swap3A, %swap3A_6], %dot_general3A_5 {strides = array<i32>} : memref<2000x32xf32, #tpu.memory_space<vmem>>, vector<2000x32xf32>,
    return
  }
  func.func @transform_0(%arg0: i32) -> (i32, i32) {
    %c0_i32 = arith.constant 0 : i32
    %c0_i32_0 = arith.constant 0 : i32
    return %arg0, %c0_i32 : i32, i32
  }
  func.func @transform_1(%arg0: i32) -> (i32, i32) {
    %c0_i32 = arith.constant 0 : i32
    %c0_i32_0 = arith.constant 0 : i32
    %c0_i32_1 = arith.constant 0 : i32
    return %c0_i32, %c0_i32_0 : i32, i32
  }
  func.func @transform_2(%arg0: i32) -> (i32, i32) {
    %c0_i32 = arith.constant 0 : i32
    %c0_i32_0 = arith.constant 0 : i32
    return %arg0, %c0_i32 : i32, i32
  }
}

module attributes {stable_mosaic.version = 14 : i64} {
  func.func @_head_body(%arg0: i32, %arg1: memref<1264x32xf32, #tpu.memory_space<vmem>>, %arg2: memref<1264x32xf32, #tpu.memory_space<vmem>>, %arg3: memref<1x32xf32, #tpu.memory_space<vmem>>, %arg4: memref<32x32xf32, #tpu.memory_space<vmem>>, %arg5: memref<1x32xf32, #tpu.memory_space<vmem>>, %arg6: memref<1x32xf32, #tpu.memory_space<vmem>>, %arg7: memref<1x32xf32, #tpu.memory_space<vmem>>, %arg8: memref<32x40xf32, #tpu.memory_space<vmem>>, %arg9: memref<1x40xf32, #tpu.memory_space<vmem>>, %arg10: memref<1264x40xf32, #tpu.memory_space<vmem>>) attributes {dimension_semantics = [#tpu.dimension_semantics<arbitrary>], iteration_bounds = array<i64: 8>, scalar_prefetch = 0 : i64, scratch_operands = 0 : i64, tpu.core_type = #tpu.core_type<tc>, window_params = [{transform_indices = @transform_0, window_bounds = array<i64: 1264, 32>}, {transform_indices = @transform_1, window_bounds = array<i64: 1264, 32>}, {pipeline_mode = #tpu.pipeline_mode<synchronous>, transform_indices = @transform_2, window_bounds = array<i64: 1, 32>}, {pipeline_mode = #tpu.pipeline_mode<synchronous>, transform_indices = @transform_3, window_bounds = array<i64: 32, 32>}, {pipeline_mode = #tpu.pipeline_mode<synchronous>, transform_indices = @transform_4, window_bounds = array<i64: 1, 32>}, {pipeline_mode = #tpu.pipeline_mode<synchronous>, transform_indices = @transform_5, window_bounds = array<i64: 1, 32>}, {pipeline_mode = #tpu.pipeline_mode<synchronous>, transform_indices = @transform_6, window_bounds = array<i64: 1, 32>}, {pipeline_mode = #tpu.pipeline_mode<synchronous>, transform_indices = @transform_7, window_bounds = array<i64: 32, 40>}, {pipeline_mode = #tpu.pipeline_mode<synchronous>, transform_indices = @transform_8, window_bounds = array<i64: 1, 40>}, {transform_indices = @transform_9, window_bounds = array<i64: 1264, 40>}]} {
    %get3A = arith.constant 0 : index
    %get3A_0 = arith.constant 0 : index
    %get3A_1 = vector.load %arg1[%get3A, %get3A_0] : memref<1264x32xf32, #tpu.memory_space<vmem>>, vector<1264x32xf32>
    %get3A_2 = arith.constant 0 : index
    %get3A_3 = arith.constant 0 : index
    %get3A_4 = vector.load %arg2[%get3A_2, %get3A_3] : memref<1264x32xf32, #tpu.memory_space<vmem>>, vector<1264x32xf32>
    %add3A = arith.addf %get3A_1, %get3A_4 : vector<1264x32xf32>
    %get3A_5 = arith.constant 0 : index
    %get3A_6 = arith.constant 0 : index
    %get3A_7 = vector.load %arg3[%get3A_5, %get3A_6] : memref<1x32xf32, #tpu.memory_space<vmem>>, vector<1x32xf32>
    %add3A_8 = vector.broadcast %get3A_7 : vector<1x32xf32> to vector<1264x32xf32>
    %add3A_9 = arith.addf %add3A, %add3A_8 : vector<1264x32xf32>
    %max3A = arith.constant 0.000000e+00 : f32
    %max3A_10 = vector.broadcast %max3A : f32 to vector<1264x32xf32>
    %max3A_11 = arith.maximumf %add3A_9, %max3A_10 : vector<1264x32xf32>
    %get3A_12 = arith.constant 0 : index
    %get3A_13 = arith.constant 0 : index
    %get3A_14 = vector.load %arg4[%get3A_12, %get3A_13] : memref<32x32xf32, #tpu.memory_space<vmem>>, vector<32x32xf32>
    %dot_general3A = arith.constant dense<0.000000e+00> : vector<1264x32xf32>
    %dot_general3A_15 = tpu.matmul %max3A_11, %get3A_14, %dot_general3A {dimension_numbers = #tpu.dot_dimension_numbers<[1], [0], [0], [1], [0, 0, 1, 1], [], []>, transpose_lhs_hint = false} : vector<1264x32xf32>, vector<32x32xf32>, vector<1264x32xf32> -> vector<1264x32xf32>
    %get3A_16 = arith.constant 0 : index
    %get3A_17 = arith.constant 0 : index
    %get3A_18 = vector.load %arg5[%get3A_16, %get3A_17] : memref<1x32xf32, #tpu.memory_space<vmem>>, vector<1x32xf32>
    %add3A_19 = vector.broadcast %get3A_18 : vector<1x32xf32> to vector<1264x32xf32>
    %add3A_20 = arith.addf %dot_general3A_15, %add3A_19 : vector<1264x32xf32>
    %max3A_21 = arith.constant 0.000000e+00 : f32
    %max3A_22 = vector.broadcast %max3A_21 : f32 to vector<1264x32xf32>
    %max3A_23 = arith.maximumf %add3A_20, %max3A_22 : vector<1264x32xf32>
    %get3A_24 = arith.constant 0 : index
    %get3A_25 = arith.constant 0 : index
    %get3A_26 = vector.load %arg6[%get3A_24, %get3A_25] : memref<1x32xf32, #tpu.memory_space<vmem>>, vector<1x32xf32>
    %mul3A = arith.constant 0.999994993 : f32
    %mul3A_27 = vector.broadcast %mul3A : f32 to vector<1x32xf32>
    %mul3A_28 = arith.mulf %get3A_26, %mul3A_27 : vector<1x32xf32>
    %mul3A_29 = vector.broadcast %mul3A_28 : vector<1x32xf32> to vector<1264x32xf32>
    %mul3A_30 = arith.mulf %max3A_23, %mul3A_29 : vector<1264x32xf32>
    %get3A_31 = arith.constant 0 : index
    %get3A_32 = arith.constant 0 : index
    %get3A_33 = vector.load %arg7[%get3A_31, %get3A_32] : memref<1x32xf32, #tpu.memory_space<vmem>>, vector<1x32xf32>
    %add3A_34 = vector.broadcast %get3A_33 : vector<1x32xf32> to vector<1264x32xf32>
    %add3A_35 = arith.addf %mul3A_30, %add3A_34 : vector<1264x32xf32>
    %get3A_36 = arith.constant 0 : index
    %get3A_37 = arith.constant 0 : index
    %get3A_38 = vector.load %arg8[%get3A_36, %get3A_37] : memref<32x40xf32, #tpu.memory_space<vmem>>, vector<32x40xf32>
    %dot_general3A_39 = arith.constant dense<0.000000e+00> : vector<1264x40xf32>
    %dot_general3A_40 = tpu.matmul %add3A_35, %get3A_38, %dot_general3A_39 {dimension_numbers = #tpu.dot_dimension_numbers<[1], [0], [0], [1], [0, 0, 1, 1], [], []>, transpose_lhs_hint = false} : vector<1264x32xf32>, vector<32x40xf32>, vector<1264x40xf32> -> vector<1264x40xf32>
    %get3A_41 = arith.constant 0 : index
    %get3A_42 = arith.constant 0 : index
    %get3A_43 = vector.load %arg9[%get3A_41, %get3A_42] : memref<1x40xf32, #tpu.memory_space<vmem>>, vector<1x40xf32>
    %add3A_44 = vector.broadcast %get3A_43 : vector<1x40xf32> to vector<1264x40xf32>
    %add3A_45 = arith.addf %dot_general3A_40, %add3A_44 : vector<1264x40xf32>
    %reduce_max3A = arith.constant dense<0xFF800000> : vector<1264xf32>
    %reduce_max3A_46 = vector.multi_reduction <maximumf>, %add3A_45, %reduce_max3A [1] : vector<1264x40xf32> to vector<1264xf32>
    %broadcast_in_dim3A = vector.shape_cast %reduce_max3A_46 : vector<1264xf32> to vector<1264x1xf32>
    %sub3A = vector.broadcast %broadcast_in_dim3A : vector<1264x1xf32> to vector<1264x40xf32>
    %sub3A_47 = arith.subf %add3A_45, %sub3A : vector<1264x40xf32>
    %exp3A = math.exp %sub3A_47 : vector<1264x40xf32>
    %reduce_sum3A = arith.constant dense<0.000000e+00> : vector<1264xf32>
    %reduce_sum3A_48 = vector.multi_reduction <add>, %exp3A, %reduce_sum3A [1] : vector<1264x40xf32> to vector<1264xf32>
    %broadcast_in_dim3A_49 = vector.shape_cast %reduce_sum3A_48 : vector<1264xf32> to vector<1264x1xf32>
    %log3A = math.log %broadcast_in_dim3A_49 : vector<1264x1xf32>
    %sub3A_50 = vector.broadcast %log3A : vector<1264x1xf32> to vector<1264x40xf32>
    %sub3A_51 = arith.subf %sub3A_47, %sub3A_50 : vector<1264x40xf32>
    %swap3A = arith.constant 0 : index
    %swap3A_52 = arith.constant 0 : index
    %swap3A_53 = vector.load %arg10[%swap3A, %swap3A_52] : memref<1264x40xf32, #tpu.memory_space<vmem>>, vector<1264x40xf32>
    tpu.vector_store %arg10[%swap3A, %swap3A_52], %sub3A_51 {strides = array<i32>} : memref<1264x40xf32, #tpu.memory_space<vmem>>, vector<1264x40xf32>,
    return
  }
  func.func @transform_0(%arg0: i32) -> (i32, i32) {
    %c0_i32 = arith.constant 0 : i32
    %c0_i32_0 = arith.constant 0 : i32
    return %arg0, %c0_i32 : i32, i32
  }
  func.func @transform_1(%arg0: i32) -> (i32, i32) {
    %c0_i32 = arith.constant 0 : i32
    %c0_i32_0 = arith.constant 0 : i32
    return %arg0, %c0_i32 : i32, i32
  }
  func.func @transform_2(%arg0: i32) -> (i32, i32) {
    %c0_i32 = arith.constant 0 : i32
    %c0_i32_0 = arith.constant 0 : i32
    %c0_i32_1 = arith.constant 0 : i32
    return %c0_i32, %c0_i32_0 : i32, i32
  }
  func.func @transform_3(%arg0: i32) -> (i32, i32) {
    %c0_i32 = arith.constant 0 : i32
    %c0_i32_0 = arith.constant 0 : i32
    %c0_i32_1 = arith.constant 0 : i32
    return %c0_i32, %c0_i32_0 : i32, i32
  }
  func.func @transform_4(%arg0: i32) -> (i32, i32) {
    %c0_i32 = arith.constant 0 : i32
    %c0_i32_0 = arith.constant 0 : i32
    %c0_i32_1 = arith.constant 0 : i32
    return %c0_i32, %c0_i32_0 : i32, i32
  }
  func.func @transform_5(%arg0: i32) -> (i32, i32) {
    %c0_i32 = arith.constant 0 : i32
    %c0_i32_0 = arith.constant 0 : i32
    %c0_i32_1 = arith.constant 0 : i32
    return %c0_i32, %c0_i32_0 : i32, i32
  }
  func.func @transform_6(%arg0: i32) -> (i32, i32) {
    %c0_i32 = arith.constant 0 : i32
    %c0_i32_0 = arith.constant 0 : i32
    %c0_i32_1 = arith.constant 0 : i32
    return %c0_i32, %c0_i32_0 : i32, i32
  }
  func.func @transform_7(%arg0: i32) -> (i32, i32) {
    %c0_i32 = arith.constant 0 : i32
    %c0_i32_0 = arith.constant 0 : i32
    %c0_i32_1 = arith.constant 0 : i32
    return %c0_i32, %c0_i32_0 : i32, i32
  }
  func.func @transform_8(%arg0: i32) -> (i32, i32) {
    %c0_i32 = arith.constant 0 : i32
    %c0_i32_0 = arith.constant 0 : i32
    %c0_i32_1 = arith.constant 0 : i32
    return %c0_i32, %c0_i32_0 : i32, i32
  }
  func.func @transform_9(%arg0: i32) -> (i32, i32) {
    %c0_i32 = arith.constant 0 : i32
    %c0_i32_0 = arith.constant 0 : i32
    return %arg0, %c0_i32 : i32, i32
  }
}

module attributes {stable_mosaic.version = 14 : i64} {
  func.func @_mid_body(%arg0: i32, %arg1: memref<1264x32xf32, #tpu.memory_space<vmem>>, %arg2: memref<1264x32xf32, #tpu.memory_space<vmem>>, %arg3: memref<1x32xf32, #tpu.memory_space<vmem>>, %arg4: memref<32x32xf32, #tpu.memory_space<vmem>>, %arg5: memref<1x32xf32, #tpu.memory_space<vmem>>, %arg6: memref<1x32xf32, #tpu.memory_space<vmem>>, %arg7: memref<1x32xf32, #tpu.memory_space<vmem>>, %arg8: memref<32x32xf32, #tpu.memory_space<vmem>>, %arg9: memref<1264x32xf32, #tpu.memory_space<vmem>>) attributes {dimension_semantics = [#tpu.dimension_semantics<arbitrary>], iteration_bounds = array<i64: 8>, scalar_prefetch = 0 : i64, scratch_operands = 0 : i64, tpu.core_type = #tpu.core_type<tc>, window_params = [{transform_indices = @transform_0, window_bounds = array<i64: 1264, 32>}, {transform_indices = @transform_1, window_bounds = array<i64: 1264, 32>}, {pipeline_mode = #tpu.pipeline_mode<synchronous>, transform_indices = @transform_2, window_bounds = array<i64: 1, 32>}, {pipeline_mode = #tpu.pipeline_mode<synchronous>, transform_indices = @transform_3, window_bounds = array<i64: 32, 32>}, {pipeline_mode = #tpu.pipeline_mode<synchronous>, transform_indices = @transform_4, window_bounds = array<i64: 1, 32>}, {pipeline_mode = #tpu.pipeline_mode<synchronous>, transform_indices = @transform_5, window_bounds = array<i64: 1, 32>}, {pipeline_mode = #tpu.pipeline_mode<synchronous>, transform_indices = @transform_6, window_bounds = array<i64: 1, 32>}, {pipeline_mode = #tpu.pipeline_mode<synchronous>, transform_indices = @transform_7, window_bounds = array<i64: 32, 32>}, {transform_indices = @transform_8, window_bounds = array<i64: 1264, 32>}]} {
    %get3A = arith.constant 0 : index
    %get3A_0 = arith.constant 0 : index
    %get3A_1 = vector.load %arg1[%get3A, %get3A_0] : memref<1264x32xf32, #tpu.memory_space<vmem>>, vector<1264x32xf32>
    %get3A_2 = arith.constant 0 : index
    %get3A_3 = arith.constant 0 : index
    %get3A_4 = vector.load %arg2[%get3A_2, %get3A_3] : memref<1264x32xf32, #tpu.memory_space<vmem>>, vector<1264x32xf32>
    %add3A = arith.addf %get3A_1, %get3A_4 : vector<1264x32xf32>
    %get3A_5 = arith.constant 0 : index
    %get3A_6 = arith.constant 0 : index
    %get3A_7 = vector.load %arg3[%get3A_5, %get3A_6] : memref<1x32xf32, #tpu.memory_space<vmem>>, vector<1x32xf32>
    %add3A_8 = vector.broadcast %get3A_7 : vector<1x32xf32> to vector<1264x32xf32>
    %add3A_9 = arith.addf %add3A, %add3A_8 : vector<1264x32xf32>
    %max3A = arith.constant 0.000000e+00 : f32
    %max3A_10 = vector.broadcast %max3A : f32 to vector<1264x32xf32>
    %max3A_11 = arith.maximumf %add3A_9, %max3A_10 : vector<1264x32xf32>
    %get3A_12 = arith.constant 0 : index
    %get3A_13 = arith.constant 0 : index
    %get3A_14 = vector.load %arg4[%get3A_12, %get3A_13] : memref<32x32xf32, #tpu.memory_space<vmem>>, vector<32x32xf32>
    %dot_general3A = arith.constant dense<0.000000e+00> : vector<1264x32xf32>
    %dot_general3A_15 = tpu.matmul %max3A_11, %get3A_14, %dot_general3A {dimension_numbers = #tpu.dot_dimension_numbers<[1], [0], [0], [1], [0, 0, 1, 1], [], []>, transpose_lhs_hint = false} : vector<1264x32xf32>, vector<32x32xf32>, vector<1264x32xf32> -> vector<1264x32xf32>
    %get3A_16 = arith.constant 0 : index
    %get3A_17 = arith.constant 0 : index
    %get3A_18 = vector.load %arg5[%get3A_16, %get3A_17] : memref<1x32xf32, #tpu.memory_space<vmem>>, vector<1x32xf32>
    %add3A_19 = vector.broadcast %get3A_18 : vector<1x32xf32> to vector<1264x32xf32>
    %add3A_20 = arith.addf %dot_general3A_15, %add3A_19 : vector<1264x32xf32>
    %max3A_21 = arith.constant 0.000000e+00 : f32
    %max3A_22 = vector.broadcast %max3A_21 : f32 to vector<1264x32xf32>
    %max3A_23 = arith.maximumf %add3A_20, %max3A_22 : vector<1264x32xf32>
    %get3A_24 = arith.constant 0 : index
    %get3A_25 = arith.constant 0 : index
    %get3A_26 = vector.load %arg6[%get3A_24, %get3A_25] : memref<1x32xf32, #tpu.memory_space<vmem>>, vector<1x32xf32>
    %mul3A = arith.constant 0.999994993 : f32
    %mul3A_27 = vector.broadcast %mul3A : f32 to vector<1x32xf32>
    %mul3A_28 = arith.mulf %get3A_26, %mul3A_27 : vector<1x32xf32>
    %mul3A_29 = vector.broadcast %mul3A_28 : vector<1x32xf32> to vector<1264x32xf32>
    %mul3A_30 = arith.mulf %max3A_23, %mul3A_29 : vector<1264x32xf32>
    %get3A_31 = arith.constant 0 : index
    %get3A_32 = arith.constant 0 : index
    %get3A_33 = vector.load %arg7[%get3A_31, %get3A_32] : memref<1x32xf32, #tpu.memory_space<vmem>>, vector<1x32xf32>
    %add3A_34 = vector.broadcast %get3A_33 : vector<1x32xf32> to vector<1264x32xf32>
    %add3A_35 = arith.addf %mul3A_30, %add3A_34 : vector<1264x32xf32>
    %get3A_36 = arith.constant 0 : index
    %get3A_37 = arith.constant 0 : index
    %get3A_38 = vector.load %arg8[%get3A_36, %get3A_37] : memref<32x32xf32, #tpu.memory_space<vmem>>, vector<32x32xf32>
    %dot_general3A_39 = arith.constant dense<0.000000e+00> : vector<1264x32xf32>
    %dot_general3A_40 = tpu.matmul %add3A_35, %get3A_38, %dot_general3A_39 {dimension_numbers = #tpu.dot_dimension_numbers<[1], [0], [0], [1], [0, 0, 1, 1], [], []>, transpose_lhs_hint = false} : vector<1264x32xf32>, vector<32x32xf32>, vector<1264x32xf32> -> vector<1264x32xf32>
    %swap3A = arith.constant 0 : index
    %swap3A_41 = arith.constant 0 : index
    %swap3A_42 = vector.load %arg9[%swap3A, %swap3A_41] : memref<1264x32xf32, #tpu.memory_space<vmem>>, vector<1264x32xf32>
    tpu.vector_store %arg9[%swap3A, %swap3A_41], %dot_general3A_40 {strides = array<i32>} : memref<1264x32xf32, #tpu.memory_space<vmem>>, vector<1264x32xf32>,
    return
  }
  func.func @transform_0(%arg0: i32) -> (i32, i32) {
    %c0_i32 = arith.constant 0 : i32
    %c0_i32_0 = arith.constant 0 : i32
    return %arg0, %c0_i32 : i32, i32
  }
  func.func @transform_1(%arg0: i32) -> (i32, i32) {
    %c0_i32 = arith.constant 0 : i32
    %c0_i32_0 = arith.constant 0 : i32
    return %arg0, %c0_i32 : i32, i32
  }
  func.func @transform_2(%arg0: i32) -> (i32, i32) {
    %c0_i32 = arith.constant 0 : i32
    %c0_i32_0 = arith.constant 0 : i32
    %c0_i32_1 = arith.constant 0 : i32
    return %c0_i32, %c0_i32_0 : i32, i32
  }
  func.func @transform_3(%arg0: i32) -> (i32, i32) {
    %c0_i32 = arith.constant 0 : i32
    %c0_i32_0 = arith.constant 0 : i32
    %c0_i32_1 = arith.constant 0 : i32
    return %c0_i32, %c0_i32_0 : i32, i32
  }
  func.func @transform_4(%arg0: i32) -> (i32, i32) {
    %c0_i32 = arith.constant 0 : i32
    %c0_i32_0 = arith.constant 0 : i32
    %c0_i32_1 = arith.constant 0 : i32
    return %c0_i32, %c0_i32_0 : i32, i32
  }
  func.func @transform_5(%arg0: i32) -> (i32, i32) {
    %c0_i32 = arith.constant 0 : i32
    %c0_i32_0 = arith.constant 0 : i32
    %c0_i32_1 = arith.constant 0 : i32
    return %c0_i32, %c0_i32_0 : i32, i32
  }
  func.func @transform_6(%arg0: i32) -> (i32, i32) {
    %c0_i32 = arith.constant 0 : i32
    %c0_i32_0 = arith.constant 0 : i32
    %c0_i32_1 = arith.constant 0 : i32
    return %c0_i32, %c0_i32_0 : i32, i32
  }
  func.func @transform_7(%arg0: i32) -> (i32, i32) {
    %c0_i32 = arith.constant 0 : i32
    %c0_i32_0 = arith.constant 0 : i32
    %c0_i32_1 = arith.constant 0 : i32
    return %c0_i32, %c0_i32_0 : i32, i32
  }
  func.func @transform_8(%arg0: i32) -> (i32, i32) {
    %c0_i32 = arith.constant 0 : i32
    %c0_i32_0 = arith.constant 0 : i32
    return %arg0, %c0_i32 : i32, i32
  }
}

</mosaic_0001>

<sc_bundles>
// kernel: kernel.12.cloned.1.call-start
scs
__scs_entry_jumppad:
0x0: {  	(pc) =	sbr.rel $0x88, $3  }
0x1: {  	(tag) =	ssettag $0x0;
	lr =	simm.s32 $0x1  }
0x2: {  	[smem:$0x3F8B] =	sst lr;
	_ =	strace $0xD0000000  }
0x3: {  	_ = 	snop  }
0x4: {  	_ = 	snop  }
0x5: {  	_ = 	snop  }
0x6: {  	_ = 	snop  }
0x7: {  	_ = 	snop  }
__scs_overlays_trampoline_lowered:
0x8: {  	[smem:$0x3F9A] =	sst s0  }
0x9: {  	[smem:$0x3F9B] =	sst s1  }
0xa: {  	[smem:$0x3F9C] =	sst s2  }
0xb: {  	[smem:$0x3F9D] =	sst s3  }
0xc: {  	[smem:$0x3F9E] =	sst s4  }
0xd: {  	[smem:$0x3F9F] =	sst s5  }
0xe: {  	[smem:$0x3FA0] =	sst s6  }
0xf: {  	[smem:$0x3FA1] =	sst s7  }
0x10: {  	[smem:$0x3FA2] =	sst s8  }
0x11: {  	[smem:$0x3FA3] =	sst s9;
	s0 =	simm.s32 @!p0 $0x0  }
0x12: {  	s1 =	sld [smem:$0x3F89];
	s0 =	simm.s32 @p0 $0x1  }
0x13: {  	[smem:$0x3FA4] =	sst s0;
	s0 =	simm.s32 @!p1 $0x0  }
0x14: {  	s2 =	sld [smem:$0x3F88];
	s0 =	simm.s32 @p1 $0x1  }
0x15: {  	[smem:$0x3FA5] =	sst s0;
	s0 =	simm.s32 @!p2 $0x0  }
0x16: {  	s3 =	sld [smem:$0x3FDB];
	s0 =	simm.s32 @p2 $0x1  }
0x17: {  	s4 =	simm.s32 $0x1BF5;
	[smem:$0x3FA7] =	sst s0  }
0x18: {  	s0 =	sld [smem:$0x3F8A];
	_ =	swait.ge [sflag:s4], $0x0  }
0x19: {  	s7 =	sld [smem:$0x3F8B]  }
0x1a: {  	s8 =	sadd.s32 $0xFFFFE003, lr  }
0x1b: {  	s9 =	sadd.s32 $0xFFFFFEF7, lr;
	s5 =	simm.s32 $0xFFFFFFFF;
	p2 =	slt.u32 s8, $0xFFFFF086  }
0x1c: {  	p1 =	slt.u32 s9, $0xF7A;
	s5 =	simm.s32 @!p2 $0x0  }
0x1d: {  	s5 =	simm.s32 @p1 $0x1;
	p0 =	seq.s32 s7, s2  }
0x1e: {  	s7 =	smul.u32 @!p0 $0xF7A, s2;
	p2 =	seq.s32 @!p0 s5, $0x0  }
0x1f: {  	s9 =	smul.u32 $0xF7A, s1;
	s8 =	simm.s32 @!p0 $0x1BF5;
	p2 =	por !p2, p0  }
0x20: {  	[sflag:s8] =	ssyncset.s32 @!p0 $0xFFFFF086;
	s6 =	sadd.s32 @!p0 s3, s7;
	s7 =	simm.s32 @!p0 $0x108  }
0x21: {  	s3 =	sadd.s32 s3, s9;
	s6 =	sadd.s32 @!p0 $0x88, s6;
	s7 =	simm.s32 @p2 $0x1082  }
0x22: {  	[simem:s7], [sflag:s8] =	dma.local @!p0 [hbm:s6], $0xF7A  }
0x23: {  	s9 =	sor.u32 $0xD0000000, s2;
	s6 =	simm.s32 $0x108;
	_ =	swait.ge @!p0 [sflag:s8], $0x0  }
0x24: {  	s3 =	sadd.s32 $0x88, s3;
	s6 =	simm.s32 @!p1 $0x1082;
	[sflag:s4] =	ssyncset.s32 $0xFFFFF086  }
0x25: {  	[simem:s6], [sflag:s4] =	dma.local [hbm:s3], $0xF7A  }
0x26: {  	[smem:$0x3F8B] =	sst s1;
	(tag) =	ssettag s2;
	_ =	strace s9  }
0x27: {  	s1 =	sld [smem:$0x3F9B]  }
0x28: {  	s2 =	sld [smem:$0x3F9C]  }
0x29: {  	s4 =	sld [smem:$0x3F9E]  }
0x2a: {  	p0 =	seq.s32 s5, $0x0;
	s5 =	sld [smem:$0x3F9F]  }
0x2b: {  	s6 =	sld [smem:$0x3FA0]  }
0x2c: {  	s7 =	sld [smem:$0x3FA1]  }
0x2d: {  	s3 =	simm.s32 $0x108;
	s8 =	sld [smem:$0x3FA2]  }
0x2e: {  	s3 =	simm.s32 @!p0 $0x1082;
	s9 =	sld [smem:$0x3FA3]  }
0x2f: {  	lr =	sadd.s32 s0, s3;
	s0 =	sld [smem:$0x3F9A]  }
0x30: {  	s3 =	sld [smem:$0x3F9D]  }
0x31: {  	[smem:$0x3FA6] =	sst s10  }
0x32: {  	s10 =	sld [smem:$0x3FA4];
	_ =	sdelay $0x3  }
0x33: {  	p0 =	seq.s32 s10, $0x1;
	s10 =	sld [smem:$0x3FA6];
	_ =	sdelay $0x3  }
0x34: {  	[smem:$0x3FA6] =	sst s10  }
0x35: {  	s10 =	sld [smem:$0x3FA5];
	_ =	sdelay $0x3  }
0x36: {  	p1 =	seq.s32 s10, $0x1;
	s10 =	sld [smem:$0x3FA6];
	_ =	sdelay $0x3  }
0x37: {  	[smem:$0x3FA6] =	sst s10  }
0x38: {  	s10 =	sld [smem:$0x3FA7]  }
0x39: {  	_ = 	snop;
	(pc) =	sbr.ind lr, $3  }
0x3a: {  	_ = 	snop  }
0x3b: {  	_ = 	snop  }
0x3c: {  	p2 =	seq.s32 s10, $0x1;
	s10 =	sld [smem:$0x3FA6]  }
0x3d: {  	_ =	shalt  }
0x3e: {  	_ =	shalt  }
0x3f: {  	_ =	shalt  }
0x40: {  	_ =	shalt  }
0x41: {  	_ =	shalt  }
0x42: {  	_ =	shalt  }
0x43: {  	_ =	shalt  }
0x44: {  	_ =	shalt  }
0x45: {  	_ =	shalt  }
0x46: {  	_ =	shalt  }
0x47: {  	_ =	shalt  }
0x48: {  	_ =	shalt  }
0x49: {  	_ =	shalt  }
0x4a: {  	_ =	shalt  }
0x4b: {  	_ =	shalt  }
0x4c: {  	_ =	shalt  }
0x4d: {  	_ =	shalt  }
0x4e: {  	_ =	shalt  }
0x4f: {  	_ =	shalt  }
0x50: {  	_ =	shalt  }
0x51: {  	_ =	shalt  }
0x52: {  	_ =	shalt  }
0x53: {  	_ =	shalt  }
0x54: {  	_ =	shalt  }
0x55: {  	_ =	shalt  }
0x56: {  	_ =	shalt  }
0x57: {  	_ =	shalt  }
0x58: {  	_ =	shalt  }
0x59: {  	_ =	shalt  }
0x5a: {  	_ =	shalt  }
0x5b: {  	_ =	shalt  }
0x5c: {  	_ =	shalt  }
0x5d: {  	_ =	shalt  }
0x5e: {  	_ =	shalt  }
0x5f: {  	_ =	shalt  }
0x60: {  	_ =	shalt  }
0x61: {  	_ =	shalt  }
0x62: {  	_ =	shalt  }
0x63: {  	_ =	shalt  }
0x64: {  	_ =	shalt  }
0x65: {  	_ =	shalt  }
0x66: {  	_ =	shalt  }
0x67: {  	_ =	shalt  }
0x68: {  	_ =	shalt  }
0x69: {  	_ =	shalt  }
0x6a: {  	_ =	shalt  }
0x6b: {  	_ =	shalt  }
0x6c: {  	_ =	shalt  }
0x6d: {  	_ =	shalt  }
0x6e: {  	_ =	shalt  }
0x6f: {  	_ =	shalt  }
0x70: {  	_ =	shalt  }
0x71: {  	_ =	shalt  }
0x72: {  	_ =	shalt  }
0x73: {  	_ =	shalt  }
0x74: {  	_ =	shalt  }
0x75: {  	_ =	shalt  }
0x76: {  	_ =	shalt  }
0x77: {  	_ =	shalt  }
0x78: {  	_ =	shalt  }
0x79: {  	_ =	shalt  }
0x7a: {  	_ =	shalt  }
0x7b: {  	_ =	shalt  }
0x7c: {  	_ =	shalt  }
0x7d: {  	_ =	shalt  }
0x7e: {  	_ =	shalt  }
0x7f: {  	_ =	shalt  }
0x80: {  	_ =	shalt  }
0x81: {  	_ =	shalt  }
0x82: {  	_ =	shalt  }
0x83: {  	_ =	shalt  }
0x84: {  	_ =	shalt  }
0x85: {  	_ =	shalt  }
0x86: {  	_ =	shalt  }
0x87: {  	_ =	shalt  }
.Lfunc_end0:
.L_simem_size_0:
called_computation.1_lowered:
.L_overlay_start_0:
0x88: {  	s2 =	sld [smem:$0x3FD9]  }
0x89: {  	s3 =	sld [smem:$0x3FFE];
	_ =	sdelay $0x1  }
0x8a: {  	s1 =	srdreg.scid  }
0x8b: {  	s0 =	sand.u32 $0x1, s1  }
0x8c: {  	s17 =	sshll.u32 s0, $0xA;
	s2 =	sadd.s32 s3, s2  }
0x8d: {  	s2 =	sadd.s32 s2, s17  }
0x8e: {  	[smem:$0x3FB2] =	sst s2  }
0x8f: {  	_ = 	snop  }
0x90: {  	s2 =	sld [smem:$0x3FD0];
	(tm) =	ssettm $0x1  }
0x91: {  	s18 =	sld [smem:$0x3FFB];
	_ =	sdelay $0x3  }
0x92: {  	_ =	strace s18  }
0x93: {  	s3 =	sld [smem:$0x3FFC];
	_ =	sdelay $0x3  }
0x94: {  	_ =	strace s3  }
0x95: {  	s3 =	sld [smem:$0x3FFD];
	_ =	sdelay $0x3  }
0x96: {  	_ =	strace s3  }
0x97: {  	_ =	strace $0x8FFFFFFF  }
0x98: {  	s19 =	sld [smem:$0x3FDB];
	_ =	sdelay $0x1  }
0x99: {  	s4 =	simm.s32 $_scs_section_size  }
0x9a: {  	s5 =	simm.s32 $_size__tile_overlayer_lowered;
	s6 =	simm.s32 $_tile_overlayer_lowered  }
0x9b: {  	s22 =	simm.s32 $0x1BFF;
	s21 =	sshll.u32 s6, $0x1;
	s3 =	sadd.s32 s4, s19  }
0x9c: {  	s7 =	simm.s32 $0x0;
	s20 =	sshll.u32 s5, $0x1;
	s5 =	sadd.s32 s21, s3  }
0x9d: {  	[timem:s7], [sflag:s22] =	dma.local [hbm:s5], s20  }
0x9e: {  	_ =	swait.ge [sflag:s22], s20  }
0x9f: {  	s4 =	ssub.s32 $0x0, s20;
	[sflag:s22] =	ssyncset.done $0x0  }
0xa0: {  	[sflag:s22] =	ssyncadd.s32 s4;
	_ =	sdelay $0x1  }
0xa1: {  	s23 =	simm.s32 $0x1B8B  }
0xa2: {  	_ =	swait.ge [sflag:s23], $0x1  }
0xa3: {  	[sflag:s23] =	ssyncset.done $0x0  }
0xa4: {  	s25 =	simm.s32 $0x1B8E;
	s24 =	sld [smem:$0x3FFE];
	[sflag:s23] =	ssyncadd.s32 $0xFFFFFFFF  }
0xa5: {  	s26 =	simm.s32 $execute0_lowered;
	[smem:$0x3FD2] =	sst s25  }
0xa6: {  	s5 =	sshll.u32 s26, $0x1;
	_ =	strace $0x80000049;
	[dreg:$0x1] =	wrdreg $0xFFFFFFFF  }
0xa7: {  	s28 =	simm.s32 $_size_execute0_lowered;
	s3 =	sadd.s32 s3, s5;
	[dreg:$0x0] =	wrdreg $0x0  }
0xa8: {  	s5 =	sshll.u32 s28, $0x1;
	[dreg:$0x2] =	wrdreg s3  }
0xa9: {  	[dreg:$0x3] =	wrdreg s5  }
0xaa: {  	[dreg:$0x4] =	wrdreg $0xC0  }
0xab: {  	_ =	task [dreg:s7], $0x5FFFF  }
0xac: {  	[dreg:$0x1] =	wrdreg $0xFFFFFFFF  }
0xad: {  	[dreg:$0x0] =	wrdreg $0x60  }
0xae: {  	[dreg:$0x2] =	wrdreg s24  }
0xaf: {  	[dreg:$0x3] =	wrdreg s2  }
0xb0: {  	[dreg:$0x4] =	wrdreg $0xF0000  }
0xb1: {  	[dreg:$0x5] =	wrdreg $0x13F000  }
0xb2: {  	[dreg:$0x6] =	wrdreg $0x9  }
0xb3: {  	_ =	task.clear_ibuf [dreg:s7], $0x7FFFF;
	_ =	strace $0x90000049  }
0xb4: {  	s29 =	simm.s32 $0x9;
	_ =	strace $0x8000004B  }
0xb5: {  	_ =	swait.ge [sflag:s29], $0x1  }
0xb6: {  	[sflag:s29] =	ssyncadd.s32 $0xFFFFFFFF  }
0xb7: {  	_ =	strace $0x9000004B  }
0xb8: {  	_ =	sfence  }
0xb9: {  	s30 =	sld [smem:$0x0];
	_ =	sdelay $0x2  }
0xba: {  	s31 =	sshll.u32 s1, $0xD;
	s1 =	sshrl.u32 s1, $0x2  }
0xbb: {  	s3 =	sand.u32 $0x4000, s31;
	s1 =	sadd.s32 s1, s30  }
0xbc: {  	s0 =	sor.u32 s3, s0;
	s1 =	sshll.u32 s1, $0x11  }
0xbd: {  	s0 =	sor.u32 s1, s0  }
0xbe: {  	s0 =	sadd.s32 $0x8F2B, s0  }
0xbf: {  	[sflag:s0] =	ssyncadd.remote.s32 $0x1  }
0xc0: {  	_ =	sfence.sel $0xFFFF  }
0xc1: {  	[dreg:$0x0] =	wrdreg $0xFFFFFFFF;
	(pc) =	sbr.abs _section_cstart, $3  }
0xc2: {  	[dreg:$0x1] =	wrdreg $0xFFFFFFFF  }
0xc3: {  	_ =	task.clear_ibuf [dreg:s7], $0x2FFFF;
	_ =	strace $0x9FFFFFFF  }
0xc4: {  	(tm) =	ssettm $0x7FFFFFFF  }
0xc5: {  	_ =	shalt  }
tec
execute0_lowered:
.L_overlay_start_1:
0x0: {  	(tag) =	ssettag $0x1  }
0x1: {  	s0 =	srdreg.scid  }
0x2: {  	s11 =	stileid.u32;
	s1 =	rddreg [dreg:$0x0]  }
0x3: {  	s4 =	rddreg [dreg:$0x1];
	s8 =	simm.s32 $0x0;
	s30 =	simm.s32 $0xA000  }
0x4: {  	s13 =	simm.s32 $0xC000;
	s28 =	simm.s32 $0xE000;
	s29 =	simm.s32 $0x4  }
0x5: {  	s31 =	simm.s32 $0x6;
	s15 =	simm.s32 $0x13;
	s12 =	simm.s32 $0x0  }
0x6: {  	s0 =	sand.u32 $0x1, s0;
	s2 =	sshll.u32 s11, $0x1;
	s6 =	smul.u32 $0x4F00, s11  }
0x7: {  	[smem:$0x7FF] =	sst s8;
	s21 =	sshll.u32 s11, $0x6;
	s3 =	sor.u32 s0, s2  }
0x8: {  	s2 =	rddreg [dreg:$0x2];
	s7 =	smul.u32 $0x4F000, s0;
	s10 =	ssub.s32 $0x2, s0  }
0x9: {  	s22 =	sor.u32 $0x1C03, s21;
	p0 =	seq.s32 s0, $0x1;
	s26 =	sor.u32 $0x1C0B, s21  }
0xa: {  	s0 =	simm.s32 $0xA;
	s5 =	smul.u32 $0x500, s3;
	s3 =	rddreg [dreg:$0x3]  }
0xb: {  	_ =	strace $0x8000004A;
	s9 =	sshrl.u32 s6, $0x3;
	[dreg:$0x9] =	wrdreg s22  }
0xc: {  	s18 =	sshrl.u32 s10, $0x1;
	s20 =	sadd.s32 s6, s2;
	[dreg:$0x8] =	wrdreg s21  }
0xd: {  	[dreg:$0xe] =	wrdreg s26;
	s21 =	simm.s32 $0x6000;
	s26 =	simm.s32 $0xB  }
0xe: {  	s7 =	sadd.s32 s6, s7;
	s9 =	sadd.s32 s9, s1;
	s23 =	sadd.s32 s6, s3  }
0xf: {  	s25 =	sshrl.u32 s20, $0x3;
	s20 =	simm.s32 $0x5000;
	s17 =	sadd.s32 s5, s1  }
0x10: {  	s7 =	sshrl.u32 s7, $0x3;
	s4 =	sadd.s32 s4, s5;
	s8 =	sadd.s32 $0xD800, s9  }
0x11: {  	s5 =	sadd.s32 $0x17600, s9;
	[dreg:$0xd] =	wrdreg s25;
	s16 =	sshrl.u32 s23, $0x3  }
0x12: {  	s25 =	simm.s32 $0x8000;
	s23 =	simm.s32 $0xD000;
	s1 =	sadd.s32 s7, s1  }
0x13: {  	s7 =	ssub.s32 s10, s18;
	[dreg:$0x5] =	wrdreg s4;
	s19 =	sadd.s32 $0x3800, s17  }
.Ltmp0:
0x14: {  	[dreg:$0x7] =	wrdreg s8;
	s8 =	smov.u32 @p0 s5;
	(pc) =	sbr.rel .LBB2_1-.Ltmp0, $4  }
0x15: {  	s17 =	simm.s32 $0x1;
	[dreg:$0x6] =	wrdreg s19;
	s1 =	sadd.s32 $0x21400, s1  }
0x16: {  	s24 =	smax.u32 s7, $0x1;
	[dreg:$0xc] =	wrdreg s8;
	s19 =	simm.s32 $0x80  }
0x17: {  	s7 =	simm.s32 $0x14;
	s8 =	simm.s32 $0x15;
	[dreg:$0xa] =	wrdreg s1  }
0x18: {  	[dreg:$0xb] =	wrdreg s24;
	s24 =	simm.s32 $0x2;
	s1 =	simm.s32 $0x8  }
.LBB2_4:
0x19: {  	_ =	swait.ge [sflag:s26], $0x1000  }
0x1a: {  	[sflag:s26] =	ssyncset.done $0x0  }
0x1b: {  	s4 =	simm.s32 $0xC;
	[sflag:s26] =	ssyncadd.s32 $0xFFFFF000  }
0x1c: {  	_ =	swait.ge [sflag:s4], $0x1000  }
0x1d: {  	[sflag:s4] =	ssyncset.done $0x0  }
0x1e: {  	s5 =	simm.s32 $0xD;
	[sflag:s4] =	ssyncadd.s32 $0xFFFFF000  }
0x1f: {  	_ =	swait.ge [sflag:s5], $0x1000  }
0x20: {  	[sflag:s5] =	ssyncset.done $0x0  }
0x21: {  	s6 =	simm.s32 $0xE;
	[sflag:s5] =	ssyncadd.s32 $0xFFFFF000  }
0x22: {  	_ =	swait.ge [sflag:s6], $0x1000  }
0x23: {  	[sflag:s6] =	ssyncset.done $0x0  }
0x24: {  	s9 =	simm.s32 $0xF;
	[sflag:s6] =	ssyncadd.s32 $0xFFFFF000  }
0x25: {  	_ =	swait.ge [sflag:s9], $0x1000  }
0x26: {  	[sflag:s9] =	ssyncset.done $0x0  }
0x27: {  	s10 =	simm.s32 $0x10;
	[sflag:s9] =	ssyncadd.s32 $0xFFFFF000  }
0x28: {  	_ =	swait.ge [sflag:s10], $0x1000  }
0x29: {  	[sflag:s10] =	ssyncset.done $0x0  }
0x2a: {  	s11 =	simm.s32 $0x11;
	[sflag:s10] =	ssyncadd.s32 $0xFFFFF000  }
0x2b: {  	_ =	swait.ge [sflag:s11], $0x1000  }
0x2c: {  	[sflag:s11] =	ssyncset.done $0x0  }
0x2d: {  	s14 =	simm.s32 $0x12;
	[sflag:s11] =	ssyncadd.s32 $0xFFFFF000  }
0x2e: {  	_ =	swait.ge [sflag:s14], $0x1000  }
0x2f: {  	[sflag:s14] =	ssyncset.done $0x0  }
0x30: {  	[sflag:s14] =	ssyncadd.s32 $0xFFFFF000  }
0x31: {  	_ =	swait.ge [sflag:s15], $0x1000  }
0x32: {  	[sflag:s15] =	ssyncset.done $0x0  }
0x33: {  	[sflag:s15] =	ssyncadd.s32 $0xFFFFF000  }
0x34: {  	_ =	swait.ge [sflag:s7], $0x1000  }
0x35: {  	[sflag:s7] =	ssyncset.done $0x0  }
0x36: {  	[sflag:s7] =	ssyncadd.s32 $0xFFFFF000  }
0x37: {  	[bflag:$0x0] =	sbarrier.arrive $0xFFFF  }
0x38: {  	s18 =	rddreg [dreg:$0x8]  }
0x39: {  	s5 =	rddreg [dreg:$0xa];
	s4 =	sor.u32 $0x1C15, s18  }
0x3a: {  	[hbm:s5], [sflag:s4] =	dma.local [spmem:s16], $0x9E0  }
0x3b: {  	_ =	swait.ge [sflag:s8], $0x9E0  }
0x3c: {  	s12 =	sadd.s32 $0x1, s12;
	s22 =	rddreg [dreg:$0xb]  }
0x3d: {  	p0 =	sne.s32 s12, s22  }
.Ltmp1:
0x3e: {  	_ = 	snop;
	(pc) =	sbr.rel @!p0 .LBB2_5-.Ltmp1, $3  }
0x3f: {  	_ =	sdelay $0x1  }
0x40: {  	[sflag:s8] =	ssyncset.done $0x0  }
0x41: {  	[sflag:s8] =	ssyncadd.s32 $0xFFFFF620  }
.LBB2_1:
0x42: {  	s5 =	rddreg [dreg:$0x5]  }
0x43: {  	s9 =	rddreg [dreg:$0x6]  }
0x44: {  	s4 =	simm.s32 $0x0;
	s10 =	rddreg [dreg:$0x7]  }
0x45: {  	[tilespmem:s4], [sflag:$0x1] =	stream.linear.gather [hbm4b:s5+s4], $0x2800, $0x38;
	[tilespmem:$0x18E00] =	vst v63  }
0x46: {  	s6 =	simm.s32 $0x2800;
	s11 =	rddreg [dreg:$0x9]  }
0x47: {  	[tilespmem:s6], [sflag:$0x2] =	stream.linear.gather [hbm4b:s9+s4], $0x2800, $0x38;
	[tilespmem:$0x18E00] =	vst v63  }
0x48: {  	s9 =	rddreg [dreg:$0xd]  }
0x49: {  	[spmem:s9], [sflag:s11] =	dma.local [hbm:s10], $0x9E0  }
0x4a: {  	s5 =	rddreg [dreg:$0xc]  }
0x4b: {  	s6 =	rddreg [dreg:$0xe]  }
0x4c: {  	[spmem:s16], [sflag:s6] =	dma.local [hbm:s5], $0x9E0  }
0x4d: {  	_ =	swait.ge [sflag:s17], $0x2800  }
0x4e: {  	[sflag:s17] =	ssyncset.done $0x0  }
0x4f: {  	s14 =	simm.s32 $0x3;
	[sflag:s17] =	ssyncadd.s32 $0xFFFFD800  }
0x50: {  	_ =	swait.ge [sflag:s14], $0x9E0  }
0x51: {  	[sflag:s14] =	ssyncset.done $0x0  }
0x52: {  	[sflag:s14] =	ssyncadd.s32 $0xFFFFF620  }
0x53: {  	[bflag:$0x0] =	sbarrier.arrive $0xFFFF  }
0x54: {  	[tilespmem:s20], [sflag:$0x1] =	stream.indirect.gather [spmem:s2], $0x20, s4, s19, $0xb8;
	[tilespmem:$0x18E00] =	vst v63  }
0x55: {  	_ = 	snop  }
0x56: {  	[tilespmem:s21], [sflag:$0x2] =	stream.indirect.gather [spmem:s2], $0x20, s19, s19, $0xb8;
	[tilespmem:$0x18E00] =	vst v63  }
0x57: {  	s18 =	simm.s32 $0x100;
	s22 =	simm.s32 $0x7000  }
0x58: {  	[tilespmem:s22], [sflag:$0x3] =	stream.indirect.gather [spmem:s2], $0x20, s18, s19, $0xb8;
	[tilespmem:$0x18E00] =	vst v63  }
0x59: {  	s5 =	simm.s32 $0x180  }
0x5a: {  	[tilespmem:s25], [sflag:$0x4] =	stream.indirect.gather [spmem:s2], $0x20, s5, s19, $0xb8;
	[tilespmem:$0x18E00] =	vst v63  }
0x5b: {  	s9 =	simm.s32 $0x9000;
	s6 =	simm.s32 $0x200  }
0x5c: {  	[tilespmem:s9], [sflag:$0x5] =	stream.indirect.gather [spmem:s2], $0x20, s6, s19, $0xb8;
	[tilespmem:$0x18E00] =	vst v63  }
0x5d: {  	s10 =	simm.s32 $0x280  }
0x5e: {  	[tilespmem:s30], [sflag:$0x6] =	stream.indirect.gather [spmem:s2], $0x20, s10, s19, $0xb8;
	[tilespmem:$0x18E00] =	vst v63  }
0x5f: {  	s11 =	simm.s32 $0x300;
	s14 =	simm.s32 $0xB000  }
0x60: {  	[tilespmem:s14], [sflag:$0x7] =	stream.indirect.gather [spmem:s2], $0x20, s11, s19, $0xb8;
	[tilespmem:$0x18E00] =	vst v63  }
0x61: {  	s18 =	simm.s32 $0x380  }
0x62: {  	[tilespmem:s13], [sflag:$0x8] =	stream.indirect.gather [spmem:s2], $0x20, s18, s19, $0xb8;
	[tilespmem:$0x18E00] =	vst v63  }
0x63: {  	s22 =	simm.s32 $0x400  }
0x64: {  	[tilespmem:s23], [sflag:$0x9] =	stream.indirect.gather [spmem:s2], $0x20, s22, s19, $0xb8;
	[tilespmem:$0x18E00] =	vst v63  }
0x65: {  	_ =	swait.ge [sflag:s24], $0x2800  }
0x66: {  	[sflag:s24] =	ssyncset.done $0x0  }
0x67: {  	[sflag:s24] =	ssyncadd.s32 $0xFFFFD800  }
0x68: {  	_ =	swait.ge [sflag:s26], $0x9E0  }
0x69: {  	[sflag:s26] =	ssyncset.done $0x0  }
0x6a: {  	[sflag:s26] =	ssyncadd.s32 $0xFFFFF620  }
0x6b: {  	s4 =	simm.s32 $0x0;
	[bflag:$0x0] =	sbarrier.arrive $0xFFFF  }
.LBB2_2:
0x6c: {  	_ =	swait.ge [sflag:s17], $0x1000  }
0x6d: {  	s18 =	sshra.s32 s4, $0x2;
	[sflag:s17] =	ssyncset.done $0x0  }
0x6e: {  	p0 =	seq.s32 s4, $0x0;
	s5 =	sadd.s32 $0x2800, s18;
	[sflag:s17] =	ssyncadd.s32 $0xFFFFF000  }
0x6f: {  	[spmem:s3] =	stream.indirect.scatter.add.f32 [tilespmem:s20], [sflag:$0xB], $0x20, s5, s19, $0xb8;
	[tilespmem:$0x18E00] =	vst v63  }
0x70: {  	s5 =	simm.s32 @!p0 $0x14  }
0x71: {  	_ =	swait.ge @!p0 [sflag:s5], $0x1000  }
0x72: {  	[sflag:s5] =	ssyncset.done @!p0 $0x0  }
0x73: {  	s10 =	sadd.s32 $0x480, s18;
	[sflag:s5] =	ssyncadd.s32 @!p0 $0xFFFFF000  }
0x74: {  	[tilespmem:s28], [sflag:$0xA] =	stream.indirect.gather [spmem:s2], $0x20, s10, s19, $0xb8;
	[tilespmem:$0x18E00] =	vst v63  }
0x75: {  	_ =	swait.ge [sflag:s24], $0x1000  }
0x76: {  	p0 =	seq.s32 s4, $0x8C00;
	[sflag:s24] =	ssyncset.done $0x0  }
0x77: {  	s11 =	sadd.s32 $0x2880, s18;
	s5 =	simm.s32 @p0 $0x3;
	[sflag:s24] =	ssyncadd.s32 $0xFFFFF000  }
0x78: {  	[spmem:s3] =	stream.indirect.scatter.add.f32 [tilespmem:s21], [sflag:$0xC], $0x20, s11, s19, $0xb8;
	[tilespmem:$0x18E00] =	vst v63  }
0x79: {  	_ =	swait.ge @p0 [sflag:s5], $0x1000  }
0x7a: {  	s6 =	sshra.s32 @p0 s4, $0x2;
	s9 =	simm.s32 @p0 $0x80;
	[sflag:s5] =	ssyncset.done @p0 $0x0  }
0x7b: {  	s22 =	simm.s32 @p0 $0x7000;
	[sflag:s5] =	ssyncadd.s32 @p0 $0xFFFFF000;
	s5 =	sadd.s32 @p0 $0x2900, s6  }
0x7c: {  	[spmem:s3] =	stream.indirect.scatter.add.f32 @p0 [tilespmem:s22], [sflag:$0xD], $0x20, s5, s9, $0xb8;
	[tilespmem:$0x18E00] =	vst v63  }
0x7d: {  	s5 =	simm.s32 @!p0 $0xB  }
0x7e: {  	_ =	swait.ge @!p0 [sflag:s5], $0x1000  }
0x7f: {  	s11 =	simm.s32 @!p0 $0x5000;
	s22 =	sshra.s32 @!p0 s4, $0x2;
	[sflag:s5] =	ssyncset.done @!p0 $0x0  }
0x80: {  	s10 =	sadd.s32 @!p0 $0x500, s22;
	[sflag:s5] =	ssyncadd.s32 @!p0 $0xFFFFF000;
	s5 =	simm.s32 @!p0 $0x80  }
0x81: {  	[tilespmem:s11], [sflag:$0x1] =	stream.indirect.gather @!p0 [spmem:s2], $0x20, s10, s5, $0xb8;
	[tilespmem:$0x18E00] =	vst v63  }
0x82: {  	s10 =	simm.s32 @!p0 $0x3  }
0x83: {  	_ =	swait.ge @!p0 [sflag:s10], $0x1000  }
0x84: {  	[sflag:s10] =	ssyncset.done @!p0 $0x0  }
0x85: {  	s11 =	simm.s32 @!p0 $0x7000;
	[sflag:s10] =	ssyncadd.s32 @!p0 $0xFFFFF000;
	s10 =	sadd.s32 @!p0 $0x2900, s22  }
0x86: {  	[spmem:s3] =	stream.indirect.scatter.add.f32 @!p0 [tilespmem:s11], [sflag:$0xD], $0x20, s10, s5, $0xb8;
	[tilespmem:$0x18E00] =	vst v63  }
0x87: {  	s10 =	simm.s32 @!p0 $0xC  }
0x88: {  	_ =	swait.ge @!p0 [sflag:s10], $0x1000  }
0x89: {  	[sflag:s10] =	ssyncset.done @!p0 $0x0  }
0x8a: {  	s14 =	simm.s32 @!p0 $0x6000;
	[sflag:s10] =	ssyncadd.s32 @!p0 $0xFFFFF000;
	s10 =	sadd.s32 @!p0 $0x580, s22  }
0x8b: {  	[tilespmem:s14], [sflag:$0x2] =	stream.indirect.gather @!p0 [spmem:s2], $0x20, s10, s5, $0xb8;
	[tilespmem:$0x18E00] =	vst v63  }
0x8c: {  	_ =	swait.ge [sflag:s29], $0x1000  }
0x8d: {  	[sflag:s29] =	ssyncset.done $0x0  }
0x8e: {  	s14 =	sadd.s32 $0x2980, s18;
	s10 =	simm.s32 @p0 $0x5;
	[sflag:s29] =	ssyncadd.s32 $0xFFFFF000  }
0x8f: {  	[spmem:s3] =	stream.indirect.scatter.add.f32 [tilespmem:s25], [sflag:$0xE], $0x20, s14, s19, $0xb8;
	[tilespmem:$0x18E00] =	vst v63  }
0x90: {  	_ =	swait.ge @p0 [sflag:s10], $0x1000  }
0x91: {  	[sflag:s10] =	ssyncset.done @p0 $0x0  }
0x92: {  	s14 =	simm.s32 @p0 $0x9000;
	[sflag:s10] =	ssyncadd.s32 @p0 $0xFFFFF000;
	s10 =	sadd.s32 @p0 $0x2A00, s6  }
0x93: {  	[spmem:s3] =	stream.indirect.scatter.add.f32 @p0 [tilespmem:s14], [sflag:$0xF], $0x20, s10, s9, $0xb8;
	[tilespmem:$0x18E00] =	vst v63  }
0x94: {  	s10 =	simm.s32 @!p0 $0xD  }
0x95: {  	_ =	swait.ge @!p0 [sflag:s10], $0x1000  }
0x96: {  	[sflag:s10] =	ssyncset.done @!p0 $0x0  }
0x97: {  	[sflag:s10] =	ssyncadd.s32 @!p0 $0xFFFFF000;
	s10 =	sadd.s32 @!p0 $0x600, s22  }
0x98: {  	[tilespmem:s11], [sflag:$0x3] =	stream.indirect.gather @!p0 [spmem:s2], $0x20, s10, s5, $0xb8;
	[tilespmem:$0x18E00] =	vst v63  }
0x99: {  	s10 =	simm.s32 @!p0 $0x5  }
0x9a: {  	_ =	swait.ge @!p0 [sflag:s10], $0x1000  }
0x9b: {  	[sflag:s10] =	ssyncset.done @!p0 $0x0  }
0x9c: {  	s11 =	simm.s32 @!p0 $0x9000;
	[sflag:s10] =	ssyncadd.s32 @!p0 $0xFFFFF000;
	s10 =	sadd.s32 @!p0 $0x2A00, s22  }
0x9d: {  	[spmem:s3] =	stream.indirect.scatter.add.f32 @!p0 [tilespmem:s11], [sflag:$0xF], $0x20, s10, s5, $0xb8;
	[tilespmem:$0x18E00] =	vst v63  }
0x9e: {  	s10 =	simm.s32 @!p0 $0xE  }
0x9f: {  	_ =	swait.ge @!p0 [sflag:s10], $0x1000  }
0xa0: {  	[sflag:s10] =	ssyncset.done @!p0 $0x0  }
0xa1: {  	s14 =	simm.s32 @!p0 $0x8000;
	[sflag:s10] =	ssyncadd.s32 @!p0 $0xFFFFF000;
	s10 =	sadd.s32 @!p0 $0x680, s22  }
0xa2: {  	[tilespmem:s14], [sflag:$0x4] =	stream.indirect.gather @!p0 [spmem:s2], $0x20, s10, s5, $0xb8;
	[tilespmem:$0x18E00] =	vst v63  }
0xa3: {  	_ =	swait.ge [sflag:s31], $0x1000  }
0xa4: {  	[sflag:s31] =	ssyncset.done $0x0  }
0xa5: {  	s14 =	sadd.s32 $0x2A80, s18;
	s10 =	simm.s32 @p0 $0x7;
	[sflag:s31] =	ssyncadd.s32 $0xFFFFF000  }
0xa6: {  	[spmem:s3] =	stream.indirect.scatter.add.f32 [tilespmem:s30], [sflag:$0x10], $0x20, s14, s19, $0xb8;
	[tilespmem:$0x18E00] =	vst v63  }
0xa7: {  	_ =	swait.ge @p0 [sflag:s10], $0x1000  }
0xa8: {  	[sflag:s10] =	ssyncset.done @p0 $0x0  }
0xa9: {  	s14 =	simm.s32 @p0 $0xB000;
	[sflag:s10] =	ssyncadd.s32 @p0 $0xFFFFF000;
	s10 =	sadd.s32 @p0 $0x2B00, s6  }
0xaa: {  	[spmem:s3] =	stream.indirect.scatter.add.f32 @p0 [tilespmem:s14], [sflag:$0x11], $0x20, s10, s9, $0xb8;
	[tilespmem:$0x18E00] =	vst v63  }
0xab: {  	s10 =	simm.s32 @!p0 $0xF  }
0xac: {  	_ =	swait.ge @!p0 [sflag:s10], $0x1000  }
0xad: {  	[sflag:s10] =	ssyncset.done @!p0 $0x0  }
0xae: {  	[sflag:s10] =	ssyncadd.s32 @!p0 $0xFFFFF000;
	s10 =	sadd.s32 @!p0 $0x700, s22  }
0xaf: {  	[tilespmem:s11], [sflag:$0x5] =	stream.indirect.gather @!p0 [spmem:s2], $0x20, s10, s5, $0xb8;
	[tilespmem:$0x18E00] =	vst v63  }
0xb0: {  	s10 =	simm.s32 @!p0 $0x7  }
0xb1: {  	_ =	swait.ge @!p0 [sflag:s10], $0x1000  }
0xb2: {  	[sflag:s10] =	ssyncset.done @!p0 $0x0  }
0xb3: {  	s11 =	simm.s32 @!p0 $0xB000;
	[sflag:s10] =	ssyncadd.s32 @!p0 $0xFFFFF000;
	s10 =	sadd.s32 @!p0 $0x2B00, s22  }
0xb4: {  	[spmem:s3] =	stream.indirect.scatter.add.f32 @!p0 [tilespmem:s11], [sflag:$0x11], $0x20, s10, s5, $0xb8;
	[tilespmem:$0x18E00] =	vst v63  }
0xb5: {  	s10 =	simm.s32 @!p0 $0x10  }
0xb6: {  	_ =	swait.ge @!p0 [sflag:s10], $0x1000  }
0xb7: {  	[sflag:s10] =	ssyncset.done @!p0 $0x0  }
0xb8: {  	s14 =	simm.s32 @!p0 $0xA000;
	[sflag:s10] =	ssyncadd.s32 @!p0 $0xFFFFF000;
	s10 =	sadd.s32 @!p0 $0x780, s22  }
0xb9: {  	[tilespmem:s14], [sflag:$0x6] =	stream.indirect.gather @!p0 [spmem:s2], $0x20, s10, s5, $0xb8;
	[tilespmem:$0x18E00] =	vst v63  }
0xba: {  	_ =	swait.ge [sflag:s1], $0x1000  }
0xbb: {  	[sflag:s1] =	ssyncset.done $0x0  }
0xbc: {  	s14 =	sadd.s32 $0x2B80, s18;
	s10 =	simm.s32 @p0 $0x9;
	[sflag:s1] =	ssyncadd.s32 $0xFFFFF000  }
0xbd: {  	[spmem:s3] =	stream.indirect.scatter.add.f32 [tilespmem:s13], [sflag:$0x12], $0x20, s14, s19, $0xb8;
	[tilespmem:$0x18E00] =	vst v63  }
0xbe: {  	_ =	swait.ge @p0 [sflag:s10], $0x1000  }
0xbf: {  	[sflag:s10] =	ssyncset.done @p0 $0x0  }
0xc0: {  	s6 =	sadd.s32 @p0 $0x2C00, s6;
	[sflag:s10] =	ssyncadd.s32 @p0 $0xFFFFF000;
	s10 =	simm.s32 @p0 $0xD000  }
0xc1: {  	[spmem:s3] =	stream.indirect.scatter.add.f32 @p0 [tilespmem:s10], [sflag:$0x13], $0x20, s6, s9, $0xb8;
	[tilespmem:$0x18E00] =	vst v63  }
0xc2: {  	s6 =	simm.s32 @!p0 $0x11  }
0xc3: {  	_ =	swait.ge @!p0 [sflag:s6], $0x1000  }
0xc4: {  	[sflag:s6] =	ssyncset.done @!p0 $0x0  }
0xc5: {  	[sflag:s6] =	ssyncadd.s32 @!p0 $0xFFFFF000;
	s6 =	sadd.s32 @!p0 $0x800, s22  }
0xc6: {  	[tilespmem:s11], [sflag:$0x7] =	stream.indirect.gather @!p0 [spmem:s2], $0x20, s6, s5, $0xb8;
	[tilespmem:$0x18E00] =	vst v63  }
0xc7: {  	s6 =	simm.s32 @!p0 $0x9  }
0xc8: {  	_ =	swait.ge @!p0 [sflag:s6], $0x1000  }
0xc9: {  	[sflag:s6] =	ssyncset.done @!p0 $0x0  }
0xca: {  	s9 =	simm.s32 @!p0 $0xD000;
	[sflag:s6] =	ssyncadd.s32 @!p0 $0xFFFFF000;
	s6 =	sadd.s32 @!p0 $0x2C00, s22  }
0xcb: {  	[spmem:s3] =	stream.indirect.scatter.add.f32 @!p0 [tilespmem:s9], [sflag:$0x13], $0x20, s6, s5, $0xb8;
	[tilespmem:$0x18E00] =	vst v63  }
0xcc: {  	s6 =	simm.s32 @!p0 $0x12  }
0xcd: {  	_ =	swait.ge @!p0 [sflag:s6], $0x1000  }
0xce: {  	[sflag:s6] =	ssyncset.done @!p0 $0x0  }
0xcf: {  	s9 =	simm.s32 @!p0 $0xC000;
	[sflag:s6] =	ssyncadd.s32 @!p0 $0xFFFFF000;
	s6 =	sadd.s32 @!p0 $0x880, s22  }
0xd0: {  	[tilespmem:s9], [sflag:$0x8] =	stream.indirect.gather @!p0 [spmem:s2], $0x20, s6, s5, $0xb8;
	[tilespmem:$0x18E00] =	vst v63  }
.Ltmp2:
0xd1: {  	_ = 	snop;
	(pc) =	sbr.rel @p0 .LBB2_4-.Ltmp2, $4  }
0xd2: {  	_ =	swait.ge [sflag:s0], $0x1000  }
0xd3: {  	[sflag:s0] =	ssyncset.done $0x0  }
0xd4: {  	s22 =	sadd.s32 $0x2C80, s18;
	[sflag:s0] =	ssyncadd.s32 $0xFFFFF000  }
0xd5: {  	[spmem:s3] =	stream.indirect.scatter.add.f32 [tilespmem:s28], [sflag:$0x14], $0x20, s22, s19, $0xb8;
	[tilespmem:$0x18E00] =	vst v63  }
.Ltmp3:
0xd6: {  	(pc) =	sbr.rel .LBB2_2-.Ltmp3, $4  }
0xd7: {  	_ =	swait.ge [sflag:s15], $0x1000  }
0xd8: {  	[sflag:s15] =	ssyncset.done $0x0  }
0xd9: {  	s5 =	sadd.s32 $0x900, s18;
	s4 =	sadd.s32 $0x1400, s4;
	[sflag:s15] =	ssyncadd.s32 $0xFFFFF000  }
0xda: {  	[tilespmem:s23], [sflag:$0x9] =	stream.indirect.gather [spmem:s2], $0x20, s5, s19, $0xb8;
	[tilespmem:$0x18E00] =	vst v63  }
.LBB2_5:
0xdb: {  	_ =	sfence.sel $0x180000  }
0xdc: {  	[bflag:$0x0] =	sbarrier.arrive $0xFFFF  }
0xdd: {  	_ =	strace $0x9000004A  }
0xde: {  	s0 =	stileid.u32;
	[bflag:$0x2] =	sbarrier.arrive $0xFFFF  }
0xdf: {  	p0 =	sne.s32 s0, $0x0;
	s0 =	rddreg [dreg:$0x4]  }
0xe0: {  	s0 =	sadd.s32 @!p0 $0x100000, s0  }
0xe1: {  	[sflag:s0] =	ssyncadd.tile.s32 @!p0 $0x1;
	_ =	shalt  }
.Lfunc_end2:
_tile_overlayer_lowered:
.L_overlay_start_2:
0xe2: {  	(tag) =	ssettag $0x2  }
0xe3: {  	s0 =	rddreg [dreg:$0x0];
	s2 =	stileid.u32  }
0xe4: {  	s1 =	rddreg [dreg:$0x1];
	p0 =	sne.s32 s2, $0x0  }
0xe5: {  	s3 =	rddreg [dreg:$0x2];
	[bflag:$0x3] =	sbarrier.arrive $0xFFFF;
	s2 =	simm.s32 @!p0 $0x1C15  }
0xe6: {  	[timem:s3], [sflag:s2] =	dma.local @!p0 [hbm:s0], s1  }
0xe7: {  	s0 =	simm.s32 @!p0 $0x15  }
0xe8: {  	_ =	swait.ge @!p0 [sflag:s0], s1  }
0xe9: {  	s1 =	ssub.s32 @!p0 $0x0, s1;
	[sflag:s0] =	ssyncset.done @!p0 $0x0  }
0xea: {  	[sflag:s0] =	ssyncadd.s32 @!p0 s1  }
0xeb: {  	[bflag:$0x3] =	sbarrier.arrive $0xFFFF  }
0xec: {  	_ =	shalt  }

// kernel: kernel.15.cloned.1.call-start
scs
__scs_entry_jumppad:
0x0: {  	(pc) =	sbr.rel $0x88, $3  }
0x1: {  	(tag) =	ssettag $0x0;
	lr =	simm.s32 $0x1  }
0x2: {  	[smem:$0x3F8B] =	sst lr;
	_ =	strace $0xD0000000  }
0x3: {  	_ = 	snop  }
0x4: {  	_ = 	snop  }
0x5: {  	_ = 	snop  }
0x6: {  	_ = 	snop  }
0x7: {  	_ = 	snop  }
__scs_overlays_trampoline_lowered:
0x8: {  	[smem:$0x3F9A] =	sst s0  }
0x9: {  	[smem:$0x3F9B] =	sst s1  }
0xa: {  	[smem:$0x3F9C] =	sst s2  }
0xb: {  	[smem:$0x3F9D] =	sst s3  }
0xc: {  	[smem:$0x3F9E] =	sst s4  }
0xd: {  	[smem:$0x3F9F] =	sst s5  }
0xe: {  	[smem:$0x3FA0] =	sst s6  }
0xf: {  	[smem:$0x3FA1] =	sst s7  }
0x10: {  	[smem:$0x3FA2] =	sst s8  }
0x11: {  	[smem:$0x3FA3] =	sst s9;
	s0 =	simm.s32 @!p0 $0x0  }
0x12: {  	s1 =	sld [smem:$0x3F89];
	s0 =	simm.s32 @p0 $0x1  }
0x13: {  	[smem:$0x3FA4] =	sst s0;
	s0 =	simm.s32 @!p1 $0x0  }
0x14: {  	s2 =	sld [smem:$0x3F88];
	s0 =	simm.s32 @p1 $0x1  }
0x15: {  	[smem:$0x3FA5] =	sst s0;
	s0 =	simm.s32 @!p2 $0x0  }
0x16: {  	s3 =	sld [smem:$0x3FDB];
	s0 =	simm.s32 @p2 $0x1  }
0x17: {  	s4 =	simm.s32 $0x1BF5;
	[smem:$0x3FA7] =	sst s0  }
0x18: {  	s0 =	sld [smem:$0x3F8A];
	_ =	swait.ge [sflag:s4], $0x0  }
0x19: {  	s7 =	sld [smem:$0x3F8B]  }
0x1a: {  	s8 =	sadd.s32 $0xFFFFE003, lr  }
0x1b: {  	s9 =	sadd.s32 $0xFFFFFEF7, lr;
	s5 =	simm.s32 $0xFFFFFFFF;
	p2 =	slt.u32 s8, $0xFFFFF086  }
0x1c: {  	p1 =	slt.u32 s9, $0xF7A;
	s5 =	simm.s32 @!p2 $0x0  }
0x1d: {  	s5 =	simm.s32 @p1 $0x1;
	p0 =	seq.s32 s7, s2  }
0x1e: {  	s7 =	smul.u32 @!p0 $0xF7A, s2;
	p2 =	seq.s32 @!p0 s5, $0x0  }
0x1f: {  	s9 =	smul.u32 $0xF7A, s1;
	s8 =	simm.s32 @!p0 $0x1BF5;
	p2 =	por !p2, p0  }
0x20: {  	[sflag:s8] =	ssyncset.s32 @!p0 $0xFFFFF086;
	s6 =	sadd.s32 @!p0 s3, s7;
	s7 =	simm.s32 @!p0 $0x108  }
0x21: {  	s3 =	sadd.s32 s3, s9;
	s6 =	sadd.s32 @!p0 $0x88, s6;
	s7 =	simm.s32 @p2 $0x1082  }
0x22: {  	[simem:s7], [sflag:s8] =	dma.local @!p0 [hbm:s6], $0xF7A  }
0x23: {  	s9 =	sor.u32 $0xD0000000, s2;
	s6 =	simm.s32 $0x108;
	_ =	swait.ge @!p0 [sflag:s8], $0x0  }
0x24: {  	s3 =	sadd.s32 $0x88, s3;
	s6 =	simm.s32 @!p1 $0x1082;
	[sflag:s4] =	ssyncset.s32 $0xFFFFF086  }
0x25: {  	[simem:s6], [sflag:s4] =	dma.local [hbm:s3], $0xF7A  }
0x26: {  	[smem:$0x3F8B] =	sst s1;
	(tag) =	ssettag s2;
	_ =	strace s9  }
0x27: {  	s1 =	sld [smem:$0x3F9B]  }
0x28: {  	s2 =	sld [smem:$0x3F9C]  }
0x29: {  	s4 =	sld [smem:$0x3F9E]  }
0x2a: {  	p0 =	seq.s32 s5, $0x0;
	s5 =	sld [smem:$0x3F9F]  }
0x2b: {  	s6 =	sld [smem:$0x3FA0]  }
0x2c: {  	s7 =	sld [smem:$0x3FA1]  }
0x2d: {  	s3 =	simm.s32 $0x108;
	s8 =	sld [smem:$0x3FA2]  }
0x2e: {  	s3 =	simm.s32 @!p0 $0x1082;
	s9 =	sld [smem:$0x3FA3]  }
0x2f: {  	lr =	sadd.s32 s0, s3;
	s0 =	sld [smem:$0x3F9A]  }
0x30: {  	s3 =	sld [smem:$0x3F9D]  }
0x31: {  	[smem:$0x3FA6] =	sst s10  }
0x32: {  	s10 =	sld [smem:$0x3FA4];
	_ =	sdelay $0x3  }
0x33: {  	p0 =	seq.s32 s10, $0x1;
	s10 =	sld [smem:$0x3FA6];
	_ =	sdelay $0x3  }
0x34: {  	[smem:$0x3FA6] =	sst s10  }
0x35: {  	s10 =	sld [smem:$0x3FA5];
	_ =	sdelay $0x3  }
0x36: {  	p1 =	seq.s32 s10, $0x1;
	s10 =	sld [smem:$0x3FA6];
	_ =	sdelay $0x3  }
0x37: {  	[smem:$0x3FA6] =	sst s10  }
0x38: {  	s10 =	sld [smem:$0x3FA7]  }
0x39: {  	_ = 	snop;
	(pc) =	sbr.ind lr, $3  }
0x3a: {  	_ = 	snop  }
0x3b: {  	_ = 	snop  }
0x3c: {  	p2 =	seq.s32 s10, $0x1;
	s10 =	sld [smem:$0x3FA6]  }
0x3d: {  	_ =	shalt  }
0x3e: {  	_ =	shalt  }
0x3f: {  	_ =	shalt  }
0x40: {  	_ =	shalt  }
0x41: {  	_ =	shalt  }
0x42: {  	_ =	shalt  }
0x43: {  	_ =	shalt  }
0x44: {  	_ =	shalt  }
0x45: {  	_ =	shalt  }
0x46: {  	_ =	shalt  }
0x47: {  	_ =	shalt  }
0x48: {  	_ =	shalt  }
0x49: {  	_ =	shalt  }
0x4a: {  	_ =	shalt  }
0x4b: {  	_ =	shalt  }
0x4c: {  	_ =	shalt  }
0x4d: {  	_ =	shalt  }
0x4e: {  	_ =	shalt  }
0x4f: {  	_ =	shalt  }
0x50: {  	_ =	shalt  }
0x51: {  	_ =	shalt  }
0x52: {  	_ =	shalt  }
0x53: {  	_ =	shalt  }
0x54: {  	_ =	shalt  }
0x55: {  	_ =	shalt  }
0x56: {  	_ =	shalt  }
0x57: {  	_ =	shalt  }
0x58: {  	_ =	shalt  }
0x59: {  	_ =	shalt  }
0x5a: {  	_ =	shalt  }
0x5b: {  	_ =	shalt  }
0x5c: {  	_ =	shalt  }
0x5d: {  	_ =	shalt  }
0x5e: {  	_ =	shalt  }
0x5f: {  	_ =	shalt  }
0x60: {  	_ =	shalt  }
0x61: {  	_ =	shalt  }
0x62: {  	_ =	shalt  }
0x63: {  	_ =	shalt  }
0x64: {  	_ =	shalt  }
0x65: {  	_ =	shalt  }
0x66: {  	_ =	shalt  }
0x67: {  	_ =	shalt  }
0x68: {  	_ =	shalt  }
0x69: {  	_ =	shalt  }
0x6a: {  	_ =	shalt  }
0x6b: {  	_ =	shalt  }
0x6c: {  	_ =	shalt  }
0x6d: {  	_ =	shalt  }
0x6e: {  	_ =	shalt  }
0x6f: {  	_ =	shalt  }
0x70: {  	_ =	shalt  }
0x71: {  	_ =	shalt  }
0x72: {  	_ =	shalt  }
0x73: {  	_ =	shalt  }
0x74: {  	_ =	shalt  }
0x75: {  	_ =	shalt  }
0x76: {  	_ =	shalt  }
0x77: {  	_ =	shalt  }
0x78: {  	_ =	shalt  }
0x79: {  	_ =	shalt  }
0x7a: {  	_ =	shalt  }
0x7b: {  	_ =	shalt  }
0x7c: {  	_ =	shalt  }
0x7d: {  	_ =	shalt  }
0x7e: {  	_ =	shalt  }
0x7f: {  	_ =	shalt  }
0x80: {  	_ =	shalt  }
0x81: {  	_ =	shalt  }
0x82: {  	_ =	shalt  }
0x83: {  	_ =	shalt  }
0x84: {  	_ =	shalt  }
0x85: {  	_ =	shalt  }
0x86: {  	_ =	shalt  }
0x87: {  	_ =	shalt  }
.Lfunc_end0:
.L_simem_size_0:
called_computation.2_lowered:
.L_overlay_start_0:
0x88: {  	s2 =	sld [smem:$0x3FD9]  }
0x89: {  	s3 =	sld [smem:$0x3FFE];
	_ =	sdelay $0x1  }
0x8a: {  	s1 =	srdreg.scid  }
0x8b: {  	s0 =	sand.u32 $0x1, s1  }
0x8c: {  	s17 =	sshll.u32 s0, $0xA;
	s2 =	sadd.s32 s3, s2  }
0x8d: {  	s2 =	sadd.s32 s2, s17  }
0x8e: {  	[smem:$0x3FB2] =	sst s2  }
0x8f: {  	_ = 	snop  }
0x90: {  	s2 =	sld [smem:$0x3FD0];
	(tm) =	ssettm $0x1  }
0x91: {  	s18 =	sld [smem:$0x3FFB];
	_ =	sdelay $0x3  }
0x92: {  	_ =	strace s18  }
0x93: {  	s3 =	sld [smem:$0x3FFC];
	_ =	sdelay $0x3  }
0x94: {  	_ =	strace s3  }
0x95: {  	s3 =	sld [smem:$0x3FFD];
	_ =	sdelay $0x3  }
0x96: {  	_ =	strace s3  }
0x97: {  	_ =	strace $0x8FFFFFFF  }
0x98: {  	s19 =	sld [smem:$0x3FDB];
	_ =	sdelay $0x1  }
0x99: {  	s4 =	simm.s32 $_scs_section_size  }
0x9a: {  	s5 =	simm.s32 $_size__tile_overlayer_lowered;
	s6 =	simm.s32 $_tile_overlayer_lowered  }
0x9b: {  	s22 =	simm.s32 $0x1BFF;
	s21 =	sshll.u32 s6, $0x1;
	s3 =	sadd.s32 s4, s19  }
0x9c: {  	s7 =	simm.s32 $0x0;
	s20 =	sshll.u32 s5, $0x1;
	s5 =	sadd.s32 s21, s3  }
0x9d: {  	[timem:s7], [sflag:s22] =	dma.local [hbm:s5], s20  }
0x9e: {  	_ =	swait.ge [sflag:s22], s20  }
0x9f: {  	s4 =	ssub.s32 $0x0, s20;
	[sflag:s22] =	ssyncset.done $0x0  }
0xa0: {  	[sflag:s22] =	ssyncadd.s32 s4;
	_ =	sdelay $0x1  }
0xa1: {  	s23 =	simm.s32 $0x1B8B  }
0xa2: {  	_ =	swait.ge [sflag:s23], $0x1  }
0xa3: {  	[sflag:s23] =	ssyncset.done $0x0  }
0xa4: {  	s25 =	simm.s32 $0x1B8E;
	s24 =	sld [smem:$0x3FFE];
	[sflag:s23] =	ssyncadd.s32 $0xFFFFFFFF  }
0xa5: {  	s26 =	simm.s32 $execute0_lowered;
	[smem:$0x3FD2] =	sst s25  }
0xa6: {  	s5 =	sshll.u32 s26, $0x1;
	_ =	strace $0x8000004C;
	[dreg:$0x1] =	wrdreg $0xFFFFFFFF  }
0xa7: {  	s28 =	simm.s32 $_size_execute0_lowered;
	s3 =	sadd.s32 s3, s5;
	[dreg:$0x0] =	wrdreg $0x0  }
0xa8: {  	s5 =	sshll.u32 s28, $0x1;
	[dreg:$0x2] =	wrdreg s3  }
0xa9: {  	[dreg:$0x3] =	wrdreg s5  }
0xaa: {  	[dreg:$0x4] =	wrdreg $0xC0  }
0xab: {  	_ =	task [dreg:s7], $0x5FFFF  }
0xac: {  	[dreg:$0x1] =	wrdreg $0xFFFFFFFF  }
0xad: {  	[dreg:$0x0] =	wrdreg $0x60  }
0xae: {  	[dreg:$0x2] =	wrdreg s24  }
0xaf: {  	[dreg:$0x3] =	wrdreg s2  }
0xb0: {  	[dreg:$0x4] =	wrdreg $0xF0000  }
0xb1: {  	[dreg:$0x5] =	wrdreg $0x13F000  }
0xb2: {  	[dreg:$0x6] =	wrdreg $0x9  }
0xb3: {  	_ =	task.clear_ibuf [dreg:s7], $0x7FFFF;
	_ =	strace $0x9000004C  }
0xb4: {  	s29 =	simm.s32 $0x9;
	_ =	strace $0x8000004E  }
0xb5: {  	_ =	swait.ge [sflag:s29], $0x1  }
0xb6: {  	[sflag:s29] =	ssyncadd.s32 $0xFFFFFFFF  }
0xb7: {  	_ =	strace $0x9000004E  }
0xb8: {  	_ =	sfence  }
0xb9: {  	s30 =	sld [smem:$0x0];
	_ =	sdelay $0x2  }
0xba: {  	s31 =	sshll.u32 s1, $0xD;
	s1 =	sshrl.u32 s1, $0x2  }
0xbb: {  	s3 =	sand.u32 $0x4000, s31;
	s1 =	sadd.s32 s1, s30  }
0xbc: {  	s0 =	sor.u32 s3, s0;
	s1 =	sshll.u32 s1, $0x11  }
0xbd: {  	s0 =	sor.u32 s1, s0  }
0xbe: {  	s0 =	sadd.s32 $0x8F2B, s0  }
0xbf: {  	[sflag:s0] =	ssyncadd.remote.s32 $0x1  }
0xc0: {  	_ =	sfence.sel $0xFFFF  }
0xc1: {  	[dreg:$0x0] =	wrdreg $0xFFFFFFFF;
	(pc) =	sbr.abs _section_cstart, $3  }
0xc2: {  	[dreg:$0x1] =	wrdreg $0xFFFFFFFF  }
0xc3: {  	_ =	task.clear_ibuf [dreg:s7], $0x2FFFF;
	_ =	strace $0x9FFFFFFF  }
0xc4: {  	(tm) =	ssettm $0x7FFFFFFF  }
0xc5: {  	_ =	shalt  }
tec
execute0_lowered:
.L_overlay_start_1:
0x0: {  	(tag) =	ssettag $0x1  }
0x1: {  	s0 =	srdreg.scid  }
0x2: {  	s11 =	stileid.u32;
	s1 =	rddreg [dreg:$0x0]  }
0x3: {  	s4 =	rddreg [dreg:$0x1];
	s8 =	simm.s32 $0x0;
	s30 =	simm.s32 $0xA000  }
0x4: {  	s13 =	simm.s32 $0xC000;
	s28 =	simm.s32 $0xE000;
	s29 =	simm.s32 $0x4  }
0x5: {  	s31 =	simm.s32 $0x6;
	s15 =	simm.s32 $0x13;
	s12 =	simm.s32 $0x0  }
0x6: {  	s0 =	sand.u32 $0x1, s0;
	s2 =	sshll.u32 s11, $0x1;
	s6 =	smul.u32 $0x4F00, s11  }
0x7: {  	[smem:$0x7FF] =	sst s8;
	s21 =	sshll.u32 s11, $0x6;
	s3 =	sor.u32 s0, s2  }
0x8: {  	s2 =	rddreg [dreg:$0x2];
	s7 =	smul.u32 $0x4F000, s0;
	s10 =	ssub.s32 $0x2, s0  }
0x9: {  	s22 =	sor.u32 $0x1C03, s21;
	p0 =	seq.s32 s0, $0x1;
	s26 =	sor.u32 $0x1C0B, s21  }
0xa: {  	s0 =	simm.s32 $0xA;
	s5 =	smul.u32 $0x500, s3;
	s3 =	rddreg [dreg:$0x3]  }
0xb: {  	_ =	strace $0x8000004D;
	s9 =	sshrl.u32 s6, $0x3;
	[dreg:$0x9] =	wrdreg s22  }
0xc: {  	s18 =	sshrl.u32 s10, $0x1;
	s20 =	sadd.s32 s6, s2;
	[dreg:$0x8] =	wrdreg s21  }
0xd: {  	[dreg:$0xe] =	wrdreg s26;
	s21 =	simm.s32 $0x6000;
	s26 =	simm.s32 $0xB  }
0xe: {  	s7 =	sadd.s32 s6, s7;
	s9 =	sadd.s32 s9, s1;
	s23 =	sadd.s32 s6, s3  }
0xf: {  	s25 =	sshrl.u32 s20, $0x3;
	s20 =	simm.s32 $0x5000;
	s17 =	sadd.s32 s5, s1  }
0x10: {  	s7 =	sshrl.u32 s7, $0x3;
	s4 =	sadd.s32 s4, s5;
	s8 =	sadd.s32 $0xD800, s9  }
0x11: {  	s5 =	sadd.s32 $0x17600, s9;
	[dreg:$0xd] =	wrdreg s25;
	s16 =	sshrl.u32 s23, $0x3  }
0x12: {  	s25 =	simm.s32 $0x8000;
	s23 =	simm.s32 $0xD000;
	s1 =	sadd.s32 s7, s1  }
0x13: {  	s7 =	ssub.s32 s10, s18;
	[dreg:$0x5] =	wrdreg s4;
	s19 =	sadd.s32 $0x3800, s17  }
.Ltmp0:
0x14: {  	[dreg:$0x7] =	wrdreg s8;
	s8 =	smov.u32 @p0 s5;
	(pc) =	sbr.rel .LBB2_1-.Ltmp0, $4  }
0x15: {  	s17 =	simm.s32 $0x1;
	[dreg:$0x6] =	wrdreg s19;
	s1 =	sadd.s32 $0x21400, s1  }
0x16: {  	s24 =	smax.u32 s7, $0x1;
	[dreg:$0xc] =	wrdreg s8;
	s19 =	simm.s32 $0x80  }
0x17: {  	s7 =	simm.s32 $0x14;
	s8 =	simm.s32 $0x15;
	[dreg:$0xa] =	wrdreg s1  }
0x18: {  	[dreg:$0xb] =	wrdreg s24;
	s24 =	simm.s32 $0x2;
	s1 =	simm.s32 $0x8  }
.LBB2_4:
0x19: {  	_ =	swait.ge [sflag:s26], $0x1000  }
0x1a: {  	[sflag:s26] =	ssyncset.done $0x0  }
0x1b: {  	s4 =	simm.s32 $0xC;
	[sflag:s26] =	ssyncadd.s32 $0xFFFFF000  }
0x1c: {  	_ =	swait.ge [sflag:s4], $0x1000  }
0x1d: {  	[sflag:s4] =	ssyncset.done $0x0  }
0x1e: {  	s5 =	simm.s32 $0xD;
	[sflag:s4] =	ssyncadd.s32 $0xFFFFF000  }
0x1f: {  	_ =	swait.ge [sflag:s5], $0x1000  }
0x20: {  	[sflag:s5] =	ssyncset.done $0x0  }
0x21: {  	s6 =	simm.s32 $0xE;
	[sflag:s5] =	ssyncadd.s32 $0xFFFFF000  }
0x22: {  	_ =	swait.ge [sflag:s6], $0x1000  }
0x23: {  	[sflag:s6] =	ssyncset.done $0x0  }
0x24: {  	s9 =	simm.s32 $0xF;
	[sflag:s6] =	ssyncadd.s32 $0xFFFFF000  }
0x25: {  	_ =	swait.ge [sflag:s9], $0x1000  }
0x26: {  	[sflag:s9] =	ssyncset.done $0x0  }
0x27: {  	s10 =	simm.s32 $0x10;
	[sflag:s9] =	ssyncadd.s32 $0xFFFFF000  }
0x28: {  	_ =	swait.ge [sflag:s10], $0x1000  }
0x29: {  	[sflag:s10] =	ssyncset.done $0x0  }
0x2a: {  	s11 =	simm.s32 $0x11;
	[sflag:s10] =	ssyncadd.s32 $0xFFFFF000  }
0x2b: {  	_ =	swait.ge [sflag:s11], $0x1000  }
0x2c: {  	[sflag:s11] =	ssyncset.done $0x0  }
0x2d: {  	s14 =	simm.s32 $0x12;
	[sflag:s11] =	ssyncadd.s32 $0xFFFFF000  }
0x2e: {  	_ =	swait.ge [sflag:s14], $0x1000  }
0x2f: {  	[sflag:s14] =	ssyncset.done $0x0  }
0x30: {  	[sflag:s14] =	ssyncadd.s32 $0xFFFFF000  }
0x31: {  	_ =	swait.ge [sflag:s15], $0x1000  }
0x32: {  	[sflag:s15] =	ssyncset.done $0x0  }
0x33: {  	[sflag:s15] =	ssyncadd.s32 $0xFFFFF000  }
0x34: {  	_ =	swait.ge [sflag:s7], $0x1000  }
0x35: {  	[sflag:s7] =	ssyncset.done $0x0  }
0x36: {  	[sflag:s7] =	ssyncadd.s32 $0xFFFFF000  }
0x37: {  	[bflag:$0x0] =	sbarrier.arrive $0xFFFF  }
0x38: {  	s18 =	rddreg [dreg:$0x8]  }
0x39: {  	s5 =	rddreg [dreg:$0xa];
	s4 =	sor.u32 $0x1C15, s18  }
0x3a: {  	[hbm:s5], [sflag:s4] =	dma.local [spmem:s16], $0x9E0  }
0x3b: {  	_ =	swait.ge [sflag:s8], $0x9E0  }
0x3c: {  	s12 =	sadd.s32 $0x1, s12;
	s22 =	rddreg [dreg:$0xb]  }
0x3d: {  	p0 =	sne.s32 s12, s22  }
.Ltmp1:
0x3e: {  	_ = 	snop;
	(pc) =	sbr.rel @!p0 .LBB2_5-.Ltmp1, $3  }
0x3f: {  	_ =	sdelay $0x1  }
0x40: {  	[sflag:s8] =	ssyncset.done $0x0  }
0x41: {  	[sflag:s8] =	ssyncadd.s32 $0xFFFFF620  }
.LBB2_1:
0x42: {  	s5 =	rddreg [dreg:$0x5]  }
0x43: {  	s9 =	rddreg [dreg:$0x6]  }
0x44: {  	s4 =	simm.s32 $0x0;
	s10 =	rddreg [dreg:$0x7]  }
0x45: {  	[tilespmem:s4], [sflag:$0x1] =	stream.linear.gather [hbm4b:s5+s4], $0x2800, $0x38;
	[tilespmem:$0x18E00] =	vst v63  }
0x46: {  	s6 =	simm.s32 $0x2800;
	s11 =	rddreg [dreg:$0x9]  }
0x47: {  	[tilespmem:s6], [sflag:$0x2] =	stream.linear.gather [hbm4b:s9+s4], $0x2800, $0x38;
	[tilespmem:$0x18E00] =	vst v63  }
0x48: {  	s9 =	rddreg [dreg:$0xd]  }
0x49: {  	[spmem:s9], [sflag:s11] =	dma.local [hbm:s10], $0x9E0  }
0x4a: {  	s5 =	rddreg [dreg:$0xc]  }
0x4b: {  	s6 =	rddreg [dreg:$0xe]  }
0x4c: {  	[spmem:s16], [sflag:s6] =	dma.local [hbm:s5], $0x9E0  }
0x4d: {  	_ =	swait.ge [sflag:s17], $0x2800  }
0x4e: {  	[sflag:s17] =	ssyncset.done $0x0  }
0x4f: {  	s14 =	simm.s32 $0x3;
	[sflag:s17] =	ssyncadd.s32 $0xFFFFD800  }
0x50: {  	_ =	swait.ge [sflag:s14], $0x9E0  }
0x51: {  	[sflag:s14] =	ssyncset.done $0x0  }
0x52: {  	[sflag:s14] =	ssyncadd.s32 $0xFFFFF620  }
0x53: {  	[bflag:$0x0] =	sbarrier.arrive $0xFFFF  }
0x54: {  	[tilespmem:s20], [sflag:$0x1] =	stream.indirect.gather [spmem:s2], $0x20, s4, s19, $0xb8;
	[tilespmem:$0x18E00] =	vst v63  }
0x55: {  	_ = 	snop  }
0x56: {  	[tilespmem:s21], [sflag:$0x2] =	stream.indirect.gather [spmem:s2], $0x20, s19, s19, $0xb8;
	[tilespmem:$0x18E00] =	vst v63  }
0x57: {  	s18 =	simm.s32 $0x100;
	s22 =	simm.s32 $0x7000  }
0x58: {  	[tilespmem:s22], [sflag:$0x3] =	stream.indirect.gather [spmem:s2], $0x20, s18, s19, $0xb8;
	[tilespmem:$0x18E00] =	vst v63  }
0x59: {  	s5 =	simm.s32 $0x180  }
0x5a: {  	[tilespmem:s25], [sflag:$0x4] =	stream.indirect.gather [spmem:s2], $0x20, s5, s19, $0xb8;
	[tilespmem:$0x18E00] =	vst v63  }
0x5b: {  	s9 =	simm.s32 $0x9000;
	s6 =	simm.s32 $0x200  }
0x5c: {  	[tilespmem:s9], [sflag:$0x5] =	stream.indirect.gather [spmem:s2], $0x20, s6, s19, $0xb8;
	[tilespmem:$0x18E00] =	vst v63  }
0x5d: {  	s10 =	simm.s32 $0x280  }
0x5e: {  	[tilespmem:s30], [sflag:$0x6] =	stream.indirect.gather [spmem:s2], $0x20, s10, s19, $0xb8;
	[tilespmem:$0x18E00] =	vst v63  }
0x5f: {  	s11 =	simm.s32 $0x300;
	s14 =	simm.s32 $0xB000  }
0x60: {  	[tilespmem:s14], [sflag:$0x7] =	stream.indirect.gather [spmem:s2], $0x20, s11, s19, $0xb8;
	[tilespmem:$0x18E00] =	vst v63  }
0x61: {  	s18 =	simm.s32 $0x380  }
0x62: {  	[tilespmem:s13], [sflag:$0x8] =	stream.indirect.gather [spmem:s2], $0x20, s18, s19, $0xb8;
	[tilespmem:$0x18E00] =	vst v63  }
0x63: {  	s22 =	simm.s32 $0x400  }
0x64: {  	[tilespmem:s23], [sflag:$0x9] =	stream.indirect.gather [spmem:s2], $0x20, s22, s19, $0xb8;
	[tilespmem:$0x18E00] =	vst v63  }
0x65: {  	_ =	swait.ge [sflag:s24], $0x2800  }
0x66: {  	[sflag:s24] =	ssyncset.done $0x0  }
0x67: {  	[sflag:s24] =	ssyncadd.s32 $0xFFFFD800  }
0x68: {  	_ =	swait.ge [sflag:s26], $0x9E0  }
0x69: {  	[sflag:s26] =	ssyncset.done $0x0  }
0x6a: {  	[sflag:s26] =	ssyncadd.s32 $0xFFFFF620  }
0x6b: {  	s4 =	simm.s32 $0x0;
	[bflag:$0x0] =	sbarrier.arrive $0xFFFF  }
.LBB2_2:
0x6c: {  	_ =	swait.ge [sflag:s17], $0x1000  }
0x6d: {  	s18 =	sshra.s32 s4, $0x2;
	[sflag:s17] =	ssyncset.done $0x0  }
0x6e: {  	p0 =	seq.s32 s4, $0x0;
	s5 =	sadd.s32 $0x2800, s18;
	[sflag:s17] =	ssyncadd.s32 $0xFFFFF000  }
0x6f: {  	[spmem:s3] =	stream.indirect.scatter.add.f32 [tilespmem:s20], [sflag:$0xB], $0x20, s5, s19, $0xb8;
	[tilespmem:$0x18E00] =	vst v63  }
0x70: {  	s5 =	simm.s32 @!p0 $0x14  }
0x71: {  	_ =	swait.ge @!p0 [sflag:s5], $0x1000  }
0x72: {  	[sflag:s5] =	ssyncset.done @!p0 $0x0  }
0x73: {  	s10 =	sadd.s32 $0x480, s18;
	[sflag:s5] =	ssyncadd.s32 @!p0 $0xFFFFF000  }
0x74: {  	[tilespmem:s28], [sflag:$0xA] =	stream.indirect.gather [spmem:s2], $0x20, s10, s19, $0xb8;
	[tilespmem:$0x18E00] =	vst v63  }
0x75: {  	_ =	swait.ge [sflag:s24], $0x1000  }
0x76: {  	p0 =	seq.s32 s4, $0x8C00;
	[sflag:s24] =	ssyncset.done $0x0  }
0x77: {  	s11 =	sadd.s32 $0x2880, s18;
	s5 =	simm.s32 @p0 $0x3;
	[sflag:s24] =	ssyncadd.s32 $0xFFFFF000  }
0x78: {  	[spmem:s3] =	stream.indirect.scatter.add.f32 [tilespmem:s21], [sflag:$0xC], $0x20, s11, s19, $0xb8;
	[tilespmem:$0x18E00] =	vst v63  }
0x79: {  	_ =	swait.ge @p0 [sflag:s5], $0x1000  }
0x7a: {  	s6 =	sshra.s32 @p0 s4, $0x2;
	s9 =	simm.s32 @p0 $0x80;
	[sflag:s5] =	ssyncset.done @p0 $0x0  }
0x7b: {  	s22 =	simm.s32 @p0 $0x7000;
	[sflag:s5] =	ssyncadd.s32 @p0 $0xFFFFF000;
	s5 =	sadd.s32 @p0 $0x2900, s6  }
0x7c: {  	[spmem:s3] =	stream.indirect.scatter.add.f32 @p0 [tilespmem:s22], [sflag:$0xD], $0x20, s5, s9, $0xb8;
	[tilespmem:$0x18E00] =	vst v63  }
0x7d: {  	s5 =	simm.s32 @!p0 $0xB  }
0x7e: {  	_ =	swait.ge @!p0 [sflag:s5], $0x1000  }
0x7f: {  	s11 =	simm.s32 @!p0 $0x5000;
	s22 =	sshra.s32 @!p0 s4, $0x2;
	[sflag:s5] =	ssyncset.done @!p0 $0x0  }
0x80: {  	s10 =	sadd.s32 @!p0 $0x500, s22;
	[sflag:s5] =	ssyncadd.s32 @!p0 $0xFFFFF000;
	s5 =	simm.s32 @!p0 $0x80  }
0x81: {  	[tilespmem:s11], [sflag:$0x1] =	stream.indirect.gather @!p0 [spmem:s2], $0x20, s10, s5, $0xb8;
	[tilespmem:$0x18E00] =	vst v63  }
0x82: {  	s10 =	simm.s32 @!p0 $0x3  }
0x83: {  	_ =	swait.ge @!p0 [sflag:s10], $0x1000  }
0x84: {  	[sflag:s10] =	ssyncset.done @!p0 $0x0  }
0x85: {  	s11 =	simm.s32 @!p0 $0x7000;
	[sflag:s10] =	ssyncadd.s32 @!p0 $0xFFFFF000;
	s10 =	sadd.s32 @!p0 $0x2900, s22  }
0x86: {  	[spmem:s3] =	stream.indirect.scatter.add.f32 @!p0 [tilespmem:s11], [sflag:$0xD], $0x20, s10, s5, $0xb8;
	[tilespmem:$0x18E00] =	vst v63  }
0x87: {  	s10 =	simm.s32 @!p0 $0xC  }
0x88: {  	_ =	swait.ge @!p0 [sflag:s10], $0x1000  }
0x89: {  	[sflag:s10] =	ssyncset.done @!p0 $0x0  }
0x8a: {  	s14 =	simm.s32 @!p0 $0x6000;
	[sflag:s10] =	ssyncadd.s32 @!p0 $0xFFFFF000;
	s10 =	sadd.s32 @!p0 $0x580, s22  }
0x8b: {  	[tilespmem:s14], [sflag:$0x2] =	stream.indirect.gather @!p0 [spmem:s2], $0x20, s10, s5, $0xb8;
	[tilespmem:$0x18E00] =	vst v63  }
0x8c: {  	_ =	swait.ge [sflag:s29], $0x1000  }
0x8d: {  	[sflag:s29] =	ssyncset.done $0x0  }
0x8e: {  	s14 =	sadd.s32 $0x2980, s18;
	s10 =	simm.s32 @p0 $0x5;
	[sflag:s29] =	ssyncadd.s32 $0xFFFFF000  }
0x8f: {  	[spmem:s3] =	stream.indirect.scatter.add.f32 [tilespmem:s25], [sflag:$0xE], $0x20, s14, s19, $0xb8;
	[tilespmem:$0x18E00] =	vst v63  }
0x90: {  	_ =	swait.ge @p0 [sflag:s10], $0x1000  }
0x91: {  	[sflag:s10] =	ssyncset.done @p0 $0x0  }
0x92: {  	s14 =	simm.s32 @p0 $0x9000;
	[sflag:s10] =	ssyncadd.s32 @p0 $0xFFFFF000;
	s10 =	sadd.s32 @p0 $0x2A00, s6  }
0x93: {  	[spmem:s3] =	stream.indirect.scatter.add.f32 @p0 [tilespmem:s14], [sflag:$0xF], $0x20, s10, s9, $0xb8;
	[tilespmem:$0x18E00] =	vst v63  }
0x94: {  	s10 =	simm.s32 @!p0 $0xD  }
0x95: {  	_ =	swait.ge @!p0 [sflag:s10], $0x1000  }
0x96: {  	[sflag:s10] =	ssyncset.done @!p0 $0x0  }
0x97: {  	[sflag:s10] =	ssyncadd.s32 @!p0 $0xFFFFF000;
	s10 =	sadd.s32 @!p0 $0x600, s22  }
0x98: {  	[tilespmem:s11], [sflag:$0x3] =	stream.indirect.gather @!p0 [spmem:s2], $0x20, s10, s5, $0xb8;
	[tilespmem:$0x18E00] =	vst v63  }
0x99: {  	s10 =	simm.s32 @!p0 $0x5  }
0x9a: {  	_ =	swait.ge @!p0 [sflag:s10], $0x1000  }
0x9b: {  	[sflag:s10] =	ssyncset.done @!p0 $0x0  }
0x9c: {  	s11 =	simm.s32 @!p0 $0x9000;
	[sflag:s10] =	ssyncadd.s32 @!p0 $0xFFFFF000;
	s10 =	sadd.s32 @!p0 $0x2A00, s22  }
0x9d: {  	[spmem:s3] =	stream.indirect.scatter.add.f32 @!p0 [tilespmem:s11], [sflag:$0xF], $0x20, s10, s5, $0xb8;
	[tilespmem:$0x18E00] =	vst v63  }
0x9e: {  	s10 =	simm.s32 @!p0 $0xE  }
0x9f: {  	_ =	swait.ge @!p0 [sflag:s10], $0x1000  }
0xa0: {  	[sflag:s10] =	ssyncset.done @!p0 $0x0  }
0xa1: {  	s14 =	simm.s32 @!p0 $0x8000;
	[sflag:s10] =	ssyncadd.s32 @!p0 $0xFFFFF000;
	s10 =	sadd.s32 @!p0 $0x680, s22  }
0xa2: {  	[tilespmem:s14], [sflag:$0x4] =	stream.indirect.gather @!p0 [spmem:s2], $0x20, s10, s5, $0xb8;
	[tilespmem:$0x18E00] =	vst v63  }
0xa3: {  	_ =	swait.ge [sflag:s31], $0x1000  }
0xa4: {  	[sflag:s31] =	ssyncset.done $0x0  }
0xa5: {  	s14 =	sadd.s32 $0x2A80, s18;
	s10 =	simm.s32 @p0 $0x7;
	[sflag:s31] =	ssyncadd.s32 $0xFFFFF000  }
0xa6: {  	[spmem:s3] =	stream.indirect.scatter.add.f32 [tilespmem:s30], [sflag:$0x10], $0x20, s14, s19, $0xb8;
	[tilespmem:$0x18E00] =	vst v63  }
0xa7: {  	_ =	swait.ge @p0 [sflag:s10], $0x1000  }
0xa8: {  	[sflag:s10] =	ssyncset.done @p0 $0x0  }
0xa9: {  	s14 =	simm.s32 @p0 $0xB000;
	[sflag:s10] =	ssyncadd.s32 @p0 $0xFFFFF000;
	s10 =	sadd.s32 @p0 $0x2B00, s6  }
0xaa: {  	[spmem:s3] =	stream.indirect.scatter.add.f32 @p0 [tilespmem:s14], [sflag:$0x11], $0x20, s10, s9, $0xb8;
	[tilespmem:$0x18E00] =	vst v63  }
0xab: {  	s10 =	simm.s32 @!p0 $0xF  }
0xac: {  	_ =	swait.ge @!p0 [sflag:s10], $0x1000  }
0xad: {  	[sflag:s10] =	ssyncset.done @!p0 $0x0  }
0xae: {  	[sflag:s10] =	ssyncadd.s32 @!p0 $0xFFFFF000;
	s10 =	sadd.s32 @!p0 $0x700, s22  }
0xaf: {  	[tilespmem:s11], [sflag:$0x5] =	stream.indirect.gather @!p0 [spmem:s2], $0x20, s10, s5, $0xb8;
	[tilespmem:$0x18E00] =	vst v63  }
0xb0: {  	s10 =	simm.s32 @!p0 $0x7  }
0xb1: {  	_ =	swait.ge @!p0 [sflag:s10], $0x1000  }
0xb2: {  	[sflag:s10] =	ssyncset.done @!p0 $0x0  }
0xb3: {  	s11 =	simm.s32 @!p0 $0xB000;
	[sflag:s10] =	ssyncadd.s32 @!p0 $0xFFFFF000;
	s10 =	sadd.s32 @!p0 $0x2B00, s22  }
0xb4: {  	[spmem:s3] =	stream.indirect.scatter.add.f32 @!p0 [tilespmem:s11], [sflag:$0x11], $0x20, s10, s5, $0xb8;
	[tilespmem:$0x18E00] =	vst v63  }
0xb5: {  	s10 =	simm.s32 @!p0 $0x10  }
0xb6: {  	_ =	swait.ge @!p0 [sflag:s10], $0x1000  }
0xb7: {  	[sflag:s10] =	ssyncset.done @!p0 $0x0  }
0xb8: {  	s14 =	simm.s32 @!p0 $0xA000;
	[sflag:s10] =	ssyncadd.s32 @!p0 $0xFFFFF000;
	s10 =	sadd.s32 @!p0 $0x780, s22  }
0xb9: {  	[tilespmem:s14], [sflag:$0x6] =	stream.indirect.gather @!p0 [spmem:s2], $0x20, s10, s5, $0xb8;
	[tilespmem:$0x18E00] =	vst v63  }
0xba: {  	_ =	swait.ge [sflag:s1], $0x1000  }
0xbb: {  	[sflag:s1] =	ssyncset.done $0x0  }
0xbc: {  	s14 =	sadd.s32 $0x2B80, s18;
	s10 =	simm.s32 @p0 $0x9;
	[sflag:s1] =	ssyncadd.s32 $0xFFFFF000  }
0xbd: {  	[spmem:s3] =	stream.indirect.scatter.add.f32 [tilespmem:s13], [sflag:$0x12], $0x20, s14, s19, $0xb8;
	[tilespmem:$0x18E00] =	vst v63  }
0xbe: {  	_ =	swait.ge @p0 [sflag:s10], $0x1000  }
0xbf: {  	[sflag:s10] =	ssyncset.done @p0 $0x0  }
0xc0: {  	s6 =	sadd.s32 @p0 $0x2C00, s6;
	[sflag:s10] =	ssyncadd.s32 @p0 $0xFFFFF000;
	s10 =	simm.s32 @p0 $0xD000  }
0xc1: {  	[spmem:s3] =	stream.indirect.scatter.add.f32 @p0 [tilespmem:s10], [sflag:$0x13], $0x20, s6, s9, $0xb8;
	[tilespmem:$0x18E00] =	vst v63  }
0xc2: {  	s6 =	simm.s32 @!p0 $0x11  }
0xc3: {  	_ =	swait.ge @!p0 [sflag:s6], $0x1000  }
0xc4: {  	[sflag:s6] =	ssyncset.done @!p0 $0x0  }
0xc5: {  	[sflag:s6] =	ssyncadd.s32 @!p0 $0xFFFFF000;
	s6 =	sadd.s32 @!p0 $0x800, s22  }
0xc6: {  	[tilespmem:s11], [sflag:$0x7] =	stream.indirect.gather @!p0 [spmem:s2], $0x20, s6, s5, $0xb8;
	[tilespmem:$0x18E00] =	vst v63  }
0xc7: {  	s6 =	simm.s32 @!p0 $0x9  }
0xc8: {  	_ =	swait.ge @!p0 [sflag:s6], $0x1000  }
0xc9: {  	[sflag:s6] =	ssyncset.done @!p0 $0x0  }
0xca: {  	s9 =	simm.s32 @!p0 $0xD000;
	[sflag:s6] =	ssyncadd.s32 @!p0 $0xFFFFF000;
	s6 =	sadd.s32 @!p0 $0x2C00, s22  }
0xcb: {  	[spmem:s3] =	stream.indirect.scatter.add.f32 @!p0 [tilespmem:s9], [sflag:$0x13], $0x20, s6, s5, $0xb8;
	[tilespmem:$0x18E00] =	vst v63  }
0xcc: {  	s6 =	simm.s32 @!p0 $0x12  }
0xcd: {  	_ =	swait.ge @!p0 [sflag:s6], $0x1000  }
0xce: {  	[sflag:s6] =	ssyncset.done @!p0 $0x0  }
0xcf: {  	s9 =	simm.s32 @!p0 $0xC000;
	[sflag:s6] =	ssyncadd.s32 @!p0 $0xFFFFF000;
	s6 =	sadd.s32 @!p0 $0x880, s22  }
0xd0: {  	[tilespmem:s9], [sflag:$0x8] =	stream.indirect.gather @!p0 [spmem:s2], $0x20, s6, s5, $0xb8;
	[tilespmem:$0x18E00] =	vst v63  }
.Ltmp2:
0xd1: {  	_ = 	snop;
	(pc) =	sbr.rel @p0 .LBB2_4-.Ltmp2, $4  }
0xd2: {  	_ =	swait.ge [sflag:s0], $0x1000  }
0xd3: {  	[sflag:s0] =	ssyncset.done $0x0  }
0xd4: {  	s22 =	sadd.s32 $0x2C80, s18;
	[sflag:s0] =	ssyncadd.s32 $0xFFFFF000  }
0xd5: {  	[spmem:s3] =	stream.indirect.scatter.add.f32 [tilespmem:s28], [sflag:$0x14], $0x20, s22, s19, $0xb8;
	[tilespmem:$0x18E00] =	vst v63  }
.Ltmp3:
0xd6: {  	(pc) =	sbr.rel .LBB2_2-.Ltmp3, $4  }
0xd7: {  	_ =	swait.ge [sflag:s15], $0x1000  }
0xd8: {  	[sflag:s15] =	ssyncset.done $0x0  }
0xd9: {  	s5 =	sadd.s32 $0x900, s18;
	s4 =	sadd.s32 $0x1400, s4;
	[sflag:s15] =	ssyncadd.s32 $0xFFFFF000  }
0xda: {  	[tilespmem:s23], [sflag:$0x9] =	stream.indirect.gather [spmem:s2], $0x20, s5, s19, $0xb8;
	[tilespmem:$0x18E00] =	vst v63  }
.LBB2_5:
0xdb: {  	_ =	sfence.sel $0x180000  }
0xdc: {  	[bflag:$0x0] =	sbarrier.arrive $0xFFFF  }
0xdd: {  	_ =	strace $0x9000004D  }
0xde: {  	s0 =	stileid.u32;
	[bflag:$0x2] =	sbarrier.arrive $0xFFFF  }
0xdf: {  	p0 =	sne.s32 s0, $0x0;
	s0 =	rddreg [dreg:$0x4]  }
0xe0: {  	s0 =	sadd.s32 @!p0 $0x100000, s0  }
0xe1: {  	[sflag:s0] =	ssyncadd.tile.s32 @!p0 $0x1;
	_ =	shalt  }
.Lfunc_end2:
_tile_overlayer_lowered:
.L_overlay_start_2:
0xe2: {  	(tag) =	ssettag $0x2  }
0xe3: {  	s0 =	rddreg [dreg:$0x0];
	s2 =	stileid.u32  }
0xe4: {  	s1 =	rddreg [dreg:$0x1];
	p0 =	sne.s32 s2, $0x0  }
0xe5: {  	s3 =	rddreg [dreg:$0x2];
	[bflag:$0x3] =	sbarrier.arrive $0xFFFF;
	s2 =	simm.s32 @!p0 $0x1C15  }
0xe6: {  	[timem:s3], [sflag:s2] =	dma.local @!p0 [hbm:s0], s1  }
0xe7: {  	s0 =	simm.s32 @!p0 $0x15  }
0xe8: {  	_ =	swait.ge @!p0 [sflag:s0], s1  }
0xe9: {  	s1 =	ssub.s32 @!p0 $0x0, s1;
	[sflag:s0] =	ssyncset.done @!p0 $0x0  }
0xea: {  	[sflag:s0] =	ssyncadd.s32 @!p0 s1  }
0xeb: {  	[bflag:$0x3] =	sbarrier.arrive $0xFFFF  }
0xec: {  	_ =	shalt  }

// kernel: kernel.9.cloned.1.call-start
scs
__scs_entry_jumppad:
0x0: {  	(pc) =	sbr.rel $0x88, $3  }
0x1: {  	(tag) =	ssettag $0x0;
	lr =	simm.s32 $0x1  }
0x2: {  	[smem:$0x3F8B] =	sst lr;
	_ =	strace $0xD0000000  }
0x3: {  	_ = 	snop  }
0x4: {  	_ = 	snop  }
0x5: {  	_ = 	snop  }
0x6: {  	_ = 	snop  }
0x7: {  	_ = 	snop  }
__scs_overlays_trampoline_lowered:
0x8: {  	[smem:$0x3F9A] =	sst s0  }
0x9: {  	[smem:$0x3F9B] =	sst s1  }
0xa: {  	[smem:$0x3F9C] =	sst s2  }
0xb: {  	[smem:$0x3F9D] =	sst s3  }
0xc: {  	[smem:$0x3F9E] =	sst s4  }
0xd: {  	[smem:$0x3F9F] =	sst s5  }
0xe: {  	[smem:$0x3FA0] =	sst s6  }
0xf: {  	[smem:$0x3FA1] =	sst s7  }
0x10: {  	[smem:$0x3FA2] =	sst s8  }
0x11: {  	[smem:$0x3FA3] =	sst s9;
	s0 =	simm.s32 @!p0 $0x0  }
0x12: {  	s1 =	sld [smem:$0x3F89];
	s0 =	simm.s32 @p0 $0x1  }
0x13: {  	[smem:$0x3FA4] =	sst s0;
	s0 =	simm.s32 @!p1 $0x0  }
0x14: {  	s2 =	sld [smem:$0x3F88];
	s0 =	simm.s32 @p1 $0x1  }
0x15: {  	[smem:$0x3FA5] =	sst s0;
	s0 =	simm.s32 @!p2 $0x0  }
0x16: {  	s3 =	sld [smem:$0x3FDB];
	s0 =	simm.s32 @p2 $0x1  }
0x17: {  	s4 =	simm.s32 $0x1BF5;
	[smem:$0x3FA7] =	sst s0  }
0x18: {  	s0 =	sld [smem:$0x3F8A];
	_ =	swait.ge [sflag:s4], $0x0  }
0x19: {  	s7 =	sld [smem:$0x3F8B]  }
0x1a: {  	s8 =	sadd.s32 $0xFFFFE003, lr  }
0x1b: {  	s9 =	sadd.s32 $0xFFFFFEF7, lr;
	s5 =	simm.s32 $0xFFFFFFFF;
	p2 =	slt.u32 s8, $0xFFFFF086  }
0x1c: {  	p1 =	slt.u32 s9, $0xF7A;
	s5 =	simm.s32 @!p2 $0x0  }
0x1d: {  	s5 =	simm.s32 @p1 $0x1;
	p0 =	seq.s32 s7, s2  }
0x1e: {  	s7 =	smul.u32 @!p0 $0xF7A, s2;
	p2 =	seq.s32 @!p0 s5, $0x0  }
0x1f: {  	s9 =	smul.u32 $0xF7A, s1;
	s8 =	simm.s32 @!p0 $0x1BF5;
	p2 =	por !p2, p0  }
0x20: {  	[sflag:s8] =	ssyncset.s32 @!p0 $0xFFFFF086;
	s6 =	sadd.s32 @!p0 s3, s7;
	s7 =	simm.s32 @!p0 $0x108  }
0x21: {  	s3 =	sadd.s32 s3, s9;
	s6 =	sadd.s32 @!p0 $0x88, s6;
	s7 =	simm.s32 @p2 $0x1082  }
0x22: {  	[simem:s7], [sflag:s8] =	dma.local @!p0 [hbm:s6], $0xF7A  }
0x23: {  	s9 =	sor.u32 $0xD0000000, s2;
	s6 =	simm.s32 $0x108;
	_ =	swait.ge @!p0 [sflag:s8], $0x0  }
0x24: {  	s3 =	sadd.s32 $0x88, s3;
	s6 =	simm.s32 @!p1 $0x1082;
	[sflag:s4] =	ssyncset.s32 $0xFFFFF086  }
0x25: {  	[simem:s6], [sflag:s4] =	dma.local [hbm:s3], $0xF7A  }
0x26: {  	[smem:$0x3F8B] =	sst s1;
	(tag) =	ssettag s2;
	_ =	strace s9  }
0x27: {  	s1 =	sld [smem:$0x3F9B]  }
0x28: {  	s2 =	sld [smem:$0x3F9C]  }
0x29: {  	s4 =	sld [smem:$0x3F9E]  }
0x2a: {  	p0 =	seq.s32 s5, $0x0;
	s5 =	sld [smem:$0x3F9F]  }
0x2b: {  	s6 =	sld [smem:$0x3FA0]  }
0x2c: {  	s7 =	sld [smem:$0x3FA1]  }
0x2d: {  	s3 =	simm.s32 $0x108;
	s8 =	sld [smem:$0x3FA2]  }
0x2e: {  	s3 =	simm.s32 @!p0 $0x1082;
	s9 =	sld [smem:$0x3FA3]  }
0x2f: {  	lr =	sadd.s32 s0, s3;
	s0 =	sld [smem:$0x3F9A]  }
0x30: {  	s3 =	sld [smem:$0x3F9D]  }
0x31: {  	[smem:$0x3FA6] =	sst s10  }
0x32: {  	s10 =	sld [smem:$0x3FA4];
	_ =	sdelay $0x3  }
0x33: {  	p0 =	seq.s32 s10, $0x1;
	s10 =	sld [smem:$0x3FA6];
	_ =	sdelay $0x3  }
0x34: {  	[smem:$0x3FA6] =	sst s10  }
0x35: {  	s10 =	sld [smem:$0x3FA5];
	_ =	sdelay $0x3  }
0x36: {  	p1 =	seq.s32 s10, $0x1;
	s10 =	sld [smem:$0x3FA6];
	_ =	sdelay $0x3  }
0x37: {  	[smem:$0x3FA6] =	sst s10  }
0x38: {  	s10 =	sld [smem:$0x3FA7]  }
0x39: {  	_ = 	snop;
	(pc) =	sbr.ind lr, $3  }
0x3a: {  	_ = 	snop  }
0x3b: {  	_ = 	snop  }
0x3c: {  	p2 =	seq.s32 s10, $0x1;
	s10 =	sld [smem:$0x3FA6]  }
0x3d: {  	_ =	shalt  }
0x3e: {  	_ =	shalt  }
0x3f: {  	_ =	shalt  }
0x40: {  	_ =	shalt  }
0x41: {  	_ =	shalt  }
0x42: {  	_ =	shalt  }
0x43: {  	_ =	shalt  }
0x44: {  	_ =	shalt  }
0x45: {  	_ =	shalt  }
0x46: {  	_ =	shalt  }
0x47: {  	_ =	shalt  }
0x48: {  	_ =	shalt  }
0x49: {  	_ =	shalt  }
0x4a: {  	_ =	shalt  }
0x4b: {  	_ =	shalt  }
0x4c: {  	_ =	shalt  }
0x4d: {  	_ =	shalt  }
0x4e: {  	_ =	shalt  }
0x4f: {  	_ =	shalt  }
0x50: {  	_ =	shalt  }
0x51: {  	_ =	shalt  }
0x52: {  	_ =	shalt  }
0x53: {  	_ =	shalt  }
0x54: {  	_ =	shalt  }
0x55: {  	_ =	shalt  }
0x56: {  	_ =	shalt  }
0x57: {  	_ =	shalt  }
0x58: {  	_ =	shalt  }
0x59: {  	_ =	shalt  }
0x5a: {  	_ =	shalt  }
0x5b: {  	_ =	shalt  }
0x5c: {  	_ =	shalt  }
0x5d: {  	_ =	shalt  }
0x5e: {  	_ =	shalt  }
0x5f: {  	_ =	shalt  }
0x60: {  	_ =	shalt  }
0x61: {  	_ =	shalt  }
0x62: {  	_ =	shalt  }
0x63: {  	_ =	shalt  }
0x64: {  	_ =	shalt  }
0x65: {  	_ =	shalt  }
0x66: {  	_ =	shalt  }
0x67: {  	_ =	shalt  }
0x68: {  	_ =	shalt  }
0x69: {  	_ =	shalt  }
0x6a: {  	_ =	shalt  }
0x6b: {  	_ =	shalt  }
0x6c: {  	_ =	shalt  }
0x6d: {  	_ =	shalt  }
0x6e: {  	_ =	shalt  }
0x6f: {  	_ =	shalt  }
0x70: {  	_ =	shalt  }
0x71: {  	_ =	shalt  }
0x72: {  	_ =	shalt  }
0x73: {  	_ =	shalt  }
0x74: {  	_ =	shalt  }
0x75: {  	_ =	shalt  }
0x76: {  	_ =	shalt  }
0x77: {  	_ =	shalt  }
0x78: {  	_ =	shalt  }
0x79: {  	_ =	shalt  }
0x7a: {  	_ =	shalt  }
0x7b: {  	_ =	shalt  }
0x7c: {  	_ =	shalt  }
0x7d: {  	_ =	shalt  }
0x7e: {  	_ =	shalt  }
0x7f: {  	_ =	shalt  }
0x80: {  	_ =	shalt  }
0x81: {  	_ =	shalt  }
0x82: {  	_ =	shalt  }
0x83: {  	_ =	shalt  }
0x84: {  	_ =	shalt  }
0x85: {  	_ =	shalt  }
0x86: {  	_ =	shalt  }
0x87: {  	_ =	shalt  }
.Lfunc_end0:
.L_simem_size_0:
called_computation_lowered:
.L_overlay_start_0:
0x88: {  	s2 =	sld [smem:$0x3FD9]  }
0x89: {  	s3 =	sld [smem:$0x3FFE];
	_ =	sdelay $0x1  }
0x8a: {  	s1 =	srdreg.scid  }
0x8b: {  	s0 =	sand.u32 $0x1, s1  }
0x8c: {  	s17 =	sshll.u32 s0, $0xA;
	s2 =	sadd.s32 s3, s2  }
0x8d: {  	s2 =	sadd.s32 s2, s17  }
0x8e: {  	[smem:$0x3FB2] =	sst s2  }
0x8f: {  	_ = 	snop  }
0x90: {  	s2 =	sld [smem:$0x3FD0];
	(tm) =	ssettm $0x1  }
0x91: {  	s18 =	sld [smem:$0x3FFB];
	_ =	sdelay $0x3  }
0x92: {  	_ =	strace s18  }
0x93: {  	s3 =	sld [smem:$0x3FFC];
	_ =	sdelay $0x3  }
0x94: {  	_ =	strace s3  }
0x95: {  	s3 =	sld [smem:$0x3FFD];
	_ =	sdelay $0x3  }
0x96: {  	_ =	strace s3  }
0x97: {  	_ =	strace $0x8FFFFFFF  }
0x98: {  	s19 =	sld [smem:$0x3FDB];
	_ =	sdelay $0x1  }
0x99: {  	s4 =	simm.s32 $_scs_section_size  }
0x9a: {  	s5 =	simm.s32 $_size__tile_overlayer_lowered;
	s6 =	simm.s32 $_tile_overlayer_lowered  }
0x9b: {  	s22 =	simm.s32 $0x1BFF;
	s21 =	sshll.u32 s6, $0x1;
	s3 =	sadd.s32 s4, s19  }
0x9c: {  	s7 =	simm.s32 $0x0;
	s20 =	sshll.u32 s5, $0x1;
	s5 =	sadd.s32 s21, s3  }
0x9d: {  	[timem:s7], [sflag:s22] =	dma.local [hbm:s5], s20  }
0x9e: {  	_ =	swait.ge [sflag:s22], s20  }
0x9f: {  	s4 =	ssub.s32 $0x0, s20;
	[sflag:s22] =	ssyncset.done $0x0  }
0xa0: {  	[sflag:s22] =	ssyncadd.s32 s4;
	_ =	sdelay $0x1  }
0xa1: {  	s23 =	simm.s32 $0x1B8B  }
0xa2: {  	_ =	swait.ge [sflag:s23], $0x1  }
0xa3: {  	[sflag:s23] =	ssyncset.done $0x0  }
0xa4: {  	s25 =	simm.s32 $0x1B8E;
	s24 =	sld [smem:$0x3FFE];
	[sflag:s23] =	ssyncadd.s32 $0xFFFFFFFF  }
0xa5: {  	s26 =	simm.s32 $execute0_lowered;
	[smem:$0x3FD2] =	sst s25  }
0xa6: {  	s5 =	sshll.u32 s26, $0x1;
	_ =	strace $0x80000046;
	[dreg:$0x1] =	wrdreg $0xFFFFFFFF  }
0xa7: {  	s28 =	simm.s32 $_size_execute0_lowered;
	s3 =	sadd.s32 s3, s5;
	[dreg:$0x0] =	wrdreg $0x0  }
0xa8: {  	s5 =	sshll.u32 s28, $0x1;
	[dreg:$0x2] =	wrdreg s3  }
0xa9: {  	[dreg:$0x3] =	wrdreg s5  }
0xaa: {  	[dreg:$0x4] =	wrdreg $0xC0  }
0xab: {  	_ =	task [dreg:s7], $0x5FFFF  }
0xac: {  	[dreg:$0x1] =	wrdreg $0xFFFFFFFF  }
0xad: {  	[dreg:$0x0] =	wrdreg $0x60  }
0xae: {  	[dreg:$0x2] =	wrdreg s24  }
0xaf: {  	[dreg:$0x3] =	wrdreg s2  }
0xb0: {  	[dreg:$0x4] =	wrdreg $0xF0000  }
0xb1: {  	[dreg:$0x5] =	wrdreg $0x13F000  }
0xb2: {  	[dreg:$0x6] =	wrdreg $0x9  }
0xb3: {  	_ =	task.clear_ibuf [dreg:s7], $0x7FFFF;
	_ =	strace $0x90000046  }
0xb4: {  	s29 =	simm.s32 $0x9;
	_ =	strace $0x80000048  }
0xb5: {  	_ =	swait.ge [sflag:s29], $0x1  }
0xb6: {  	[sflag:s29] =	ssyncadd.s32 $0xFFFFFFFF  }
0xb7: {  	_ =	strace $0x90000048  }
0xb8: {  	_ =	sfence  }
0xb9: {  	s30 =	sld [smem:$0x0];
	_ =	sdelay $0x2  }
0xba: {  	s31 =	sshll.u32 s1, $0xD;
	s1 =	sshrl.u32 s1, $0x2  }
0xbb: {  	s3 =	sand.u32 $0x4000, s31;
	s1 =	sadd.s32 s1, s30  }
0xbc: {  	s0 =	sor.u32 s3, s0;
	s1 =	sshll.u32 s1, $0x11  }
0xbd: {  	s0 =	sor.u32 s1, s0  }
0xbe: {  	s0 =	sadd.s32 $0x8F2B, s0  }
0xbf: {  	[sflag:s0] =	ssyncadd.remote.s32 $0x1  }
0xc0: {  	_ =	sfence.sel $0xFFFF  }
0xc1: {  	[dreg:$0x0] =	wrdreg $0xFFFFFFFF;
	(pc) =	sbr.abs _section_cstart, $3  }
0xc2: {  	[dreg:$0x1] =	wrdreg $0xFFFFFFFF  }
0xc3: {  	_ =	task.clear_ibuf [dreg:s7], $0x2FFFF;
	_ =	strace $0x9FFFFFFF  }
0xc4: {  	(tm) =	ssettm $0x7FFFFFFF  }
0xc5: {  	_ =	shalt  }
tec
execute0_lowered:
.L_overlay_start_1:
0x0: {  	(tag) =	ssettag $0x1  }
0x1: {  	s0 =	srdreg.scid  }
0x2: {  	s11 =	stileid.u32;
	s1 =	rddreg [dreg:$0x0]  }
0x3: {  	s4 =	rddreg [dreg:$0x1];
	s8 =	simm.s32 $0x0;
	s30 =	simm.s32 $0xA000  }
0x4: {  	s13 =	simm.s32 $0xC000;
	s28 =	simm.s32 $0xE000;
	s29 =	simm.s32 $0x4  }
0x5: {  	s31 =	simm.s32 $0x6;
	s15 =	simm.s32 $0x13;
	s12 =	simm.s32 $0x0  }
0x6: {  	s0 =	sand.u32 $0x1, s0;
	s2 =	sshll.u32 s11, $0x1;
	s6 =	smul.u32 $0x4F00, s11  }
0x7: {  	[smem:$0x7FF] =	sst s8;
	s21 =	sshll.u32 s11, $0x6;
	s3 =	sor.u32 s0, s2  }
0x8: {  	s2 =	rddreg [dreg:$0x2];
	s7 =	smul.u32 $0x4F000, s0;
	s10 =	ssub.s32 $0x2, s0  }
0x9: {  	s22 =	sor.u32 $0x1C03, s21;
	p0 =	seq.s32 s0, $0x1;
	s26 =	sor.u32 $0x1C0B, s21  }
0xa: {  	s0 =	simm.s32 $0xA;
	s5 =	smul.u32 $0x500, s3;
	s3 =	rddreg [dreg:$0x3]  }
0xb: {  	_ =	strace $0x80000047;
	s9 =	sshrl.u32 s6, $0x3;
	[dreg:$0x9] =	wrdreg s22  }
0xc: {  	s18 =	sshrl.u32 s10, $0x1;
	s20 =	sadd.s32 s6, s2;
	[dreg:$0x8] =	wrdreg s21  }
0xd: {  	[dreg:$0xe] =	wrdreg s26;
	s21 =	simm.s32 $0x6000;
	s26 =	simm.s32 $0xB  }
0xe: {  	s7 =	sadd.s32 s6, s7;
	s9 =	sadd.s32 s9, s1;
	s23 =	sadd.s32 s6, s3  }
0xf: {  	s25 =	sshrl.u32 s20, $0x3;
	s20 =	simm.s32 $0x5000;
	s17 =	sadd.s32 s5, s1  }
0x10: {  	s7 =	sshrl.u32 s7, $0x3;
	s4 =	sadd.s32 s4, s5;
	s8 =	sadd.s32 $0xD800, s9  }
0x11: {  	s5 =	sadd.s32 $0x17600, s9;
	[dreg:$0xd] =	wrdreg s25;
	s16 =	sshrl.u32 s23, $0x3  }
0x12: {  	s25 =	simm.s32 $0x8000;
	s23 =	simm.s32 $0xD000;
	s1 =	sadd.s32 s7, s1  }
0x13: {  	s7 =	ssub.s32 s10, s18;
	[dreg:$0x5] =	wrdreg s4;
	s19 =	sadd.s32 $0x3800, s17  }
.Ltmp0:
0x14: {  	[dreg:$0x7] =	wrdreg s8;
	s8 =	smov.u32 @p0 s5;
	(pc) =	sbr.rel .LBB2_1-.Ltmp0, $4  }
0x15: {  	s17 =	simm.s32 $0x1;
	[dreg:$0x6] =	wrdreg s19;
	s1 =	sadd.s32 $0x21400, s1  }
0x16: {  	s24 =	smax.u32 s7, $0x1;
	[dreg:$0xc] =	wrdreg s8;
	s19 =	simm.s32 $0x80  }
0x17: {  	s7 =	simm.s32 $0x14;
	s8 =	simm.s32 $0x15;
	[dreg:$0xa] =	wrdreg s1  }
0x18: {  	[dreg:$0xb] =	wrdreg s24;
	s24 =	simm.s32 $0x2;
	s1 =	simm.s32 $0x8  }
.LBB2_4:
0x19: {  	_ =	swait.ge [sflag:s26], $0x1000  }
0x1a: {  	[sflag:s26] =	ssyncset.done $0x0  }
0x1b: {  	s4 =	simm.s32 $0xC;
	[sflag:s26] =	ssyncadd.s32 $0xFFFFF000  }
0x1c: {  	_ =	swait.ge [sflag:s4], $0x1000  }
0x1d: {  	[sflag:s4] =	ssyncset.done $0x0  }
0x1e: {  	s5 =	simm.s32 $0xD;
	[sflag:s4] =	ssyncadd.s32 $0xFFFFF000  }
0x1f: {  	_ =	swait.ge [sflag:s5], $0x1000  }
0x20: {  	[sflag:s5] =	ssyncset.done $0x0  }
0x21: {  	s6 =	simm.s32 $0xE;
	[sflag:s5] =	ssyncadd.s32 $0xFFFFF000  }
0x22: {  	_ =	swait.ge [sflag:s6], $0x1000  }
0x23: {  	[sflag:s6] =	ssyncset.done $0x0  }
0x24: {  	s9 =	simm.s32 $0xF;
	[sflag:s6] =	ssyncadd.s32 $0xFFFFF000  }
0x25: {  	_ =	swait.ge [sflag:s9], $0x1000  }
0x26: {  	[sflag:s9] =	ssyncset.done $0x0  }
0x27: {  	s10 =	simm.s32 $0x10;
	[sflag:s9] =	ssyncadd.s32 $0xFFFFF000  }
0x28: {  	_ =	swait.ge [sflag:s10], $0x1000  }
0x29: {  	[sflag:s10] =	ssyncset.done $0x0  }
0x2a: {  	s11 =	simm.s32 $0x11;
	[sflag:s10] =	ssyncadd.s32 $0xFFFFF000  }
0x2b: {  	_ =	swait.ge [sflag:s11], $0x1000  }
0x2c: {  	[sflag:s11] =	ssyncset.done $0x0  }
0x2d: {  	s14 =	simm.s32 $0x12;
	[sflag:s11] =	ssyncadd.s32 $0xFFFFF000  }
0x2e: {  	_ =	swait.ge [sflag:s14], $0x1000  }
0x2f: {  	[sflag:s14] =	ssyncset.done $0x0  }
0x30: {  	[sflag:s14] =	ssyncadd.s32 $0xFFFFF000  }
0x31: {  	_ =	swait.ge [sflag:s15], $0x1000  }
0x32: {  	[sflag:s15] =	ssyncset.done $0x0  }
0x33: {  	[sflag:s15] =	ssyncadd.s32 $0xFFFFF000  }
0x34: {  	_ =	swait.ge [sflag:s7], $0x1000  }
0x35: {  	[sflag:s7] =	ssyncset.done $0x0  }
0x36: {  	[sflag:s7] =	ssyncadd.s32 $0xFFFFF000  }
0x37: {  	[bflag:$0x0] =	sbarrier.arrive $0xFFFF  }
0x38: {  	s18 =	rddreg [dreg:$0x8]  }
0x39: {  	s5 =	rddreg [dreg:$0xa];
	s4 =	sor.u32 $0x1C15, s18  }
0x3a: {  	[hbm:s5], [sflag:s4] =	dma.local [spmem:s16], $0x9E0  }
0x3b: {  	_ =	swait.ge [sflag:s8], $0x9E0  }
0x3c: {  	s12 =	sadd.s32 $0x1, s12;
	s22 =	rddreg [dreg:$0xb]  }
0x3d: {  	p0 =	sne.s32 s12, s22  }
.Ltmp1:
0x3e: {  	_ = 	snop;
	(pc) =	sbr.rel @!p0 .LBB2_5-.Ltmp1, $3  }
0x3f: {  	_ =	sdelay $0x1  }
0x40: {  	[sflag:s8] =	ssyncset.done $0x0  }
0x41: {  	[sflag:s8] =	ssyncadd.s32 $0xFFFFF620  }
.LBB2_1:
0x42: {  	s5 =	rddreg [dreg:$0x5]  }
0x43: {  	s9 =	rddreg [dreg:$0x6]  }
0x44: {  	s4 =	simm.s32 $0x0;
	s10 =	rddreg [dreg:$0x7]  }
0x45: {  	[tilespmem:s4], [sflag:$0x1] =	stream.linear.gather [hbm4b:s5+s4], $0x2800, $0x38;
	[tilespmem:$0x18E00] =	vst v63  }
0x46: {  	s6 =	simm.s32 $0x2800;
	s11 =	rddreg [dreg:$0x9]  }
0x47: {  	[tilespmem:s6], [sflag:$0x2] =	stream.linear.gather [hbm4b:s9+s4], $0x2800, $0x38;
	[tilespmem:$0x18E00] =	vst v63  }
0x48: {  	s9 =	rddreg [dreg:$0xd]  }
0x49: {  	[spmem:s9], [sflag:s11] =	dma.local [hbm:s10], $0x9E0  }
0x4a: {  	s5 =	rddreg [dreg:$0xc]  }
0x4b: {  	s6 =	rddreg [dreg:$0xe]  }
0x4c: {  	[spmem:s16], [sflag:s6] =	dma.local [hbm:s5], $0x9E0  }
0x4d: {  	_ =	swait.ge [sflag:s17], $0x2800  }
0x4e: {  	[sflag:s17] =	ssyncset.done $0x0  }
0x4f: {  	s14 =	simm.s32 $0x3;
	[sflag:s17] =	ssyncadd.s32 $0xFFFFD800  }
0x50: {  	_ =	swait.ge [sflag:s14], $0x9E0  }
0x51: {  	[sflag:s14] =	ssyncset.done $0x0  }
0x52: {  	[sflag:s14] =	ssyncadd.s32 $0xFFFFF620  }
0x53: {  	[bflag:$0x0] =	sbarrier.arrive $0xFFFF  }
0x54: {  	[tilespmem:s20], [sflag:$0x1] =	stream.indirect.gather [spmem:s2], $0x20, s4, s19, $0xb8;
	[tilespmem:$0x18E00] =	vst v63  }
0x55: {  	_ = 	snop  }
0x56: {  	[tilespmem:s21], [sflag:$0x2] =	stream.indirect.gather [spmem:s2], $0x20, s19, s19, $0xb8;
	[tilespmem:$0x18E00] =	vst v63  }
0x57: {  	s18 =	simm.s32 $0x100;
	s22 =	simm.s32 $0x7000  }
0x58: {  	[tilespmem:s22], [sflag:$0x3] =	stream.indirect.gather [spmem:s2], $0x20, s18, s19, $0xb8;
	[tilespmem:$0x18E00] =	vst v63  }
0x59: {  	s5 =	simm.s32 $0x180  }
0x5a: {  	[tilespmem:s25], [sflag:$0x4] =	stream.indirect.gather [spmem:s2], $0x20, s5, s19, $0xb8;
	[tilespmem:$0x18E00] =	vst v63  }
0x5b: {  	s9 =	simm.s32 $0x9000;
	s6 =	simm.s32 $0x200  }
0x5c: {  	[tilespmem:s9], [sflag:$0x5] =	stream.indirect.gather [spmem:s2], $0x20, s6, s19, $0xb8;
	[tilespmem:$0x18E00] =	vst v63  }
0x5d: {  	s10 =	simm.s32 $0x280  }
0x5e: {  	[tilespmem:s30], [sflag:$0x6] =	stream.indirect.gather [spmem:s2], $0x20, s10, s19, $0xb8;
	[tilespmem:$0x18E00] =	vst v63  }
0x5f: {  	s11 =	simm.s32 $0x300;
	s14 =	simm.s32 $0xB000  }
0x60: {  	[tilespmem:s14], [sflag:$0x7] =	stream.indirect.gather [spmem:s2], $0x20, s11, s19, $0xb8;
	[tilespmem:$0x18E00] =	vst v63  }
0x61: {  	s18 =	simm.s32 $0x380  }
0x62: {  	[tilespmem:s13], [sflag:$0x8] =	stream.indirect.gather [spmem:s2], $0x20, s18, s19, $0xb8;
	[tilespmem:$0x18E00] =	vst v63  }
0x63: {  	s22 =	simm.s32 $0x400  }
0x64: {  	[tilespmem:s23], [sflag:$0x9] =	stream.indirect.gather [spmem:s2], $0x20, s22, s19, $0xb8;
	[tilespmem:$0x18E00] =	vst v63  }
0x65: {  	_ =	swait.ge [sflag:s24], $0x2800  }
0x66: {  	[sflag:s24] =	ssyncset.done $0x0  }
0x67: {  	[sflag:s24] =	ssyncadd.s32 $0xFFFFD800  }
0x68: {  	_ =	swait.ge [sflag:s26], $0x9E0  }
0x69: {  	[sflag:s26] =	ssyncset.done $0x0  }
0x6a: {  	[sflag:s26] =	ssyncadd.s32 $0xFFFFF620  }
0x6b: {  	s4 =	simm.s32 $0x0;
	[bflag:$0x0] =	sbarrier.arrive $0xFFFF  }
.LBB2_2:
0x6c: {  	_ =	swait.ge [sflag:s17], $0x1000  }
0x6d: {  	s18 =	sshra.s32 s4, $0x2;
	[sflag:s17] =	ssyncset.done $0x0  }
0x6e: {  	p0 =	seq.s32 s4, $0x0;
	s5 =	sadd.s32 $0x2800, s18;
	[sflag:s17] =	ssyncadd.s32 $0xFFFFF000  }
0x6f: {  	[spmem:s3] =	stream.indirect.scatter.add.f32 [tilespmem:s20], [sflag:$0xB], $0x20, s5, s19, $0xb8;
	[tilespmem:$0x18E00] =	vst v63  }
0x70: {  	s5 =	simm.s32 @!p0 $0x14  }
0x71: {  	_ =	swait.ge @!p0 [sflag:s5], $0x1000  }
0x72: {  	[sflag:s5] =	ssyncset.done @!p0 $0x0  }
0x73: {  	s10 =	sadd.s32 $0x480, s18;
	[sflag:s5] =	ssyncadd.s32 @!p0 $0xFFFFF000  }
0x74: {  	[tilespmem:s28], [sflag:$0xA] =	stream.indirect.gather [spmem:s2], $0x20, s10, s19, $0xb8;
	[tilespmem:$0x18E00] =	vst v63  }
0x75: {  	_ =	swait.ge [sflag:s24], $0x1000  }
0x76: {  	p0 =	seq.s32 s4, $0x8C00;
	[sflag:s24] =	ssyncset.done $0x0  }
0x77: {  	s11 =	sadd.s32 $0x2880, s18;
	s5 =	simm.s32 @p0 $0x3;
	[sflag:s24] =	ssyncadd.s32 $0xFFFFF000  }
0x78: {  	[spmem:s3] =	stream.indirect.scatter.add.f32 [tilespmem:s21], [sflag:$0xC], $0x20, s11, s19, $0xb8;
	[tilespmem:$0x18E00] =	vst v63  }
0x79: {  	_ =	swait.ge @p0 [sflag:s5], $0x1000  }
0x7a: {  	s6 =	sshra.s32 @p0 s4, $0x2;
	s9 =	simm.s32 @p0 $0x80;
	[sflag:s5] =	ssyncset.done @p0 $0x0  }
0x7b: {  	s22 =	simm.s32 @p0 $0x7000;
	[sflag:s5] =	ssyncadd.s32 @p0 $0xFFFFF000;
	s5 =	sadd.s32 @p0 $0x2900, s6  }
0x7c: {  	[spmem:s3] =	stream.indirect.scatter.add.f32 @p0 [tilespmem:s22], [sflag:$0xD], $0x20, s5, s9, $0xb8;
	[tilespmem:$0x18E00] =	vst v63  }
0x7d: {  	s5 =	simm.s32 @!p0 $0xB  }
0x7e: {  	_ =	swait.ge @!p0 [sflag:s5], $0x1000  }
0x7f: {  	s11 =	simm.s32 @!p0 $0x5000;
	s22 =	sshra.s32 @!p0 s4, $0x2;
	[sflag:s5] =	ssyncset.done @!p0 $0x0  }
0x80: {  	s10 =	sadd.s32 @!p0 $0x500, s22;
	[sflag:s5] =	ssyncadd.s32 @!p0 $0xFFFFF000;
	s5 =	simm.s32 @!p0 $0x80  }
0x81: {  	[tilespmem:s11], [sflag:$0x1] =	stream.indirect.gather @!p0 [spmem:s2], $0x20, s10, s5, $0xb8;
	[tilespmem:$0x18E00] =	vst v63  }
0x82: {  	s10 =	simm.s32 @!p0 $0x3  }
0x83: {  	_ =	swait.ge @!p0 [sflag:s10], $0x1000  }
0x84: {  	[sflag:s10] =	ssyncset.done @!p0 $0x0  }
0x85: {  	s11 =	simm.s32 @!p0 $0x7000;
	[sflag:s10] =	ssyncadd.s32 @!p0 $0xFFFFF000;
	s10 =	sadd.s32 @!p0 $0x2900, s22  }
0x86: {  	[spmem:s3] =	stream.indirect.scatter.add.f32 @!p0 [tilespmem:s11], [sflag:$0xD], $0x20, s10, s5, $0xb8;
	[tilespmem:$0x18E00] =	vst v63  }
0x87: {  	s10 =	simm.s32 @!p0 $0xC  }
0x88: {  	_ =	swait.ge @!p0 [sflag:s10], $0x1000  }
0x89: {  	[sflag:s10] =	ssyncset.done @!p0 $0x0  }
0x8a: {  	s14 =	simm.s32 @!p0 $0x6000;
	[sflag:s10] =	ssyncadd.s32 @!p0 $0xFFFFF000;
	s10 =	sadd.s32 @!p0 $0x580, s22  }
0x8b: {  	[tilespmem:s14], [sflag:$0x2] =	stream.indirect.gather @!p0 [spmem:s2], $0x20, s10, s5, $0xb8;
	[tilespmem:$0x18E00] =	vst v63  }
0x8c: {  	_ =	swait.ge [sflag:s29], $0x1000  }
0x8d: {  	[sflag:s29] =	ssyncset.done $0x0  }
0x8e: {  	s14 =	sadd.s32 $0x2980, s18;
	s10 =	simm.s32 @p0 $0x5;
	[sflag:s29] =	ssyncadd.s32 $0xFFFFF000  }
0x8f: {  	[spmem:s3] =	stream.indirect.scatter.add.f32 [tilespmem:s25], [sflag:$0xE], $0x20, s14, s19, $0xb8;
	[tilespmem:$0x18E00] =	vst v63  }
0x90: {  	_ =	swait.ge @p0 [sflag:s10], $0x1000  }
0x91: {  	[sflag:s10] =	ssyncset.done @p0 $0x0  }
0x92: {  	s14 =	simm.s32 @p0 $0x9000;
	[sflag:s10] =	ssyncadd.s32 @p0 $0xFFFFF000;
	s10 =	sadd.s32 @p0 $0x2A00, s6  }
0x93: {  	[spmem:s3] =	stream.indirect.scatter.add.f32 @p0 [tilespmem:s14], [sflag:$0xF], $0x20, s10, s9, $0xb8;
	[tilespmem:$0x18E00] =	vst v63  }
0x94: {  	s10 =	simm.s32 @!p0 $0xD  }
0x95: {  	_ =	swait.ge @!p0 [sflag:s10], $0x1000  }
0x96: {  	[sflag:s10] =	ssyncset.done @!p0 $0x0  }
0x97: {  	[sflag:s10] =	ssyncadd.s32 @!p0 $0xFFFFF000;
	s10 =	sadd.s32 @!p0 $0x600, s22  }
0x98: {  	[tilespmem:s11], [sflag:$0x3] =	stream.indirect.gather @!p0 [spmem:s2], $0x20, s10, s5, $0xb8;
	[tilespmem:$0x18E00] =	vst v63  }
0x99: {  	s10 =	simm.s32 @!p0 $0x5  }
0x9a: {  	_ =	swait.ge @!p0 [sflag:s10], $0x1000  }
0x9b: {  	[sflag:s10] =	ssyncset.done @!p0 $0x0  }
0x9c: {  	s11 =	simm.s32 @!p0 $0x9000;
	[sflag:s10] =	ssyncadd.s32 @!p0 $0xFFFFF000;
	s10 =	sadd.s32 @!p0 $0x2A00, s22  }
0x9d: {  	[spmem:s3] =	stream.indirect.scatter.add.f32 @!p0 [tilespmem:s11], [sflag:$0xF], $0x20, s10, s5, $0xb8;
	[tilespmem:$0x18E00] =	vst v63  }
0x9e: {  	s10 =	simm.s32 @!p0 $0xE  }
0x9f: {  	_ =	swait.ge @!p0 [sflag:s10], $0x1000  }
0xa0: {  	[sflag:s10] =	ssyncset.done @!p0 $0x0  }
0xa1: {  	s14 =	simm.s32 @!p0 $0x8000;
	[sflag:s10] =	ssyncadd.s32 @!p0 $0xFFFFF000;
	s10 =	sadd.s32 @!p0 $0x680, s22  }
0xa2: {  	[tilespmem:s14], [sflag:$0x4] =	stream.indirect.gather @!p0 [spmem:s2], $0x20, s10, s5, $0xb8;
	[tilespmem:$0x18E00] =	vst v63  }
0xa3: {  	_ =	swait.ge [sflag:s31], $0x1000  }
0xa4: {  	[sflag:s31] =	ssyncset.done $0x0  }
0xa5: {  	s14 =	sadd.s32 $0x2A80, s18;
	s10 =	simm.s32 @p0 $0x7;
	[sflag:s31] =	ssyncadd.s32 $0xFFFFF000  }
0xa6: {  	[spmem:s3] =	stream.indirect.scatter.add.f32 [tilespmem:s30], [sflag:$0x10], $0x20, s14, s19, $0xb8;
	[tilespmem:$0x18E00] =	vst v63  }
0xa7: {  	_ =	swait.ge @p0 [sflag:s10], $0x1000  }
0xa8: {  	[sflag:s10] =	ssyncset.done @p0 $0x0  }
0xa9: {  	s14 =	simm.s32 @p0 $0xB000;
	[sflag:s10] =	ssyncadd.s32 @p0 $0xFFFFF000;
	s10 =	sadd.s32 @p0 $0x2B00, s6  }
0xaa: {  	[spmem:s3] =	stream.indirect.scatter.add.f32 @p0 [tilespmem:s14], [sflag:$0x11], $0x20, s10, s9, $0xb8;
	[tilespmem:$0x18E00] =	vst v63  }
0xab: {  	s10 =	simm.s32 @!p0 $0xF  }
0xac: {  	_ =	swait.ge @!p0 [sflag:s10], $0x1000  }
0xad: {  	[sflag:s10] =	ssyncset.done @!p0 $0x0  }
0xae: {  	[sflag:s10] =	ssyncadd.s32 @!p0 $0xFFFFF000;
	s10 =	sadd.s32 @!p0 $0x700, s22  }
0xaf: {  	[tilespmem:s11], [sflag:$0x5] =	stream.indirect.gather @!p0 [spmem:s2], $0x20, s10, s5, $0xb8;
	[tilespmem:$0x18E00] =	vst v63  }
0xb0: {  	s10 =	simm.s32 @!p0 $0x7  }
0xb1: {  	_ =	swait.ge @!p0 [sflag:s10], $0x1000  }
0xb2: {  	[sflag:s10] =	ssyncset.done @!p0 $0x0  }
0xb3: {  	s11 =	simm.s32 @!p0 $0xB000;
	[sflag:s10] =	ssyncadd.s32 @!p0 $0xFFFFF000;
	s10 =	sadd.s32 @!p0 $0x2B00, s22  }
0xb4: {  	[spmem:s3] =	stream.indirect.scatter.add.f32 @!p0 [tilespmem:s11], [sflag:$0x11], $0x20, s10, s5, $0xb8;
	[tilespmem:$0x18E00] =	vst v63  }
0xb5: {  	s10 =	simm.s32 @!p0 $0x10  }
0xb6: {  	_ =	swait.ge @!p0 [sflag:s10], $0x1000  }
0xb7: {  	[sflag:s10] =	ssyncset.done @!p0 $0x0  }
0xb8: {  	s14 =	simm.s32 @!p0 $0xA000;
	[sflag:s10] =	ssyncadd.s32 @!p0 $0xFFFFF000;
	s10 =	sadd.s32 @!p0 $0x780, s22  }
0xb9: {  	[tilespmem:s14], [sflag:$0x6] =	stream.indirect.gather @!p0 [spmem:s2], $0x20, s10, s5, $0xb8;
	[tilespmem:$0x18E00] =	vst v63  }
0xba: {  	_ =	swait.ge [sflag:s1], $0x1000  }
0xbb: {  	[sflag:s1] =	ssyncset.done $0x0  }
0xbc: {  	s14 =	sadd.s32 $0x2B80, s18;
	s10 =	simm.s32 @p0 $0x9;
	[sflag:s1] =	ssyncadd.s32 $0xFFFFF000  }
0xbd: {  	[spmem:s3] =	stream.indirect.scatter.add.f32 [tilespmem:s13], [sflag:$0x12], $0x20, s14, s19, $0xb8;
	[tilespmem:$0x18E00] =	vst v63  }
0xbe: {  	_ =	swait.ge @p0 [sflag:s10], $0x1000  }
0xbf: {  	[sflag:s10] =	ssyncset.done @p0 $0x0  }
0xc0: {  	s6 =	sadd.s32 @p0 $0x2C00, s6;
	[sflag:s10] =	ssyncadd.s32 @p0 $0xFFFFF000;
	s10 =	simm.s32 @p0 $0xD000  }
0xc1: {  	[spmem:s3] =	stream.indirect.scatter.add.f32 @p0 [tilespmem:s10], [sflag:$0x13], $0x20, s6, s9, $0xb8;
	[tilespmem:$0x18E00] =	vst v63  }
0xc2: {  	s6 =	simm.s32 @!p0 $0x11  }
0xc3: {  	_ =	swait.ge @!p0 [sflag:s6], $0x1000  }
0xc4: {  	[sflag:s6] =	ssyncset.done @!p0 $0x0  }
0xc5: {  	[sflag:s6] =	ssyncadd.s32 @!p0 $0xFFFFF000;
	s6 =	sadd.s32 @!p0 $0x800, s22  }
0xc6: {  	[tilespmem:s11], [sflag:$0x7] =	stream.indirect.gather @!p0 [spmem:s2], $0x20, s6, s5, $0xb8;
	[tilespmem:$0x18E00] =	vst v63  }
0xc7: {  	s6 =	simm.s32 @!p0 $0x9  }
0xc8: {  	_ =	swait.ge @!p0 [sflag:s6], $0x1000  }
0xc9: {  	[sflag:s6] =	ssyncset.done @!p0 $0x0  }
0xca: {  	s9 =	simm.s32 @!p0 $0xD000;
	[sflag:s6] =	ssyncadd.s32 @!p0 $0xFFFFF000;
	s6 =	sadd.s32 @!p0 $0x2C00, s22  }
0xcb: {  	[spmem:s3] =	stream.indirect.scatter.add.f32 @!p0 [tilespmem:s9], [sflag:$0x13], $0x20, s6, s5, $0xb8;
	[tilespmem:$0x18E00] =	vst v63  }
0xcc: {  	s6 =	simm.s32 @!p0 $0x12  }
0xcd: {  	_ =	swait.ge @!p0 [sflag:s6], $0x1000  }
0xce: {  	[sflag:s6] =	ssyncset.done @!p0 $0x0  }
0xcf: {  	s9 =	simm.s32 @!p0 $0xC000;
	[sflag:s6] =	ssyncadd.s32 @!p0 $0xFFFFF000;
	s6 =	sadd.s32 @!p0 $0x880, s22  }
0xd0: {  	[tilespmem:s9], [sflag:$0x8] =	stream.indirect.gather @!p0 [spmem:s2], $0x20, s6, s5, $0xb8;
	[tilespmem:$0x18E00] =	vst v63  }
.Ltmp2:
0xd1: {  	_ = 	snop;
	(pc) =	sbr.rel @p0 .LBB2_4-.Ltmp2, $4  }
0xd2: {  	_ =	swait.ge [sflag:s0], $0x1000  }
0xd3: {  	[sflag:s0] =	ssyncset.done $0x0  }
0xd4: {  	s22 =	sadd.s32 $0x2C80, s18;
	[sflag:s0] =	ssyncadd.s32 $0xFFFFF000  }
0xd5: {  	[spmem:s3] =	stream.indirect.scatter.add.f32 [tilespmem:s28], [sflag:$0x14], $0x20, s22, s19, $0xb8;
	[tilespmem:$0x18E00] =	vst v63  }
.Ltmp3:
0xd6: {  	(pc) =	sbr.rel .LBB2_2-.Ltmp3, $4  }
0xd7: {  	_ =	swait.ge [sflag:s15], $0x1000  }
0xd8: {  	[sflag:s15] =	ssyncset.done $0x0  }
0xd9: {  	s5 =	sadd.s32 $0x900, s18;
	s4 =	sadd.s32 $0x1400, s4;
	[sflag:s15] =	ssyncadd.s32 $0xFFFFF000  }
0xda: {  	[tilespmem:s23], [sflag:$0x9] =	stream.indirect.gather [spmem:s2], $0x20, s5, s19, $0xb8;
	[tilespmem:$0x18E00] =	vst v63  }
.LBB2_5:
0xdb: {  	_ =	sfence.sel $0x180000  }
0xdc: {  	[bflag:$0x0] =	sbarrier.arrive $0xFFFF  }
0xdd: {  	_ =	strace $0x90000047  }
0xde: {  	s0 =	stileid.u32;
	[bflag:$0x2] =	sbarrier.arrive $0xFFFF  }
0xdf: {  	p0 =	sne.s32 s0, $0x0;
	s0 =	rddreg [dreg:$0x4]  }
0xe0: {  	s0 =	sadd.s32 @!p0 $0x100000, s0  }
0xe1: {  	[sflag:s0] =	ssyncadd.tile.s32 @!p0 $0x1;
	_ =	shalt  }
.Lfunc_end2:
_tile_overlayer_lowered:
.L_overlay_start_2:
0xe2: {  	(tag) =	ssettag $0x2  }
0xe3: {  	s0 =	rddreg [dreg:$0x0];
	s2 =	stileid.u32  }
0xe4: {  	s1 =	rddreg [dreg:$0x1];
	p0 =	sne.s32 s2, $0x0  }
0xe5: {  	s3 =	rddreg [dreg:$0x2];
	[bflag:$0x3] =	sbarrier.arrive $0xFFFF;
	s2 =	simm.s32 @!p0 $0x1C15  }
0xe6: {  	[timem:s3], [sflag:s2] =	dma.local @!p0 [hbm:s0], s1  }
0xe7: {  	s0 =	simm.s32 @!p0 $0x15  }
0xe8: {  	_ =	swait.ge @!p0 [sflag:s0], s1  }
0xe9: {  	s1 =	ssub.s32 @!p0 $0x0, s1;
	[sflag:s0] =	ssyncset.done @!p0 $0x0  }
0xea: {  	[sflag:s0] =	ssyncadd.s32 @!p0 s1  }
0xeb: {  	[bflag:$0x3] =	sbarrier.arrive $0xFFFF  }
0xec: {  	_ =	shalt  }

</sc_bundles>
